<compile_context>
chip_gen: v7x
topology: tpu7x:2x2x1
jax: 0.10.2.dev20260603
libtpu: 0.0.44.dev20260713+nightly
codegen_flags: <defaults>
</compile_context>

<pallas_src>
import jax
import jax.numpy as jnp
from jax import lax
from jax.experimental import pallas as pl
from jax.experimental.pallas import tpu as pltpu
from jax.experimental.pallas import tpu_sc as plsc

N_ROWS = 100000
N_SEG = 64
D = 128
NC = 2
NS = 16
NW = NC * NS
RPW = N_ROWS // NW
CH = 312
CHUNKS = [(i * CH, CH) for i in range(10)] + [(3120, 5)]
NCH = len(CHUNKS)
NB = 3
NV = 196
BPAD = 3152
SENT = 127
MAGIC = 0x5F3759DF


def _sc_body(x_hbm, b_hbm, y_hbm, ps_hbm, pc_hbm,
             xb0, xb1, xb2, bvm, norms, ends_r, ends_i,
             cm_r, cm_i, out_s, out_c, insem, outsem, bsem, ysem):
    xbufs = (xb0, xb1, xb2)
    cid = lax.axis_index("c")
    sid = lax.axis_index("s")
    w = sid * NC + cid
    base = w * RPW
    base_al = pl.multiple_of(
        jnp.minimum(base - lax.rem(base, 8), N_ROWS - 3136), 8)
    shift = base - base_al

    bcp = pltpu.async_copy(b_hbm.at[pl.ds(base_al, 3136)],
                           bvm.at[pl.ds(0, 3136)], bsem)
    for b in range(NB):
        r0, nr = CHUNKS[b]
        off = pl.multiple_of((base + r0) * D, 8)
        pltpu.async_copy(x_hbm.at[pl.ds(off, nr * D)],
                         xbufs[b].at[pl.ds(0, nr * D)], insem.at[b])
    bcp.wait()

    iota16 = lax.iota(jnp.int32, 16)
    zero16 = jnp.zeros((16,), jnp.float32)
    lane15 = iota16 == 15
    plsc.store_scatter(bvm, [iota16 + (shift + RPW)],
                       jnp.full((16,), SENT, jnp.int32))
    norms[pl.ds(RPW - 5, 16)] = zero16

    for c in range(NCH):
        b = c % NB
        r0, nr = CHUNKS[c]
        off0 = pl.multiple_of((base + r0) * D, 8)
        pltpu.make_async_copy(x_hbm.at[pl.ds(off0, nr * D)],
                              xbufs[b].at[pl.ds(0, nr * D)],
                              insem.at[b]).wait()
        ocp = pltpu.async_copy(xbufs[b].at[pl.ds(0, nr * D)],
                               y_hbm.at[pl.ds(off0, nr * D)], outsem.at[b])

        @plsc.parallel_loop(0, nr, 1, unroll=4)
        def _rows(r, _r0=r0, _xb=xbufs[b]):
            acc = zero16
            rb = r * D
            for k in range(8):
                v = _xb[pl.ds(rb + k * 16, 16)]
                acc = acc + v * v
            cs = plsc.cumsum(acc)
            plsc.store_scatter(
                norms, [jnp.full((16,), _r0 + r, jnp.int32)],
                cs, mask=lane15)

        ocp.wait()
        if c + NB < NCH:
            rn, nn = CHUNKS[c + NB]
            offn = pl.multiple_of((base + rn) * D, 8)
            pltpu.async_copy(x_hbm.at[pl.ds(offn, nn * D)],
                             xbufs[b].at[pl.ds(0, nn * D)], insem.at[b])

    @plsc.parallel_loop(0, NV, 1, unroll=4)
    def _newton(j):
        off = j * 16
        x = norms[pl.ds(off, 16)]
        y = plsc.bitcast(jnp.int32(MAGIC) - lax.shift_right_logical(
            plsc.bitcast(x, jnp.int32), 1), jnp.float32)
        for _i in range(3):
            y = y * (1.5 - 0.5 * x * y * y)
        norms[pl.ds(off, 16)] = x * y

    zi16 = jnp.zeros((16,), jnp.int32)
    for j in range(8):
        ends_r[pl.ds(j * 16, 16)] = zero16
        ends_i[pl.ds(j * 16, 16)] = zi16

    def vbody(j, carry, _iota=iota16):
        offb = shift + j * 16
        b16 = plsc.load_gather(bvm, [_iota + offb])
        bn16 = plsc.load_gather(bvm, [_iota + (offb + 1)])
        n16 = norms[pl.ds(j * 16, 16)]
        cs = plsc.cumsum(n16) + carry
        m = b16 != bn16
        plsc.store_scatter(ends_r, [b16], cs, mask=m)
        plsc.store_scatter(ends_i, [b16], _iota + (j * 16 + 1), mask=m)
        return carry + jnp.sum(n16)

    lax.fori_loop(0, NV, vbody, jnp.float32(0.0))

    cm_r[pl.ds(0, 16)] = zero16
    cm_i[pl.ds(0, 16)] = zi16
    c_r = jnp.float32(0.0)
    c_i = jnp.int32(0)
    for j in range(4):
        dst = iota16 + (j * 16 + 1)
        vr = jnp.maximum(plsc.cummax(ends_r[pl.ds(j * 16, 16)]), c_r)
        plsc.store_scatter(cm_r, [dst], vr)
        out_s[pl.ds(j * 16, 16)] = vr - cm_r[pl.ds(j * 16, 16)]
        c_r = jnp.max(vr)
        vi = jnp.maximum(plsc.cummax(ends_i[pl.ds(j * 16, 16)]), c_i)
        plsc.store_scatter(cm_i, [dst], vi)
        out_c[pl.ds(j * 16, 16)] = vi - cm_i[pl.ds(j * 16, 16)]
        c_i = jnp.max(vi)

    pw = pl.multiple_of(w * N_SEG, 8)
    pltpu.sync_copy(out_s, ps_hbm.at[pl.ds(pw, N_SEG)])
    pltpu.sync_copy(out_c, pc_hbm.at[pl.ds(pw, N_SEG)])


_sc_call = pl.kernel(
    _sc_body,
    out_type=[
        jax.ShapeDtypeStruct((N_ROWS * D,), jnp.float32),
        jax.ShapeDtypeStruct((NW * N_SEG,), jnp.float32),
        jax.ShapeDtypeStruct((NW * N_SEG,), jnp.int32),
    ],
    mesh=plsc.VectorSubcoreMesh(core_axis_name="c", subcore_axis_name="s"),
    compiler_params=pltpu.CompilerParams(needs_layout_passes=False),
    scratch_types=[
        pltpu.VMEM((CH * D,), jnp.float32),
        pltpu.VMEM((CH * D,), jnp.float32),
        pltpu.VMEM((CH * D,), jnp.float32),
        pltpu.VMEM((BPAD,), jnp.int32),
        pltpu.VMEM((3136,), jnp.float32),
        pltpu.VMEM((128,), jnp.float32),
        pltpu.VMEM((128,), jnp.int32),
        pltpu.VMEM((80,), jnp.float32),
        pltpu.VMEM((80,), jnp.int32),
        pltpu.VMEM((64,), jnp.float32),
        pltpu.VMEM((64,), jnp.int32),
        pltpu.SemaphoreType.DMA((NB,)),
        pltpu.SemaphoreType.DMA((NB,)),
        pltpu.SemaphoreType.DMA,
        pltpu.SemaphoreType.DMA,
    ],
)


def _combine_body(ps_ref, pc_ref, b_ref, o_ref):
    sums = jnp.sum(ps_ref[...], axis=0, keepdims=True)
    cnts = jnp.sum(pc_ref[...].astype(jnp.float32), axis=0, keepdims=True)
    bs = b_ref[0, 0, 999]
    wtd = sums / cnts
    mask = jax.lax.broadcasted_iota(jnp.int32, (1, N_SEG), 1) < bs
    nm = jnp.sum(jnp.where(mask, wtd, 0.0)) / (bs + 1).astype(jnp.float32)
    o_ref[...] = nm.reshape(1, 1)


def kernel(input, batch):
    y, ps, pc = _sc_call(input.reshape(N_ROWS * D), batch)
    y = y.reshape(N_ROWS, D)
    ps = ps.reshape(NW, N_SEG)
    pc = pc.reshape(NW, N_SEG)
    batch3 = batch.reshape(100, 1, 1000)
    nm = pl.pallas_call(
        _combine_body,
        grid=(1,),
        in_specs=[
            pl.BlockSpec((NW, N_SEG), lambda i: (0, 0)),
            pl.BlockSpec((NW, N_SEG), lambda i: (0, 0)),
            pl.BlockSpec((1, 1, 1000), lambda i: (99, 0, 0)),
        ],
        out_specs=pl.BlockSpec((1, 1), lambda i: (0, 0)),
        out_shape=jax.ShapeDtypeStruct((1, 1), jnp.float32),
    )(ps, pc, batch3)
    return y, nm.reshape(())

# --- scband reference (transcript-rebuilt; emitter-appended) ---
"""Pipeline reference for scband-activs-prober-58317065945769 (READ-ONLY COPY).

The authoritative reference and input builder live on the scoring server;
editing this copy changes nothing except your own understanding.
"""

import jax, jax.numpy as jnp
import numpy as np

NUM_GRAPHS = 64
N_NODES = 100000
D_FEAT = 128


def setup_inputs(seed: int = 0):
    key = jax.random.key(seed)
    k1, k2 = jax.random.split(key)
    x = jax.random.normal(k1, (N_NODES, D_FEAT), dtype=jnp.float32)
    batch = jnp.sort(jax.random.randint(k2, (N_NODES,), 0, NUM_GRAPHS, dtype=jnp.int32))
    return {"input": x, "batch": batch}


def reference(input, batch):
    # Faithful translation of sim_activs.forward side computation + identity output.
    M = input
    all_norms = jnp.linalg.norm(M.astype(jnp.float32), axis=1)
    num_nodes = jnp.bincount(batch, length=NUM_GRAPHS)
    batch_size = jnp.max(batch)
    # torch loop: for b in range(batch_size): sum(all_norms[batch==b]) / num_nodes[b]
    norm_sums = jax.ops.segment_sum(all_norms, batch, num_segments=NUM_GRAPHS)
    weighted = norm_sums / num_nodes.astype(jnp.float32)
    mask = jnp.arange(NUM_GRAPHS) < batch_size  # loop excludes b == batch_size (faithful off-by-one)
    norm_mean = jnp.sum(jnp.where(mask, weighted, 0.0)) / (batch_size + 1).astype(jnp.float32)
    # Module returns input.clone(); norm_mean is the probed statistic (side effect in torch).
    return input, norm_mean

if __name__ == "__main__":
    import jax
    _d = setup_inputs()
    print(jax.jit(kernel)(*tuple(_d.values())))

</pallas_src>

<mosaic_0001>
#map = affine_map<(d0, d1) -> (0)>
module attributes {stable_mosaic.version = 14 : i64} {
  func.func @_sc_body(%arg0: i32, %arg1: i32, %arg2: memref<12800000xf32, #tpu.memory_space<hbm>>, %arg3: memref<100000xi32, #tpu.memory_space<hbm>>, %arg4: memref<12800000xf32, #tpu.memory_space<hbm>>, %arg5: memref<2048xf32, #tpu.memory_space<hbm>>, %arg6: memref<2048xi32, #tpu.memory_space<hbm>>, %arg7: memref<39936xf32, #tpu.memory_space<vmem>>, %arg8: memref<39936xf32, #tpu.memory_space<vmem>>, %arg9: memref<39936xf32, #tpu.memory_space<vmem>>, %arg10: memref<3152xi32, #tpu.memory_space<vmem>>, %arg11: memref<3136xf32, #tpu.memory_space<vmem>>, %arg12: memref<128xf32, #tpu.memory_space<vmem>>, %arg13: memref<128xi32, #tpu.memory_space<vmem>>, %arg14: memref<80xf32, #tpu.memory_space<vmem>>, %arg15: memref<80xi32, #tpu.memory_space<vmem>>, %arg16: memref<64xf32, #tpu.memory_space<vmem>>, %arg17: memref<64xi32, #tpu.memory_space<vmem>>, %arg18: memref<3x!tpu.dma_semaphore, #tpu.memory_space<semaphore_mem>>, %arg19: memref<3x!tpu.dma_semaphore, #tpu.memory_space<semaphore_mem>>, %arg20: memref<!tpu.dma_semaphore, #tpu.memory_space<semaphore_mem>>, %arg21: memref<!tpu.dma_semaphore, #tpu.memory_space<semaphore_mem>>) attributes {dimension_semantics = [#tpu.dimension_semantics<core_parallel>, #tpu.dimension_semantics<subcore_parallel>], iteration_bounds = array<i64: 2, 16>, scalar_prefetch = 0 : i64, scratch_operands = 15 : i64, tpu.core_type = #tpu.core_type<sc_vector_subcore>, window_params = [{transform_indices = #map}, {transform_indices = #map}, {transform_indices = #map}, {transform_indices = #map}, {transform_indices = #map}]} {
    %mul3A = arith.constant 2 : i32
    %mul3A_0 = arith.muli %arg1, %mul3A : i32
    %add3A = arith.addi %mul3A_0, %arg0 : i32
    %mul3A_1 = arith.constant 3125 : i32
    %mul3A_2 = arith.muli %add3A, %mul3A_1 : i32
    %rem3A = arith.constant 8 : i32
    %rem3A_3 = arith.remsi %mul3A_2, %rem3A : i32
    %sub3A = arith.subi %mul3A_2, %rem3A_3 : i32
    %min3A = arith.constant 96864 : i32
    %min3A_4 = arith.minsi %sub3A, %min3A : i32
    %multiple_of3A = tpu.assume_multiple %min3A_4, 8 : i32
    %sub3A_5 = arith.subi %mul3A_2, %multiple_of3A : i32
    %dma_start3A = arith.constant 0 : i32
    %dma_start3A_6 = tpu.memref_slice %arg10[%dma_start3A] : memref<3152xi32, #tpu.memory_space<vmem>> -> memref<3136xi32, #tpu.memory_space<vmem>>
    %dma_start3A_7 = tpu.memref_slice %arg3[%multiple_of3A] : memref<100000xi32, #tpu.memory_space<hbm>> -> memref<3136xi32, #tpu.memory_space<hbm>>
    %dma_start3A_8 = arith.constant 0 : i32
    %dma_start3A_9 = tpu.memref_slice %arg10[%dma_start3A_8] : memref<3152xi32, #tpu.memory_space<vmem>> -> memref<3136xi32, #tpu.memory_space<vmem>>
    %dma_start3A_10 = tpu.memref_slice %arg3[%multiple_of3A] : memref<100000xi32, #tpu.memory_space<hbm>> -> memref<3136xi32, #tpu.memory_space<hbm>>
    tpu.enqueue_dma source(%dma_start3A_10 : memref<3136xi32, #tpu.memory_space<hbm>>) target(%dma_start3A_9 : memref<3136xi32, #tpu.memory_space<vmem>>) target_semaphore(%arg20 : memref<!tpu.dma_semaphore, #tpu.memory_space<semaphore_mem>>)
    %add3A_11 = arith.constant 0 : i32
    %add3A_12 = arith.addi %mul3A_2, %add3A_11 : i32
    %mul3A_13 = arith.constant 128 : i32
    %mul3A_14 = arith.muli %add3A_12, %mul3A_13 : i32
    %multiple_of3A_15 = tpu.assume_multiple %mul3A_14, 8 : i32
    %dma_start3A_16 = arith.constant 0 : i32
    %dma_start3A_17 = arith.constant 0 : i32
    %dma_start3A_18 = tpu.memref_slice %arg7[%dma_start3A_17] : memref<39936xf32, #tpu.memory_space<vmem>> -> memref<39936xf32, #tpu.memory_space<vmem>>
    %dma_start3A_19 = tpu.memref_slice %arg2[%multiple_of3A_15] : memref<12800000xf32, #tpu.memory_space<hbm>> -> memref<39936xf32, #tpu.memory_space<hbm>>
    %dma_start3A_20 = tpu.memref_slice %arg18[%dma_start3A_16] : memref<3x!tpu.dma_semaphore, #tpu.memory_space<semaphore_mem>> -> memref<1x!tpu.dma_semaphore, #tpu.memory_space<semaphore_mem>>
    %dma_start3A_21 = tpu.memref_squeeze %dma_start3A_20 : memref<1x!tpu.dma_semaphore, #tpu.memory_space<semaphore_mem>> -> memref<!tpu.dma_semaphore, #tpu.memory_space<semaphore_mem>>
    %dma_start3A_22 = arith.constant 0 : i32
    %dma_start3A_23 = tpu.memref_slice %arg7[%dma_start3A_22] : memref<39936xf32, #tpu.memory_space<vmem>> -> memref<39936xf32, #tpu.memory_space<vmem>>
    %dma_start3A_24 = tpu.memref_slice %arg2[%multiple_of3A_15] : memref<12800000xf32, #tpu.memory_space<hbm>> -> memref<39936xf32, #tpu.memory_space<hbm>>
    tpu.enqueue_dma source(%dma_start3A_24 : memref<39936xf32, #tpu.memory_space<hbm>>) target(%dma_start3A_23 : memref<39936xf32, #tpu.memory_space<vmem>>) target_semaphore(%dma_start3A_21 : memref<!tpu.dma_semaphore, #tpu.memory_space<semaphore_mem>>)
    %add3A_25 = arith.constant 312 : i32
    %add3A_26 = arith.addi %mul3A_2, %add3A_25 : i32
    %mul3A_27 = arith.constant 128 : i32
    %mul3A_28 = arith.muli %add3A_26, %mul3A_27 : i32
    %multiple_of3A_29 = tpu.assume_multiple %mul3A_28, 8 : i32
    %dma_start3A_30 = arith.constant 1 : i32
    %dma_start3A_31 = arith.constant 0 : i32
    %dma_start3A_32 = tpu.memref_slice %arg8[%dma_start3A_31] : memref<39936xf32, #tpu.memory_space<vmem>> -> memref<39936xf32, #tpu.memory_space<vmem>>
    %dma_start3A_33 = tpu.memref_slice %arg2[%multiple_of3A_29] : memref<12800000xf32, #tpu.memory_space<hbm>> -> memref<39936xf32, #tpu.memory_space<hbm>>
    %dma_start3A_34 = tpu.memref_slice %arg18[%dma_start3A_30] : memref<3x!tpu.dma_semaphore, #tpu.memory_space<semaphore_mem>> -> memref<1x!tpu.dma_semaphore, #tpu.memory_space<semaphore_mem>>
    %dma_start3A_35 = tpu.memref_squeeze %dma_start3A_34 : memref<1x!tpu.dma_semaphore, #tpu.memory_space<semaphore_mem>> -> memref<!tpu.dma_semaphore, #tpu.memory_space<semaphore_mem>>
    %dma_start3A_36 = arith.constant 0 : i32
    %dma_start3A_37 = tpu.memref_slice %arg8[%dma_start3A_36] : memref<39936xf32, #tpu.memory_space<vmem>> -> memref<39936xf32, #tpu.memory_space<vmem>>
    %dma_start3A_38 = tpu.memref_slice %arg2[%multiple_of3A_29] : memref<12800000xf32, #tpu.memory_space<hbm>> -> memref<39936xf32, #tpu.memory_space<hbm>>
    tpu.enqueue_dma source(%dma_start3A_38 : memref<39936xf32, #tpu.memory_space<hbm>>) target(%dma_start3A_37 : memref<39936xf32, #tpu.memory_space<vmem>>) target_semaphore(%dma_start3A_35 : memref<!tpu.dma_semaphore, #tpu.memory_space<semaphore_mem>>)
    %add3A_39 = arith.constant 624 : i32
    %add3A_40 = arith.addi %mul3A_2, %add3A_39 : i32
    %mul3A_41 = arith.constant 128 : i32
    %mul3A_42 = arith.muli %add3A_40, %mul3A_41 : i32
    %multiple_of3A_43 = tpu.assume_multiple %mul3A_42, 8 : i32
    %dma_start3A_44 = arith.constant 2 : i32
    %dma_start3A_45 = arith.constant 0 : i32
    %dma_start3A_46 = tpu.memref_slice %arg9[%dma_start3A_45] : memref<39936xf32, #tpu.memory_space<vmem>> -> memref<39936xf32, #tpu.memory_space<vmem>>
    %dma_start3A_47 = tpu.memref_slice %arg2[%multiple_of3A_43] : memref<12800000xf32, #tpu.memory_space<hbm>> -> memref<39936xf32, #tpu.memory_space<hbm>>
    %dma_start3A_48 = tpu.memref_slice %arg18[%dma_start3A_44] : memref<3x!tpu.dma_semaphore, #tpu.memory_space<semaphore_mem>> -> memref<1x!tpu.dma_semaphore, #tpu.memory_space<semaphore_mem>>
    %dma_start3A_49 = tpu.memref_squeeze %dma_start3A_48 : memref<1x!tpu.dma_semaphore, #tpu.memory_space<semaphore_mem>> -> memref<!tpu.dma_semaphore, #tpu.memory_space<semaphore_mem>>
    %dma_start3A_50 = arith.constant 0 : i32
    %dma_start3A_51 = tpu.memref_slice %arg9[%dma_start3A_50] : memref<39936xf32, #tpu.memory_space<vmem>> -> memref<39936xf32, #tpu.memory_space<vmem>>
    %dma_start3A_52 = tpu.memref_slice %arg2[%multiple_of3A_43] : memref<12800000xf32, #tpu.memory_space<hbm>> -> memref<39936xf32, #tpu.memory_space<hbm>>
    tpu.enqueue_dma source(%dma_start3A_52 : memref<39936xf32, #tpu.memory_space<hbm>>) target(%dma_start3A_51 : memref<39936xf32, #tpu.memory_space<vmem>>) target_semaphore(%dma_start3A_49 : memref<!tpu.dma_semaphore, #tpu.memory_space<semaphore_mem>>)
    %dma_wait3A = arith.constant 0 : i32
    %dma_wait3A_53 = tpu.memref_slice %arg10[%dma_wait3A] : memref<3152xi32, #tpu.memory_space<vmem>> -> memref<3136xi32, #tpu.memory_space<vmem>>
    %dma_wait3A_54 = tpu.memref_slice %arg3[%multiple_of3A] : memref<100000xi32, #tpu.memory_space<hbm>> -> memref<3136xi32, #tpu.memory_space<hbm>>
    %dma_wait3A_55 = arith.constant 0 : i32
    %dma_wait3A_56 = tpu.memref_slice %arg10[%dma_wait3A_55] : memref<3152xi32, #tpu.memory_space<vmem>> -> memref<3136xi32, #tpu.memory_space<vmem>>
    %dma_wait3A_57 = tpu.memref_slice %arg3[%multiple_of3A] : memref<100000xi32, #tpu.memory_space<hbm>> -> memref<3136xi32, #tpu.memory_space<hbm>>
    tpu.wait_dma2 semaphore(%arg20 : memref<!tpu.dma_semaphore, #tpu.memory_space<semaphore_mem>>) src(%dma_wait3A_57 : memref<3136xi32, #tpu.memory_space<hbm>>) dst(%dma_wait3A_56 : memref<3136xi32, #tpu.memory_space<vmem>>)
    %iota3A = tpu.iota {dimensions = array<i32: 0>} : vector<16xi32>
    %broadcast_in_dim3A = arith.constant 0.000000e+00 : f32
    %broadcast_in_dim3A_58 = vector.broadcast %broadcast_in_dim3A : f32 to vector<16xf32>
    %eq3A = arith.constant 15 : i32
    %eq3A_59 = vector.broadcast %eq3A : i32 to vector<16xi32>
    %eq3A_60 = arith.cmpi eq, %iota3A, %eq3A_59 : vector<16xi32>
    %add3A_61 = arith.constant 3125 : i32
    %add3A_62 = arith.addi %sub3A_5, %add3A_61 : i32
    %add3A_63 = vector.broadcast %add3A_62 : i32 to vector<16xi32>
    %add3A_64 = arith.addi %iota3A, %add3A_63 : vector<16xi32>
    %broadcast_in_dim3A_65 = arith.constant 127 : i32
    %broadcast_in_dim3A_66 = vector.broadcast %broadcast_in_dim3A_65 : i32 to vector<16xi32>
    tpu.vector_store_idx %arg10[%add3A_64], %broadcast_in_dim3A_66 : memref<3152xi32, #tpu.memory_space<vmem>>[vector<16xi32>], vector<16xi32>,
    %swap3A = arith.constant 3120 : index
    %swap3A_67 = tpu.vector_load %arg11[%swap3A] {strides = array<i32>} : memref<3136xf32, #tpu.memory_space<vmem>>, vector<16xf32>,
    tpu.vector_store %arg11[%swap3A], %broadcast_in_dim3A_58 {strides = array<i32>} : memref<3136xf32, #tpu.memory_space<vmem>>, vector<16xf32>,
    %add3A_68 = arith.constant 0 : i32
    %add3A_69 = arith.addi %mul3A_2, %add3A_68 : i32
    %mul3A_70 = arith.constant 128 : i32
    %mul3A_71 = arith.muli %add3A_69, %mul3A_70 : i32
    %multiple_of3A_72 = tpu.assume_multiple %mul3A_71, 8 : i32
    %dma_wait3A_73 = arith.constant 0 : i32
    %dma_wait3A_74 = arith.constant 0 : i32
    %dma_wait3A_75 = tpu.memref_slice %arg7[%dma_wait3A_74] : memref<39936xf32, #tpu.memory_space<vmem>> -> memref<39936xf32, #tpu.memory_space<vmem>>
    %dma_wait3A_76 = tpu.memref_slice %arg2[%multiple_of3A_72] : memref<12800000xf32, #tpu.memory_space<hbm>> -> memref<39936xf32, #tpu.memory_space<hbm>>
    %dma_wait3A_77 = tpu.memref_slice %arg18[%dma_wait3A_73] : memref<3x!tpu.dma_semaphore, #tpu.memory_space<semaphore_mem>> -> memref<1x!tpu.dma_semaphore, #tpu.memory_space<semaphore_mem>>
    %dma_wait3A_78 = tpu.memref_squeeze %dma_wait3A_77 : memref<1x!tpu.dma_semaphore, #tpu.memory_space<semaphore_mem>> -> memref<!tpu.dma_semaphore, #tpu.memory_space<semaphore_mem>>
    %dma_wait3A_79 = arith.constant 0 : i32
    %dma_wait3A_80 = tpu.memref_slice %arg7[%dma_wait3A_79] : memref<39936xf32, #tpu.memory_space<vmem>> -> memref<39936xf32, #tpu.memory_space<vmem>>
    %dma_wait3A_81 = tpu.memref_slice %arg2[%multiple_of3A_72] : memref<12800000xf32, #tpu.memory_space<hbm>> -> memref<39936xf32, #tpu.memory_space<hbm>>
    tpu.wait_dma2 semaphore(%dma_wait3A_78 : memref<!tpu.dma_semaphore, #tpu.memory_space<semaphore_mem>>) src(%dma_wait3A_81 : memref<39936xf32, #tpu.memory_space<hbm>>) dst(%dma_wait3A_80 : memref<39936xf32, #tpu.memory_space<vmem>>)
    %dma_start3A_82 = arith.constant 0 : i32
    %dma_start3A_83 = arith.constant 0 : i32
    %dma_start3A_84 = tpu.memref_slice %arg7[%dma_start3A_83] : memref<39936xf32, #tpu.memory_space<vmem>> -> memref<39936xf32, #tpu.memory_space<vmem>>
    %dma_start3A_85 = tpu.memref_slice %arg4[%multiple_of3A_72] : memref<12800000xf32, #tpu.memory_space<hbm>> -> memref<39936xf32, #tpu.memory_space<hbm>>
    %dma_start3A_86 = tpu.memref_slice %arg19[%dma_start3A_82] : memref<3x!tpu.dma_semaphore, #tpu.memory_space<semaphore_mem>> -> memref<1x!tpu.dma_semaphore, #tpu.memory_space<semaphore_mem>>
    %dma_start3A_87 = tpu.memref_squeeze %dma_start3A_86 : memref<1x!tpu.dma_semaphore, #tpu.memory_space<semaphore_mem>> -> memref<!tpu.dma_semaphore, #tpu.memory_space<semaphore_mem>>
    %dma_start3A_88 = tpu.memref_slice %arg4[%multiple_of3A_72] : memref<12800000xf32, #tpu.memory_space<hbm>> -> memref<39936xf32, #tpu.memory_space<hbm>>
    %dma_start3A_89 = arith.constant 0 : i32
    %dma_start3A_90 = tpu.memref_slice %arg7[%dma_start3A_89] : memref<39936xf32, #tpu.memory_space<vmem>> -> memref<39936xf32, #tpu.memory_space<vmem>>
    tpu.enqueue_dma source(%dma_start3A_90 : memref<39936xf32, #tpu.memory_space<vmem>>) target(%dma_start3A_88 : memref<39936xf32, #tpu.memory_space<hbm>>) target_semaphore(%dma_start3A_87 : memref<!tpu.dma_semaphore, #tpu.memory_space<semaphore_mem>>)
    %parallel_loop3A = arith.constant 0 : i32
    %parallel_loop3A_91 = arith.constant 312 : i32
    %parallel_loop3A_92 = arith.constant 1 : i32
    scf.for %parallel_loop3A_784 = %parallel_loop3A to %parallel_loop3A_91 step %parallel_loop3A_92  : i32 {
      %parallel_loop3A_785 = arith.constant 128 : i32
      %parallel_loop3A_786 = arith.muli %parallel_loop3A_784, %parallel_loop3A_785 : i32
      %parallel_loop3A_787 = arith.constant 0 : i32
      %parallel_loop3A_788 = arith.addi %parallel_loop3A_786, %parallel_loop3A_787 : i32
      %parallel_loop3A_789 = arith.index_cast %parallel_loop3A_788 : i32 to index
      %parallel_loop3A_790 = tpu.vector_load %arg7[%parallel_loop3A_789] {strides = array<i32>} : memref<39936xf32, #tpu.memory_space<vmem>>, vector<16xf32>,
      %parallel_loop3A_791 = arith.mulf %parallel_loop3A_790, %parallel_loop3A_790 : vector<16xf32>
      %parallel_loop3A_792 = arith.addf %broadcast_in_dim3A_58, %parallel_loop3A_791 : vector<16xf32>
      %parallel_loop3A_793 = arith.constant 16 : i32
      %parallel_loop3A_794 = arith.addi %parallel_loop3A_786, %parallel_loop3A_793 : i32
      %parallel_loop3A_795 = arith.index_cast %parallel_loop3A_794 : i32 to index
      %parallel_loop3A_796 = tpu.vector_load %arg7[%parallel_loop3A_795] {strides = array<i32>} : memref<39936xf32, #tpu.memory_space<vmem>>, vector<16xf32>,
      %parallel_loop3A_797 = arith.mulf %parallel_loop3A_796, %parallel_loop3A_796 : vector<16xf32>
      %parallel_loop3A_798 = arith.addf %parallel_loop3A_792, %parallel_loop3A_797 : vector<16xf32>
      %parallel_loop3A_799 = arith.constant 32 : i32
      %parallel_loop3A_800 = arith.addi %parallel_loop3A_786, %parallel_loop3A_799 : i32
      %parallel_loop3A_801 = arith.index_cast %parallel_loop3A_800 : i32 to index
      %parallel_loop3A_802 = tpu.vector_load %arg7[%parallel_loop3A_801] {strides = array<i32>} : memref<39936xf32, #tpu.memory_space<vmem>>, vector<16xf32>,
      %parallel_loop3A_803 = arith.mulf %parallel_loop3A_802, %parallel_loop3A_802 : vector<16xf32>
      %parallel_loop3A_804 = arith.addf %parallel_loop3A_798, %parallel_loop3A_803 : vector<16xf32>
      %parallel_loop3A_805 = arith.constant 48 : i32
      %parallel_loop3A_806 = arith.addi %parallel_loop3A_786, %parallel_loop3A_805 : i32
      %parallel_loop3A_807 = arith.index_cast %parallel_loop3A_806 : i32 to index
      %parallel_loop3A_808 = tpu.vector_load %arg7[%parallel_loop3A_807] {strides = array<i32>} : memref<39936xf32, #tpu.memory_space<vmem>>, vector<16xf32>,
      %parallel_loop3A_809 = arith.mulf %parallel_loop3A_808, %parallel_loop3A_808 : vector<16xf32>
      %parallel_loop3A_810 = arith.addf %parallel_loop3A_804, %parallel_loop3A_809 : vector<16xf32>
      %parallel_loop3A_811 = arith.constant 64 : i32
      %parallel_loop3A_812 = arith.addi %parallel_loop3A_786, %parallel_loop3A_811 : i32
      %parallel_loop3A_813 = arith.index_cast %parallel_loop3A_812 : i32 to index
      %parallel_loop3A_814 = tpu.vector_load %arg7[%parallel_loop3A_813] {strides = array<i32>} : memref<39936xf32, #tpu.memory_space<vmem>>, vector<16xf32>,
      %parallel_loop3A_815 = arith.mulf %parallel_loop3A_814, %parallel_loop3A_814 : vector<16xf32>
      %parallel_loop3A_816 = arith.addf %parallel_loop3A_810, %parallel_loop3A_815 : vector<16xf32>
      %parallel_loop3A_817 = arith.constant 80 : i32
      %parallel_loop3A_818 = arith.addi %parallel_loop3A_786, %parallel_loop3A_817 : i32
      %parallel_loop3A_819 = arith.index_cast %parallel_loop3A_818 : i32 to index
      %parallel_loop3A_820 = tpu.vector_load %arg7[%parallel_loop3A_819] {strides = array<i32>} : memref<39936xf32, #tpu.memory_space<vmem>>, vector<16xf32>,
      %parallel_loop3A_821 = arith.mulf %parallel_loop3A_820, %parallel_loop3A_820 : vector<16xf32>
      %parallel_loop3A_822 = arith.addf %parallel_loop3A_816, %parallel_loop3A_821 : vector<16xf32>
      %parallel_loop3A_823 = arith.constant 96 : i32
      %parallel_loop3A_824 = arith.addi %parallel_loop3A_786, %parallel_loop3A_823 : i32
      %parallel_loop3A_825 = arith.index_cast %parallel_loop3A_824 : i32 to index
      %parallel_loop3A_826 = tpu.vector_load %arg7[%parallel_loop3A_825] {strides = array<i32>} : memref<39936xf32, #tpu.memory_space<vmem>>, vector<16xf32>,
      %parallel_loop3A_827 = arith.mulf %parallel_loop3A_826, %parallel_loop3A_826 : vector<16xf32>
      %parallel_loop3A_828 = arith.addf %parallel_loop3A_822, %parallel_loop3A_827 : vector<16xf32>
      %parallel_loop3A_829 = arith.constant 112 : i32
      %parallel_loop3A_830 = arith.addi %parallel_loop3A_786, %parallel_loop3A_829 : i32
      %parallel_loop3A_831 = arith.index_cast %parallel_loop3A_830 : i32 to index
      %parallel_loop3A_832 = tpu.vector_load %arg7[%parallel_loop3A_831] {strides = array<i32>} : memref<39936xf32, #tpu.memory_space<vmem>>, vector<16xf32>,
      %parallel_loop3A_833 = arith.mulf %parallel_loop3A_832, %parallel_loop3A_832 : vector<16xf32>
      %parallel_loop3A_834 = arith.addf %parallel_loop3A_828, %parallel_loop3A_833 : vector<16xf32>
      %parallel_loop3A_835 = arith.constant true
      %parallel_loop3A_836 = vector.broadcast %parallel_loop3A_835 : i1 to vector<16xi1>
      %parallel_loop3A_837 = tpu.scan <sum>, %parallel_loop3A_834 masked %parallel_loop3A_836 : vector<16xf32>, vector<16xi1> -> vector<16xf32>
      %parallel_loop3A_838 = arith.constant 0 : i32
      %parallel_loop3A_839 = arith.addi %parallel_loop3A_838, %parallel_loop3A_784 : i32
      %parallel_loop3A_840 = vector.broadcast %parallel_loop3A_839 : i32 to vector<16xi32>
      tpu.vector_store_idx %arg11[%parallel_loop3A_840], %parallel_loop3A_837 masked %eq3A_60 : memref<3136xf32, #tpu.memory_space<vmem>>[vector<16xi32>], vector<16xf32>, vector<16xi1>
    } {sc.loop_unroll_factor = 4 : i64, sc.parallel_access}
    %dma_wait3A_93 = arith.constant 0 : i32
    %dma_wait3A_94 = arith.constant 0 : i32
    %dma_wait3A_95 = tpu.memref_slice %arg7[%dma_wait3A_94] : memref<39936xf32, #tpu.memory_space<vmem>> -> memref<39936xf32, #tpu.memory_space<vmem>>
    %dma_wait3A_96 = tpu.memref_slice %arg4[%multiple_of3A_72] : memref<12800000xf32, #tpu.memory_space<hbm>> -> memref<39936xf32, #tpu.memory_space<hbm>>
    %dma_wait3A_97 = tpu.memref_slice %arg19[%dma_wait3A_93] : memref<3x!tpu.dma_semaphore, #tpu.memory_space<semaphore_mem>> -> memref<1x!tpu.dma_semaphore, #tpu.memory_space<semaphore_mem>>
    %dma_wait3A_98 = tpu.memref_squeeze %dma_wait3A_97 : memref<1x!tpu.dma_semaphore, #tpu.memory_space<semaphore_mem>> -> memref<!tpu.dma_semaphore, #tpu.memory_space<semaphore_mem>>
    %dma_wait3A_99 = tpu.memref_slice %arg4[%multiple_of3A_72] : memref<12800000xf32, #tpu.memory_space<hbm>> -> memref<39936xf32, #tpu.memory_space<hbm>>
    %dma_wait3A_100 = arith.constant 0 : i32
    %dma_wait3A_101 = tpu.memref_slice %arg7[%dma_wait3A_100] : memref<39936xf32, #tpu.memory_space<vmem>> -> memref<39936xf32, #tpu.memory_space<vmem>>
    tpu.wait_dma2 semaphore(%dma_wait3A_98 : memref<!tpu.dma_semaphore, #tpu.memory_space<semaphore_mem>>) src(%dma_wait3A_101 : memref<39936xf32, #tpu.memory_space<vmem>>) dst(%dma_wait3A_99 : memref<39936xf32, #tpu.memory_space<hbm>>)
    %add3A_102 = arith.constant 936 : i32
    %add3A_103 = arith.addi %mul3A_2, %add3A_102 : i32
    %mul3A_104 = arith.constant 128 : i32
    %mul3A_105 = arith.muli %add3A_103, %mul3A_104 : i32
    %multiple_of3A_106 = tpu.assume_multiple %mul3A_105, 8 : i32
    %dma_start3A_107 = arith.constant 0 : i32
    %dma_start3A_108 = arith.constant 0 : i32
    %dma_start3A_109 = tpu.memref_slice %arg7[%dma_start3A_108] : memref<39936xf32, #tpu.memory_space<vmem>> -> memref<39936xf32, #tpu.memory_space<vmem>>
    %dma_start3A_110 = tpu.memref_slice %arg2[%multiple_of3A_106] : memref<12800000xf32, #tpu.memory_space<hbm>> -> memref<39936xf32, #tpu.memory_space<hbm>>
    %dma_start3A_111 = tpu.memref_slice %arg18[%dma_start3A_107] : memref<3x!tpu.dma_semaphore, #tpu.memory_space<semaphore_mem>> -> memref<1x!tpu.dma_semaphore, #tpu.memory_space<semaphore_mem>>
    %dma_start3A_112 = tpu.memref_squeeze %dma_start3A_111 : memref<1x!tpu.dma_semaphore, #tpu.memory_space<semaphore_mem>> -> memref<!tpu.dma_semaphore, #tpu.memory_space<semaphore_mem>>
    %dma_start3A_113 = arith.constant 0 : i32
    %dma_start3A_114 = tpu.memref_slice %arg7[%dma_start3A_113] : memref<39936xf32, #tpu.memory_space<vmem>> -> memref<39936xf32, #tpu.memory_space<vmem>>
    %dma_start3A_115 = tpu.memref_slice %arg2[%multiple_of3A_106] : memref<12800000xf32, #tpu.memory_space<hbm>> -> memref<39936xf32, #tpu.memory_space<hbm>>
    tpu.enqueue_dma source(%dma_start3A_115 : memref<39936xf32, #tpu.memory_space<hbm>>) target(%dma_start3A_114 : memref<39936xf32, #tpu.memory_space<vmem>>) target_semaphore(%dma_start3A_112 : memref<!tpu.dma_semaphore, #tpu.memory_space<semaphore_mem>>)
    %add3A_116 = arith.constant 312 : i32
    %add3A_117 = arith.addi %mul3A_2, %add3A_116 : i32
    %mul3A_118 = arith.constant 128 : i32
    %mul3A_119 = arith.muli %add3A_117, %mul3A_118 : i32
    %multiple_of3A_120 = tpu.assume_multiple %mul3A_119, 8 : i32
    %dma_wait3A_121 = arith.constant 1 : i32
    %dma_wait3A_122 = arith.constant 0 : i32
    %dma_wait3A_123 = tpu.memref_slice %arg8[%dma_wait3A_122] : memref<39936xf32, #tpu.memory_space<vmem>> -> memref<39936xf32, #tpu.memory_space<vmem>>
    %dma_wait3A_124 = tpu.memref_slice %arg2[%multiple_of3A_120] : memref<12800000xf32, #tpu.memory_space<hbm>> -> memref<39936xf32, #tpu.memory_space<hbm>>
    %dma_wait3A_125 = tpu.memref_slice %arg18[%dma_wait3A_121] : memref<3x!tpu.dma_semaphore, #tpu.memory_space<semaphore_mem>> -> memref<1x!tpu.dma_semaphore, #tpu.memory_space<semaphore_mem>>
    %dma_wait3A_126 = tpu.memref_squeeze %dma_wait3A_125 : memref<1x!tpu.dma_semaphore, #tpu.memory_space<semaphore_mem>> -> memref<!tpu.dma_semaphore, #tpu.memory_space<semaphore_mem>>
    %dma_wait3A_127 = arith.constant 0 : i32
    %dma_wait3A_128 = tpu.memref_slice %arg8[%dma_wait3A_127] : memref<39936xf32, #tpu.memory_space<vmem>> -> memref<39936xf32, #tpu.memory_space<vmem>>
    %dma_wait3A_129 = tpu.memref_slice %arg2[%multiple_of3A_120] : memref<12800000xf32, #tpu.memory_space<hbm>> -> memref<39936xf32, #tpu.memory_space<hbm>>
    tpu.wait_dma2 semaphore(%dma_wait3A_126 : memref<!tpu.dma_semaphore, #tpu.memory_space<semaphore_mem>>) src(%dma_wait3A_129 : memref<39936xf32, #tpu.memory_space<hbm>>) dst(%dma_wait3A_128 : memref<39936xf32, #tpu.memory_space<vmem>>)
    %dma_start3A_130 = arith.constant 1 : i32
    %dma_start3A_131 = arith.constant 0 : i32
    %dma_start3A_132 = tpu.memref_slice %arg8[%dma_start3A_131] : memref<39936xf32, #tpu.memory_space<vmem>> -> memref<39936xf32, #tpu.memory_space<vmem>>
    %dma_start3A_133 = tpu.memref_slice %arg4[%multiple_of3A_120] : memref<12800000xf32, #tpu.memory_space<hbm>> -> memref<39936xf32, #tpu.memory_space<hbm>>
    %dma_start3A_134 = tpu.memref_slice %arg19[%dma_start3A_130] : memref<3x!tpu.dma_semaphore, #tpu.memory_space<semaphore_mem>> -> memref<1x!tpu.dma_semaphore, #tpu.memory_space<semaphore_mem>>
    %dma_start3A_135 = tpu.memref_squeeze %dma_start3A_134 : memref<1x!tpu.dma_semaphore, #tpu.memory_space<semaphore_mem>> -> memref<!tpu.dma_semaphore, #tpu.memory_space<semaphore_mem>>
    %dma_start3A_136 = tpu.memref_slice %arg4[%multiple_of3A_120] : memref<12800000xf32, #tpu.memory_space<hbm>> -> memref<39936xf32, #tpu.memory_space<hbm>>
    %dma_start3A_137 = arith.constant 0 : i32
    %dma_start3A_138 = tpu.memref_slice %arg8[%dma_start3A_137] : memref<39936xf32, #tpu.memory_space<vmem>> -> memref<39936xf32, #tpu.memory_space<vmem>>
    tpu.enqueue_dma source(%dma_start3A_138 : memref<39936xf32, #tpu.memory_space<vmem>>) target(%dma_start3A_136 : memref<39936xf32, #tpu.memory_space<hbm>>) target_semaphore(%dma_start3A_135 : memref<!tpu.dma_semaphore, #tpu.memory_space<semaphore_mem>>)
    %parallel_loop3A_139 = arith.constant 0 : i32
    %parallel_loop3A_140 = arith.constant 312 : i32
    %parallel_loop3A_141 = arith.constant 1 : i32
    scf.for %parallel_loop3A_784 = %parallel_loop3A_139 to %parallel_loop3A_140 step %parallel_loop3A_141  : i32 {
      %parallel_loop3A_785 = arith.constant 128 : i32
      %parallel_loop3A_786 = arith.muli %parallel_loop3A_784, %parallel_loop3A_785 : i32
      %parallel_loop3A_787 = arith.constant 0 : i32
      %parallel_loop3A_788 = arith.addi %parallel_loop3A_786, %parallel_loop3A_787 : i32
      %parallel_loop3A_789 = arith.index_cast %parallel_loop3A_788 : i32 to index
      %parallel_loop3A_790 = tpu.vector_load %arg8[%parallel_loop3A_789] {strides = array<i32>} : memref<39936xf32, #tpu.memory_space<vmem>>, vector<16xf32>,
      %parallel_loop3A_791 = arith.mulf %parallel_loop3A_790, %parallel_loop3A_790 : vector<16xf32>
      %parallel_loop3A_792 = arith.addf %broadcast_in_dim3A_58, %parallel_loop3A_791 : vector<16xf32>
      %parallel_loop3A_793 = arith.constant 16 : i32
      %parallel_loop3A_794 = arith.addi %parallel_loop3A_786, %parallel_loop3A_793 : i32
      %parallel_loop3A_795 = arith.index_cast %parallel_loop3A_794 : i32 to index
      %parallel_loop3A_796 = tpu.vector_load %arg8[%parallel_loop3A_795] {strides = array<i32>} : memref<39936xf32, #tpu.memory_space<vmem>>, vector<16xf32>,
      %parallel_loop3A_797 = arith.mulf %parallel_loop3A_796, %parallel_loop3A_796 : vector<16xf32>
      %parallel_loop3A_798 = arith.addf %parallel_loop3A_792, %parallel_loop3A_797 : vector<16xf32>
      %parallel_loop3A_799 = arith.constant 32 : i32
      %parallel_loop3A_800 = arith.addi %parallel_loop3A_786, %parallel_loop3A_799 : i32
      %parallel_loop3A_801 = arith.index_cast %parallel_loop3A_800 : i32 to index
      %parallel_loop3A_802 = tpu.vector_load %arg8[%parallel_loop3A_801] {strides = array<i32>} : memref<39936xf32, #tpu.memory_space<vmem>>, vector<16xf32>,
      %parallel_loop3A_803 = arith.mulf %parallel_loop3A_802, %parallel_loop3A_802 : vector<16xf32>
      %parallel_loop3A_804 = arith.addf %parallel_loop3A_798, %parallel_loop3A_803 : vector<16xf32>
      %parallel_loop3A_805 = arith.constant 48 : i32
      %parallel_loop3A_806 = arith.addi %parallel_loop3A_786, %parallel_loop3A_805 : i32
      %parallel_loop3A_807 = arith.index_cast %parallel_loop3A_806 : i32 to index
      %parallel_loop3A_808 = tpu.vector_load %arg8[%parallel_loop3A_807] {strides = array<i32>} : memref<39936xf32, #tpu.memory_space<vmem>>, vector<16xf32>,
      %parallel_loop3A_809 = arith.mulf %parallel_loop3A_808, %parallel_loop3A_808 : vector<16xf32>
      %parallel_loop3A_810 = arith.addf %parallel_loop3A_804, %parallel_loop3A_809 : vector<16xf32>
      %parallel_loop3A_811 = arith.constant 64 : i32
      %parallel_loop3A_812 = arith.addi %parallel_loop3A_786, %parallel_loop3A_811 : i32
      %parallel_loop3A_813 = arith.index_cast %parallel_loop3A_812 : i32 to index
      %parallel_loop3A_814 = tpu.vector_load %arg8[%parallel_loop3A_813] {strides = array<i32>} : memref<39936xf32, #tpu.memory_space<vmem>>, vector<16xf32>,
      %parallel_loop3A_815 = arith.mulf %parallel_loop3A_814, %parallel_loop3A_814 : vector<16xf32>
      %parallel_loop3A_816 = arith.addf %parallel_loop3A_810, %parallel_loop3A_815 : vector<16xf32>
      %parallel_loop3A_817 = arith.constant 80 : i32
      %parallel_loop3A_818 = arith.addi %parallel_loop3A_786, %parallel_loop3A_817 : i32
      %parallel_loop3A_819 = arith.index_cast %parallel_loop3A_818 : i32 to index
      %parallel_loop3A_820 = tpu.vector_load %arg8[%parallel_loop3A_819] {strides = array<i32>} : memref<39936xf32, #tpu.memory_space<vmem>>, vector<16xf32>,
      %parallel_loop3A_821 = arith.mulf %parallel_loop3A_820, %parallel_loop3A_820 : vector<16xf32>
      %parallel_loop3A_822 = arith.addf %parallel_loop3A_816, %parallel_loop3A_821 : vector<16xf32>
      %parallel_loop3A_823 = arith.constant 96 : i32
      %parallel_loop3A_824 = arith.addi %parallel_loop3A_786, %parallel_loop3A_823 : i32
      %parallel_loop3A_825 = arith.index_cast %parallel_loop3A_824 : i32 to index
      %parallel_loop3A_826 = tpu.vector_load %arg8[%parallel_loop3A_825] {strides = array<i32>} : memref<39936xf32, #tpu.memory_space<vmem>>, vector<16xf32>,
      %parallel_loop3A_827 = arith.mulf %parallel_loop3A_826, %parallel_loop3A_826 : vector<16xf32>
      %parallel_loop3A_828 = arith.addf %parallel_loop3A_822, %parallel_loop3A_827 : vector<16xf32>
      %parallel_loop3A_829 = arith.constant 112 : i32
      %parallel_loop3A_830 = arith.addi %parallel_loop3A_786, %parallel_loop3A_829 : i32
      %parallel_loop3A_831 = arith.index_cast %parallel_loop3A_830 : i32 to index
      %parallel_loop3A_832 = tpu.vector_load %arg8[%parallel_loop3A_831] {strides = array<i32>} : memref<39936xf32, #tpu.memory_space<vmem>>, vector<16xf32>,
      %parallel_loop3A_833 = arith.mulf %parallel_loop3A_832, %parallel_loop3A_832 : vector<16xf32>
      %parallel_loop3A_834 = arith.addf %parallel_loop3A_828, %parallel_loop3A_833 : vector<16xf32>
      %parallel_loop3A_835 = arith.constant true
      %parallel_loop3A_836 = vector.broadcast %parallel_loop3A_835 : i1 to vector<16xi1>
      %parallel_loop3A_837 = tpu.scan <sum>, %parallel_loop3A_834 masked %parallel_loop3A_836 : vector<16xf32>, vector<16xi1> -> vector<16xf32>
      %parallel_loop3A_838 = arith.constant 312 : i32
      %parallel_loop3A_839 = arith.addi %parallel_loop3A_838, %parallel_loop3A_784 : i32
      %parallel_loop3A_840 = vector.broadcast %parallel_loop3A_839 : i32 to vector<16xi32>
      tpu.vector_store_idx %arg11[%parallel_loop3A_840], %parallel_loop3A_837 masked %eq3A_60 : memref<3136xf32, #tpu.memory_space<vmem>>[vector<16xi32>], vector<16xf32>, vector<16xi1>
    } {sc.loop_unroll_factor = 4 : i64, sc.parallel_access}
    %dma_wait3A_142 = arith.constant 1 : i32
    %dma_wait3A_143 = arith.constant 0 : i32
    %dma_wait3A_144 = tpu.memref_slice %arg8[%dma_wait3A_143] : memref<39936xf32, #tpu.memory_space<vmem>> -> memref<39936xf32, #tpu.memory_space<vmem>>
    %dma_wait3A_145 = tpu.memref_slice %arg4[%multiple_of3A_120] : memref<12800000xf32, #tpu.memory_space<hbm>> -> memref<39936xf32, #tpu.memory_space<hbm>>
    %dma_wait3A_146 = tpu.memref_slice %arg19[%dma_wait3A_142] : memref<3x!tpu.dma_semaphore, #tpu.memory_space<semaphore_mem>> -> memref<1x!tpu.dma_semaphore, #tpu.memory_space<semaphore_mem>>
    %dma_wait3A_147 = tpu.memref_squeeze %dma_wait3A_146 : memref<1x!tpu.dma_semaphore, #tpu.memory_space<semaphore_mem>> -> memref<!tpu.dma_semaphore, #tpu.memory_space<semaphore_mem>>
    %dma_wait3A_148 = tpu.memref_slice %arg4[%multiple_of3A_120] : memref<12800000xf32, #tpu.memory_space<hbm>> -> memref<39936xf32, #tpu.memory_space<hbm>>
    %dma_wait3A_149 = arith.constant 0 : i32
    %dma_wait3A_150 = tpu.memref_slice %arg8[%dma_wait3A_149] : memref<39936xf32, #tpu.memory_space<vmem>> -> memref<39936xf32, #tpu.memory_space<vmem>>
    tpu.wait_dma2 semaphore(%dma_wait3A_147 : memref<!tpu.dma_semaphore, #tpu.memory_space<semaphore_mem>>) src(%dma_wait3A_150 : memref<39936xf32, #tpu.memory_space<vmem>>) dst(%dma_wait3A_148 : memref<39936xf32, #tpu.memory_space<hbm>>)
    %add3A_151 = arith.constant 1248 : i32
    %add3A_152 = arith.addi %mul3A_2, %add3A_151 : i32
    %mul3A_153 = arith.constant 128 : i32
    %mul3A_154 = arith.muli %add3A_152, %mul3A_153 : i32
    %multiple_of3A_155 = tpu.assume_multiple %mul3A_154, 8 : i32
    %dma_start3A_156 = arith.constant 1 : i32
    %dma_start3A_157 = arith.constant 0 : i32
    %dma_start3A_158 = tpu.memref_slice %arg8[%dma_start3A_157] : memref<39936xf32, #tpu.memory_space<vmem>> -> memref<39936xf32, #tpu.memory_space<vmem>>
    %dma_start3A_159 = tpu.memref_slice %arg2[%multiple_of3A_155] : memref<12800000xf32, #tpu.memory_space<hbm>> -> memref<39936xf32, #tpu.memory_space<hbm>>
    %dma_start3A_160 = tpu.memref_slice %arg18[%dma_start3A_156] : memref<3x!tpu.dma_semaphore, #tpu.memory_space<semaphore_mem>> -> memref<1x!tpu.dma_semaphore, #tpu.memory_space<semaphore_mem>>
    %dma_start3A_161 = tpu.memref_squeeze %dma_start3A_160 : memref<1x!tpu.dma_semaphore, #tpu.memory_space<semaphore_mem>> -> memref<!tpu.dma_semaphore, #tpu.memory_space<semaphore_mem>>
    %dma_start3A_162 = arith.constant 0 : i32
    %dma_start3A_163 = tpu.memref_slice %arg8[%dma_start3A_162] : memref<39936xf32, #tpu.memory_space<vmem>> -> memref<39936xf32, #tpu.memory_space<vmem>>
    %dma_start3A_164 = tpu.memref_slice %arg2[%multiple_of3A_155] : memref<12800000xf32, #tpu.memory_space<hbm>> -> memref<39936xf32, #tpu.memory_space<hbm>>
    tpu.enqueue_dma source(%dma_start3A_164 : memref<39936xf32, #tpu.memory_space<hbm>>) target(%dma_start3A_163 : memref<39936xf32, #tpu.memory_space<vmem>>) target_semaphore(%dma_start3A_161 : memref<!tpu.dma_semaphore, #tpu.memory_space<semaphore_mem>>)
    %add3A_165 = arith.constant 624 : i32
    %add3A_166 = arith.addi %mul3A_2, %add3A_165 : i32
    %mul3A_167 = arith.constant 128 : i32
    %mul3A_168 = arith.muli %add3A_166, %mul3A_167 : i32
    %multiple_of3A_169 = tpu.assume_multiple %mul3A_168, 8 : i32
    %dma_wait3A_170 = arith.constant 2 : i32
    %dma_wait3A_171 = arith.constant 0 : i32
    %dma_wait3A_172 = tpu.memref_slice %arg9[%dma_wait3A_171] : memref<39936xf32, #tpu.memory_space<vmem>> -> memref<39936xf32, #tpu.memory_space<vmem>>
    %dma_wait3A_173 = tpu.memref_slice %arg2[%multiple_of3A_169] : memref<12800000xf32, #tpu.memory_space<hbm>> -> memref<39936xf32, #tpu.memory_space<hbm>>
    %dma_wait3A_174 = tpu.memref_slice %arg18[%dma_wait3A_170] : memref<3x!tpu.dma_semaphore, #tpu.memory_space<semaphore_mem>> -> memref<1x!tpu.dma_semaphore, #tpu.memory_space<semaphore_mem>>
    %dma_wait3A_175 = tpu.memref_squeeze %dma_wait3A_174 : memref<1x!tpu.dma_semaphore, #tpu.memory_space<semaphore_mem>> -> memref<!tpu.dma_semaphore, #tpu.memory_space<semaphore_mem>>
    %dma_wait3A_176 = arith.constant 0 : i32
    %dma_wait3A_177 = tpu.memref_slice %arg9[%dma_wait3A_176] : memref<39936xf32, #tpu.memory_space<vmem>> -> memref<39936xf32, #tpu.memory_space<vmem>>
    %dma_wait3A_178 = tpu.memref_slice %arg2[%multiple_of3A_169] : memref<12800000xf32, #tpu.memory_space<hbm>> -> memref<39936xf32, #tpu.memory_space<hbm>>
    tpu.wait_dma2 semaphore(%dma_wait3A_175 : memref<!tpu.dma_semaphore, #tpu.memory_space<semaphore_mem>>) src(%dma_wait3A_178 : memref<39936xf32, #tpu.memory_space<hbm>>) dst(%dma_wait3A_177 : memref<39936xf32, #tpu.memory_space<vmem>>)
    %dma_start3A_179 = arith.constant 2 : i32
    %dma_start3A_180 = arith.constant 0 : i32
    %dma_start3A_181 = tpu.memref_slice %arg9[%dma_start3A_180] : memref<39936xf32, #tpu.memory_space<vmem>> -> memref<39936xf32, #tpu.memory_space<vmem>>
    %dma_start3A_182 = tpu.memref_slice %arg4[%multiple_of3A_169] : memref<12800000xf32, #tpu.memory_space<hbm>> -> memref<39936xf32, #tpu.memory_space<hbm>>
    %dma_start3A_183 = tpu.memref_slice %arg19[%dma_start3A_179] : memref<3x!tpu.dma_semaphore, #tpu.memory_space<semaphore_mem>> -> memref<1x!tpu.dma_semaphore, #tpu.memory_space<semaphore_mem>>
    %dma_start3A_184 = tpu.memref_squeeze %dma_start3A_183 : memref<1x!tpu.dma_semaphore, #tpu.memory_space<semaphore_mem>> -> memref<!tpu.dma_semaphore, #tpu.memory_space<semaphore_mem>>
    %dma_start3A_185 = tpu.memref_slice %arg4[%multiple_of3A_169] : memref<12800000xf32, #tpu.memory_space<hbm>> -> memref<39936xf32, #tpu.memory_space<hbm>>
    %dma_start3A_186 = arith.constant 0 : i32
    %dma_start3A_187 = tpu.memref_slice %arg9[%dma_start3A_186] : memref<39936xf32, #tpu.memory_space<vmem>> -> memref<39936xf32, #tpu.memory_space<vmem>>
    tpu.enqueue_dma source(%dma_start3A_187 : memref<39936xf32, #tpu.memory_space<vmem>>) target(%dma_start3A_185 : memref<39936xf32, #tpu.memory_space<hbm>>) target_semaphore(%dma_start3A_184 : memref<!tpu.dma_semaphore, #tpu.memory_space<semaphore_mem>>)
    %parallel_loop3A_188 = arith.constant 0 : i32
    %parallel_loop3A_189 = arith.constant 312 : i32
    %parallel_loop3A_190 = arith.constant 1 : i32
    scf.for %parallel_loop3A_784 = %parallel_loop3A_188 to %parallel_loop3A_189 step %parallel_loop3A_190  : i32 {
      %parallel_loop3A_785 = arith.constant 128 : i32
      %parallel_loop3A_786 = arith.muli %parallel_loop3A_784, %parallel_loop3A_785 : i32
      %parallel_loop3A_787 = arith.constant 0 : i32
      %parallel_loop3A_788 = arith.addi %parallel_loop3A_786, %parallel_loop3A_787 : i32
      %parallel_loop3A_789 = arith.index_cast %parallel_loop3A_788 : i32 to index
      %parallel_loop3A_790 = tpu.vector_load %arg9[%parallel_loop3A_789] {strides = array<i32>} : memref<39936xf32, #tpu.memory_space<vmem>>, vector<16xf32>,
      %parallel_loop3A_791 = arith.mulf %parallel_loop3A_790, %parallel_loop3A_790 : vector<16xf32>
      %parallel_loop3A_792 = arith.addf %broadcast_in_dim3A_58, %parallel_loop3A_791 : vector<16xf32>
      %parallel_loop3A_793 = arith.constant 16 : i32
      %parallel_loop3A_794 = arith.addi %parallel_loop3A_786, %parallel_loop3A_793 : i32
      %parallel_loop3A_795 = arith.index_cast %parallel_loop3A_794 : i32 to index
      %parallel_loop3A_796 = tpu.vector_load %arg9[%parallel_loop3A_795] {strides = array<i32>} : memref<39936xf32, #tpu.memory_space<vmem>>, vector<16xf32>,
      %parallel_loop3A_797 = arith.mulf %parallel_loop3A_796, %parallel_loop3A_796 : vector<16xf32>
      %parallel_loop3A_798 = arith.addf %parallel_loop3A_792, %parallel_loop3A_797 : vector<16xf32>
      %parallel_loop3A_799 = arith.constant 32 : i32
      %parallel_loop3A_800 = arith.addi %parallel_loop3A_786, %parallel_loop3A_799 : i32
      %parallel_loop3A_801 = arith.index_cast %parallel_loop3A_800 : i32 to index
      %parallel_loop3A_802 = tpu.vector_load %arg9[%parallel_loop3A_801] {strides = array<i32>} : memref<39936xf32, #tpu.memory_space<vmem>>, vector<16xf32>,
      %parallel_loop3A_803 = arith.mulf %parallel_loop3A_802, %parallel_loop3A_802 : vector<16xf32>
      %parallel_loop3A_804 = arith.addf %parallel_loop3A_798, %parallel_loop3A_803 : vector<16xf32>
      %parallel_loop3A_805 = arith.constant 48 : i32
      %parallel_loop3A_806 = arith.addi %parallel_loop3A_786, %parallel_loop3A_805 : i32
      %parallel_loop3A_807 = arith.index_cast %parallel_loop3A_806 : i32 to index
      %parallel_loop3A_808 = tpu.vector_load %arg9[%parallel_loop3A_807] {strides = array<i32>} : memref<39936xf32, #tpu.memory_space<vmem>>, vector<16xf32>,
      %parallel_loop3A_809 = arith.mulf %parallel_loop3A_808, %parallel_loop3A_808 : vector<16xf32>
      %parallel_loop3A_810 = arith.addf %parallel_loop3A_804, %parallel_loop3A_809 : vector<16xf32>
      %parallel_loop3A_811 = arith.constant 64 : i32
      %parallel_loop3A_812 = arith.addi %parallel_loop3A_786, %parallel_loop3A_811 : i32
      %parallel_loop3A_813 = arith.index_cast %parallel_loop3A_812 : i32 to index
      %parallel_loop3A_814 = tpu.vector_load %arg9[%parallel_loop3A_813] {strides = array<i32>} : memref<39936xf32, #tpu.memory_space<vmem>>, vector<16xf32>,
      %parallel_loop3A_815 = arith.mulf %parallel_loop3A_814, %parallel_loop3A_814 : vector<16xf32>
      %parallel_loop3A_816 = arith.addf %parallel_loop3A_810, %parallel_loop3A_815 : vector<16xf32>
      %parallel_loop3A_817 = arith.constant 80 : i32
      %parallel_loop3A_818 = arith.addi %parallel_loop3A_786, %parallel_loop3A_817 : i32
      %parallel_loop3A_819 = arith.index_cast %parallel_loop3A_818 : i32 to index
      %parallel_loop3A_820 = tpu.vector_load %arg9[%parallel_loop3A_819] {strides = array<i32>} : memref<39936xf32, #tpu.memory_space<vmem>>, vector<16xf32>,
      %parallel_loop3A_821 = arith.mulf %parallel_loop3A_820, %parallel_loop3A_820 : vector<16xf32>
      %parallel_loop3A_822 = arith.addf %parallel_loop3A_816, %parallel_loop3A_821 : vector<16xf32>
      %parallel_loop3A_823 = arith.constant 96 : i32
      %parallel_loop3A_824 = arith.addi %parallel_loop3A_786, %parallel_loop3A_823 : i32
      %parallel_loop3A_825 = arith.index_cast %parallel_loop3A_824 : i32 to index
      %parallel_loop3A_826 = tpu.vector_load %arg9[%parallel_loop3A_825] {strides = array<i32>} : memref<39936xf32, #tpu.memory_space<vmem>>, vector<16xf32>,
      %parallel_loop3A_827 = arith.mulf %parallel_loop3A_826, %parallel_loop3A_826 : vector<16xf32>
      %parallel_loop3A_828 = arith.addf %parallel_loop3A_822, %parallel_loop3A_827 : vector<16xf32>
      %parallel_loop3A_829 = arith.constant 112 : i32
      %parallel_loop3A_830 = arith.addi %parallel_loop3A_786, %parallel_loop3A_829 : i32
      %parallel_loop3A_831 = arith.index_cast %parallel_loop3A_830 : i32 to index
      %parallel_loop3A_832 = tpu.vector_load %arg9[%parallel_loop3A_831] {strides = array<i32>} : memref<39936xf32, #tpu.memory_space<vmem>>, vector<16xf32>,
      %parallel_loop3A_833 = arith.mulf %parallel_loop3A_832, %parallel_loop3A_832 : vector<16xf32>
      %parallel_loop3A_834 = arith.addf %parallel_loop3A_828, %parallel_loop3A_833 : vector<16xf32>
      %parallel_loop3A_835 = arith.constant true
      %parallel_loop3A_836 = vector.broadcast %parallel_loop3A_835 : i1 to vector<16xi1>
      %parallel_loop3A_837 = tpu.scan <sum>, %parallel_loop3A_834 masked %parallel_loop3A_836 : vector<16xf32>, vector<16xi1> -> vector<16xf32>
      %parallel_loop3A_838 = arith.constant 624 : i32
      %parallel_loop3A_839 = arith.addi %parallel_loop3A_838, %parallel_loop3A_784 : i32
      %parallel_loop3A_840 = vector.broadcast %parallel_loop3A_839 : i32 to vector<16xi32>
      tpu.vector_store_idx %arg11[%parallel_loop3A_840], %parallel_loop3A_837 masked %eq3A_60 : memref<3136xf32, #tpu.memory_space<vmem>>[vector<16xi32>], vector<16xf32>, vector<16xi1>
    } {sc.loop_unroll_factor = 4 : i64, sc.parallel_access}
    %dma_wait3A_191 = arith.constant 2 : i32
    %dma_wait3A_192 = arith.constant 0 : i32
    %dma_wait3A_193 = tpu.memref_slice %arg9[%dma_wait3A_192] : memref<39936xf32, #tpu.memory_space<vmem>> -> memref<39936xf32, #tpu.memory_space<vmem>>
    %dma_wait3A_194 = tpu.memref_slice %arg4[%multiple_of3A_169] : memref<12800000xf32, #tpu.memory_space<hbm>> -> memref<39936xf32, #tpu.memory_space<hbm>>
    %dma_wait3A_195 = tpu.memref_slice %arg19[%dma_wait3A_191] : memref<3x!tpu.dma_semaphore, #tpu.memory_space<semaphore_mem>> -> memref<1x!tpu.dma_semaphore, #tpu.memory_space<semaphore_mem>>
    %dma_wait3A_196 = tpu.memref_squeeze %dma_wait3A_195 : memref<1x!tpu.dma_semaphore, #tpu.memory_space<semaphore_mem>> -> memref<!tpu.dma_semaphore, #tpu.memory_space<semaphore_mem>>
    %dma_wait3A_197 = tpu.memref_slice %arg4[%multiple_of3A_169] : memref<12800000xf32, #tpu.memory_space<hbm>> -> memref<39936xf32, #tpu.memory_space<hbm>>
    %dma_wait3A_198 = arith.constant 0 : i32
    %dma_wait3A_199 = tpu.memref_slice %arg9[%dma_wait3A_198] : memref<39936xf32, #tpu.memory_space<vmem>> -> memref<39936xf32, #tpu.memory_space<vmem>>
    tpu.wait_dma2 semaphore(%dma_wait3A_196 : memref<!tpu.dma_semaphore, #tpu.memory_space<semaphore_mem>>) src(%dma_wait3A_199 : memref<39936xf32, #tpu.memory_space<vmem>>) dst(%dma_wait3A_197 : memref<39936xf32, #tpu.memory_space<hbm>>)
    %add3A_200 = arith.constant 1560 : i32
    %add3A_201 = arith.addi %mul3A_2, %add3A_200 : i32
    %mul3A_202 = arith.constant 128 : i32
    %mul3A_203 = arith.muli %add3A_201, %mul3A_202 : i32
    %multiple_of3A_204 = tpu.assume_multiple %mul3A_203, 8 : i32
    %dma_start3A_205 = arith.constant 2 : i32
    %dma_start3A_206 = arith.constant 0 : i32
    %dma_start3A_207 = tpu.memref_slice %arg9[%dma_start3A_206] : memref<39936xf32, #tpu.memory_space<vmem>> -> memref<39936xf32, #tpu.memory_space<vmem>>
    %dma_start3A_208 = tpu.memref_slice %arg2[%multiple_of3A_204] : memref<12800000xf32, #tpu.memory_space<hbm>> -> memref<39936xf32, #tpu.memory_space<hbm>>
    %dma_start3A_209 = tpu.memref_slice %arg18[%dma_start3A_205] : memref<3x!tpu.dma_semaphore, #tpu.memory_space<semaphore_mem>> -> memref<1x!tpu.dma_semaphore, #tpu.memory_space<semaphore_mem>>
    %dma_start3A_210 = tpu.memref_squeeze %dma_start3A_209 : memref<1x!tpu.dma_semaphore, #tpu.memory_space<semaphore_mem>> -> memref<!tpu.dma_semaphore, #tpu.memory_space<semaphore_mem>>
    %dma_start3A_211 = arith.constant 0 : i32
    %dma_start3A_212 = tpu.memref_slice %arg9[%dma_start3A_211] : memref<39936xf32, #tpu.memory_space<vmem>> -> memref<39936xf32, #tpu.memory_space<vmem>>
    %dma_start3A_213 = tpu.memref_slice %arg2[%multiple_of3A_204] : memref<12800000xf32, #tpu.memory_space<hbm>> -> memref<39936xf32, #tpu.memory_space<hbm>>
    tpu.enqueue_dma source(%dma_start3A_213 : memref<39936xf32, #tpu.memory_space<hbm>>) target(%dma_start3A_212 : memref<39936xf32, #tpu.memory_space<vmem>>) target_semaphore(%dma_start3A_210 : memref<!tpu.dma_semaphore, #tpu.memory_space<semaphore_mem>>)
    %add3A_214 = arith.constant 936 : i32
    %add3A_215 = arith.addi %mul3A_2, %add3A_214 : i32
    %mul3A_216 = arith.constant 128 : i32
    %mul3A_217 = arith.muli %add3A_215, %mul3A_216 : i32
    %multiple_of3A_218 = tpu.assume_multiple %mul3A_217, 8 : i32
    %dma_wait3A_219 = arith.constant 0 : i32
    %dma_wait3A_220 = arith.constant 0 : i32
    %dma_wait3A_221 = tpu.memref_slice %arg7[%dma_wait3A_220] : memref<39936xf32, #tpu.memory_space<vmem>> -> memref<39936xf32, #tpu.memory_space<vmem>>
    %dma_wait3A_222 = tpu.memref_slice %arg2[%multiple_of3A_218] : memref<12800000xf32, #tpu.memory_space<hbm>> -> memref<39936xf32, #tpu.memory_space<hbm>>
    %dma_wait3A_223 = tpu.memref_slice %arg18[%dma_wait3A_219] : memref<3x!tpu.dma_semaphore, #tpu.memory_space<semaphore_mem>> -> memref<1x!tpu.dma_semaphore, #tpu.memory_space<semaphore_mem>>
    %dma_wait3A_224 = tpu.memref_squeeze %dma_wait3A_223 : memref<1x!tpu.dma_semaphore, #tpu.memory_space<semaphore_mem>> -> memref<!tpu.dma_semaphore, #tpu.memory_space<semaphore_mem>>
    %dma_wait3A_225 = arith.constant 0 : i32
    %dma_wait3A_226 = tpu.memref_slice %arg7[%dma_wait3A_225] : memref<39936xf32, #tpu.memory_space<vmem>> -> memref<39936xf32, #tpu.memory_space<vmem>>
    %dma_wait3A_227 = tpu.memref_slice %arg2[%multiple_of3A_218] : memref<12800000xf32, #tpu.memory_space<hbm>> -> memref<39936xf32, #tpu.memory_space<hbm>>
    tpu.wait_dma2 semaphore(%dma_wait3A_224 : memref<!tpu.dma_semaphore, #tpu.memory_space<semaphore_mem>>) src(%dma_wait3A_227 : memref<39936xf32, #tpu.memory_space<hbm>>) dst(%dma_wait3A_226 : memref<39936xf32, #tpu.memory_space<vmem>>)
    %dma_start3A_228 = arith.constant 0 : i32
    %dma_start3A_229 = arith.constant 0 : i32
    %dma_start3A_230 = tpu.memref_slice %arg7[%dma_start3A_229] : memref<39936xf32, #tpu.memory_space<vmem>> -> memref<39936xf32, #tpu.memory_space<vmem>>
    %dma_start3A_231 = tpu.memref_slice %arg4[%multiple_of3A_218] : memref<12800000xf32, #tpu.memory_space<hbm>> -> memref<39936xf32, #tpu.memory_space<hbm>>
    %dma_start3A_232 = tpu.memref_slice %arg19[%dma_start3A_228] : memref<3x!tpu.dma_semaphore, #tpu.memory_space<semaphore_mem>> -> memref<1x!tpu.dma_semaphore, #tpu.memory_space<semaphore_mem>>
    %dma_start3A_233 = tpu.memref_squeeze %dma_start3A_232 : memref<1x!tpu.dma_semaphore, #tpu.memory_space<semaphore_mem>> -> memref<!tpu.dma_semaphore, #tpu.memory_space<semaphore_mem>>
    %dma_start3A_234 = tpu.memref_slice %arg4[%multiple_of3A_218] : memref<12800000xf32, #tpu.memory_space<hbm>> -> memref<39936xf32, #tpu.memory_space<hbm>>
    %dma_start3A_235 = arith.constant 0 : i32
    %dma_start3A_236 = tpu.memref_slice %arg7[%dma_start3A_235] : memref<39936xf32, #tpu.memory_space<vmem>> -> memref<39936xf32, #tpu.memory_space<vmem>>
    tpu.enqueue_dma source(%dma_start3A_236 : memref<39936xf32, #tpu.memory_space<vmem>>) target(%dma_start3A_234 : memref<39936xf32, #tpu.memory_space<hbm>>) target_semaphore(%dma_start3A_233 : memref<!tpu.dma_semaphore, #tpu.memory_space<semaphore_mem>>)
    %parallel_loop3A_237 = arith.constant 0 : i32
    %parallel_loop3A_238 = arith.constant 312 : i32
    %parallel_loop3A_239 = arith.constant 1 : i32
    scf.for %parallel_loop3A_784 = %parallel_loop3A_237 to %parallel_loop3A_238 step %parallel_loop3A_239  : i32 {
      %parallel_loop3A_785 = arith.constant 128 : i32
      %parallel_loop3A_786 = arith.muli %parallel_loop3A_784, %parallel_loop3A_785 : i32
      %parallel_loop3A_787 = arith.constant 0 : i32
      %parallel_loop3A_788 = arith.addi %parallel_loop3A_786, %parallel_loop3A_787 : i32
      %parallel_loop3A_789 = arith.index_cast %parallel_loop3A_788 : i32 to index
      %parallel_loop3A_790 = tpu.vector_load %arg7[%parallel_loop3A_789] {strides = array<i32>} : memref<39936xf32, #tpu.memory_space<vmem>>, vector<16xf32>,
      %parallel_loop3A_791 = arith.mulf %parallel_loop3A_790, %parallel_loop3A_790 : vector<16xf32>
      %parallel_loop3A_792 = arith.addf %broadcast_in_dim3A_58, %parallel_loop3A_791 : vector<16xf32>
      %parallel_loop3A_793 = arith.constant 16 : i32
      %parallel_loop3A_794 = arith.addi %parallel_loop3A_786, %parallel_loop3A_793 : i32
      %parallel_loop3A_795 = arith.index_cast %parallel_loop3A_794 : i32 to index
      %parallel_loop3A_796 = tpu.vector_load %arg7[%parallel_loop3A_795] {strides = array<i32>} : memref<39936xf32, #tpu.memory_space<vmem>>, vector<16xf32>,
      %parallel_loop3A_797 = arith.mulf %parallel_loop3A_796, %parallel_loop3A_796 : vector<16xf32>
      %parallel_loop3A_798 = arith.addf %parallel_loop3A_792, %parallel_loop3A_797 : vector<16xf32>
      %parallel_loop3A_799 = arith.constant 32 : i32
      %parallel_loop3A_800 = arith.addi %parallel_loop3A_786, %parallel_loop3A_799 : i32
      %parallel_loop3A_801 = arith.index_cast %parallel_loop3A_800 : i32 to index
      %parallel_loop3A_802 = tpu.vector_load %arg7[%parallel_loop3A_801] {strides = array<i32>} : memref<39936xf32, #tpu.memory_space<vmem>>, vector<16xf32>,
      %parallel_loop3A_803 = arith.mulf %parallel_loop3A_802, %parallel_loop3A_802 : vector<16xf32>
      %parallel_loop3A_804 = arith.addf %parallel_loop3A_798, %parallel_loop3A_803 : vector<16xf32>
      %parallel_loop3A_805 = arith.constant 48 : i32
      %parallel_loop3A_806 = arith.addi %parallel_loop3A_786, %parallel_loop3A_805 : i32
      %parallel_loop3A_807 = arith.index_cast %parallel_loop3A_806 : i32 to index
      %parallel_loop3A_808 = tpu.vector_load %arg7[%parallel_loop3A_807] {strides = array<i32>} : memref<39936xf32, #tpu.memory_space<vmem>>, vector<16xf32>,
      %parallel_loop3A_809 = arith.mulf %parallel_loop3A_808, %parallel_loop3A_808 : vector<16xf32>
      %parallel_loop3A_810 = arith.addf %parallel_loop3A_804, %parallel_loop3A_809 : vector<16xf32>
      %parallel_loop3A_811 = arith.constant 64 : i32
      %parallel_loop3A_812 = arith.addi %parallel_loop3A_786, %parallel_loop3A_811 : i32
      %parallel_loop3A_813 = arith.index_cast %parallel_loop3A_812 : i32 to index
      %parallel_loop3A_814 = tpu.vector_load %arg7[%parallel_loop3A_813] {strides = array<i32>} : memref<39936xf32, #tpu.memory_space<vmem>>, vector<16xf32>,
      %parallel_loop3A_815 = arith.mulf %parallel_loop3A_814, %parallel_loop3A_814 : vector<16xf32>
      %parallel_loop3A_816 = arith.addf %parallel_loop3A_810, %parallel_loop3A_815 : vector<16xf32>
      %parallel_loop3A_817 = arith.constant 80 : i32
      %parallel_loop3A_818 = arith.addi %parallel_loop3A_786, %parallel_loop3A_817 : i32
      %parallel_loop3A_819 = arith.index_cast %parallel_loop3A_818 : i32 to index
      %parallel_loop3A_820 = tpu.vector_load %arg7[%parallel_loop3A_819] {strides = array<i32>} : memref<39936xf32, #tpu.memory_space<vmem>>, vector<16xf32>,
      %parallel_loop3A_821 = arith.mulf %parallel_loop3A_820, %parallel_loop3A_820 : vector<16xf32>
      %parallel_loop3A_822 = arith.addf %parallel_loop3A_816, %parallel_loop3A_821 : vector<16xf32>
      %parallel_loop3A_823 = arith.constant 96 : i32
      %parallel_loop3A_824 = arith.addi %parallel_loop3A_786, %parallel_loop3A_823 : i32
      %parallel_loop3A_825 = arith.index_cast %parallel_loop3A_824 : i32 to index
      %parallel_loop3A_826 = tpu.vector_load %arg7[%parallel_loop3A_825] {strides = array<i32>} : memref<39936xf32, #tpu.memory_space<vmem>>, vector<16xf32>,
      %parallel_loop3A_827 = arith.mulf %parallel_loop3A_826, %parallel_loop3A_826 : vector<16xf32>
      %parallel_loop3A_828 = arith.addf %parallel_loop3A_822, %parallel_loop3A_827 : vector<16xf32>
      %parallel_loop3A_829 = arith.constant 112 : i32
      %parallel_loop3A_830 = arith.addi %parallel_loop3A_786, %parallel_loop3A_829 : i32
      %parallel_loop3A_831 = arith.index_cast %parallel_loop3A_830 : i32 to index
      %parallel_loop3A_832 = tpu.vector_load %arg7[%parallel_loop3A_831] {strides = array<i32>} : memref<39936xf32, #tpu.memory_space<vmem>>, vector<16xf32>,
      %parallel_loop3A_833 = arith.mulf %parallel_loop3A_832, %parallel_loop3A_832 : vector<16xf32>
      %parallel_loop3A_834 = arith.addf %parallel_loop3A_828, %parallel_loop3A_833 : vector<16xf32>
      %parallel_loop3A_835 = arith.constant true
      %parallel_loop3A_836 = vector.broadcast %parallel_loop3A_835 : i1 to vector<16xi1>
      %parallel_loop3A_837 = tpu.scan <sum>, %parallel_loop3A_834 masked %parallel_loop3A_836 : vector<16xf32>, vector<16xi1> -> vector<16xf32>
      %parallel_loop3A_838 = arith.constant 936 : i32
      %parallel_loop3A_839 = arith.addi %parallel_loop3A_838, %parallel_loop3A_784 : i32
      %parallel_loop3A_840 = vector.broadcast %parallel_loop3A_839 : i32 to vector<16xi32>
      tpu.vector_store_idx %arg11[%parallel_loop3A_840], %parallel_loop3A_837 masked %eq3A_60 : memref<3136xf32, #tpu.memory_space<vmem>>[vector<16xi32>], vector<16xf32>, vector<16xi1>
    } {sc.loop_unroll_factor = 4 : i64, sc.parallel_access}
    %dma_wait3A_240 = arith.constant 0 : i32
    %dma_wait3A_241 = arith.constant 0 : i32
    %dma_wait3A_242 = tpu.memref_slice %arg7[%dma_wait3A_241] : memref<39936xf32, #tpu.memory_space<vmem>> -> memref<39936xf32, #tpu.memory_space<vmem>>
    %dma_wait3A_243 = tpu.memref_slice %arg4[%multiple_of3A_218] : memref<12800000xf32, #tpu.memory_space<hbm>> -> memref<39936xf32, #tpu.memory_space<hbm>>
    %dma_wait3A_244 = tpu.memref_slice %arg19[%dma_wait3A_240] : memref<3x!tpu.dma_semaphore, #tpu.memory_space<semaphore_mem>> -> memref<1x!tpu.dma_semaphore, #tpu.memory_space<semaphore_mem>>
    %dma_wait3A_245 = tpu.memref_squeeze %dma_wait3A_244 : memref<1x!tpu.dma_semaphore, #tpu.memory_space<semaphore_mem>> -> memref<!tpu.dma_semaphore, #tpu.memory_space<semaphore_mem>>
    %dma_wait3A_246 = tpu.memref_slice %arg4[%multiple_of3A_218] : memref<12800000xf32, #tpu.memory_space<hbm>> -> memref<39936xf32, #tpu.memory_space<hbm>>
    %dma_wait3A_247 = arith.constant 0 : i32
    %dma_wait3A_248 = tpu.memref_slice %arg7[%dma_wait3A_247] : memref<39936xf32, #tpu.memory_space<vmem>> -> memref<39936xf32, #tpu.memory_space<vmem>>
    tpu.wait_dma2 semaphore(%dma_wait3A_245 : memref<!tpu.dma_semaphore, #tpu.memory_space<semaphore_mem>>) src(%dma_wait3A_248 : memref<39936xf32, #tpu.memory_space<vmem>>) dst(%dma_wait3A_246 : memref<39936xf32, #tpu.memory_space<hbm>>)
    %add3A_249 = arith.constant 1872 : i32
    %add3A_250 = arith.addi %mul3A_2, %add3A_249 : i32
    %mul3A_251 = arith.constant 128 : i32
    %mul3A_252 = arith.muli %add3A_250, %mul3A_251 : i32
    %multiple_of3A_253 = tpu.assume_multiple %mul3A_252, 8 : i32
    %dma_start3A_254 = arith.constant 0 : i32
    %dma_start3A_255 = arith.constant 0 : i32
    %dma_start3A_256 = tpu.memref_slice %arg7[%dma_start3A_255] : memref<39936xf32, #tpu.memory_space<vmem>> -> memref<39936xf32, #tpu.memory_space<vmem>>
    %dma_start3A_257 = tpu.memref_slice %arg2[%multiple_of3A_253] : memref<12800000xf32, #tpu.memory_space<hbm>> -> memref<39936xf32, #tpu.memory_space<hbm>>
    %dma_start3A_258 = tpu.memref_slice %arg18[%dma_start3A_254] : memref<3x!tpu.dma_semaphore, #tpu.memory_space<semaphore_mem>> -> memref<1x!tpu.dma_semaphore, #tpu.memory_space<semaphore_mem>>
    %dma_start3A_259 = tpu.memref_squeeze %dma_start3A_258 : memref<1x!tpu.dma_semaphore, #tpu.memory_space<semaphore_mem>> -> memref<!tpu.dma_semaphore, #tpu.memory_space<semaphore_mem>>
    %dma_start3A_260 = arith.constant 0 : i32
    %dma_start3A_261 = tpu.memref_slice %arg7[%dma_start3A_260] : memref<39936xf32, #tpu.memory_space<vmem>> -> memref<39936xf32, #tpu.memory_space<vmem>>
    %dma_start3A_262 = tpu.memref_slice %arg2[%multiple_of3A_253] : memref<12800000xf32, #tpu.memory_space<hbm>> -> memref<39936xf32, #tpu.memory_space<hbm>>
    tpu.enqueue_dma source(%dma_start3A_262 : memref<39936xf32, #tpu.memory_space<hbm>>) target(%dma_start3A_261 : memref<39936xf32, #tpu.memory_space<vmem>>) target_semaphore(%dma_start3A_259 : memref<!tpu.dma_semaphore, #tpu.memory_space<semaphore_mem>>)
    %add3A_263 = arith.constant 1248 : i32
    %add3A_264 = arith.addi %mul3A_2, %add3A_263 : i32
    %mul3A_265 = arith.constant 128 : i32
    %mul3A_266 = arith.muli %add3A_264, %mul3A_265 : i32
    %multiple_of3A_267 = tpu.assume_multiple %mul3A_266, 8 : i32
    %dma_wait3A_268 = arith.constant 1 : i32
    %dma_wait3A_269 = arith.constant 0 : i32
    %dma_wait3A_270 = tpu.memref_slice %arg8[%dma_wait3A_269] : memref<39936xf32, #tpu.memory_space<vmem>> -> memref<39936xf32, #tpu.memory_space<vmem>>
    %dma_wait3A_271 = tpu.memref_slice %arg2[%multiple_of3A_267] : memref<12800000xf32, #tpu.memory_space<hbm>> -> memref<39936xf32, #tpu.memory_space<hbm>>
    %dma_wait3A_272 = tpu.memref_slice %arg18[%dma_wait3A_268] : memref<3x!tpu.dma_semaphore, #tpu.memory_space<semaphore_mem>> -> memref<1x!tpu.dma_semaphore, #tpu.memory_space<semaphore_mem>>
    %dma_wait3A_273 = tpu.memref_squeeze %dma_wait3A_272 : memref<1x!tpu.dma_semaphore, #tpu.memory_space<semaphore_mem>> -> memref<!tpu.dma_semaphore, #tpu.memory_space<semaphore_mem>>
    %dma_wait3A_274 = arith.constant 0 : i32
    %dma_wait3A_275 = tpu.memref_slice %arg8[%dma_wait3A_274] : memref<39936xf32, #tpu.memory_space<vmem>> -> memref<39936xf32, #tpu.memory_space<vmem>>
    %dma_wait3A_276 = tpu.memref_slice %arg2[%multiple_of3A_267] : memref<12800000xf32, #tpu.memory_space<hbm>> -> memref<39936xf32, #tpu.memory_space<hbm>>
    tpu.wait_dma2 semaphore(%dma_wait3A_273 : memref<!tpu.dma_semaphore, #tpu.memory_space<semaphore_mem>>) src(%dma_wait3A_276 : memref<39936xf32, #tpu.memory_space<hbm>>) dst(%dma_wait3A_275 : memref<39936xf32, #tpu.memory_space<vmem>>)
    %dma_start3A_277 = arith.constant 1 : i32
    %dma_start3A_278 = arith.constant 0 : i32
    %dma_start3A_279 = tpu.memref_slice %arg8[%dma_start3A_278] : memref<39936xf32, #tpu.memory_space<vmem>> -> memref<39936xf32, #tpu.memory_space<vmem>>
    %dma_start3A_280 = tpu.memref_slice %arg4[%multiple_of3A_267] : memref<12800000xf32, #tpu.memory_space<hbm>> -> memref<39936xf32, #tpu.memory_space<hbm>>
    %dma_start3A_281 = tpu.memref_slice %arg19[%dma_start3A_277] : memref<3x!tpu.dma_semaphore, #tpu.memory_space<semaphore_mem>> -> memref<1x!tpu.dma_semaphore, #tpu.memory_space<semaphore_mem>>
    %dma_start3A_282 = tpu.memref_squeeze %dma_start3A_281 : memref<1x!tpu.dma_semaphore, #tpu.memory_space<semaphore_mem>> -> memref<!tpu.dma_semaphore, #tpu.memory_space<semaphore_mem>>
    %dma_start3A_283 = tpu.memref_slice %arg4[%multiple_of3A_267] : memref<12800000xf32, #tpu.memory_space<hbm>> -> memref<39936xf32, #tpu.memory_space<hbm>>
    %dma_start3A_284 = arith.constant 0 : i32
    %dma_start3A_285 = tpu.memref_slice %arg8[%dma_start3A_284] : memref<39936xf32, #tpu.memory_space<vmem>> -> memref<39936xf32, #tpu.memory_space<vmem>>
    tpu.enqueue_dma source(%dma_start3A_285 : memref<39936xf32, #tpu.memory_space<vmem>>) target(%dma_start3A_283 : memref<39936xf32, #tpu.memory_space<hbm>>) target_semaphore(%dma_start3A_282 : memref<!tpu.dma_semaphore, #tpu.memory_space<semaphore_mem>>)
    %parallel_loop3A_286 = arith.constant 0 : i32
    %parallel_loop3A_287 = arith.constant 312 : i32
    %parallel_loop3A_288 = arith.constant 1 : i32
    scf.for %parallel_loop3A_784 = %parallel_loop3A_286 to %parallel_loop3A_287 step %parallel_loop3A_288  : i32 {
      %parallel_loop3A_785 = arith.constant 128 : i32
      %parallel_loop3A_786 = arith.muli %parallel_loop3A_784, %parallel_loop3A_785 : i32
      %parallel_loop3A_787 = arith.constant 0 : i32
      %parallel_loop3A_788 = arith.addi %parallel_loop3A_786, %parallel_loop3A_787 : i32
      %parallel_loop3A_789 = arith.index_cast %parallel_loop3A_788 : i32 to index
      %parallel_loop3A_790 = tpu.vector_load %arg8[%parallel_loop3A_789] {strides = array<i32>} : memref<39936xf32, #tpu.memory_space<vmem>>, vector<16xf32>,
      %parallel_loop3A_791 = arith.mulf %parallel_loop3A_790, %parallel_loop3A_790 : vector<16xf32>
      %parallel_loop3A_792 = arith.addf %broadcast_in_dim3A_58, %parallel_loop3A_791 : vector<16xf32>
      %parallel_loop3A_793 = arith.constant 16 : i32
      %parallel_loop3A_794 = arith.addi %parallel_loop3A_786, %parallel_loop3A_793 : i32
      %parallel_loop3A_795 = arith.index_cast %parallel_loop3A_794 : i32 to index
      %parallel_loop3A_796 = tpu.vector_load %arg8[%parallel_loop3A_795] {strides = array<i32>} : memref<39936xf32, #tpu.memory_space<vmem>>, vector<16xf32>,
      %parallel_loop3A_797 = arith.mulf %parallel_loop3A_796, %parallel_loop3A_796 : vector<16xf32>
      %parallel_loop3A_798 = arith.addf %parallel_loop3A_792, %parallel_loop3A_797 : vector<16xf32>
      %parallel_loop3A_799 = arith.constant 32 : i32
      %parallel_loop3A_800 = arith.addi %parallel_loop3A_786, %parallel_loop3A_799 : i32
      %parallel_loop3A_801 = arith.index_cast %parallel_loop3A_800 : i32 to index
      %parallel_loop3A_802 = tpu.vector_load %arg8[%parallel_loop3A_801] {strides = array<i32>} : memref<39936xf32, #tpu.memory_space<vmem>>, vector<16xf32>,
      %parallel_loop3A_803 = arith.mulf %parallel_loop3A_802, %parallel_loop3A_802 : vector<16xf32>
      %parallel_loop3A_804 = arith.addf %parallel_loop3A_798, %parallel_loop3A_803 : vector<16xf32>
      %parallel_loop3A_805 = arith.constant 48 : i32
      %parallel_loop3A_806 = arith.addi %parallel_loop3A_786, %parallel_loop3A_805 : i32
      %parallel_loop3A_807 = arith.index_cast %parallel_loop3A_806 : i32 to index
      %parallel_loop3A_808 = tpu.vector_load %arg8[%parallel_loop3A_807] {strides = array<i32>} : memref<39936xf32, #tpu.memory_space<vmem>>, vector<16xf32>,
      %parallel_loop3A_809 = arith.mulf %parallel_loop3A_808, %parallel_loop3A_808 : vector<16xf32>
      %parallel_loop3A_810 = arith.addf %parallel_loop3A_804, %parallel_loop3A_809 : vector<16xf32>
      %parallel_loop3A_811 = arith.constant 64 : i32
      %parallel_loop3A_812 = arith.addi %parallel_loop3A_786, %parallel_loop3A_811 : i32
      %parallel_loop3A_813 = arith.index_cast %parallel_loop3A_812 : i32 to index
      %parallel_loop3A_814 = tpu.vector_load %arg8[%parallel_loop3A_813] {strides = array<i32>} : memref<39936xf32, #tpu.memory_space<vmem>>, vector<16xf32>,
      %parallel_loop3A_815 = arith.mulf %parallel_loop3A_814, %parallel_loop3A_814 : vector<16xf32>
      %parallel_loop3A_816 = arith.addf %parallel_loop3A_810, %parallel_loop3A_815 : vector<16xf32>
      %parallel_loop3A_817 = arith.constant 80 : i32
      %parallel_loop3A_818 = arith.addi %parallel_loop3A_786, %parallel_loop3A_817 : i32
      %parallel_loop3A_819 = arith.index_cast %parallel_loop3A_818 : i32 to index
      %parallel_loop3A_820 = tpu.vector_load %arg8[%parallel_loop3A_819] {strides = array<i32>} : memref<39936xf32, #tpu.memory_space<vmem>>, vector<16xf32>,
      %parallel_loop3A_821 = arith.mulf %parallel_loop3A_820, %parallel_loop3A_820 : vector<16xf32>
      %parallel_loop3A_822 = arith.addf %parallel_loop3A_816, %parallel_loop3A_821 : vector<16xf32>
      %parallel_loop3A_823 = arith.constant 96 : i32
      %parallel_loop3A_824 = arith.addi %parallel_loop3A_786, %parallel_loop3A_823 : i32
      %parallel_loop3A_825 = arith.index_cast %parallel_loop3A_824 : i32 to index
      %parallel_loop3A_826 = tpu.vector_load %arg8[%parallel_loop3A_825] {strides = array<i32>} : memref<39936xf32, #tpu.memory_space<vmem>>, vector<16xf32>,
      %parallel_loop3A_827 = arith.mulf %parallel_loop3A_826, %parallel_loop3A_826 : vector<16xf32>
      %parallel_loop3A_828 = arith.addf %parallel_loop3A_822, %parallel_loop3A_827 : vector<16xf32>
      %parallel_loop3A_829 = arith.constant 112 : i32
      %parallel_loop3A_830 = arith.addi %parallel_loop3A_786, %parallel_loop3A_829 : i32
      %parallel_loop3A_831 = arith.index_cast %parallel_loop3A_830 : i32 to index
      %parallel_loop3A_832 = tpu.vector_load %arg8[%parallel_loop3A_831] {strides = array<i32>} : memref<39936xf32, #tpu.memory_space<vmem>>, vector<16xf32>,
      %parallel_loop3A_833 = arith.mulf %parallel_loop3A_832, %parallel_loop3A_832 : vector<16xf32>
      %parallel_loop3A_834 = arith.addf %parallel_loop3A_828, %parallel_loop3A_833 : vector<16xf32>
      %parallel_loop3A_835 = arith.constant true
      %parallel_loop3A_836 = vector.broadcast %parallel_loop3A_835 : i1 to vector<16xi1>
      %parallel_loop3A_837 = tpu.scan <sum>, %parallel_loop3A_834 masked %parallel_loop3A_836 : vector<16xf32>, vector<16xi1> -> vector<16xf32>
      %parallel_loop3A_838 = arith.constant 1248 : i32
      %parallel_loop3A_839 = arith.addi %parallel_loop3A_838, %parallel_loop3A_784 : i32
      %parallel_loop3A_840 = vector.broadcast %parallel_loop3A_839 : i32 to vector<16xi32>
      tpu.vector_store_idx %arg11[%parallel_loop3A_840], %parallel_loop3A_837 masked %eq3A_60 : memref<3136xf32, #tpu.memory_space<vmem>>[vector<16xi32>], vector<16xf32>, vector<16xi1>
    } {sc.loop_unroll_factor = 4 : i64, sc.parallel_access}
    %dma_wait3A_289 = arith.constant 1 : i32
    %dma_wait3A_290 = arith.constant 0 : i32
    %dma_wait3A_291 = tpu.memref_slice %arg8[%dma_wait3A_290] : memref<39936xf32, #tpu.memory_space<vmem>> -> memref<39936xf32, #tpu.memory_space<vmem>>
    %dma_wait3A_292 = tpu.memref_slice %arg4[%multiple_of3A_267] : memref<12800000xf32, #tpu.memory_space<hbm>> -> memref<39936xf32, #tpu.memory_space<hbm>>
    %dma_wait3A_293 = tpu.memref_slice %arg19[%dma_wait3A_289] : memref<3x!tpu.dma_semaphore, #tpu.memory_space<semaphore_mem>> -> memref<1x!tpu.dma_semaphore, #tpu.memory_space<semaphore_mem>>
    %dma_wait3A_294 = tpu.memref_squeeze %dma_wait3A_293 : memref<1x!tpu.dma_semaphore, #tpu.memory_space<semaphore_mem>> -> memref<!tpu.dma_semaphore, #tpu.memory_space<semaphore_mem>>
    %dma_wait3A_295 = tpu.memref_slice %arg4[%multiple_of3A_267] : memref<12800000xf32, #tpu.memory_space<hbm>> -> memref<39936xf32, #tpu.memory_space<hbm>>
    %dma_wait3A_296 = arith.constant 0 : i32
    %dma_wait3A_297 = tpu.memref_slice %arg8[%dma_wait3A_296] : memref<39936xf32, #tpu.memory_space<vmem>> -> memref<39936xf32, #tpu.memory_space<vmem>>
    tpu.wait_dma2 semaphore(%dma_wait3A_294 : memref<!tpu.dma_semaphore, #tpu.memory_space<semaphore_mem>>) src(%dma_wait3A_297 : memref<39936xf32, #tpu.memory_space<vmem>>) dst(%dma_wait3A_295 : memref<39936xf32, #tpu.memory_space<hbm>>)
    %add3A_298 = arith.constant 2184 : i32
    %add3A_299 = arith.addi %mul3A_2, %add3A_298 : i32
    %mul3A_300 = arith.constant 128 : i32
    %mul3A_301 = arith.muli %add3A_299, %mul3A_300 : i32
    %multiple_of3A_302 = tpu.assume_multiple %mul3A_301, 8 : i32
    %dma_start3A_303 = arith.constant 1 : i32
    %dma_start3A_304 = arith.constant 0 : i32
    %dma_start3A_305 = tpu.memref_slice %arg8[%dma_start3A_304] : memref<39936xf32, #tpu.memory_space<vmem>> -> memref<39936xf32, #tpu.memory_space<vmem>>
    %dma_start3A_306 = tpu.memref_slice %arg2[%multiple_of3A_302] : memref<12800000xf32, #tpu.memory_space<hbm>> -> memref<39936xf32, #tpu.memory_space<hbm>>
    %dma_start3A_307 = tpu.memref_slice %arg18[%dma_start3A_303] : memref<3x!tpu.dma_semaphore, #tpu.memory_space<semaphore_mem>> -> memref<1x!tpu.dma_semaphore, #tpu.memory_space<semaphore_mem>>
    %dma_start3A_308 = tpu.memref_squeeze %dma_start3A_307 : memref<1x!tpu.dma_semaphore, #tpu.memory_space<semaphore_mem>> -> memref<!tpu.dma_semaphore, #tpu.memory_space<semaphore_mem>>
    %dma_start3A_309 = arith.constant 0 : i32
    %dma_start3A_310 = tpu.memref_slice %arg8[%dma_start3A_309] : memref<39936xf32, #tpu.memory_space<vmem>> -> memref<39936xf32, #tpu.memory_space<vmem>>
    %dma_start3A_311 = tpu.memref_slice %arg2[%multiple_of3A_302] : memref<12800000xf32, #tpu.memory_space<hbm>> -> memref<39936xf32, #tpu.memory_space<hbm>>
    tpu.enqueue_dma source(%dma_start3A_311 : memref<39936xf32, #tpu.memory_space<hbm>>) target(%dma_start3A_310 : memref<39936xf32, #tpu.memory_space<vmem>>) target_semaphore(%dma_start3A_308 : memref<!tpu.dma_semaphore, #tpu.memory_space<semaphore_mem>>)
    %add3A_312 = arith.constant 1560 : i32
    %add3A_313 = arith.addi %mul3A_2, %add3A_312 : i32
    %mul3A_314 = arith.constant 128 : i32
    %mul3A_315 = arith.muli %add3A_313, %mul3A_314 : i32
    %multiple_of3A_316 = tpu.assume_multiple %mul3A_315, 8 : i32
    %dma_wait3A_317 = arith.constant 2 : i32
    %dma_wait3A_318 = arith.constant 0 : i32
    %dma_wait3A_319 = tpu.memref_slice %arg9[%dma_wait3A_318] : memref<39936xf32, #tpu.memory_space<vmem>> -> memref<39936xf32, #tpu.memory_space<vmem>>
    %dma_wait3A_320 = tpu.memref_slice %arg2[%multiple_of3A_316] : memref<12800000xf32, #tpu.memory_space<hbm>> -> memref<39936xf32, #tpu.memory_space<hbm>>
    %dma_wait3A_321 = tpu.memref_slice %arg18[%dma_wait3A_317] : memref<3x!tpu.dma_semaphore, #tpu.memory_space<semaphore_mem>> -> memref<1x!tpu.dma_semaphore, #tpu.memory_space<semaphore_mem>>
    %dma_wait3A_322 = tpu.memref_squeeze %dma_wait3A_321 : memref<1x!tpu.dma_semaphore, #tpu.memory_space<semaphore_mem>> -> memref<!tpu.dma_semaphore, #tpu.memory_space<semaphore_mem>>
    %dma_wait3A_323 = arith.constant 0 : i32
    %dma_wait3A_324 = tpu.memref_slice %arg9[%dma_wait3A_323] : memref<39936xf32, #tpu.memory_space<vmem>> -> memref<39936xf32, #tpu.memory_space<vmem>>
    %dma_wait3A_325 = tpu.memref_slice %arg2[%multiple_of3A_316] : memref<12800000xf32, #tpu.memory_space<hbm>> -> memref<39936xf32, #tpu.memory_space<hbm>>
    tpu.wait_dma2 semaphore(%dma_wait3A_322 : memref<!tpu.dma_semaphore, #tpu.memory_space<semaphore_mem>>) src(%dma_wait3A_325 : memref<39936xf32, #tpu.memory_space<hbm>>) dst(%dma_wait3A_324 : memref<39936xf32, #tpu.memory_space<vmem>>)
    %dma_start3A_326 = arith.constant 2 : i32
    %dma_start3A_327 = arith.constant 0 : i32
    %dma_start3A_328 = tpu.memref_slice %arg9[%dma_start3A_327] : memref<39936xf32, #tpu.memory_space<vmem>> -> memref<39936xf32, #tpu.memory_space<vmem>>
    %dma_start3A_329 = tpu.memref_slice %arg4[%multiple_of3A_316] : memref<12800000xf32, #tpu.memory_space<hbm>> -> memref<39936xf32, #tpu.memory_space<hbm>>
    %dma_start3A_330 = tpu.memref_slice %arg19[%dma_start3A_326] : memref<3x!tpu.dma_semaphore, #tpu.memory_space<semaphore_mem>> -> memref<1x!tpu.dma_semaphore, #tpu.memory_space<semaphore_mem>>
    %dma_start3A_331 = tpu.memref_squeeze %dma_start3A_330 : memref<1x!tpu.dma_semaphore, #tpu.memory_space<semaphore_mem>> -> memref<!tpu.dma_semaphore, #tpu.memory_space<semaphore_mem>>
    %dma_start3A_332 = tpu.memref_slice %arg4[%multiple_of3A_316] : memref<12800000xf32, #tpu.memory_space<hbm>> -> memref<39936xf32, #tpu.memory_space<hbm>>
    %dma_start3A_333 = arith.constant 0 : i32
    %dma_start3A_334 = tpu.memref_slice %arg9[%dma_start3A_333] : memref<39936xf32, #tpu.memory_space<vmem>> -> memref<39936xf32, #tpu.memory_space<vmem>>
    tpu.enqueue_dma source(%dma_start3A_334 : memref<39936xf32, #tpu.memory_space<vmem>>) target(%dma_start3A_332 : memref<39936xf32, #tpu.memory_space<hbm>>) target_semaphore(%dma_start3A_331 : memref<!tpu.dma_semaphore, #tpu.memory_space<semaphore_mem>>)
    %parallel_loop3A_335 = arith.constant 0 : i32
    %parallel_loop3A_336 = arith.constant 312 : i32
    %parallel_loop3A_337 = arith.constant 1 : i32
    scf.for %parallel_loop3A_784 = %parallel_loop3A_335 to %parallel_loop3A_336 step %parallel_loop3A_337  : i32 {
      %parallel_loop3A_785 = arith.constant 128 : i32
      %parallel_loop3A_786 = arith.muli %parallel_loop3A_784, %parallel_loop3A_785 : i32
      %parallel_loop3A_787 = arith.constant 0 : i32
      %parallel_loop3A_788 = arith.addi %parallel_loop3A_786, %parallel_loop3A_787 : i32
      %parallel_loop3A_789 = arith.index_cast %parallel_loop3A_788 : i32 to index
      %parallel_loop3A_790 = tpu.vector_load %arg9[%parallel_loop3A_789] {strides = array<i32>} : memref<39936xf32, #tpu.memory_space<vmem>>, vector<16xf32>,
      %parallel_loop3A_791 = arith.mulf %parallel_loop3A_790, %parallel_loop3A_790 : vector<16xf32>
      %parallel_loop3A_792 = arith.addf %broadcast_in_dim3A_58, %parallel_loop3A_791 : vector<16xf32>
      %parallel_loop3A_793 = arith.constant 16 : i32
      %parallel_loop3A_794 = arith.addi %parallel_loop3A_786, %parallel_loop3A_793 : i32
      %parallel_loop3A_795 = arith.index_cast %parallel_loop3A_794 : i32 to index
      %parallel_loop3A_796 = tpu.vector_load %arg9[%parallel_loop3A_795] {strides = array<i32>} : memref<39936xf32, #tpu.memory_space<vmem>>, vector<16xf32>,
      %parallel_loop3A_797 = arith.mulf %parallel_loop3A_796, %parallel_loop3A_796 : vector<16xf32>
      %parallel_loop3A_798 = arith.addf %parallel_loop3A_792, %parallel_loop3A_797 : vector<16xf32>
      %parallel_loop3A_799 = arith.constant 32 : i32
      %parallel_loop3A_800 = arith.addi %parallel_loop3A_786, %parallel_loop3A_799 : i32
      %parallel_loop3A_801 = arith.index_cast %parallel_loop3A_800 : i32 to index
      %parallel_loop3A_802 = tpu.vector_load %arg9[%parallel_loop3A_801] {strides = array<i32>} : memref<39936xf32, #tpu.memory_space<vmem>>, vector<16xf32>,
      %parallel_loop3A_803 = arith.mulf %parallel_loop3A_802, %parallel_loop3A_802 : vector<16xf32>
      %parallel_loop3A_804 = arith.addf %parallel_loop3A_798, %parallel_loop3A_803 : vector<16xf32>
      %parallel_loop3A_805 = arith.constant 48 : i32
      %parallel_loop3A_806 = arith.addi %parallel_loop3A_786, %parallel_loop3A_805 : i32
      %parallel_loop3A_807 = arith.index_cast %parallel_loop3A_806 : i32 to index
      %parallel_loop3A_808 = tpu.vector_load %arg9[%parallel_loop3A_807] {strides = array<i32>} : memref<39936xf32, #tpu.memory_space<vmem>>, vector<16xf32>,
      %parallel_loop3A_809 = arith.mulf %parallel_loop3A_808, %parallel_loop3A_808 : vector<16xf32>
      %parallel_loop3A_810 = arith.addf %parallel_loop3A_804, %parallel_loop3A_809 : vector<16xf32>
      %parallel_loop3A_811 = arith.constant 64 : i32
      %parallel_loop3A_812 = arith.addi %parallel_loop3A_786, %parallel_loop3A_811 : i32
      %parallel_loop3A_813 = arith.index_cast %parallel_loop3A_812 : i32 to index
      %parallel_loop3A_814 = tpu.vector_load %arg9[%parallel_loop3A_813] {strides = array<i32>} : memref<39936xf32, #tpu.memory_space<vmem>>, vector<16xf32>,
      %parallel_loop3A_815 = arith.mulf %parallel_loop3A_814, %parallel_loop3A_814 : vector<16xf32>
      %parallel_loop3A_816 = arith.addf %parallel_loop3A_810, %parallel_loop3A_815 : vector<16xf32>
      %parallel_loop3A_817 = arith.constant 80 : i32
      %parallel_loop3A_818 = arith.addi %parallel_loop3A_786, %parallel_loop3A_817 : i32
      %parallel_loop3A_819 = arith.index_cast %parallel_loop3A_818 : i32 to index
      %parallel_loop3A_820 = tpu.vector_load %arg9[%parallel_loop3A_819] {strides = array<i32>} : memref<39936xf32, #tpu.memory_space<vmem>>, vector<16xf32>,
      %parallel_loop3A_821 = arith.mulf %parallel_loop3A_820, %parallel_loop3A_820 : vector<16xf32>
      %parallel_loop3A_822 = arith.addf %parallel_loop3A_816, %parallel_loop3A_821 : vector<16xf32>
      %parallel_loop3A_823 = arith.constant 96 : i32
      %parallel_loop3A_824 = arith.addi %parallel_loop3A_786, %parallel_loop3A_823 : i32
      %parallel_loop3A_825 = arith.index_cast %parallel_loop3A_824 : i32 to index
      %parallel_loop3A_826 = tpu.vector_load %arg9[%parallel_loop3A_825] {strides = array<i32>} : memref<39936xf32, #tpu.memory_space<vmem>>, vector<16xf32>,
      %parallel_loop3A_827 = arith.mulf %parallel_loop3A_826, %parallel_loop3A_826 : vector<16xf32>
      %parallel_loop3A_828 = arith.addf %parallel_loop3A_822, %parallel_loop3A_827 : vector<16xf32>
      %parallel_loop3A_829 = arith.constant 112 : i32
      %parallel_loop3A_830 = arith.addi %parallel_loop3A_786, %parallel_loop3A_829 : i32
      %parallel_loop3A_831 = arith.index_cast %parallel_loop3A_830 : i32 to index
      %parallel_loop3A_832 = tpu.vector_load %arg9[%parallel_loop3A_831] {strides = array<i32>} : memref<39936xf32, #tpu.memory_space<vmem>>, vector<16xf32>,
      %parallel_loop3A_833 = arith.mulf %parallel_loop3A_832, %parallel_loop3A_832 : vector<16xf32>
      %parallel_loop3A_834 = arith.addf %parallel_loop3A_828, %parallel_loop3A_833 : vector<16xf32>
      %parallel_loop3A_835 = arith.constant true
      %parallel_loop3A_836 = vector.broadcast %parallel_loop3A_835 : i1 to vector<16xi1>
      %parallel_loop3A_837 = tpu.scan <sum>, %parallel_loop3A_834 masked %parallel_loop3A_836 : vector<16xf32>, vector<16xi1> -> vector<16xf32>
      %parallel_loop3A_838 = arith.constant 1560 : i32
      %parallel_loop3A_839 = arith.addi %parallel_loop3A_838, %parallel_loop3A_784 : i32
      %parallel_loop3A_840 = vector.broadcast %parallel_loop3A_839 : i32 to vector<16xi32>
      tpu.vector_store_idx %arg11[%parallel_loop3A_840], %parallel_loop3A_837 masked %eq3A_60 : memref<3136xf32, #tpu.memory_space<vmem>>[vector<16xi32>], vector<16xf32>, vector<16xi1>
    } {sc.loop_unroll_factor = 4 : i64, sc.parallel_access}
    %dma_wait3A_338 = arith.constant 2 : i32
    %dma_wait3A_339 = arith.constant 0 : i32
    %dma_wait3A_340 = tpu.memref_slice %arg9[%dma_wait3A_339] : memref<39936xf32, #tpu.memory_space<vmem>> -> memref<39936xf32, #tpu.memory_space<vmem>>
    %dma_wait3A_341 = tpu.memref_slice %arg4[%multiple_of3A_316] : memref<12800000xf32, #tpu.memory_space<hbm>> -> memref<39936xf32, #tpu.memory_space<hbm>>
    %dma_wait3A_342 = tpu.memref_slice %arg19[%dma_wait3A_338] : memref<3x!tpu.dma_semaphore, #tpu.memory_space<semaphore_mem>> -> memref<1x!tpu.dma_semaphore, #tpu.memory_space<semaphore_mem>>
    %dma_wait3A_343 = tpu.memref_squeeze %dma_wait3A_342 : memref<1x!tpu.dma_semaphore, #tpu.memory_space<semaphore_mem>> -> memref<!tpu.dma_semaphore, #tpu.memory_space<semaphore_mem>>
    %dma_wait3A_344 = tpu.memref_slice %arg4[%multiple_of3A_316] : memref<12800000xf32, #tpu.memory_space<hbm>> -> memref<39936xf32, #tpu.memory_space<hbm>>
    %dma_wait3A_345 = arith.constant 0 : i32
    %dma_wait3A_346 = tpu.memref_slice %arg9[%dma_wait3A_345] : memref<39936xf32, #tpu.memory_space<vmem>> -> memref<39936xf32, #tpu.memory_space<vmem>>
    tpu.wait_dma2 semaphore(%dma_wait3A_343 : memref<!tpu.dma_semaphore, #tpu.memory_space<semaphore_mem>>) src(%dma_wait3A_346 : memref<39936xf32, #tpu.memory_space<vmem>>) dst(%dma_wait3A_344 : memref<39936xf32, #tpu.memory_space<hbm>>)
    %add3A_347 = arith.constant 2496 : i32
    %add3A_348 = arith.addi %mul3A_2, %add3A_347 : i32
    %mul3A_349 = arith.constant 128 : i32
    %mul3A_350 = arith.muli %add3A_348, %mul3A_349 : i32
    %multiple_of3A_351 = tpu.assume_multiple %mul3A_350, 8 : i32
    %dma_start3A_352 = arith.constant 2 : i32
    %dma_start3A_353 = arith.constant 0 : i32
    %dma_start3A_354 = tpu.memref_slice %arg9[%dma_start3A_353] : memref<39936xf32, #tpu.memory_space<vmem>> -> memref<39936xf32, #tpu.memory_space<vmem>>
    %dma_start3A_355 = tpu.memref_slice %arg2[%multiple_of3A_351] : memref<12800000xf32, #tpu.memory_space<hbm>> -> memref<39936xf32, #tpu.memory_space<hbm>>
    %dma_start3A_356 = tpu.memref_slice %arg18[%dma_start3A_352] : memref<3x!tpu.dma_semaphore, #tpu.memory_space<semaphore_mem>> -> memref<1x!tpu.dma_semaphore, #tpu.memory_space<semaphore_mem>>
    %dma_start3A_357 = tpu.memref_squeeze %dma_start3A_356 : memref<1x!tpu.dma_semaphore, #tpu.memory_space<semaphore_mem>> -> memref<!tpu.dma_semaphore, #tpu.memory_space<semaphore_mem>>
    %dma_start3A_358 = arith.constant 0 : i32
    %dma_start3A_359 = tpu.memref_slice %arg9[%dma_start3A_358] : memref<39936xf32, #tpu.memory_space<vmem>> -> memref<39936xf32, #tpu.memory_space<vmem>>
    %dma_start3A_360 = tpu.memref_slice %arg2[%multiple_of3A_351] : memref<12800000xf32, #tpu.memory_space<hbm>> -> memref<39936xf32, #tpu.memory_space<hbm>>
    tpu.enqueue_dma source(%dma_start3A_360 : memref<39936xf32, #tpu.memory_space<hbm>>) target(%dma_start3A_359 : memref<39936xf32, #tpu.memory_space<vmem>>) target_semaphore(%dma_start3A_357 : memref<!tpu.dma_semaphore, #tpu.memory_space<semaphore_mem>>)
    %add3A_361 = arith.constant 1872 : i32
    %add3A_362 = arith.addi %mul3A_2, %add3A_361 : i32
    %mul3A_363 = arith.constant 128 : i32
    %mul3A_364 = arith.muli %add3A_362, %mul3A_363 : i32
    %multiple_of3A_365 = tpu.assume_multiple %mul3A_364, 8 : i32
    %dma_wait3A_366 = arith.constant 0 : i32
    %dma_wait3A_367 = arith.constant 0 : i32
    %dma_wait3A_368 = tpu.memref_slice %arg7[%dma_wait3A_367] : memref<39936xf32, #tpu.memory_space<vmem>> -> memref<39936xf32, #tpu.memory_space<vmem>>
    %dma_wait3A_369 = tpu.memref_slice %arg2[%multiple_of3A_365] : memref<12800000xf32, #tpu.memory_space<hbm>> -> memref<39936xf32, #tpu.memory_space<hbm>>
    %dma_wait3A_370 = tpu.memref_slice %arg18[%dma_wait3A_366] : memref<3x!tpu.dma_semaphore, #tpu.memory_space<semaphore_mem>> -> memref<1x!tpu.dma_semaphore, #tpu.memory_space<semaphore_mem>>
    %dma_wait3A_371 = tpu.memref_squeeze %dma_wait3A_370 : memref<1x!tpu.dma_semaphore, #tpu.memory_space<semaphore_mem>> -> memref<!tpu.dma_semaphore, #tpu.memory_space<semaphore_mem>>
    %dma_wait3A_372 = arith.constant 0 : i32
    %dma_wait3A_373 = tpu.memref_slice %arg7[%dma_wait3A_372] : memref<39936xf32, #tpu.memory_space<vmem>> -> memref<39936xf32, #tpu.memory_space<vmem>>
    %dma_wait3A_374 = tpu.memref_slice %arg2[%multiple_of3A_365] : memref<12800000xf32, #tpu.memory_space<hbm>> -> memref<39936xf32, #tpu.memory_space<hbm>>
    tpu.wait_dma2 semaphore(%dma_wait3A_371 : memref<!tpu.dma_semaphore, #tpu.memory_space<semaphore_mem>>) src(%dma_wait3A_374 : memref<39936xf32, #tpu.memory_space<hbm>>) dst(%dma_wait3A_373 : memref<39936xf32, #tpu.memory_space<vmem>>)
    %dma_start3A_375 = arith.constant 0 : i32
    %dma_start3A_376 = arith.constant 0 : i32
    %dma_start3A_377 = tpu.memref_slice %arg7[%dma_start3A_376] : memref<39936xf32, #tpu.memory_space<vmem>> -> memref<39936xf32, #tpu.memory_space<vmem>>
    %dma_start3A_378 = tpu.memref_slice %arg4[%multiple_of3A_365] : memref<12800000xf32, #tpu.memory_space<hbm>> -> memref<39936xf32, #tpu.memory_space<hbm>>
    %dma_start3A_379 = tpu.memref_slice %arg19[%dma_start3A_375] : memref<3x!tpu.dma_semaphore, #tpu.memory_space<semaphore_mem>> -> memref<1x!tpu.dma_semaphore, #tpu.memory_space<semaphore_mem>>
    %dma_start3A_380 = tpu.memref_squeeze %dma_start3A_379 : memref<1x!tpu.dma_semaphore, #tpu.memory_space<semaphore_mem>> -> memref<!tpu.dma_semaphore, #tpu.memory_space<semaphore_mem>>
    %dma_start3A_381 = tpu.memref_slice %arg4[%multiple_of3A_365] : memref<12800000xf32, #tpu.memory_space<hbm>> -> memref<39936xf32, #tpu.memory_space<hbm>>
    %dma_start3A_382 = arith.constant 0 : i32
    %dma_start3A_383 = tpu.memref_slice %arg7[%dma_start3A_382] : memref<39936xf32, #tpu.memory_space<vmem>> -> memref<39936xf32, #tpu.memory_space<vmem>>
    tpu.enqueue_dma source(%dma_start3A_383 : memref<39936xf32, #tpu.memory_space<vmem>>) target(%dma_start3A_381 : memref<39936xf32, #tpu.memory_space<hbm>>) target_semaphore(%dma_start3A_380 : memref<!tpu.dma_semaphore, #tpu.memory_space<semaphore_mem>>)
    %parallel_loop3A_384 = arith.constant 0 : i32
    %parallel_loop3A_385 = arith.constant 312 : i32
    %parallel_loop3A_386 = arith.constant 1 : i32
    scf.for %parallel_loop3A_784 = %parallel_loop3A_384 to %parallel_loop3A_385 step %parallel_loop3A_386  : i32 {
      %parallel_loop3A_785 = arith.constant 128 : i32
      %parallel_loop3A_786 = arith.muli %parallel_loop3A_784, %parallel_loop3A_785 : i32
      %parallel_loop3A_787 = arith.constant 0 : i32
      %parallel_loop3A_788 = arith.addi %parallel_loop3A_786, %parallel_loop3A_787 : i32
      %parallel_loop3A_789 = arith.index_cast %parallel_loop3A_788 : i32 to index
      %parallel_loop3A_790 = tpu.vector_load %arg7[%parallel_loop3A_789] {strides = array<i32>} : memref<39936xf32, #tpu.memory_space<vmem>>, vector<16xf32>,
      %parallel_loop3A_791 = arith.mulf %parallel_loop3A_790, %parallel_loop3A_790 : vector<16xf32>
      %parallel_loop3A_792 = arith.addf %broadcast_in_dim3A_58, %parallel_loop3A_791 : vector<16xf32>
      %parallel_loop3A_793 = arith.constant 16 : i32
      %parallel_loop3A_794 = arith.addi %parallel_loop3A_786, %parallel_loop3A_793 : i32
      %parallel_loop3A_795 = arith.index_cast %parallel_loop3A_794 : i32 to index
      %parallel_loop3A_796 = tpu.vector_load %arg7[%parallel_loop3A_795] {strides = array<i32>} : memref<39936xf32, #tpu.memory_space<vmem>>, vector<16xf32>,
      %parallel_loop3A_797 = arith.mulf %parallel_loop3A_796, %parallel_loop3A_796 : vector<16xf32>
      %parallel_loop3A_798 = arith.addf %parallel_loop3A_792, %parallel_loop3A_797 : vector<16xf32>
      %parallel_loop3A_799 = arith.constant 32 : i32
      %parallel_loop3A_800 = arith.addi %parallel_loop3A_786, %parallel_loop3A_799 : i32
      %parallel_loop3A_801 = arith.index_cast %parallel_loop3A_800 : i32 to index
      %parallel_loop3A_802 = tpu.vector_load %arg7[%parallel_loop3A_801] {strides = array<i32>} : memref<39936xf32, #tpu.memory_space<vmem>>, vector<16xf32>,
      %parallel_loop3A_803 = arith.mulf %parallel_loop3A_802, %parallel_loop3A_802 : vector<16xf32>
      %parallel_loop3A_804 = arith.addf %parallel_loop3A_798, %parallel_loop3A_803 : vector<16xf32>
      %parallel_loop3A_805 = arith.constant 48 : i32
      %parallel_loop3A_806 = arith.addi %parallel_loop3A_786, %parallel_loop3A_805 : i32
      %parallel_loop3A_807 = arith.index_cast %parallel_loop3A_806 : i32 to index
      %parallel_loop3A_808 = tpu.vector_load %arg7[%parallel_loop3A_807] {strides = array<i32>} : memref<39936xf32, #tpu.memory_space<vmem>>, vector<16xf32>,
      %parallel_loop3A_809 = arith.mulf %parallel_loop3A_808, %parallel_loop3A_808 : vector<16xf32>
      %parallel_loop3A_810 = arith.addf %parallel_loop3A_804, %parallel_loop3A_809 : vector<16xf32>
      %parallel_loop3A_811 = arith.constant 64 : i32
      %parallel_loop3A_812 = arith.addi %parallel_loop3A_786, %parallel_loop3A_811 : i32
      %parallel_loop3A_813 = arith.index_cast %parallel_loop3A_812 : i32 to index
      %parallel_loop3A_814 = tpu.vector_load %arg7[%parallel_loop3A_813] {strides = array<i32>} : memref<39936xf32, #tpu.memory_space<vmem>>, vector<16xf32>,
      %parallel_loop3A_815 = arith.mulf %parallel_loop3A_814, %parallel_loop3A_814 : vector<16xf32>
      %parallel_loop3A_816 = arith.addf %parallel_loop3A_810, %parallel_loop3A_815 : vector<16xf32>
      %parallel_loop3A_817 = arith.constant 80 : i32
      %parallel_loop3A_818 = arith.addi %parallel_loop3A_786, %parallel_loop3A_817 : i32
      %parallel_loop3A_819 = arith.index_cast %parallel_loop3A_818 : i32 to index
      %parallel_loop3A_820 = tpu.vector_load %arg7[%parallel_loop3A_819] {strides = array<i32>} : memref<39936xf32, #tpu.memory_space<vmem>>, vector<16xf32>,
      %parallel_loop3A_821 = arith.mulf %parallel_loop3A_820, %parallel_loop3A_820 : vector<16xf32>
      %parallel_loop3A_822 = arith.addf %parallel_loop3A_816, %parallel_loop3A_821 : vector<16xf32>
      %parallel_loop3A_823 = arith.constant 96 : i32
      %parallel_loop3A_824 = arith.addi %parallel_loop3A_786, %parallel_loop3A_823 : i32
      %parallel_loop3A_825 = arith.index_cast %parallel_loop3A_824 : i32 to index
      %parallel_loop3A_826 = tpu.vector_load %arg7[%parallel_loop3A_825] {strides = array<i32>} : memref<39936xf32, #tpu.memory_space<vmem>>, vector<16xf32>,
      %parallel_loop3A_827 = arith.mulf %parallel_loop3A_826, %parallel_loop3A_826 : vector<16xf32>
      %parallel_loop3A_828 = arith.addf %parallel_loop3A_822, %parallel_loop3A_827 : vector<16xf32>
      %parallel_loop3A_829 = arith.constant 112 : i32
      %parallel_loop3A_830 = arith.addi %parallel_loop3A_786, %parallel_loop3A_829 : i32
      %parallel_loop3A_831 = arith.index_cast %parallel_loop3A_830 : i32 to index
      %parallel_loop3A_832 = tpu.vector_load %arg7[%parallel_loop3A_831] {strides = array<i32>} : memref<39936xf32, #tpu.memory_space<vmem>>, vector<16xf32>,
      %parallel_loop3A_833 = arith.mulf %parallel_loop3A_832, %parallel_loop3A_832 : vector<16xf32>
      %parallel_loop3A_834 = arith.addf %parallel_loop3A_828, %parallel_loop3A_833 : vector<16xf32>
      %parallel_loop3A_835 = arith.constant true
      %parallel_loop3A_836 = vector.broadcast %parallel_loop3A_835 : i1 to vector<16xi1>
      %parallel_loop3A_837 = tpu.scan <sum>, %parallel_loop3A_834 masked %parallel_loop3A_836 : vector<16xf32>, vector<16xi1> -> vector<16xf32>
      %parallel_loop3A_838 = arith.constant 1872 : i32
      %parallel_loop3A_839 = arith.addi %parallel_loop3A_838, %parallel_loop3A_784 : i32
      %parallel_loop3A_840 = vector.broadcast %parallel_loop3A_839 : i32 to vector<16xi32>
      tpu.vector_store_idx %arg11[%parallel_loop3A_840], %parallel_loop3A_837 masked %eq3A_60 : memref<3136xf32, #tpu.memory_space<vmem>>[vector<16xi32>], vector<16xf32>, vector<16xi1>
    } {sc.loop_unroll_factor = 4 : i64, sc.parallel_access}
    %dma_wait3A_387 = arith.constant 0 : i32
    %dma_wait3A_388 = arith.constant 0 : i32
    %dma_wait3A_389 = tpu.memref_slice %arg7[%dma_wait3A_388] : memref<39936xf32, #tpu.memory_space<vmem>> -> memref<39936xf32, #tpu.memory_space<vmem>>
    %dma_wait3A_390 = tpu.memref_slice %arg4[%multiple_of3A_365] : memref<12800000xf32, #tpu.memory_space<hbm>> -> memref<39936xf32, #tpu.memory_space<hbm>>
    %dma_wait3A_391 = tpu.memref_slice %arg19[%dma_wait3A_387] : memref<3x!tpu.dma_semaphore, #tpu.memory_space<semaphore_mem>> -> memref<1x!tpu.dma_semaphore, #tpu.memory_space<semaphore_mem>>
    %dma_wait3A_392 = tpu.memref_squeeze %dma_wait3A_391 : memref<1x!tpu.dma_semaphore, #tpu.memory_space<semaphore_mem>> -> memref<!tpu.dma_semaphore, #tpu.memory_space<semaphore_mem>>
    %dma_wait3A_393 = tpu.memref_slice %arg4[%multiple_of3A_365] : memref<12800000xf32, #tpu.memory_space<hbm>> -> memref<39936xf32, #tpu.memory_space<hbm>>
    %dma_wait3A_394 = arith.constant 0 : i32
    %dma_wait3A_395 = tpu.memref_slice %arg7[%dma_wait3A_394] : memref<39936xf32, #tpu.memory_space<vmem>> -> memref<39936xf32, #tpu.memory_space<vmem>>
    tpu.wait_dma2 semaphore(%dma_wait3A_392 : memref<!tpu.dma_semaphore, #tpu.memory_space<semaphore_mem>>) src(%dma_wait3A_395 : memref<39936xf32, #tpu.memory_space<vmem>>) dst(%dma_wait3A_393 : memref<39936xf32, #tpu.memory_space<hbm>>)
    %add3A_396 = arith.constant 2808 : i32
    %add3A_397 = arith.addi %mul3A_2, %add3A_396 : i32
    %mul3A_398 = arith.constant 128 : i32
    %mul3A_399 = arith.muli %add3A_397, %mul3A_398 : i32
    %multiple_of3A_400 = tpu.assume_multiple %mul3A_399, 8 : i32
    %dma_start3A_401 = arith.constant 0 : i32
    %dma_start3A_402 = arith.constant 0 : i32
    %dma_start3A_403 = tpu.memref_slice %arg7[%dma_start3A_402] : memref<39936xf32, #tpu.memory_space<vmem>> -> memref<39936xf32, #tpu.memory_space<vmem>>
    %dma_start3A_404 = tpu.memref_slice %arg2[%multiple_of3A_400] : memref<12800000xf32, #tpu.memory_space<hbm>> -> memref<39936xf32, #tpu.memory_space<hbm>>
    %dma_start3A_405 = tpu.memref_slice %arg18[%dma_start3A_401] : memref<3x!tpu.dma_semaphore, #tpu.memory_space<semaphore_mem>> -> memref<1x!tpu.dma_semaphore, #tpu.memory_space<semaphore_mem>>
    %dma_start3A_406 = tpu.memref_squeeze %dma_start3A_405 : memref<1x!tpu.dma_semaphore, #tpu.memory_space<semaphore_mem>> -> memref<!tpu.dma_semaphore, #tpu.memory_space<semaphore_mem>>
    %dma_start3A_407 = arith.constant 0 : i32
    %dma_start3A_408 = tpu.memref_slice %arg7[%dma_start3A_407] : memref<39936xf32, #tpu.memory_space<vmem>> -> memref<39936xf32, #tpu.memory_space<vmem>>
    %dma_start3A_409 = tpu.memref_slice %arg2[%multiple_of3A_400] : memref<12800000xf32, #tpu.memory_space<hbm>> -> memref<39936xf32, #tpu.memory_space<hbm>>
    tpu.enqueue_dma source(%dma_start3A_409 : memref<39936xf32, #tpu.memory_space<hbm>>) target(%dma_start3A_408 : memref<39936xf32, #tpu.memory_space<vmem>>) target_semaphore(%dma_start3A_406 : memref<!tpu.dma_semaphore, #tpu.memory_space<semaphore_mem>>)
    %add3A_410 = arith.constant 2184 : i32
    %add3A_411 = arith.addi %mul3A_2, %add3A_410 : i32
    %mul3A_412 = arith.constant 128 : i32
    %mul3A_413 = arith.muli %add3A_411, %mul3A_412 : i32
    %multiple_of3A_414 = tpu.assume_multiple %mul3A_413, 8 : i32
    %dma_wait3A_415 = arith.constant 1 : i32
    %dma_wait3A_416 = arith.constant 0 : i32
    %dma_wait3A_417 = tpu.memref_slice %arg8[%dma_wait3A_416] : memref<39936xf32, #tpu.memory_space<vmem>> -> memref<39936xf32, #tpu.memory_space<vmem>>
    %dma_wait3A_418 = tpu.memref_slice %arg2[%multiple_of3A_414] : memref<12800000xf32, #tpu.memory_space<hbm>> -> memref<39936xf32, #tpu.memory_space<hbm>>
    %dma_wait3A_419 = tpu.memref_slice %arg18[%dma_wait3A_415] : memref<3x!tpu.dma_semaphore, #tpu.memory_space<semaphore_mem>> -> memref<1x!tpu.dma_semaphore, #tpu.memory_space<semaphore_mem>>
    %dma_wait3A_420 = tpu.memref_squeeze %dma_wait3A_419 : memref<1x!tpu.dma_semaphore, #tpu.memory_space<semaphore_mem>> -> memref<!tpu.dma_semaphore, #tpu.memory_space<semaphore_mem>>
    %dma_wait3A_421 = arith.constant 0 : i32
    %dma_wait3A_422 = tpu.memref_slice %arg8[%dma_wait3A_421] : memref<39936xf32, #tpu.memory_space<vmem>> -> memref<39936xf32, #tpu.memory_space<vmem>>
    %dma_wait3A_423 = tpu.memref_slice %arg2[%multiple_of3A_414] : memref<12800000xf32, #tpu.memory_space<hbm>> -> memref<39936xf32, #tpu.memory_space<hbm>>
    tpu.wait_dma2 semaphore(%dma_wait3A_420 : memref<!tpu.dma_semaphore, #tpu.memory_space<semaphore_mem>>) src(%dma_wait3A_423 : memref<39936xf32, #tpu.memory_space<hbm>>) dst(%dma_wait3A_422 : memref<39936xf32, #tpu.memory_space<vmem>>)
    %dma_start3A_424 = arith.constant 1 : i32
    %dma_start3A_425 = arith.constant 0 : i32
    %dma_start3A_426 = tpu.memref_slice %arg8[%dma_start3A_425] : memref<39936xf32, #tpu.memory_space<vmem>> -> memref<39936xf32, #tpu.memory_space<vmem>>
    %dma_start3A_427 = tpu.memref_slice %arg4[%multiple_of3A_414] : memref<12800000xf32, #tpu.memory_space<hbm>> -> memref<39936xf32, #tpu.memory_space<hbm>>
    %dma_start3A_428 = tpu.memref_slice %arg19[%dma_start3A_424] : memref<3x!tpu.dma_semaphore, #tpu.memory_space<semaphore_mem>> -> memref<1x!tpu.dma_semaphore, #tpu.memory_space<semaphore_mem>>
    %dma_start3A_429 = tpu.memref_squeeze %dma_start3A_428 : memref<1x!tpu.dma_semaphore, #tpu.memory_space<semaphore_mem>> -> memref<!tpu.dma_semaphore, #tpu.memory_space<semaphore_mem>>
    %dma_start3A_430 = tpu.memref_slice %arg4[%multiple_of3A_414] : memref<12800000xf32, #tpu.memory_space<hbm>> -> memref<39936xf32, #tpu.memory_space<hbm>>
    %dma_start3A_431 = arith.constant 0 : i32
    %dma_start3A_432 = tpu.memref_slice %arg8[%dma_start3A_431] : memref<39936xf32, #tpu.memory_space<vmem>> -> memref<39936xf32, #tpu.memory_space<vmem>>
    tpu.enqueue_dma source(%dma_start3A_432 : memref<39936xf32, #tpu.memory_space<vmem>>) target(%dma_start3A_430 : memref<39936xf32, #tpu.memory_space<hbm>>) target_semaphore(%dma_start3A_429 : memref<!tpu.dma_semaphore, #tpu.memory_space<semaphore_mem>>)
    %parallel_loop3A_433 = arith.constant 0 : i32
    %parallel_loop3A_434 = arith.constant 312 : i32
    %parallel_loop3A_435 = arith.constant 1 : i32
    scf.for %parallel_loop3A_784 = %parallel_loop3A_433 to %parallel_loop3A_434 step %parallel_loop3A_435  : i32 {
      %parallel_loop3A_785 = arith.constant 128 : i32
      %parallel_loop3A_786 = arith.muli %parallel_loop3A_784, %parallel_loop3A_785 : i32
      %parallel_loop3A_787 = arith.constant 0 : i32
      %parallel_loop3A_788 = arith.addi %parallel_loop3A_786, %parallel_loop3A_787 : i32
      %parallel_loop3A_789 = arith.index_cast %parallel_loop3A_788 : i32 to index
      %parallel_loop3A_790 = tpu.vector_load %arg8[%parallel_loop3A_789] {strides = array<i32>} : memref<39936xf32, #tpu.memory_space<vmem>>, vector<16xf32>,
      %parallel_loop3A_791 = arith.mulf %parallel_loop3A_790, %parallel_loop3A_790 : vector<16xf32>
      %parallel_loop3A_792 = arith.addf %broadcast_in_dim3A_58, %parallel_loop3A_791 : vector<16xf32>
      %parallel_loop3A_793 = arith.constant 16 : i32
      %parallel_loop3A_794 = arith.addi %parallel_loop3A_786, %parallel_loop3A_793 : i32
      %parallel_loop3A_795 = arith.index_cast %parallel_loop3A_794 : i32 to index
      %parallel_loop3A_796 = tpu.vector_load %arg8[%parallel_loop3A_795] {strides = array<i32>} : memref<39936xf32, #tpu.memory_space<vmem>>, vector<16xf32>,
      %parallel_loop3A_797 = arith.mulf %parallel_loop3A_796, %parallel_loop3A_796 : vector<16xf32>
      %parallel_loop3A_798 = arith.addf %parallel_loop3A_792, %parallel_loop3A_797 : vector<16xf32>
      %parallel_loop3A_799 = arith.constant 32 : i32
      %parallel_loop3A_800 = arith.addi %parallel_loop3A_786, %parallel_loop3A_799 : i32
      %parallel_loop3A_801 = arith.index_cast %parallel_loop3A_800 : i32 to index
      %parallel_loop3A_802 = tpu.vector_load %arg8[%parallel_loop3A_801] {strides = array<i32>} : memref<39936xf32, #tpu.memory_space<vmem>>, vector<16xf32>,
      %parallel_loop3A_803 = arith.mulf %parallel_loop3A_802, %parallel_loop3A_802 : vector<16xf32>
      %parallel_loop3A_804 = arith.addf %parallel_loop3A_798, %parallel_loop3A_803 : vector<16xf32>
      %parallel_loop3A_805 = arith.constant 48 : i32
      %parallel_loop3A_806 = arith.addi %parallel_loop3A_786, %parallel_loop3A_805 : i32
      %parallel_loop3A_807 = arith.index_cast %parallel_loop3A_806 : i32 to index
      %parallel_loop3A_808 = tpu.vector_load %arg8[%parallel_loop3A_807] {strides = array<i32>} : memref<39936xf32, #tpu.memory_space<vmem>>, vector<16xf32>,
      %parallel_loop3A_809 = arith.mulf %parallel_loop3A_808, %parallel_loop3A_808 : vector<16xf32>
      %parallel_loop3A_810 = arith.addf %parallel_loop3A_804, %parallel_loop3A_809 : vector<16xf32>
      %parallel_loop3A_811 = arith.constant 64 : i32
      %parallel_loop3A_812 = arith.addi %parallel_loop3A_786, %parallel_loop3A_811 : i32
      %parallel_loop3A_813 = arith.index_cast %parallel_loop3A_812 : i32 to index
      %parallel_loop3A_814 = tpu.vector_load %arg8[%parallel_loop3A_813] {strides = array<i32>} : memref<39936xf32, #tpu.memory_space<vmem>>, vector<16xf32>,
      %parallel_loop3A_815 = arith.mulf %parallel_loop3A_814, %parallel_loop3A_814 : vector<16xf32>
      %parallel_loop3A_816 = arith.addf %parallel_loop3A_810, %parallel_loop3A_815 : vector<16xf32>
      %parallel_loop3A_817 = arith.constant 80 : i32
      %parallel_loop3A_818 = arith.addi %parallel_loop3A_786, %parallel_loop3A_817 : i32
      %parallel_loop3A_819 = arith.index_cast %parallel_loop3A_818 : i32 to index
      %parallel_loop3A_820 = tpu.vector_load %arg8[%parallel_loop3A_819] {strides = array<i32>} : memref<39936xf32, #tpu.memory_space<vmem>>, vector<16xf32>,
      %parallel_loop3A_821 = arith.mulf %parallel_loop3A_820, %parallel_loop3A_820 : vector<16xf32>
      %parallel_loop3A_822 = arith.addf %parallel_loop3A_816, %parallel_loop3A_821 : vector<16xf32>
      %parallel_loop3A_823 = arith.constant 96 : i32
      %parallel_loop3A_824 = arith.addi %parallel_loop3A_786, %parallel_loop3A_823 : i32
      %parallel_loop3A_825 = arith.index_cast %parallel_loop3A_824 : i32 to index
      %parallel_loop3A_826 = tpu.vector_load %arg8[%parallel_loop3A_825] {strides = array<i32>} : memref<39936xf32, #tpu.memory_space<vmem>>, vector<16xf32>,
      %parallel_loop3A_827 = arith.mulf %parallel_loop3A_826, %parallel_loop3A_826 : vector<16xf32>
      %parallel_loop3A_828 = arith.addf %parallel_loop3A_822, %parallel_loop3A_827 : vector<16xf32>
      %parallel_loop3A_829 = arith.constant 112 : i32
      %parallel_loop3A_830 = arith.addi %parallel_loop3A_786, %parallel_loop3A_829 : i32
      %parallel_loop3A_831 = arith.index_cast %parallel_loop3A_830 : i32 to index
      %parallel_loop3A_832 = tpu.vector_load %arg8[%parallel_loop3A_831] {strides = array<i32>} : memref<39936xf32, #tpu.memory_space<vmem>>, vector<16xf32>,
      %parallel_loop3A_833 = arith.mulf %parallel_loop3A_832, %parallel_loop3A_832 : vector<16xf32>
      %parallel_loop3A_834 = arith.addf %parallel_loop3A_828, %parallel_loop3A_833 : vector<16xf32>
      %parallel_loop3A_835 = arith.constant true
      %parallel_loop3A_836 = vector.broadcast %parallel_loop3A_835 : i1 to vector<16xi1>
      %parallel_loop3A_837 = tpu.scan <sum>, %parallel_loop3A_834 masked %parallel_loop3A_836 : vector<16xf32>, vector<16xi1> -> vector<16xf32>
      %parallel_loop3A_838 = arith.constant 2184 : i32
      %parallel_loop3A_839 = arith.addi %parallel_loop3A_838, %parallel_loop3A_784 : i32
      %parallel_loop3A_840 = vector.broadcast %parallel_loop3A_839 : i32 to vector<16xi32>
      tpu.vector_store_idx %arg11[%parallel_loop3A_840], %parallel_loop3A_837 masked %eq3A_60 : memref<3136xf32, #tpu.memory_space<vmem>>[vector<16xi32>], vector<16xf32>, vector<16xi1>
    } {sc.loop_unroll_factor = 4 : i64, sc.parallel_access}
    %dma_wait3A_436 = arith.constant 1 : i32
    %dma_wait3A_437 = arith.constant 0 : i32
    %dma_wait3A_438 = tpu.memref_slice %arg8[%dma_wait3A_437] : memref<39936xf32, #tpu.memory_space<vmem>> -> memref<39936xf32, #tpu.memory_space<vmem>>
    %dma_wait3A_439 = tpu.memref_slice %arg4[%multiple_of3A_414] : memref<12800000xf32, #tpu.memory_space<hbm>> -> memref<39936xf32, #tpu.memory_space<hbm>>
    %dma_wait3A_440 = tpu.memref_slice %arg19[%dma_wait3A_436] : memref<3x!tpu.dma_semaphore, #tpu.memory_space<semaphore_mem>> -> memref<1x!tpu.dma_semaphore, #tpu.memory_space<semaphore_mem>>
    %dma_wait3A_441 = tpu.memref_squeeze %dma_wait3A_440 : memref<1x!tpu.dma_semaphore, #tpu.memory_space<semaphore_mem>> -> memref<!tpu.dma_semaphore, #tpu.memory_space<semaphore_mem>>
    %dma_wait3A_442 = tpu.memref_slice %arg4[%multiple_of3A_414] : memref<12800000xf32, #tpu.memory_space<hbm>> -> memref<39936xf32, #tpu.memory_space<hbm>>
    %dma_wait3A_443 = arith.constant 0 : i32
    %dma_wait3A_444 = tpu.memref_slice %arg8[%dma_wait3A_443] : memref<39936xf32, #tpu.memory_space<vmem>> -> memref<39936xf32, #tpu.memory_space<vmem>>
    tpu.wait_dma2 semaphore(%dma_wait3A_441 : memref<!tpu.dma_semaphore, #tpu.memory_space<semaphore_mem>>) src(%dma_wait3A_444 : memref<39936xf32, #tpu.memory_space<vmem>>) dst(%dma_wait3A_442 : memref<39936xf32, #tpu.memory_space<hbm>>)
    %add3A_445 = arith.constant 3120 : i32
    %add3A_446 = arith.addi %mul3A_2, %add3A_445 : i32
    %mul3A_447 = arith.constant 128 : i32
    %mul3A_448 = arith.muli %add3A_446, %mul3A_447 : i32
    %multiple_of3A_449 = tpu.assume_multiple %mul3A_448, 8 : i32
    %dma_start3A_450 = arith.constant 1 : i32
    %dma_start3A_451 = arith.constant 0 : i32
    %dma_start3A_452 = tpu.memref_slice %arg8[%dma_start3A_451] : memref<39936xf32, #tpu.memory_space<vmem>> -> memref<640xf32, #tpu.memory_space<vmem>>
    %dma_start3A_453 = tpu.memref_slice %arg2[%multiple_of3A_449] : memref<12800000xf32, #tpu.memory_space<hbm>> -> memref<640xf32, #tpu.memory_space<hbm>>
    %dma_start3A_454 = tpu.memref_slice %arg18[%dma_start3A_450] : memref<3x!tpu.dma_semaphore, #tpu.memory_space<semaphore_mem>> -> memref<1x!tpu.dma_semaphore, #tpu.memory_space<semaphore_mem>>
    %dma_start3A_455 = tpu.memref_squeeze %dma_start3A_454 : memref<1x!tpu.dma_semaphore, #tpu.memory_space<semaphore_mem>> -> memref<!tpu.dma_semaphore, #tpu.memory_space<semaphore_mem>>
    %dma_start3A_456 = arith.constant 0 : i32
    %dma_start3A_457 = tpu.memref_slice %arg8[%dma_start3A_456] : memref<39936xf32, #tpu.memory_space<vmem>> -> memref<640xf32, #tpu.memory_space<vmem>>
    %dma_start3A_458 = tpu.memref_slice %arg2[%multiple_of3A_449] : memref<12800000xf32, #tpu.memory_space<hbm>> -> memref<640xf32, #tpu.memory_space<hbm>>
    tpu.enqueue_dma source(%dma_start3A_458 : memref<640xf32, #tpu.memory_space<hbm>>) target(%dma_start3A_457 : memref<640xf32, #tpu.memory_space<vmem>>) target_semaphore(%dma_start3A_455 : memref<!tpu.dma_semaphore, #tpu.memory_space<semaphore_mem>>)
    %add3A_459 = arith.constant 2496 : i32
    %add3A_460 = arith.addi %mul3A_2, %add3A_459 : i32
    %mul3A_461 = arith.constant 128 : i32
    %mul3A_462 = arith.muli %add3A_460, %mul3A_461 : i32
    %multiple_of3A_463 = tpu.assume_multiple %mul3A_462, 8 : i32
    %dma_wait3A_464 = arith.constant 2 : i32
    %dma_wait3A_465 = arith.constant 0 : i32
    %dma_wait3A_466 = tpu.memref_slice %arg9[%dma_wait3A_465] : memref<39936xf32, #tpu.memory_space<vmem>> -> memref<39936xf32, #tpu.memory_space<vmem>>
    %dma_wait3A_467 = tpu.memref_slice %arg2[%multiple_of3A_463] : memref<12800000xf32, #tpu.memory_space<hbm>> -> memref<39936xf32, #tpu.memory_space<hbm>>
    %dma_wait3A_468 = tpu.memref_slice %arg18[%dma_wait3A_464] : memref<3x!tpu.dma_semaphore, #tpu.memory_space<semaphore_mem>> -> memref<1x!tpu.dma_semaphore, #tpu.memory_space<semaphore_mem>>
    %dma_wait3A_469 = tpu.memref_squeeze %dma_wait3A_468 : memref<1x!tpu.dma_semaphore, #tpu.memory_space<semaphore_mem>> -> memref<!tpu.dma_semaphore, #tpu.memory_space<semaphore_mem>>
    %dma_wait3A_470 = arith.constant 0 : i32
    %dma_wait3A_471 = tpu.memref_slice %arg9[%dma_wait3A_470] : memref<39936xf32, #tpu.memory_space<vmem>> -> memref<39936xf32, #tpu.memory_space<vmem>>
    %dma_wait3A_472 = tpu.memref_slice %arg2[%multiple_of3A_463] : memref<12800000xf32, #tpu.memory_space<hbm>> -> memref<39936xf32, #tpu.memory_space<hbm>>
    tpu.wait_dma2 semaphore(%dma_wait3A_469 : memref<!tpu.dma_semaphore, #tpu.memory_space<semaphore_mem>>) src(%dma_wait3A_472 : memref<39936xf32, #tpu.memory_space<hbm>>) dst(%dma_wait3A_471 : memref<39936xf32, #tpu.memory_space<vmem>>)
    %dma_start3A_473 = arith.constant 2 : i32
    %dma_start3A_474 = arith.constant 0 : i32
    %dma_start3A_475 = tpu.memref_slice %arg9[%dma_start3A_474] : memref<39936xf32, #tpu.memory_space<vmem>> -> memref<39936xf32, #tpu.memory_space<vmem>>
    %dma_start3A_476 = tpu.memref_slice %arg4[%multiple_of3A_463] : memref<12800000xf32, #tpu.memory_space<hbm>> -> memref<39936xf32, #tpu.memory_space<hbm>>
    %dma_start3A_477 = tpu.memref_slice %arg19[%dma_start3A_473] : memref<3x!tpu.dma_semaphore, #tpu.memory_space<semaphore_mem>> -> memref<1x!tpu.dma_semaphore, #tpu.memory_space<semaphore_mem>>
    %dma_start3A_478 = tpu.memref_squeeze %dma_start3A_477 : memref<1x!tpu.dma_semaphore, #tpu.memory_space<semaphore_mem>> -> memref<!tpu.dma_semaphore, #tpu.memory_space<semaphore_mem>>
    %dma_start3A_479 = tpu.memref_slice %arg4[%multiple_of3A_463] : memref<12800000xf32, #tpu.memory_space<hbm>> -> memref<39936xf32, #tpu.memory_space<hbm>>
    %dma_start3A_480 = arith.constant 0 : i32
    %dma_start3A_481 = tpu.memref_slice %arg9[%dma_start3A_480] : memref<39936xf32, #tpu.memory_space<vmem>> -> memref<39936xf32, #tpu.memory_space<vmem>>
    tpu.enqueue_dma source(%dma_start3A_481 : memref<39936xf32, #tpu.memory_space<vmem>>) target(%dma_start3A_479 : memref<39936xf32, #tpu.memory_space<hbm>>) target_semaphore(%dma_start3A_478 : memref<!tpu.dma_semaphore, #tpu.memory_space<semaphore_mem>>)
    %parallel_loop3A_482 = arith.constant 0 : i32
    %parallel_loop3A_483 = arith.constant 312 : i32
    %parallel_loop3A_484 = arith.constant 1 : i32
    scf.for %parallel_loop3A_784 = %parallel_loop3A_482 to %parallel_loop3A_483 step %parallel_loop3A_484  : i32 {
      %parallel_loop3A_785 = arith.constant 128 : i32
      %parallel_loop3A_786 = arith.muli %parallel_loop3A_784, %parallel_loop3A_785 : i32
      %parallel_loop3A_787 = arith.constant 0 : i32
      %parallel_loop3A_788 = arith.addi %parallel_loop3A_786, %parallel_loop3A_787 : i32
      %parallel_loop3A_789 = arith.index_cast %parallel_loop3A_788 : i32 to index
      %parallel_loop3A_790 = tpu.vector_load %arg9[%parallel_loop3A_789] {strides = array<i32>} : memref<39936xf32, #tpu.memory_space<vmem>>, vector<16xf32>,
      %parallel_loop3A_791 = arith.mulf %parallel_loop3A_790, %parallel_loop3A_790 : vector<16xf32>
      %parallel_loop3A_792 = arith.addf %broadcast_in_dim3A_58, %parallel_loop3A_791 : vector<16xf32>
      %parallel_loop3A_793 = arith.constant 16 : i32
      %parallel_loop3A_794 = arith.addi %parallel_loop3A_786, %parallel_loop3A_793 : i32
      %parallel_loop3A_795 = arith.index_cast %parallel_loop3A_794 : i32 to index
      %parallel_loop3A_796 = tpu.vector_load %arg9[%parallel_loop3A_795] {strides = array<i32>} : memref<39936xf32, #tpu.memory_space<vmem>>, vector<16xf32>,
      %parallel_loop3A_797 = arith.mulf %parallel_loop3A_796, %parallel_loop3A_796 : vector<16xf32>
      %parallel_loop3A_798 = arith.addf %parallel_loop3A_792, %parallel_loop3A_797 : vector<16xf32>
      %parallel_loop3A_799 = arith.constant 32 : i32
      %parallel_loop3A_800 = arith.addi %parallel_loop3A_786, %parallel_loop3A_799 : i32
      %parallel_loop3A_801 = arith.index_cast %parallel_loop3A_800 : i32 to index
      %parallel_loop3A_802 = tpu.vector_load %arg9[%parallel_loop3A_801] {strides = array<i32>} : memref<39936xf32, #tpu.memory_space<vmem>>, vector<16xf32>,
      %parallel_loop3A_803 = arith.mulf %parallel_loop3A_802, %parallel_loop3A_802 : vector<16xf32>
      %parallel_loop3A_804 = arith.addf %parallel_loop3A_798, %parallel_loop3A_803 : vector<16xf32>
      %parallel_loop3A_805 = arith.constant 48 : i32
      %parallel_loop3A_806 = arith.addi %parallel_loop3A_786, %parallel_loop3A_805 : i32
      %parallel_loop3A_807 = arith.index_cast %parallel_loop3A_806 : i32 to index
      %parallel_loop3A_808 = tpu.vector_load %arg9[%parallel_loop3A_807] {strides = array<i32>} : memref<39936xf32, #tpu.memory_space<vmem>>, vector<16xf32>,
      %parallel_loop3A_809 = arith.mulf %parallel_loop3A_808, %parallel_loop3A_808 : vector<16xf32>
      %parallel_loop3A_810 = arith.addf %parallel_loop3A_804, %parallel_loop3A_809 : vector<16xf32>
      %parallel_loop3A_811 = arith.constant 64 : i32
      %parallel_loop3A_812 = arith.addi %parallel_loop3A_786, %parallel_loop3A_811 : i32
      %parallel_loop3A_813 = arith.index_cast %parallel_loop3A_812 : i32 to index
      %parallel_loop3A_814 = tpu.vector_load %arg9[%parallel_loop3A_813] {strides = array<i32>} : memref<39936xf32, #tpu.memory_space<vmem>>, vector<16xf32>,
      %parallel_loop3A_815 = arith.mulf %parallel_loop3A_814, %parallel_loop3A_814 : vector<16xf32>
      %parallel_loop3A_816 = arith.addf %parallel_loop3A_810, %parallel_loop3A_815 : vector<16xf32>
      %parallel_loop3A_817 = arith.constant 80 : i32
      %parallel_loop3A_818 = arith.addi %parallel_loop3A_786, %parallel_loop3A_817 : i32
      %parallel_loop3A_819 = arith.index_cast %parallel_loop3A_818 : i32 to index
      %parallel_loop3A_820 = tpu.vector_load %arg9[%parallel_loop3A_819] {strides = array<i32>} : memref<39936xf32, #tpu.memory_space<vmem>>, vector<16xf32>,
      %parallel_loop3A_821 = arith.mulf %parallel_loop3A_820, %parallel_loop3A_820 : vector<16xf32>
      %parallel_loop3A_822 = arith.addf %parallel_loop3A_816, %parallel_loop3A_821 : vector<16xf32>
      %parallel_loop3A_823 = arith.constant 96 : i32
      %parallel_loop3A_824 = arith.addi %parallel_loop3A_786, %parallel_loop3A_823 : i32
      %parallel_loop3A_825 = arith.index_cast %parallel_loop3A_824 : i32 to index
      %parallel_loop3A_826 = tpu.vector_load %arg9[%parallel_loop3A_825] {strides = array<i32>} : memref<39936xf32, #tpu.memory_space<vmem>>, vector<16xf32>,
      %parallel_loop3A_827 = arith.mulf %parallel_loop3A_826, %parallel_loop3A_826 : vector<16xf32>
      %parallel_loop3A_828 = arith.addf %parallel_loop3A_822, %parallel_loop3A_827 : vector<16xf32>
      %parallel_loop3A_829 = arith.constant 112 : i32
      %parallel_loop3A_830 = arith.addi %parallel_loop3A_786, %parallel_loop3A_829 : i32
      %parallel_loop3A_831 = arith.index_cast %parallel_loop3A_830 : i32 to index
      %parallel_loop3A_832 = tpu.vector_load %arg9[%parallel_loop3A_831] {strides = array<i32>} : memref<39936xf32, #tpu.memory_space<vmem>>, vector<16xf32>,
      %parallel_loop3A_833 = arith.mulf %parallel_loop3A_832, %parallel_loop3A_832 : vector<16xf32>
      %parallel_loop3A_834 = arith.addf %parallel_loop3A_828, %parallel_loop3A_833 : vector<16xf32>
      %parallel_loop3A_835 = arith.constant true
      %parallel_loop3A_836 = vector.broadcast %parallel_loop3A_835 : i1 to vector<16xi1>
      %parallel_loop3A_837 = tpu.scan <sum>, %parallel_loop3A_834 masked %parallel_loop3A_836 : vector<16xf32>, vector<16xi1> -> vector<16xf32>
      %parallel_loop3A_838 = arith.constant 2496 : i32
      %parallel_loop3A_839 = arith.addi %parallel_loop3A_838, %parallel_loop3A_784 : i32
      %parallel_loop3A_840 = vector.broadcast %parallel_loop3A_839 : i32 to vector<16xi32>
      tpu.vector_store_idx %arg11[%parallel_loop3A_840], %parallel_loop3A_837 masked %eq3A_60 : memref<3136xf32, #tpu.memory_space<vmem>>[vector<16xi32>], vector<16xf32>, vector<16xi1>
    } {sc.loop_unroll_factor = 4 : i64, sc.parallel_access}
    %dma_wait3A_485 = arith.constant 2 : i32
    %dma_wait3A_486 = arith.constant 0 : i32
    %dma_wait3A_487 = tpu.memref_slice %arg9[%dma_wait3A_486] : memref<39936xf32, #tpu.memory_space<vmem>> -> memref<39936xf32, #tpu.memory_space<vmem>>
    %dma_wait3A_488 = tpu.memref_slice %arg4[%multiple_of3A_463] : memref<12800000xf32, #tpu.memory_space<hbm>> -> memref<39936xf32, #tpu.memory_space<hbm>>
    %dma_wait3A_489 = tpu.memref_slice %arg19[%dma_wait3A_485] : memref<3x!tpu.dma_semaphore, #tpu.memory_space<semaphore_mem>> -> memref<1x!tpu.dma_semaphore, #tpu.memory_space<semaphore_mem>>
    %dma_wait3A_490 = tpu.memref_squeeze %dma_wait3A_489 : memref<1x!tpu.dma_semaphore, #tpu.memory_space<semaphore_mem>> -> memref<!tpu.dma_semaphore, #tpu.memory_space<semaphore_mem>>
    %dma_wait3A_491 = tpu.memref_slice %arg4[%multiple_of3A_463] : memref<12800000xf32, #tpu.memory_space<hbm>> -> memref<39936xf32, #tpu.memory_space<hbm>>
    %dma_wait3A_492 = arith.constant 0 : i32
    %dma_wait3A_493 = tpu.memref_slice %arg9[%dma_wait3A_492] : memref<39936xf32, #tpu.memory_space<vmem>> -> memref<39936xf32, #tpu.memory_space<vmem>>
    tpu.wait_dma2 semaphore(%dma_wait3A_490 : memref<!tpu.dma_semaphore, #tpu.memory_space<semaphore_mem>>) src(%dma_wait3A_493 : memref<39936xf32, #tpu.memory_space<vmem>>) dst(%dma_wait3A_491 : memref<39936xf32, #tpu.memory_space<hbm>>)
    %add3A_494 = arith.constant 2808 : i32
    %add3A_495 = arith.addi %mul3A_2, %add3A_494 : i32
    %mul3A_496 = arith.constant 128 : i32
    %mul3A_497 = arith.muli %add3A_495, %mul3A_496 : i32
    %multiple_of3A_498 = tpu.assume_multiple %mul3A_497, 8 : i32
    %dma_wait3A_499 = arith.constant 0 : i32
    %dma_wait3A_500 = arith.constant 0 : i32
    %dma_wait3A_501 = tpu.memref_slice %arg7[%dma_wait3A_500] : memref<39936xf32, #tpu.memory_space<vmem>> -> memref<39936xf32, #tpu.memory_space<vmem>>
    %dma_wait3A_502 = tpu.memref_slice %arg2[%multiple_of3A_498] : memref<12800000xf32, #tpu.memory_space<hbm>> -> memref<39936xf32, #tpu.memory_space<hbm>>
    %dma_wait3A_503 = tpu.memref_slice %arg18[%dma_wait3A_499] : memref<3x!tpu.dma_semaphore, #tpu.memory_space<semaphore_mem>> -> memref<1x!tpu.dma_semaphore, #tpu.memory_space<semaphore_mem>>
    %dma_wait3A_504 = tpu.memref_squeeze %dma_wait3A_503 : memref<1x!tpu.dma_semaphore, #tpu.memory_space<semaphore_mem>> -> memref<!tpu.dma_semaphore, #tpu.memory_space<semaphore_mem>>
    %dma_wait3A_505 = arith.constant 0 : i32
    %dma_wait3A_506 = tpu.memref_slice %arg7[%dma_wait3A_505] : memref<39936xf32, #tpu.memory_space<vmem>> -> memref<39936xf32, #tpu.memory_space<vmem>>
    %dma_wait3A_507 = tpu.memref_slice %arg2[%multiple_of3A_498] : memref<12800000xf32, #tpu.memory_space<hbm>> -> memref<39936xf32, #tpu.memory_space<hbm>>
    tpu.wait_dma2 semaphore(%dma_wait3A_504 : memref<!tpu.dma_semaphore, #tpu.memory_space<semaphore_mem>>) src(%dma_wait3A_507 : memref<39936xf32, #tpu.memory_space<hbm>>) dst(%dma_wait3A_506 : memref<39936xf32, #tpu.memory_space<vmem>>)
    %dma_start3A_508 = arith.constant 0 : i32
    %dma_start3A_509 = arith.constant 0 : i32
    %dma_start3A_510 = tpu.memref_slice %arg7[%dma_start3A_509] : memref<39936xf32, #tpu.memory_space<vmem>> -> memref<39936xf32, #tpu.memory_space<vmem>>
    %dma_start3A_511 = tpu.memref_slice %arg4[%multiple_of3A_498] : memref<12800000xf32, #tpu.memory_space<hbm>> -> memref<39936xf32, #tpu.memory_space<hbm>>
    %dma_start3A_512 = tpu.memref_slice %arg19[%dma_start3A_508] : memref<3x!tpu.dma_semaphore, #tpu.memory_space<semaphore_mem>> -> memref<1x!tpu.dma_semaphore, #tpu.memory_space<semaphore_mem>>
    %dma_start3A_513 = tpu.memref_squeeze %dma_start3A_512 : memref<1x!tpu.dma_semaphore, #tpu.memory_space<semaphore_mem>> -> memref<!tpu.dma_semaphore, #tpu.memory_space<semaphore_mem>>
    %dma_start3A_514 = tpu.memref_slice %arg4[%multiple_of3A_498] : memref<12800000xf32, #tpu.memory_space<hbm>> -> memref<39936xf32, #tpu.memory_space<hbm>>
    %dma_start3A_515 = arith.constant 0 : i32
    %dma_start3A_516 = tpu.memref_slice %arg7[%dma_start3A_515] : memref<39936xf32, #tpu.memory_space<vmem>> -> memref<39936xf32, #tpu.memory_space<vmem>>
    tpu.enqueue_dma source(%dma_start3A_516 : memref<39936xf32, #tpu.memory_space<vmem>>) target(%dma_start3A_514 : memref<39936xf32, #tpu.memory_space<hbm>>) target_semaphore(%dma_start3A_513 : memref<!tpu.dma_semaphore, #tpu.memory_space<semaphore_mem>>)
    %parallel_loop3A_517 = arith.constant 0 : i32
    %parallel_loop3A_518 = arith.constant 312 : i32
    %parallel_loop3A_519 = arith.constant 1 : i32
    scf.for %parallel_loop3A_784 = %parallel_loop3A_517 to %parallel_loop3A_518 step %parallel_loop3A_519  : i32 {
      %parallel_loop3A_785 = arith.constant 128 : i32
      %parallel_loop3A_786 = arith.muli %parallel_loop3A_784, %parallel_loop3A_785 : i32
      %parallel_loop3A_787 = arith.constant 0 : i32
      %parallel_loop3A_788 = arith.addi %parallel_loop3A_786, %parallel_loop3A_787 : i32
      %parallel_loop3A_789 = arith.index_cast %parallel_loop3A_788 : i32 to index
      %parallel_loop3A_790 = tpu.vector_load %arg7[%parallel_loop3A_789] {strides = array<i32>} : memref<39936xf32, #tpu.memory_space<vmem>>, vector<16xf32>,
      %parallel_loop3A_791 = arith.mulf %parallel_loop3A_790, %parallel_loop3A_790 : vector<16xf32>
      %parallel_loop3A_792 = arith.addf %broadcast_in_dim3A_58, %parallel_loop3A_791 : vector<16xf32>
      %parallel_loop3A_793 = arith.constant 16 : i32
      %parallel_loop3A_794 = arith.addi %parallel_loop3A_786, %parallel_loop3A_793 : i32
      %parallel_loop3A_795 = arith.index_cast %parallel_loop3A_794 : i32 to index
      %parallel_loop3A_796 = tpu.vector_load %arg7[%parallel_loop3A_795] {strides = array<i32>} : memref<39936xf32, #tpu.memory_space<vmem>>, vector<16xf32>,
      %parallel_loop3A_797 = arith.mulf %parallel_loop3A_796, %parallel_loop3A_796 : vector<16xf32>
      %parallel_loop3A_798 = arith.addf %parallel_loop3A_792, %parallel_loop3A_797 : vector<16xf32>
      %parallel_loop3A_799 = arith.constant 32 : i32
      %parallel_loop3A_800 = arith.addi %parallel_loop3A_786, %parallel_loop3A_799 : i32
      %parallel_loop3A_801 = arith.index_cast %parallel_loop3A_800 : i32 to index
      %parallel_loop3A_802 = tpu.vector_load %arg7[%parallel_loop3A_801] {strides = array<i32>} : memref<39936xf32, #tpu.memory_space<vmem>>, vector<16xf32>,
      %parallel_loop3A_803 = arith.mulf %parallel_loop3A_802, %parallel_loop3A_802 : vector<16xf32>
      %parallel_loop3A_804 = arith.addf %parallel_loop3A_798, %parallel_loop3A_803 : vector<16xf32>
      %parallel_loop3A_805 = arith.constant 48 : i32
      %parallel_loop3A_806 = arith.addi %parallel_loop3A_786, %parallel_loop3A_805 : i32
      %parallel_loop3A_807 = arith.index_cast %parallel_loop3A_806 : i32 to index
      %parallel_loop3A_808 = tpu.vector_load %arg7[%parallel_loop3A_807] {strides = array<i32>} : memref<39936xf32, #tpu.memory_space<vmem>>, vector<16xf32>,
      %parallel_loop3A_809 = arith.mulf %parallel_loop3A_808, %parallel_loop3A_808 : vector<16xf32>
      %parallel_loop3A_810 = arith.addf %parallel_loop3A_804, %parallel_loop3A_809 : vector<16xf32>
      %parallel_loop3A_811 = arith.constant 64 : i32
      %parallel_loop3A_812 = arith.addi %parallel_loop3A_786, %parallel_loop3A_811 : i32
      %parallel_loop3A_813 = arith.index_cast %parallel_loop3A_812 : i32 to index
      %parallel_loop3A_814 = tpu.vector_load %arg7[%parallel_loop3A_813] {strides = array<i32>} : memref<39936xf32, #tpu.memory_space<vmem>>, vector<16xf32>,
      %parallel_loop3A_815 = arith.mulf %parallel_loop3A_814, %parallel_loop3A_814 : vector<16xf32>
      %parallel_loop3A_816 = arith.addf %parallel_loop3A_810, %parallel_loop3A_815 : vector<16xf32>
      %parallel_loop3A_817 = arith.constant 80 : i32
      %parallel_loop3A_818 = arith.addi %parallel_loop3A_786, %parallel_loop3A_817 : i32
      %parallel_loop3A_819 = arith.index_cast %parallel_loop3A_818 : i32 to index
      %parallel_loop3A_820 = tpu.vector_load %arg7[%parallel_loop3A_819] {strides = array<i32>} : memref<39936xf32, #tpu.memory_space<vmem>>, vector<16xf32>,
      %parallel_loop3A_821 = arith.mulf %parallel_loop3A_820, %parallel_loop3A_820 : vector<16xf32>
      %parallel_loop3A_822 = arith.addf %parallel_loop3A_816, %parallel_loop3A_821 : vector<16xf32>
      %parallel_loop3A_823 = arith.constant 96 : i32
      %parallel_loop3A_824 = arith.addi %parallel_loop3A_786, %parallel_loop3A_823 : i32
      %parallel_loop3A_825 = arith.index_cast %parallel_loop3A_824 : i32 to index
      %parallel_loop3A_826 = tpu.vector_load %arg7[%parallel_loop3A_825] {strides = array<i32>} : memref<39936xf32, #tpu.memory_space<vmem>>, vector<16xf32>,
      %parallel_loop3A_827 = arith.mulf %parallel_loop3A_826, %parallel_loop3A_826 : vector<16xf32>
      %parallel_loop3A_828 = arith.addf %parallel_loop3A_822, %parallel_loop3A_827 : vector<16xf32>
      %parallel_loop3A_829 = arith.constant 112 : i32
      %parallel_loop3A_830 = arith.addi %parallel_loop3A_786, %parallel_loop3A_829 : i32
      %parallel_loop3A_831 = arith.index_cast %parallel_loop3A_830 : i32 to index
      %parallel_loop3A_832 = tpu.vector_load %arg7[%parallel_loop3A_831] {strides = array<i32>} : memref<39936xf32, #tpu.memory_space<vmem>>, vector<16xf32>,
      %parallel_loop3A_833 = arith.mulf %parallel_loop3A_832, %parallel_loop3A_832 : vector<16xf32>
      %parallel_loop3A_834 = arith.addf %parallel_loop3A_828, %parallel_loop3A_833 : vector<16xf32>
      %parallel_loop3A_835 = arith.constant true
      %parallel_loop3A_836 = vector.broadcast %parallel_loop3A_835 : i1 to vector<16xi1>
      %parallel_loop3A_837 = tpu.scan <sum>, %parallel_loop3A_834 masked %parallel_loop3A_836 : vector<16xf32>, vector<16xi1> -> vector<16xf32>
      %parallel_loop3A_838 = arith.constant 2808 : i32
      %parallel_loop3A_839 = arith.addi %parallel_loop3A_838, %parallel_loop3A_784 : i32
      %parallel_loop3A_840 = vector.broadcast %parallel_loop3A_839 : i32 to vector<16xi32>
      tpu.vector_store_idx %arg11[%parallel_loop3A_840], %parallel_loop3A_837 masked %eq3A_60 : memref<3136xf32, #tpu.memory_space<vmem>>[vector<16xi32>], vector<16xf32>, vector<16xi1>
    } {sc.loop_unroll_factor = 4 : i64, sc.parallel_access}
    %dma_wait3A_520 = arith.constant 0 : i32
    %dma_wait3A_521 = arith.constant 0 : i32
    %dma_wait3A_522 = tpu.memref_slice %arg7[%dma_wait3A_521] : memref<39936xf32, #tpu.memory_space<vmem>> -> memref<39936xf32, #tpu.memory_space<vmem>>
    %dma_wait3A_523 = tpu.memref_slice %arg4[%multiple_of3A_498] : memref<12800000xf32, #tpu.memory_space<hbm>> -> memref<39936xf32, #tpu.memory_space<hbm>>
    %dma_wait3A_524 = tpu.memref_slice %arg19[%dma_wait3A_520] : memref<3x!tpu.dma_semaphore, #tpu.memory_space<semaphore_mem>> -> memref<1x!tpu.dma_semaphore, #tpu.memory_space<semaphore_mem>>
    %dma_wait3A_525 = tpu.memref_squeeze %dma_wait3A_524 : memref<1x!tpu.dma_semaphore, #tpu.memory_space<semaphore_mem>> -> memref<!tpu.dma_semaphore, #tpu.memory_space<semaphore_mem>>
    %dma_wait3A_526 = tpu.memref_slice %arg4[%multiple_of3A_498] : memref<12800000xf32, #tpu.memory_space<hbm>> -> memref<39936xf32, #tpu.memory_space<hbm>>
    %dma_wait3A_527 = arith.constant 0 : i32
    %dma_wait3A_528 = tpu.memref_slice %arg7[%dma_wait3A_527] : memref<39936xf32, #tpu.memory_space<vmem>> -> memref<39936xf32, #tpu.memory_space<vmem>>
    tpu.wait_dma2 semaphore(%dma_wait3A_525 : memref<!tpu.dma_semaphore, #tpu.memory_space<semaphore_mem>>) src(%dma_wait3A_528 : memref<39936xf32, #tpu.memory_space<vmem>>) dst(%dma_wait3A_526 : memref<39936xf32, #tpu.memory_space<hbm>>)
    %add3A_529 = arith.constant 3120 : i32
    %add3A_530 = arith.addi %mul3A_2, %add3A_529 : i32
    %mul3A_531 = arith.constant 128 : i32
    %mul3A_532 = arith.muli %add3A_530, %mul3A_531 : i32
    %multiple_of3A_533 = tpu.assume_multiple %mul3A_532, 8 : i32
    %dma_wait3A_534 = arith.constant 1 : i32
    %dma_wait3A_535 = arith.constant 0 : i32
    %dma_wait3A_536 = tpu.memref_slice %arg8[%dma_wait3A_535] : memref<39936xf32, #tpu.memory_space<vmem>> -> memref<640xf32, #tpu.memory_space<vmem>>
    %dma_wait3A_537 = tpu.memref_slice %arg2[%multiple_of3A_533] : memref<12800000xf32, #tpu.memory_space<hbm>> -> memref<640xf32, #tpu.memory_space<hbm>>
    %dma_wait3A_538 = tpu.memref_slice %arg18[%dma_wait3A_534] : memref<3x!tpu.dma_semaphore, #tpu.memory_space<semaphore_mem>> -> memref<1x!tpu.dma_semaphore, #tpu.memory_space<semaphore_mem>>
    %dma_wait3A_539 = tpu.memref_squeeze %dma_wait3A_538 : memref<1x!tpu.dma_semaphore, #tpu.memory_space<semaphore_mem>> -> memref<!tpu.dma_semaphore, #tpu.memory_space<semaphore_mem>>
    %dma_wait3A_540 = arith.constant 0 : i32
    %dma_wait3A_541 = tpu.memref_slice %arg8[%dma_wait3A_540] : memref<39936xf32, #tpu.memory_space<vmem>> -> memref<640xf32, #tpu.memory_space<vmem>>
    %dma_wait3A_542 = tpu.memref_slice %arg2[%multiple_of3A_533] : memref<12800000xf32, #tpu.memory_space<hbm>> -> memref<640xf32, #tpu.memory_space<hbm>>
    tpu.wait_dma2 semaphore(%dma_wait3A_539 : memref<!tpu.dma_semaphore, #tpu.memory_space<semaphore_mem>>) src(%dma_wait3A_542 : memref<640xf32, #tpu.memory_space<hbm>>) dst(%dma_wait3A_541 : memref<640xf32, #tpu.memory_space<vmem>>)
    %dma_start3A_543 = arith.constant 1 : i32
    %dma_start3A_544 = arith.constant 0 : i32
    %dma_start3A_545 = tpu.memref_slice %arg8[%dma_start3A_544] : memref<39936xf32, #tpu.memory_space<vmem>> -> memref<640xf32, #tpu.memory_space<vmem>>
    %dma_start3A_546 = tpu.memref_slice %arg4[%multiple_of3A_533] : memref<12800000xf32, #tpu.memory_space<hbm>> -> memref<640xf32, #tpu.memory_space<hbm>>
    %dma_start3A_547 = tpu.memref_slice %arg19[%dma_start3A_543] : memref<3x!tpu.dma_semaphore, #tpu.memory_space<semaphore_mem>> -> memref<1x!tpu.dma_semaphore, #tpu.memory_space<semaphore_mem>>
    %dma_start3A_548 = tpu.memref_squeeze %dma_start3A_547 : memref<1x!tpu.dma_semaphore, #tpu.memory_space<semaphore_mem>> -> memref<!tpu.dma_semaphore, #tpu.memory_space<semaphore_mem>>
    %dma_start3A_549 = tpu.memref_slice %arg4[%multiple_of3A_533] : memref<12800000xf32, #tpu.memory_space<hbm>> -> memref<640xf32, #tpu.memory_space<hbm>>
    %dma_start3A_550 = arith.constant 0 : i32
    %dma_start3A_551 = tpu.memref_slice %arg8[%dma_start3A_550] : memref<39936xf32, #tpu.memory_space<vmem>> -> memref<640xf32, #tpu.memory_space<vmem>>
    tpu.enqueue_dma source(%dma_start3A_551 : memref<640xf32, #tpu.memory_space<vmem>>) target(%dma_start3A_549 : memref<640xf32, #tpu.memory_space<hbm>>) target_semaphore(%dma_start3A_548 : memref<!tpu.dma_semaphore, #tpu.memory_space<semaphore_mem>>)
    %parallel_loop3A_552 = arith.constant 0 : i32
    %parallel_loop3A_553 = arith.constant 5 : i32
    %parallel_loop3A_554 = arith.constant 1 : i32
    scf.for %parallel_loop3A_784 = %parallel_loop3A_552 to %parallel_loop3A_553 step %parallel_loop3A_554  : i32 {
      %parallel_loop3A_785 = arith.constant 128 : i32
      %parallel_loop3A_786 = arith.muli %parallel_loop3A_784, %parallel_loop3A_785 : i32
      %parallel_loop3A_787 = arith.constant 0 : i32
      %parallel_loop3A_788 = arith.addi %parallel_loop3A_786, %parallel_loop3A_787 : i32
      %parallel_loop3A_789 = arith.index_cast %parallel_loop3A_788 : i32 to index
      %parallel_loop3A_790 = tpu.vector_load %arg8[%parallel_loop3A_789] {strides = array<i32>} : memref<39936xf32, #tpu.memory_space<vmem>>, vector<16xf32>,
      %parallel_loop3A_791 = arith.mulf %parallel_loop3A_790, %parallel_loop3A_790 : vector<16xf32>
      %parallel_loop3A_792 = arith.addf %broadcast_in_dim3A_58, %parallel_loop3A_791 : vector<16xf32>
      %parallel_loop3A_793 = arith.constant 16 : i32
      %parallel_loop3A_794 = arith.addi %parallel_loop3A_786, %parallel_loop3A_793 : i32
      %parallel_loop3A_795 = arith.index_cast %parallel_loop3A_794 : i32 to index
      %parallel_loop3A_796 = tpu.vector_load %arg8[%parallel_loop3A_795] {strides = array<i32>} : memref<39936xf32, #tpu.memory_space<vmem>>, vector<16xf32>,
      %parallel_loop3A_797 = arith.mulf %parallel_loop3A_796, %parallel_loop3A_796 : vector<16xf32>
      %parallel_loop3A_798 = arith.addf %parallel_loop3A_792, %parallel_loop3A_797 : vector<16xf32>
      %parallel_loop3A_799 = arith.constant 32 : i32
      %parallel_loop3A_800 = arith.addi %parallel_loop3A_786, %parallel_loop3A_799 : i32
      %parallel_loop3A_801 = arith.index_cast %parallel_loop3A_800 : i32 to index
      %parallel_loop3A_802 = tpu.vector_load %arg8[%parallel_loop3A_801] {strides = array<i32>} : memref<39936xf32, #tpu.memory_space<vmem>>, vector<16xf32>,
      %parallel_loop3A_803 = arith.mulf %parallel_loop3A_802, %parallel_loop3A_802 : vector<16xf32>
      %parallel_loop3A_804 = arith.addf %parallel_loop3A_798, %parallel_loop3A_803 : vector<16xf32>
      %parallel_loop3A_805 = arith.constant 48 : i32
      %parallel_loop3A_806 = arith.addi %parallel_loop3A_786, %parallel_loop3A_805 : i32
      %parallel_loop3A_807 = arith.index_cast %parallel_loop3A_806 : i32 to index
      %parallel_loop3A_808 = tpu.vector_load %arg8[%parallel_loop3A_807] {strides = array<i32>} : memref<39936xf32, #tpu.memory_space<vmem>>, vector<16xf32>,
      %parallel_loop3A_809 = arith.mulf %parallel_loop3A_808, %parallel_loop3A_808 : vector<16xf32>
      %parallel_loop3A_810 = arith.addf %parallel_loop3A_804, %parallel_loop3A_809 : vector<16xf32>
      %parallel_loop3A_811 = arith.constant 64 : i32
      %parallel_loop3A_812 = arith.addi %parallel_loop3A_786, %parallel_loop3A_811 : i32
      %parallel_loop3A_813 = arith.index_cast %parallel_loop3A_812 : i32 to index
      %parallel_loop3A_814 = tpu.vector_load %arg8[%parallel_loop3A_813] {strides = array<i32>} : memref<39936xf32, #tpu.memory_space<vmem>>, vector<16xf32>,
      %parallel_loop3A_815 = arith.mulf %parallel_loop3A_814, %parallel_loop3A_814 : vector<16xf32>
      %parallel_loop3A_816 = arith.addf %parallel_loop3A_810, %parallel_loop3A_815 : vector<16xf32>
      %parallel_loop3A_817 = arith.constant 80 : i32
      %parallel_loop3A_818 = arith.addi %parallel_loop3A_786, %parallel_loop3A_817 : i32
      %parallel_loop3A_819 = arith.index_cast %parallel_loop3A_818 : i32 to index
      %parallel_loop3A_820 = tpu.vector_load %arg8[%parallel_loop3A_819] {strides = array<i32>} : memref<39936xf32, #tpu.memory_space<vmem>>, vector<16xf32>,
      %parallel_loop3A_821 = arith.mulf %parallel_loop3A_820, %parallel_loop3A_820 : vector<16xf32>
      %parallel_loop3A_822 = arith.addf %parallel_loop3A_816, %parallel_loop3A_821 : vector<16xf32>
      %parallel_loop3A_823 = arith.constant 96 : i32
      %parallel_loop3A_824 = arith.addi %parallel_loop3A_786, %parallel_loop3A_823 : i32
      %parallel_loop3A_825 = arith.index_cast %parallel_loop3A_824 : i32 to index
      %parallel_loop3A_826 = tpu.vector_load %arg8[%parallel_loop3A_825] {strides = array<i32>} : memref<39936xf32, #tpu.memory_space<vmem>>, vector<16xf32>,
      %parallel_loop3A_827 = arith.mulf %parallel_loop3A_826, %parallel_loop3A_826 : vector<16xf32>
      %parallel_loop3A_828 = arith.addf %parallel_loop3A_822, %parallel_loop3A_827 : vector<16xf32>
      %parallel_loop3A_829 = arith.constant 112 : i32
      %parallel_loop3A_830 = arith.addi %parallel_loop3A_786, %parallel_loop3A_829 : i32
      %parallel_loop3A_831 = arith.index_cast %parallel_loop3A_830 : i32 to index
      %parallel_loop3A_832 = tpu.vector_load %arg8[%parallel_loop3A_831] {strides = array<i32>} : memref<39936xf32, #tpu.memory_space<vmem>>, vector<16xf32>,
      %parallel_loop3A_833 = arith.mulf %parallel_loop3A_832, %parallel_loop3A_832 : vector<16xf32>
      %parallel_loop3A_834 = arith.addf %parallel_loop3A_828, %parallel_loop3A_833 : vector<16xf32>
      %parallel_loop3A_835 = arith.constant true
      %parallel_loop3A_836 = vector.broadcast %parallel_loop3A_835 : i1 to vector<16xi1>
      %parallel_loop3A_837 = tpu.scan <sum>, %parallel_loop3A_834 masked %parallel_loop3A_836 : vector<16xf32>, vector<16xi1> -> vector<16xf32>
      %parallel_loop3A_838 = arith.constant 3120 : i32
      %parallel_loop3A_839 = arith.addi %parallel_loop3A_838, %parallel_loop3A_784 : i32
      %parallel_loop3A_840 = vector.broadcast %parallel_loop3A_839 : i32 to vector<16xi32>
      tpu.vector_store_idx %arg11[%parallel_loop3A_840], %parallel_loop3A_837 masked %eq3A_60 : memref<3136xf32, #tpu.memory_space<vmem>>[vector<16xi32>], vector<16xf32>, vector<16xi1>
    } {sc.loop_unroll_factor = 4 : i64, sc.parallel_access}
    %dma_wait3A_555 = arith.constant 1 : i32
    %dma_wait3A_556 = arith.constant 0 : i32
    %dma_wait3A_557 = tpu.memref_slice %arg8[%dma_wait3A_556] : memref<39936xf32, #tpu.memory_space<vmem>> -> memref<640xf32, #tpu.memory_space<vmem>>
    %dma_wait3A_558 = tpu.memref_slice %arg4[%multiple_of3A_533] : memref<12800000xf32, #tpu.memory_space<hbm>> -> memref<640xf32, #tpu.memory_space<hbm>>
    %dma_wait3A_559 = tpu.memref_slice %arg19[%dma_wait3A_555] : memref<3x!tpu.dma_semaphore, #tpu.memory_space<semaphore_mem>> -> memref<1x!tpu.dma_semaphore, #tpu.memory_space<semaphore_mem>>
    %dma_wait3A_560 = tpu.memref_squeeze %dma_wait3A_559 : memref<1x!tpu.dma_semaphore, #tpu.memory_space<semaphore_mem>> -> memref<!tpu.dma_semaphore, #tpu.memory_space<semaphore_mem>>
    %dma_wait3A_561 = tpu.memref_slice %arg4[%multiple_of3A_533] : memref<12800000xf32, #tpu.memory_space<hbm>> -> memref<640xf32, #tpu.memory_space<hbm>>
    %dma_wait3A_562 = arith.constant 0 : i32
    %dma_wait3A_563 = tpu.memref_slice %arg8[%dma_wait3A_562] : memref<39936xf32, #tpu.memory_space<vmem>> -> memref<640xf32, #tpu.memory_space<vmem>>
    tpu.wait_dma2 semaphore(%dma_wait3A_560 : memref<!tpu.dma_semaphore, #tpu.memory_space<semaphore_mem>>) src(%dma_wait3A_563 : memref<640xf32, #tpu.memory_space<vmem>>) dst(%dma_wait3A_561 : memref<640xf32, #tpu.memory_space<hbm>>)
    %parallel_loop3A_564 = arith.constant 0 : i32
    %parallel_loop3A_565 = arith.constant 196 : i32
    %parallel_loop3A_566 = arith.constant 1 : i32
    scf.for %parallel_loop3A_784 = %parallel_loop3A_564 to %parallel_loop3A_565 step %parallel_loop3A_566  : i32 {
      %parallel_loop3A_785 = arith.constant 16 : i32
      %parallel_loop3A_786 = arith.muli %parallel_loop3A_784, %parallel_loop3A_785 : i32
      %parallel_loop3A_787 = arith.index_cast %parallel_loop3A_786 : i32 to index
      %parallel_loop3A_788 = tpu.vector_load %arg11[%parallel_loop3A_787] {strides = array<i32>} : memref<3136xf32, #tpu.memory_space<vmem>>, vector<16xf32>,
      %parallel_loop3A_789 = vector.bitcast %parallel_loop3A_788 : vector<16xf32> to vector<16xi32>
      %parallel_loop3A_790 = arith.constant 1 : i32
      %parallel_loop3A_791 = vector.broadcast %parallel_loop3A_790 : i32 to vector<16xi32>
      %parallel_loop3A_792 = arith.shrui %parallel_loop3A_789, %parallel_loop3A_791 : vector<16xi32>
      %parallel_loop3A_793 = arith.constant 1597463007 : i32
      %parallel_loop3A_794 = vector.broadcast %parallel_loop3A_793 : i32 to vector<16xi32>
      %parallel_loop3A_795 = arith.subi %parallel_loop3A_794, %parallel_loop3A_792 : vector<16xi32>
      %parallel_loop3A_796 = vector.bitcast %parallel_loop3A_795 : vector<16xi32> to vector<16xf32>
      %parallel_loop3A_797 = arith.constant 5.000000e-01 : f32
      %parallel_loop3A_798 = vector.broadcast %parallel_loop3A_797 : f32 to vector<16xf32>
      %parallel_loop3A_799 = arith.mulf %parallel_loop3A_798, %parallel_loop3A_788 : vector<16xf32>
      %parallel_loop3A_800 = arith.mulf %parallel_loop3A_799, %parallel_loop3A_796 : vector<16xf32>
      %parallel_loop3A_801 = arith.mulf %parallel_loop3A_800, %parallel_loop3A_796 : vector<16xf32>
      %parallel_loop3A_802 = arith.constant 1.500000e+00 : f32
      %parallel_loop3A_803 = vector.broadcast %parallel_loop3A_802 : f32 to vector<16xf32>
      %parallel_loop3A_804 = arith.subf %parallel_loop3A_803, %parallel_loop3A_801 : vector<16xf32>
      %parallel_loop3A_805 = arith.mulf %parallel_loop3A_796, %parallel_loop3A_804 : vector<16xf32>
      %parallel_loop3A_806 = arith.constant 5.000000e-01 : f32
      %parallel_loop3A_807 = vector.broadcast %parallel_loop3A_806 : f32 to vector<16xf32>
      %parallel_loop3A_808 = arith.mulf %parallel_loop3A_807, %parallel_loop3A_788 : vector<16xf32>
      %parallel_loop3A_809 = arith.mulf %parallel_loop3A_808, %parallel_loop3A_805 : vector<16xf32>
      %parallel_loop3A_810 = arith.mulf %parallel_loop3A_809, %parallel_loop3A_805 : vector<16xf32>
      %parallel_loop3A_811 = arith.constant 1.500000e+00 : f32
      %parallel_loop3A_812 = vector.broadcast %parallel_loop3A_811 : f32 to vector<16xf32>
      %parallel_loop3A_813 = arith.subf %parallel_loop3A_812, %parallel_loop3A_810 : vector<16xf32>
      %parallel_loop3A_814 = arith.mulf %parallel_loop3A_805, %parallel_loop3A_813 : vector<16xf32>
      %parallel_loop3A_815 = arith.constant 5.000000e-01 : f32
      %parallel_loop3A_816 = vector.broadcast %parallel_loop3A_815 : f32 to vector<16xf32>
      %parallel_loop3A_817 = arith.mulf %parallel_loop3A_816, %parallel_loop3A_788 : vector<16xf32>
      %parallel_loop3A_818 = arith.mulf %parallel_loop3A_817, %parallel_loop3A_814 : vector<16xf32>
      %parallel_loop3A_819 = arith.mulf %parallel_loop3A_818, %parallel_loop3A_814 : vector<16xf32>
      %parallel_loop3A_820 = arith.constant 1.500000e+00 : f32
      %parallel_loop3A_821 = vector.broadcast %parallel_loop3A_820 : f32 to vector<16xf32>
      %parallel_loop3A_822 = arith.subf %parallel_loop3A_821, %parallel_loop3A_819 : vector<16xf32>
      %parallel_loop3A_823 = arith.mulf %parallel_loop3A_814, %parallel_loop3A_822 : vector<16xf32>
      %parallel_loop3A_824 = arith.mulf %parallel_loop3A_788, %parallel_loop3A_823 : vector<16xf32>
      %parallel_loop3A_825 = arith.index_cast %parallel_loop3A_786 : i32 to index
      %parallel_loop3A_826 = tpu.vector_load %arg11[%parallel_loop3A_825] {strides = array<i32>} : memref<3136xf32, #tpu.memory_space<vmem>>, vector<16xf32>,
      tpu.vector_store %arg11[%parallel_loop3A_825], %parallel_loop3A_824 {strides = array<i32>} : memref<3136xf32, #tpu.memory_space<vmem>>, vector<16xf32>,
    } {sc.loop_unroll_factor = 4 : i64, sc.parallel_access}
    %broadcast_in_dim3A_567 = arith.constant 0 : i32
    %broadcast_in_dim3A_568 = vector.broadcast %broadcast_in_dim3A_567 : i32 to vector<16xi32>
    %swap3A_569 = arith.constant 0 : index
    %swap3A_570 = tpu.vector_load %arg12[%swap3A_569] {strides = array<i32>} : memref<128xf32, #tpu.memory_space<vmem>>, vector<16xf32>,
    tpu.vector_store %arg12[%swap3A_569], %broadcast_in_dim3A_58 {strides = array<i32>} : memref<128xf32, #tpu.memory_space<vmem>>, vector<16xf32>,
    %swap3A_571 = arith.constant 0 : index
    %swap3A_572 = tpu.vector_load %arg13[%swap3A_571] {strides = array<i32>} : memref<128xi32, #tpu.memory_space<vmem>>, vector<16xi32>,
    tpu.vector_store %arg13[%swap3A_571], %broadcast_in_dim3A_568 {strides = array<i32>} : memref<128xi32, #tpu.memory_space<vmem>>, vector<16xi32>,
    %swap3A_573 = arith.constant 16 : index
    %swap3A_574 = tpu.vector_load %arg12[%swap3A_573] {strides = array<i32>} : memref<128xf32, #tpu.memory_space<vmem>>, vector<16xf32>,
    tpu.vector_store %arg12[%swap3A_573], %broadcast_in_dim3A_58 {strides = array<i32>} : memref<128xf32, #tpu.memory_space<vmem>>, vector<16xf32>,
    %swap3A_575 = arith.constant 16 : index
    %swap3A_576 = tpu.vector_load %arg13[%swap3A_575] {strides = array<i32>} : memref<128xi32, #tpu.memory_space<vmem>>, vector<16xi32>,
    tpu.vector_store %arg13[%swap3A_575], %broadcast_in_dim3A_568 {strides = array<i32>} : memref<128xi32, #tpu.memory_space<vmem>>, vector<16xi32>,
    %swap3A_577 = arith.constant 32 : index
    %swap3A_578 = tpu.vector_load %arg12[%swap3A_577] {strides = array<i32>} : memref<128xf32, #tpu.memory_space<vmem>>, vector<16xf32>,
    tpu.vector_store %arg12[%swap3A_577], %broadcast_in_dim3A_58 {strides = array<i32>} : memref<128xf32, #tpu.memory_space<vmem>>, vector<16xf32>,
    %swap3A_579 = arith.constant 32 : index
    %swap3A_580 = tpu.vector_load %arg13[%swap3A_579] {strides = array<i32>} : memref<128xi32, #tpu.memory_space<vmem>>, vector<16xi32>,
    tpu.vector_store %arg13[%swap3A_579], %broadcast_in_dim3A_568 {strides = array<i32>} : memref<128xi32, #tpu.memory_space<vmem>>, vector<16xi32>,
    %swap3A_581 = arith.constant 48 : index
    %swap3A_582 = tpu.vector_load %arg12[%swap3A_581] {strides = array<i32>} : memref<128xf32, #tpu.memory_space<vmem>>, vector<16xf32>,
    tpu.vector_store %arg12[%swap3A_581], %broadcast_in_dim3A_58 {strides = array<i32>} : memref<128xf32, #tpu.memory_space<vmem>>, vector<16xf32>,
    %swap3A_583 = arith.constant 48 : index
    %swap3A_584 = tpu.vector_load %arg13[%swap3A_583] {strides = array<i32>} : memref<128xi32, #tpu.memory_space<vmem>>, vector<16xi32>,
    tpu.vector_store %arg13[%swap3A_583], %broadcast_in_dim3A_568 {strides = array<i32>} : memref<128xi32, #tpu.memory_space<vmem>>, vector<16xi32>,
    %swap3A_585 = arith.constant 64 : index
    %swap3A_586 = tpu.vector_load %arg12[%swap3A_585] {strides = array<i32>} : memref<128xf32, #tpu.memory_space<vmem>>, vector<16xf32>,
    tpu.vector_store %arg12[%swap3A_585], %broadcast_in_dim3A_58 {strides = array<i32>} : memref<128xf32, #tpu.memory_space<vmem>>, vector<16xf32>,
    %swap3A_587 = arith.constant 64 : index
    %swap3A_588 = tpu.vector_load %arg13[%swap3A_587] {strides = array<i32>} : memref<128xi32, #tpu.memory_space<vmem>>, vector<16xi32>,
    tpu.vector_store %arg13[%swap3A_587], %broadcast_in_dim3A_568 {strides = array<i32>} : memref<128xi32, #tpu.memory_space<vmem>>, vector<16xi32>,
    %swap3A_589 = arith.constant 80 : index
    %swap3A_590 = tpu.vector_load %arg12[%swap3A_589] {strides = array<i32>} : memref<128xf32, #tpu.memory_space<vmem>>, vector<16xf32>,
    tpu.vector_store %arg12[%swap3A_589], %broadcast_in_dim3A_58 {strides = array<i32>} : memref<128xf32, #tpu.memory_space<vmem>>, vector<16xf32>,
    %swap3A_591 = arith.constant 80 : index
    %swap3A_592 = tpu.vector_load %arg13[%swap3A_591] {strides = array<i32>} : memref<128xi32, #tpu.memory_space<vmem>>, vector<16xi32>,
    tpu.vector_store %arg13[%swap3A_591], %broadcast_in_dim3A_568 {strides = array<i32>} : memref<128xi32, #tpu.memory_space<vmem>>, vector<16xi32>,
    %swap3A_593 = arith.constant 96 : index
    %swap3A_594 = tpu.vector_load %arg12[%swap3A_593] {strides = array<i32>} : memref<128xf32, #tpu.memory_space<vmem>>, vector<16xf32>,
    tpu.vector_store %arg12[%swap3A_593], %broadcast_in_dim3A_58 {strides = array<i32>} : memref<128xf32, #tpu.memory_space<vmem>>, vector<16xf32>,
    %swap3A_595 = arith.constant 96 : index
    %swap3A_596 = tpu.vector_load %arg13[%swap3A_595] {strides = array<i32>} : memref<128xi32, #tpu.memory_space<vmem>>, vector<16xi32>,
    tpu.vector_store %arg13[%swap3A_595], %broadcast_in_dim3A_568 {strides = array<i32>} : memref<128xi32, #tpu.memory_space<vmem>>, vector<16xi32>,
    %swap3A_597 = arith.constant 112 : index
    %swap3A_598 = tpu.vector_load %arg12[%swap3A_597] {strides = array<i32>} : memref<128xf32, #tpu.memory_space<vmem>>, vector<16xf32>,
    tpu.vector_store %arg12[%swap3A_597], %broadcast_in_dim3A_58 {strides = array<i32>} : memref<128xf32, #tpu.memory_space<vmem>>, vector<16xf32>,
    %swap3A_599 = arith.constant 112 : index
    %swap3A_600 = tpu.vector_load %arg13[%swap3A_599] {strides = array<i32>} : memref<128xi32, #tpu.memory_space<vmem>>, vector<16xi32>,
    tpu.vector_store %arg13[%swap3A_599], %broadcast_in_dim3A_568 {strides = array<i32>} : memref<128xi32, #tpu.memory_space<vmem>>, vector<16xi32>,
    %scan3A = arith.constant 0.000000e+00 : f32
    %scan3A_601 = arith.constant 0 : i32
    %scan3A_602 = arith.constant 196 : i32
    %scan3A_603 = arith.addi %scan3A_601, %scan3A_602 : i32
    %scan3A_604 = arith.constant 1 : i32
    %scan3A_605 = scf.for %scan3A_784 = %scan3A_601 to %scan3A_603 step %scan3A_604 iter_args(%scan3A_785 = %scan3A) -> (f32)  : i32 {
      %mul3A_786 = arith.constant 16 : i32
      %mul3A_787 = arith.muli %scan3A_784, %mul3A_786 : i32
      %add3A_788 = arith.addi %sub3A_5, %mul3A_787 : i32
      %add3A_789 = vector.broadcast %add3A_788 : i32 to vector<16xi32>
      %add3A_790 = arith.addi %iota3A, %add3A_789 : vector<16xi32>
      %gather3A = tpu.vector_load_idx %arg10[%add3A_790] : memref<3152xi32, #tpu.memory_space<vmem>>[vector<16xi32>], vector<16xi32>,
      %add3A_791 = arith.constant 1 : i32
      %add3A_792 = arith.addi %add3A_788, %add3A_791 : i32
      %add3A_793 = vector.broadcast %add3A_792 : i32 to vector<16xi32>
      %add3A_794 = arith.addi %iota3A, %add3A_793 : vector<16xi32>
      %gather3A_795 = tpu.vector_load_idx %arg10[%add3A_794] : memref<3152xi32, #tpu.memory_space<vmem>>[vector<16xi32>], vector<16xi32>,
      %mul3A_796 = arith.constant 16 : i32
      %mul3A_797 = arith.muli %scan3A_784, %mul3A_796 : i32
      %get3A_798 = arith.index_cast %mul3A_797 : i32 to index
      %get3A_799 = tpu.vector_load %arg11[%get3A_798] {strides = array<i32>} : memref<3136xf32, #tpu.memory_space<vmem>>, vector<16xf32>,
      %broadcast_in_dim3A_800 = arith.constant true
      %broadcast_in_dim3A_801 = vector.broadcast %broadcast_in_dim3A_800 : i1 to vector<16xi1>
      %masked_cumsum3A = tpu.scan <sum>, %get3A_799 masked %broadcast_in_dim3A_801 : vector<16xf32>, vector<16xi1> -> vector<16xf32>
      %add3A_802 = vector.broadcast %scan3A_785 : f32 to vector<16xf32>
      %add3A_803 = arith.addf %masked_cumsum3A, %add3A_802 : vector<16xf32>
      %ne3A = arith.cmpi ne, %gather3A, %gather3A_795 : vector<16xi32>
      tpu.vector_store_idx %arg12[%gather3A], %add3A_803 masked %ne3A : memref<128xf32, #tpu.memory_space<vmem>>[vector<16xi32>], vector<16xf32>, vector<16xi1>
      %mul3A_804 = arith.constant 16 : i32
      %mul3A_805 = arith.muli %scan3A_784, %mul3A_804 : i32
      %add3A_806 = arith.constant 1 : i32
      %add3A_807 = arith.addi %mul3A_805, %add3A_806 : i32
      %add3A_808 = vector.broadcast %add3A_807 : i32 to vector<16xi32>
      %add3A_809 = arith.addi %iota3A, %add3A_808 : vector<16xi32>
      tpu.vector_store_idx %arg13[%gather3A], %add3A_809 masked %ne3A : memref<128xi32, #tpu.memory_space<vmem>>[vector<16xi32>], vector<16xi32>, vector<16xi1>
      %reduce_sum3A = arith.constant true
      %reduce_sum3A_810 = vector.broadcast %reduce_sum3A : i1 to vector<16xi1>
      %reduce_sum3A_811 = tpu.scan <sum>, %get3A_799 masked %reduce_sum3A_810 : vector<16xf32>, vector<16xi1> -> vector<16xf32>
      %reduce_sum3A_812 = vector.extract %reduce_sum3A_811[15] : f32 from vector<16xf32>
      %add3A_813 = arith.addf %scan3A_785, %reduce_sum3A_812 : f32
      scf.yield %add3A_813 : f32
    }
    %scan3A_606 = arith.constant 196 : i32
    %swap3A_607 = arith.constant 0 : index
    %swap3A_608 = tpu.vector_load %arg14[%swap3A_607] {strides = array<i32>} : memref<80xf32, #tpu.memory_space<vmem>>, vector<16xf32>,
    tpu.vector_store %arg14[%swap3A_607], %broadcast_in_dim3A_58 {strides = array<i32>} : memref<80xf32, #tpu.memory_space<vmem>>, vector<16xf32>,
    %swap3A_609 = arith.constant 0 : index
    %swap3A_610 = tpu.vector_load %arg15[%swap3A_609] {strides = array<i32>} : memref<80xi32, #tpu.memory_space<vmem>>, vector<16xi32>,
    tpu.vector_store %arg15[%swap3A_609], %broadcast_in_dim3A_568 {strides = array<i32>} : memref<80xi32, #tpu.memory_space<vmem>>, vector<16xi32>,
    %add3A_611 = arith.constant 1 : i32
    %add3A_612 = vector.broadcast %add3A_611 : i32 to vector<16xi32>
    %add3A_613 = arith.addi %iota3A, %add3A_612 : vector<16xi32>
    %get3A = arith.constant 0 : index
    %get3A_614 = tpu.vector_load %arg12[%get3A] {strides = array<i32>} : memref<128xf32, #tpu.memory_space<vmem>>, vector<16xf32>,
    %broadcast_in_dim3A_615 = arith.constant true
    %broadcast_in_dim3A_616 = vector.broadcast %broadcast_in_dim3A_615 : i1 to vector<16xi1>
    %masked_cummax3A = tpu.scan <max>, %get3A_614 masked %broadcast_in_dim3A_616 : vector<16xf32>, vector<16xi1> -> vector<16xf32>
    %max3A = arith.constant 0.000000e+00 : f32
    %max3A_617 = vector.broadcast %max3A : f32 to vector<16xf32>
    %max3A_618 = arith.maximumf %masked_cummax3A, %max3A_617 : vector<16xf32>
    tpu.vector_store_idx %arg14[%add3A_613], %max3A_618 : memref<80xf32, #tpu.memory_space<vmem>>[vector<16xi32>], vector<16xf32>,
    %get3A_619 = arith.constant 0 : index
    %get3A_620 = tpu.vector_load %arg14[%get3A_619] {strides = array<i32>} : memref<80xf32, #tpu.memory_space<vmem>>, vector<16xf32>,
    %sub3A_621 = arith.subf %max3A_618, %get3A_620 : vector<16xf32>
    %swap3A_622 = arith.constant 0 : index
    %swap3A_623 = tpu.vector_load %arg16[%swap3A_622] {strides = array<i32>} : memref<64xf32, #tpu.memory_space<vmem>>, vector<16xf32>,
    tpu.vector_store %arg16[%swap3A_622], %sub3A_621 {strides = array<i32>} : memref<64xf32, #tpu.memory_space<vmem>>, vector<16xf32>,
    %reduce_max3A = arith.constant true
    %reduce_max3A_624 = vector.broadcast %reduce_max3A : i1 to vector<16xi1>
    %reduce_max3A_625 = tpu.scan <max>, %max3A_618 masked %reduce_max3A_624 : vector<16xf32>, vector<16xi1> -> vector<16xf32>
    %reduce_max3A_626 = vector.extract %reduce_max3A_625[15] : f32 from vector<16xf32>
    %get3A_627 = arith.constant 0 : index
    %get3A_628 = tpu.vector_load %arg13[%get3A_627] {strides = array<i32>} : memref<128xi32, #tpu.memory_space<vmem>>, vector<16xi32>,
    %broadcast_in_dim3A_629 = arith.constant true
    %broadcast_in_dim3A_630 = vector.broadcast %broadcast_in_dim3A_629 : i1 to vector<16xi1>
    %masked_cummax3A_631 = arith.constant -2147483648 : i32
    %masked_cummax3A_632 = vector.broadcast %masked_cummax3A_631 : i32 to vector<16xi32>
    %masked_cummax3A_633 = arith.xori %get3A_628, %masked_cummax3A_632 : vector<16xi32>
    %masked_cummax3A_634 = tpu.scan <max>, %masked_cummax3A_633 masked %broadcast_in_dim3A_630 : vector<16xi32>, vector<16xi1> -> vector<16xi32>
    %masked_cummax3A_635 = arith.xori %masked_cummax3A_634, %masked_cummax3A_632 : vector<16xi32>
    %max3A_636 = arith.constant 0 : i32
    %max3A_637 = vector.broadcast %max3A_636 : i32 to vector<16xi32>
    %max3A_638 = arith.maxsi %masked_cummax3A_635, %max3A_637 : vector<16xi32>
    tpu.vector_store_idx %arg15[%add3A_613], %max3A_638 : memref<80xi32, #tpu.memory_space<vmem>>[vector<16xi32>], vector<16xi32>,
    %get3A_639 = arith.constant 0 : index
    %get3A_640 = tpu.vector_load %arg15[%get3A_639] {strides = array<i32>} : memref<80xi32, #tpu.memory_space<vmem>>, vector<16xi32>,
    %sub3A_641 = arith.subi %max3A_638, %get3A_640 : vector<16xi32>
    %swap3A_642 = arith.constant 0 : index
    %swap3A_643 = tpu.vector_load %arg17[%swap3A_642] {strides = array<i32>} : memref<64xi32, #tpu.memory_space<vmem>>, vector<16xi32>,
    tpu.vector_store %arg17[%swap3A_642], %sub3A_641 {strides = array<i32>} : memref<64xi32, #tpu.memory_space<vmem>>, vector<16xi32>,
    %reduce_max3A_644 = arith.constant true
    %reduce_max3A_645 = vector.broadcast %reduce_max3A_644 : i1 to vector<16xi1>
    %reduce_max3A_646 = arith.constant -2147483648 : i32
    %reduce_max3A_647 = vector.broadcast %reduce_max3A_646 : i32 to vector<16xi32>
    %reduce_max3A_648 = arith.xori %max3A_638, %reduce_max3A_647 : vector<16xi32>
    %reduce_max3A_649 = tpu.scan <max>, %reduce_max3A_648 masked %reduce_max3A_645 : vector<16xi32>, vector<16xi1> -> vector<16xi32>
    %reduce_max3A_650 = arith.xori %reduce_max3A_649, %reduce_max3A_647 : vector<16xi32>
    %reduce_max3A_651 = vector.extract %reduce_max3A_650[15] : i32 from vector<16xi32>
    %add3A_652 = arith.constant 17 : i32
    %add3A_653 = vector.broadcast %add3A_652 : i32 to vector<16xi32>
    %add3A_654 = arith.addi %iota3A, %add3A_653 : vector<16xi32>
    %get3A_655 = arith.constant 16 : index
    %get3A_656 = tpu.vector_load %arg12[%get3A_655] {strides = array<i32>} : memref<128xf32, #tpu.memory_space<vmem>>, vector<16xf32>,
    %broadcast_in_dim3A_657 = arith.constant true
    %broadcast_in_dim3A_658 = vector.broadcast %broadcast_in_dim3A_657 : i1 to vector<16xi1>
    %masked_cummax3A_659 = tpu.scan <max>, %get3A_656 masked %broadcast_in_dim3A_658 : vector<16xf32>, vector<16xi1> -> vector<16xf32>
    %max3A_660 = vector.broadcast %reduce_max3A_626 : f32 to vector<16xf32>
    %max3A_661 = arith.maximumf %masked_cummax3A_659, %max3A_660 : vector<16xf32>
    tpu.vector_store_idx %arg14[%add3A_654], %max3A_661 : memref<80xf32, #tpu.memory_space<vmem>>[vector<16xi32>], vector<16xf32>,
    %get3A_662 = arith.constant 16 : index
    %get3A_663 = tpu.vector_load %arg14[%get3A_662] {strides = array<i32>} : memref<80xf32, #tpu.memory_space<vmem>>, vector<16xf32>,
    %sub3A_664 = arith.subf %max3A_661, %get3A_663 : vector<16xf32>
    %swap3A_665 = arith.constant 16 : index
    %swap3A_666 = tpu.vector_load %arg16[%swap3A_665] {strides = array<i32>} : memref<64xf32, #tpu.memory_space<vmem>>, vector<16xf32>,
    tpu.vector_store %arg16[%swap3A_665], %sub3A_664 {strides = array<i32>} : memref<64xf32, #tpu.memory_space<vmem>>, vector<16xf32>,
    %reduce_max3A_667 = arith.constant true
    %reduce_max3A_668 = vector.broadcast %reduce_max3A_667 : i1 to vector<16xi1>
    %reduce_max3A_669 = tpu.scan <max>, %max3A_661 masked %reduce_max3A_668 : vector<16xf32>, vector<16xi1> -> vector<16xf32>
    %reduce_max3A_670 = vector.extract %reduce_max3A_669[15] : f32 from vector<16xf32>
    %get3A_671 = arith.constant 16 : index
    %get3A_672 = tpu.vector_load %arg13[%get3A_671] {strides = array<i32>} : memref<128xi32, #tpu.memory_space<vmem>>, vector<16xi32>,
    %broadcast_in_dim3A_673 = arith.constant true
    %broadcast_in_dim3A_674 = vector.broadcast %broadcast_in_dim3A_673 : i1 to vector<16xi1>
    %masked_cummax3A_675 = arith.constant -2147483648 : i32
    %masked_cummax3A_676 = vector.broadcast %masked_cummax3A_675 : i32 to vector<16xi32>
    %masked_cummax3A_677 = arith.xori %get3A_672, %masked_cummax3A_676 : vector<16xi32>
    %masked_cummax3A_678 = tpu.scan <max>, %masked_cummax3A_677 masked %broadcast_in_dim3A_674 : vector<16xi32>, vector<16xi1> -> vector<16xi32>
    %masked_cummax3A_679 = arith.xori %masked_cummax3A_678, %masked_cummax3A_676 : vector<16xi32>
    %max3A_680 = vector.broadcast %reduce_max3A_651 : i32 to vector<16xi32>
    %max3A_681 = arith.maxsi %masked_cummax3A_679, %max3A_680 : vector<16xi32>
    tpu.vector_store_idx %arg15[%add3A_654], %max3A_681 : memref<80xi32, #tpu.memory_space<vmem>>[vector<16xi32>], vector<16xi32>,
    %get3A_682 = arith.constant 16 : index
    %get3A_683 = tpu.vector_load %arg15[%get3A_682] {strides = array<i32>} : memref<80xi32, #tpu.memory_space<vmem>>, vector<16xi32>,
    %sub3A_684 = arith.subi %max3A_681, %get3A_683 : vector<16xi32>
    %swap3A_685 = arith.constant 16 : index
    %swap3A_686 = tpu.vector_load %arg17[%swap3A_685] {strides = array<i32>} : memref<64xi32, #tpu.memory_space<vmem>>, vector<16xi32>,
    tpu.vector_store %arg17[%swap3A_685], %sub3A_684 {strides = array<i32>} : memref<64xi32, #tpu.memory_space<vmem>>, vector<16xi32>,
    %reduce_max3A_687 = arith.constant true
    %reduce_max3A_688 = vector.broadcast %reduce_max3A_687 : i1 to vector<16xi1>
    %reduce_max3A_689 = arith.constant -2147483648 : i32
    %reduce_max3A_690 = vector.broadcast %reduce_max3A_689 : i32 to vector<16xi32>
    %reduce_max3A_691 = arith.xori %max3A_681, %reduce_max3A_690 : vector<16xi32>
    %reduce_max3A_692 = tpu.scan <max>, %reduce_max3A_691 masked %reduce_max3A_688 : vector<16xi32>, vector<16xi1> -> vector<16xi32>
    %reduce_max3A_693 = arith.xori %reduce_max3A_692, %reduce_max3A_690 : vector<16xi32>
    %reduce_max3A_694 = vector.extract %reduce_max3A_693[15] : i32 from vector<16xi32>
    %add3A_695 = arith.constant 33 : i32
    %add3A_696 = vector.broadcast %add3A_695 : i32 to vector<16xi32>
    %add3A_697 = arith.addi %iota3A, %add3A_696 : vector<16xi32>
    %get3A_698 = arith.constant 32 : index
    %get3A_699 = tpu.vector_load %arg12[%get3A_698] {strides = array<i32>} : memref<128xf32, #tpu.memory_space<vmem>>, vector<16xf32>,
    %broadcast_in_dim3A_700 = arith.constant true
    %broadcast_in_dim3A_701 = vector.broadcast %broadcast_in_dim3A_700 : i1 to vector<16xi1>
    %masked_cummax3A_702 = tpu.scan <max>, %get3A_699 masked %broadcast_in_dim3A_701 : vector<16xf32>, vector<16xi1> -> vector<16xf32>
    %max3A_703 = vector.broadcast %reduce_max3A_670 : f32 to vector<16xf32>
    %max3A_704 = arith.maximumf %masked_cummax3A_702, %max3A_703 : vector<16xf32>
    tpu.vector_store_idx %arg14[%add3A_697], %max3A_704 : memref<80xf32, #tpu.memory_space<vmem>>[vector<16xi32>], vector<16xf32>,
    %get3A_705 = arith.constant 32 : index
    %get3A_706 = tpu.vector_load %arg14[%get3A_705] {strides = array<i32>} : memref<80xf32, #tpu.memory_space<vmem>>, vector<16xf32>,
    %sub3A_707 = arith.subf %max3A_704, %get3A_706 : vector<16xf32>
    %swap3A_708 = arith.constant 32 : index
    %swap3A_709 = tpu.vector_load %arg16[%swap3A_708] {strides = array<i32>} : memref<64xf32, #tpu.memory_space<vmem>>, vector<16xf32>,
    tpu.vector_store %arg16[%swap3A_708], %sub3A_707 {strides = array<i32>} : memref<64xf32, #tpu.memory_space<vmem>>, vector<16xf32>,
    %reduce_max3A_710 = arith.constant true
    %reduce_max3A_711 = vector.broadcast %reduce_max3A_710 : i1 to vector<16xi1>
    %reduce_max3A_712 = tpu.scan <max>, %max3A_704 masked %reduce_max3A_711 : vector<16xf32>, vector<16xi1> -> vector<16xf32>
    %reduce_max3A_713 = vector.extract %reduce_max3A_712[15] : f32 from vector<16xf32>
    %get3A_714 = arith.constant 32 : index
    %get3A_715 = tpu.vector_load %arg13[%get3A_714] {strides = array<i32>} : memref<128xi32, #tpu.memory_space<vmem>>, vector<16xi32>,
    %broadcast_in_dim3A_716 = arith.constant true
    %broadcast_in_dim3A_717 = vector.broadcast %broadcast_in_dim3A_716 : i1 to vector<16xi1>
    %masked_cummax3A_718 = arith.constant -2147483648 : i32
    %masked_cummax3A_719 = vector.broadcast %masked_cummax3A_718 : i32 to vector<16xi32>
    %masked_cummax3A_720 = arith.xori %get3A_715, %masked_cummax3A_719 : vector<16xi32>
    %masked_cummax3A_721 = tpu.scan <max>, %masked_cummax3A_720 masked %broadcast_in_dim3A_717 : vector<16xi32>, vector<16xi1> -> vector<16xi32>
    %masked_cummax3A_722 = arith.xori %masked_cummax3A_721, %masked_cummax3A_719 : vector<16xi32>
    %max3A_723 = vector.broadcast %reduce_max3A_694 : i32 to vector<16xi32>
    %max3A_724 = arith.maxsi %masked_cummax3A_722, %max3A_723 : vector<16xi32>
    tpu.vector_store_idx %arg15[%add3A_697], %max3A_724 : memref<80xi32, #tpu.memory_space<vmem>>[vector<16xi32>], vector<16xi32>,
    %get3A_725 = arith.constant 32 : index
    %get3A_726 = tpu.vector_load %arg15[%get3A_725] {strides = array<i32>} : memref<80xi32, #tpu.memory_space<vmem>>, vector<16xi32>,
    %sub3A_727 = arith.subi %max3A_724, %get3A_726 : vector<16xi32>
    %swap3A_728 = arith.constant 32 : index
    %swap3A_729 = tpu.vector_load %arg17[%swap3A_728] {strides = array<i32>} : memref<64xi32, #tpu.memory_space<vmem>>, vector<16xi32>,
    tpu.vector_store %arg17[%swap3A_728], %sub3A_727 {strides = array<i32>} : memref<64xi32, #tpu.memory_space<vmem>>, vector<16xi32>,
    %reduce_max3A_730 = arith.constant true
    %reduce_max3A_731 = vector.broadcast %reduce_max3A_730 : i1 to vector<16xi1>
    %reduce_max3A_732 = arith.constant -2147483648 : i32
    %reduce_max3A_733 = vector.broadcast %reduce_max3A_732 : i32 to vector<16xi32>
    %reduce_max3A_734 = arith.xori %max3A_724, %reduce_max3A_733 : vector<16xi32>
    %reduce_max3A_735 = tpu.scan <max>, %reduce_max3A_734 masked %reduce_max3A_731 : vector<16xi32>, vector<16xi1> -> vector<16xi32>
    %reduce_max3A_736 = arith.xori %reduce_max3A_735, %reduce_max3A_733 : vector<16xi32>
    %reduce_max3A_737 = vector.extract %reduce_max3A_736[15] : i32 from vector<16xi32>
    %add3A_738 = arith.constant 49 : i32
    %add3A_739 = vector.broadcast %add3A_738 : i32 to vector<16xi32>
    %add3A_740 = arith.addi %iota3A, %add3A_739 : vector<16xi32>
    %get3A_741 = arith.constant 48 : index
    %get3A_742 = tpu.vector_load %arg12[%get3A_741] {strides = array<i32>} : memref<128xf32, #tpu.memory_space<vmem>>, vector<16xf32>,
    %broadcast_in_dim3A_743 = arith.constant true
    %broadcast_in_dim3A_744 = vector.broadcast %broadcast_in_dim3A_743 : i1 to vector<16xi1>
    %masked_cummax3A_745 = tpu.scan <max>, %get3A_742 masked %broadcast_in_dim3A_744 : vector<16xf32>, vector<16xi1> -> vector<16xf32>
    %max3A_746 = vector.broadcast %reduce_max3A_713 : f32 to vector<16xf32>
    %max3A_747 = arith.maximumf %masked_cummax3A_745, %max3A_746 : vector<16xf32>
    tpu.vector_store_idx %arg14[%add3A_740], %max3A_747 : memref<80xf32, #tpu.memory_space<vmem>>[vector<16xi32>], vector<16xf32>,
    %get3A_748 = arith.constant 48 : index
    %get3A_749 = tpu.vector_load %arg14[%get3A_748] {strides = array<i32>} : memref<80xf32, #tpu.memory_space<vmem>>, vector<16xf32>,
    %sub3A_750 = arith.subf %max3A_747, %get3A_749 : vector<16xf32>
    %swap3A_751 = arith.constant 48 : index
    %swap3A_752 = tpu.vector_load %arg16[%swap3A_751] {strides = array<i32>} : memref<64xf32, #tpu.memory_space<vmem>>, vector<16xf32>,
    tpu.vector_store %arg16[%swap3A_751], %sub3A_750 {strides = array<i32>} : memref<64xf32, #tpu.memory_space<vmem>>, vector<16xf32>,
    %reduce_max3A_753 = arith.constant true
    %reduce_max3A_754 = vector.broadcast %reduce_max3A_753 : i1 to vector<16xi1>
    %reduce_max3A_755 = tpu.scan <max>, %max3A_747 masked %reduce_max3A_754 : vector<16xf32>, vector<16xi1> -> vector<16xf32>
    %reduce_max3A_756 = vector.extract %reduce_max3A_755[15] : f32 from vector<16xf32>
    %get3A_757 = arith.constant 48 : index
    %get3A_758 = tpu.vector_load %arg13[%get3A_757] {strides = array<i32>} : memref<128xi32, #tpu.memory_space<vmem>>, vector<16xi32>,
    %broadcast_in_dim3A_759 = arith.constant true
    %broadcast_in_dim3A_760 = vector.broadcast %broadcast_in_dim3A_759 : i1 to vector<16xi1>
    %masked_cummax3A_761 = arith.constant -2147483648 : i32
    %masked_cummax3A_762 = vector.broadcast %masked_cummax3A_761 : i32 to vector<16xi32>
    %masked_cummax3A_763 = arith.xori %get3A_758, %masked_cummax3A_762 : vector<16xi32>
    %masked_cummax3A_764 = tpu.scan <max>, %masked_cummax3A_763 masked %broadcast_in_dim3A_760 : vector<16xi32>, vector<16xi1> -> vector<16xi32>
    %masked_cummax3A_765 = arith.xori %masked_cummax3A_764, %masked_cummax3A_762 : vector<16xi32>
    %max3A_766 = vector.broadcast %reduce_max3A_737 : i32 to vector<16xi32>
    %max3A_767 = arith.maxsi %masked_cummax3A_765, %max3A_766 : vector<16xi32>
    tpu.vector_store_idx %arg15[%add3A_740], %max3A_767 : memref<80xi32, #tpu.memory_space<vmem>>[vector<16xi32>], vector<16xi32>,
    %get3A_768 = arith.constant 48 : index
    %get3A_769 = tpu.vector_load %arg15[%get3A_768] {strides = array<i32>} : memref<80xi32, #tpu.memory_space<vmem>>, vector<16xi32>,
    %sub3A_770 = arith.subi %max3A_767, %get3A_769 : vector<16xi32>
    %swap3A_771 = arith.constant 48 : index
    %swap3A_772 = tpu.vector_load %arg17[%swap3A_771] {strides = array<i32>} : memref<64xi32, #tpu.memory_space<vmem>>, vector<16xi32>,
    tpu.vector_store %arg17[%swap3A_771], %sub3A_770 {strides = array<i32>} : memref<64xi32, #tpu.memory_space<vmem>>, vector<16xi32>,
    %reduce_max3A_773 = arith.constant true
    %reduce_max3A_774 = vector.broadcast %reduce_max3A_773 : i1 to vector<16xi1>
    %reduce_max3A_775 = arith.constant -2147483648 : i32
    %reduce_max3A_776 = vector.broadcast %reduce_max3A_775 : i32 to vector<16xi32>
    %reduce_max3A_777 = arith.xori %max3A_767, %reduce_max3A_776 : vector<16xi32>
    %reduce_max3A_778 = tpu.scan <max>, %reduce_max3A_777 masked %reduce_max3A_774 : vector<16xi32>, vector<16xi1> -> vector<16xi32>
    %reduce_max3A_779 = arith.xori %reduce_max3A_778, %reduce_max3A_776 : vector<16xi32>
    %reduce_max3A_780 = vector.extract %reduce_max3A_779[15] : i32 from vector<16xi32>
    %mul3A_781 = arith.constant 64 : i32
    %mul3A_782 = arith.muli %add3A, %mul3A_781 : i32
    %multiple_of3A_783 = tpu.assume_multiple %mul3A_782, 8 : i32
    "tpu.region"() ({
      %run_scoped3A = tpu.sem_alloc : memref<!tpu.dma_semaphore, #tpu.memory_space<semaphore_mem>>
      %dma_start3A_784 = tpu.memref_slice %arg5[%multiple_of3A_783] : memref<2048xf32, #tpu.memory_space<hbm>> -> memref<64xf32, #tpu.memory_space<hbm>>
      %dma_start3A_785 = tpu.memref_slice %arg5[%multiple_of3A_783] : memref<2048xf32, #tpu.memory_space<hbm>> -> memref<64xf32, #tpu.memory_space<hbm>>
      tpu.enqueue_dma source(%arg16 : memref<64xf32, #tpu.memory_space<vmem>>) target(%dma_start3A_785 : memref<64xf32, #tpu.memory_space<hbm>>) target_semaphore(%run_scoped3A : memref<!tpu.dma_semaphore, #tpu.memory_space<semaphore_mem>>)
      %dma_wait3A_786 = tpu.memref_slice %arg5[%multiple_of3A_783] : memref<2048xf32, #tpu.memory_space<hbm>> -> memref<64xf32, #tpu.memory_space<hbm>>
      %dma_wait3A_787 = tpu.memref_slice %arg5[%multiple_of3A_783] : memref<2048xf32, #tpu.memory_space<hbm>> -> memref<64xf32, #tpu.memory_space<hbm>>
      tpu.wait_dma2 semaphore(%run_scoped3A : memref<!tpu.dma_semaphore, #tpu.memory_space<semaphore_mem>>) src(%arg16 : memref<64xf32, #tpu.memory_space<vmem>>) dst(%dma_wait3A_787 : memref<64xf32, #tpu.memory_space<hbm>>)
      tpu.yield
    }) : () -> ()
    "tpu.region"() ({
      %run_scoped3A = tpu.sem_alloc : memref<!tpu.dma_semaphore, #tpu.memory_space<semaphore_mem>>
      %dma_start3A_784 = tpu.memref_slice %arg6[%multiple_of3A_783] : memref<2048xi32, #tpu.memory_space<hbm>> -> memref<64xi32, #tpu.memory_space<hbm>>
      %dma_start3A_785 = tpu.memref_slice %arg6[%multiple_of3A_783] : memref<2048xi32, #tpu.memory_space<hbm>> -> memref<64xi32, #tpu.memory_space<hbm>>
      tpu.enqueue_dma source(%arg17 : memref<64xi32, #tpu.memory_space<vmem>>) target(%dma_start3A_785 : memref<64xi32, #tpu.memory_space<hbm>>) target_semaphore(%run_scoped3A : memref<!tpu.dma_semaphore, #tpu.memory_space<semaphore_mem>>)
      %dma_wait3A_786 = tpu.memref_slice %arg6[%multiple_of3A_783] : memref<2048xi32, #tpu.memory_space<hbm>> -> memref<64xi32, #tpu.memory_space<hbm>>
      %dma_wait3A_787 = tpu.memref_slice %arg6[%multiple_of3A_783] : memref<2048xi32, #tpu.memory_space<hbm>> -> memref<64xi32, #tpu.memory_space<hbm>>
      tpu.wait_dma2 semaphore(%run_scoped3A : memref<!tpu.dma_semaphore, #tpu.memory_space<semaphore_mem>>) src(%arg17 : memref<64xi32, #tpu.memory_space<vmem>>) dst(%dma_wait3A_787 : memref<64xi32, #tpu.memory_space<hbm>>)
      tpu.yield
    }) : () -> ()
    return
  }
}

module attributes {stable_mosaic.version = 14 : i64} {
  func.func @_combine_body(%arg0: i32, %arg1: memref<32x64xf32, #tpu.memory_space<vmem>>, %arg2: memref<32x64xi32, #tpu.memory_space<vmem>>, %arg3: memref<1x1x1000xi32, #tpu.memory_space<vmem>>, %arg4: memref<1x1xf32, #tpu.memory_space<vmem>>) attributes {dimension_semantics = [#tpu.dimension_semantics<arbitrary>], iteration_bounds = array<i64: 1>, scalar_prefetch = 0 : i64, scratch_operands = 0 : i64, tpu.core_type = #tpu.core_type<tc>, window_params = [{pipeline_mode = #tpu.pipeline_mode<synchronous>, transform_indices = @transform_0, window_bounds = array<i64: 32, 64>}, {pipeline_mode = #tpu.pipeline_mode<synchronous>, transform_indices = @transform_1, window_bounds = array<i64: 32, 64>}, {transform_indices = @transform_2, window_bounds = array<i64: 1, 1, 1000>}, {pipeline_mode = #tpu.pipeline_mode<synchronous>, transform_indices = @transform_3, window_bounds = array<i64: 1, 1>}]} {
    %get3A = arith.constant 0 : index
    %get3A_0 = arith.constant 0 : index
    %get3A_1 = vector.load %arg1[%get3A, %get3A_0] : memref<32x64xf32, #tpu.memory_space<vmem>>, vector<32x64xf32>
    %reduce_sum3A = arith.constant dense<0.000000e+00> : vector<64xf32>
    %reduce_sum3A_2 = vector.multi_reduction <add>, %get3A_1, %reduce_sum3A [0] : vector<32x64xf32> to vector<64xf32>
    %broadcast_in_dim3A = vector.shape_cast %reduce_sum3A_2 : vector<64xf32> to vector<1x64xf32>
    %get3A_3 = arith.constant 0 : index
    %get3A_4 = arith.constant 0 : index
    %get3A_5 = vector.load %arg2[%get3A_3, %get3A_4] : memref<32x64xi32, #tpu.memory_space<vmem>>, vector<32x64xi32>
    %convert_element_type3A = arith.sitofp %get3A_5 : vector<32x64xi32> to vector<32x64xf32>
    %reduce_sum3A_6 = arith.constant dense<0.000000e+00> : vector<64xf32>
    %reduce_sum3A_7 = vector.multi_reduction <add>, %convert_element_type3A, %reduce_sum3A_6 [0] : vector<32x64xf32> to vector<64xf32>
    %broadcast_in_dim3A_8 = vector.shape_cast %reduce_sum3A_7 : vector<64xf32> to vector<1x64xf32>
    %get3A_9 = arith.constant 0 : index
    %get3A_10 = arith.constant 0 : index
    %get3A_11 = arith.constant 999 : index
    %get3A_12 = vector.load %arg3[%get3A_9, %get3A_10, %get3A_11] : memref<1x1x1000xi32, #tpu.memory_space<vmem>>, vector<1x1x1xi32>
    %get3A_13 = vector.extract %get3A_12[0, 0, 0] : i32 from vector<1x1x1xi32>
    %div3A = arith.divf %broadcast_in_dim3A, %broadcast_in_dim3A_8 : vector<1x64xf32>
    %iota3A = tpu.iota {dimensions = array<i32: 1>} : vector<1x64xi32>
    %lt3A = vector.broadcast %get3A_13 : i32 to vector<1x64xi32>
    %lt3A_14 = arith.cmpi slt, %iota3A, %lt3A : vector<1x64xi32>
    %jit3A = arith.constant 0.000000e+00 : f32
    %broadcast_in_dim3A_15 = vector.broadcast %jit3A : f32 to vector<1x64xf32>
    %select_n3A = arith.select %lt3A_14, %div3A, %broadcast_in_dim3A_15 : vector<1x64xi1>, vector<1x64xf32>
    %reduce_sum3A_16 = vector.shape_cast %select_n3A : vector<1x64xf32> to vector<1x1x64xf32>
    %reduce_sum3A_17 = arith.constant dense<0.000000e+00> : vector<1xf32>
    %reduce_sum3A_18 = vector.multi_reduction <add>, %reduce_sum3A_16, %reduce_sum3A_17 [1, 2] : vector<1x1x64xf32> to vector<1xf32>
    %reduce_sum3A_19 = vector.shape_cast %reduce_sum3A_18 : vector<1xf32> to vector<1x1x1xf32>
    %reduce_sum3A_20 = vector.extract %reduce_sum3A_19[0, 0, 0] : f32 from vector<1x1x1xf32>
    %add3A = arith.constant 1 : i32
    %add3A_21 = arith.addi %get3A_13, %add3A : i32
    %convert_element_type3A_22 = arith.sitofp %add3A_21 : i32 to f32
    %div3A_23 = arith.divf %reduce_sum3A_20, %convert_element_type3A_22 : f32
    %reshape3A = vector.broadcast %div3A_23 : f32 to vector<1x1xf32>
    %swap3A = arith.constant 0 : index
    %swap3A_24 = arith.constant 0 : index
    %swap3A_25 = vector.load %arg4[%swap3A, %swap3A_24] : memref<1x1xf32, #tpu.memory_space<vmem>>, vector<1x1xf32>
    tpu.vector_store %arg4[%swap3A, %swap3A_24], %reshape3A {strides = array<i32>} : memref<1x1xf32, #tpu.memory_space<vmem>>, vector<1x1xf32>,
    return
  }
  func.func @transform_0(%arg0: i32) -> (i32, i32) {
    %c0_i32 = arith.constant 0 : i32
    %c0_i32_0 = arith.constant 0 : i32
    %c0_i32_1 = arith.constant 0 : i32
    return %c0_i32, %c0_i32_0 : i32, i32
  }
  func.func @transform_1(%arg0: i32) -> (i32, i32) {
    %c0_i32 = arith.constant 0 : i32
    %c0_i32_0 = arith.constant 0 : i32
    %c0_i32_1 = arith.constant 0 : i32
    return %c0_i32, %c0_i32_0 : i32, i32
  }
  func.func @transform_2(%arg0: i32) -> (i32, i32, i32) {
    %c99_i32 = arith.constant 99 : i32
    %c0_i32 = arith.constant 0 : i32
    %c0_i32_0 = arith.constant 0 : i32
    %c0_i32_1 = arith.constant 0 : i32
    return %c99_i32, %c0_i32, %c0_i32_0 : i32, i32, i32
  }
  func.func @transform_3(%arg0: i32) -> (i32, i32) {
    %c0_i32 = arith.constant 0 : i32
    %c0_i32_0 = arith.constant 0 : i32
    %c0_i32_1 = arith.constant 0 : i32
    return %c0_i32, %c0_i32_0 : i32, i32
  }
}

</mosaic_0001>

<sc_bundles>
// kernel: kernel.4.cloned.1.call-start
scs
__scs_entry_jumppad:
0x0: {  	(pc) =	sbr.rel $0x88, $3  }
0x1: {  	(tag) =	ssettag $0x0;
	lr =	simm.s32 $0x1  }
0x2: {  	[smem:$0x3F9F] =	sst lr;
	_ =	strace $0xD0000000  }
0x3: {  	_ = 	snop  }
0x4: {  	_ = 	snop  }
0x5: {  	_ = 	snop  }
0x6: {  	_ = 	snop  }
0x7: {  	_ = 	snop  }
__scs_overlays_trampoline_lowered:
0x8: {  	[smem:$0x3FAE] =	sst s0  }
0x9: {  	[smem:$0x3FAF] =	sst s1  }
0xa: {  	[smem:$0x3FB0] =	sst s2  }
0xb: {  	[smem:$0x3FB1] =	sst s3  }
0xc: {  	[smem:$0x3FB2] =	sst s4  }
0xd: {  	[smem:$0x3FB3] =	sst s5  }
0xe: {  	[smem:$0x3FB4] =	sst s6  }
0xf: {  	[smem:$0x3FB5] =	sst s7  }
0x10: {  	[smem:$0x3FB6] =	sst s8  }
0x11: {  	[smem:$0x3FB7] =	sst s9;
	s0 =	simm.s32 @!p0 $0x0  }
0x12: {  	s1 =	sld [smem:$0x3F9D];
	s0 =	simm.s32 @p0 $0x1  }
0x13: {  	[smem:$0x3FB8] =	sst s0;
	s0 =	simm.s32 @!p1 $0x0  }
0x14: {  	s2 =	sld [smem:$0x3F9C];
	s0 =	simm.s32 @p1 $0x1  }
0x15: {  	[smem:$0x3FB9] =	sst s0;
	s0 =	simm.s32 @!p2 $0x0  }
0x16: {  	s3 =	sld [smem:$0x3FDB];
	s0 =	simm.s32 @p2 $0x1  }
0x17: {  	s4 =	simm.s32 $0x1BF5;
	[smem:$0x3FBB] =	sst s0  }
0x18: {  	s0 =	sld [smem:$0x3F9E];
	_ =	swait.ge [sflag:s4], $0x0  }
0x19: {  	s7 =	sld [smem:$0x3F9F]  }
0x1a: {  	s8 =	sadd.s32 $0xFFFFE003, lr  }
0x1b: {  	s9 =	sadd.s32 $0xFFFFFEF7, lr;
	s5 =	simm.s32 $0xFFFFFFFF;
	p2 =	slt.u32 s8, $0xFFFFF086  }
0x1c: {  	p1 =	slt.u32 s9, $0xF7A;
	s5 =	simm.s32 @!p2 $0x0  }
0x1d: {  	s5 =	simm.s32 @p1 $0x1;
	p0 =	seq.s32 s7, s2  }
0x1e: {  	s7 =	smul.u32 @!p0 $0xF7A, s2;
	p2 =	seq.s32 @!p0 s5, $0x0  }
0x1f: {  	s9 =	smul.u32 $0xF7A, s1;
	s8 =	simm.s32 @!p0 $0x1BF5;
	p2 =	por !p2, p0  }
0x20: {  	[sflag:s8] =	ssyncset.s32 @!p0 $0xFFFFF086;
	s6 =	sadd.s32 @!p0 s3, s7;
	s7 =	simm.s32 @!p0 $0x108  }
0x21: {  	s3 =	sadd.s32 s3, s9;
	s6 =	sadd.s32 @!p0 $0x88, s6;
	s7 =	simm.s32 @p2 $0x1082  }
0x22: {  	[simem:s7], [sflag:s8] =	dma.local @!p0 [hbm:s6], $0xF7A  }
0x23: {  	s9 =	sor.u32 $0xD0000000, s2;
	s6 =	simm.s32 $0x108;
	_ =	swait.ge @!p0 [sflag:s8], $0x0  }
0x24: {  	s3 =	sadd.s32 $0x88, s3;
	s6 =	simm.s32 @!p1 $0x1082;
	[sflag:s4] =	ssyncset.s32 $0xFFFFF086  }
0x25: {  	[simem:s6], [sflag:s4] =	dma.local [hbm:s3], $0xF7A  }
0x26: {  	[smem:$0x3F9F] =	sst s1;
	(tag) =	ssettag s2;
	_ =	strace s9  }
0x27: {  	s1 =	sld [smem:$0x3FAF]  }
0x28: {  	s2 =	sld [smem:$0x3FB0]  }
0x29: {  	s4 =	sld [smem:$0x3FB2]  }
0x2a: {  	p0 =	seq.s32 s5, $0x0;
	s5 =	sld [smem:$0x3FB3]  }
0x2b: {  	s6 =	sld [smem:$0x3FB4]  }
0x2c: {  	s7 =	sld [smem:$0x3FB5]  }
0x2d: {  	s3 =	simm.s32 $0x108;
	s8 =	sld [smem:$0x3FB6]  }
0x2e: {  	s3 =	simm.s32 @!p0 $0x1082;
	s9 =	sld [smem:$0x3FB7]  }
0x2f: {  	lr =	sadd.s32 s0, s3;
	s0 =	sld [smem:$0x3FAE]  }
0x30: {  	s3 =	sld [smem:$0x3FB1]  }
0x31: {  	[smem:$0x3FBA] =	sst s10  }
0x32: {  	s10 =	sld [smem:$0x3FB8];
	_ =	sdelay $0x3  }
0x33: {  	p0 =	seq.s32 s10, $0x1;
	s10 =	sld [smem:$0x3FBA];
	_ =	sdelay $0x3  }
0x34: {  	[smem:$0x3FBA] =	sst s10  }
0x35: {  	s10 =	sld [smem:$0x3FB9];
	_ =	sdelay $0x3  }
0x36: {  	p1 =	seq.s32 s10, $0x1;
	s10 =	sld [smem:$0x3FBA];
	_ =	sdelay $0x3  }
0x37: {  	[smem:$0x3FBA] =	sst s10  }
0x38: {  	s10 =	sld [smem:$0x3FBB]  }
0x39: {  	_ = 	snop;
	(pc) =	sbr.ind lr, $3  }
0x3a: {  	_ = 	snop  }
0x3b: {  	_ = 	snop  }
0x3c: {  	p2 =	seq.s32 s10, $0x1;
	s10 =	sld [smem:$0x3FBA]  }
0x3d: {  	_ =	shalt  }
0x3e: {  	_ =	shalt  }
0x3f: {  	_ =	shalt  }
0x40: {  	_ =	shalt  }
0x41: {  	_ =	shalt  }
0x42: {  	_ =	shalt  }
0x43: {  	_ =	shalt  }
0x44: {  	_ =	shalt  }
0x45: {  	_ =	shalt  }
0x46: {  	_ =	shalt  }
0x47: {  	_ =	shalt  }
0x48: {  	_ =	shalt  }
0x49: {  	_ =	shalt  }
0x4a: {  	_ =	shalt  }
0x4b: {  	_ =	shalt  }
0x4c: {  	_ =	shalt  }
0x4d: {  	_ =	shalt  }
0x4e: {  	_ =	shalt  }
0x4f: {  	_ =	shalt  }
0x50: {  	_ =	shalt  }
0x51: {  	_ =	shalt  }
0x52: {  	_ =	shalt  }
0x53: {  	_ =	shalt  }
0x54: {  	_ =	shalt  }
0x55: {  	_ =	shalt  }
0x56: {  	_ =	shalt  }
0x57: {  	_ =	shalt  }
0x58: {  	_ =	shalt  }
0x59: {  	_ =	shalt  }
0x5a: {  	_ =	shalt  }
0x5b: {  	_ =	shalt  }
0x5c: {  	_ =	shalt  }
0x5d: {  	_ =	shalt  }
0x5e: {  	_ =	shalt  }
0x5f: {  	_ =	shalt  }
0x60: {  	_ =	shalt  }
0x61: {  	_ =	shalt  }
0x62: {  	_ =	shalt  }
0x63: {  	_ =	shalt  }
0x64: {  	_ =	shalt  }
0x65: {  	_ =	shalt  }
0x66: {  	_ =	shalt  }
0x67: {  	_ =	shalt  }
0x68: {  	_ =	shalt  }
0x69: {  	_ =	shalt  }
0x6a: {  	_ =	shalt  }
0x6b: {  	_ =	shalt  }
0x6c: {  	_ =	shalt  }
0x6d: {  	_ =	shalt  }
0x6e: {  	_ =	shalt  }
0x6f: {  	_ =	shalt  }
0x70: {  	_ =	shalt  }
0x71: {  	_ =	shalt  }
0x72: {  	_ =	shalt  }
0x73: {  	_ =	shalt  }
0x74: {  	_ =	shalt  }
0x75: {  	_ =	shalt  }
0x76: {  	_ =	shalt  }
0x77: {  	_ =	shalt  }
0x78: {  	_ =	shalt  }
0x79: {  	_ =	shalt  }
0x7a: {  	_ =	shalt  }
0x7b: {  	_ =	shalt  }
0x7c: {  	_ =	shalt  }
0x7d: {  	_ =	shalt  }
0x7e: {  	_ =	shalt  }
0x7f: {  	_ =	shalt  }
0x80: {  	_ =	shalt  }
0x81: {  	_ =	shalt  }
0x82: {  	_ =	shalt  }
0x83: {  	_ =	shalt  }
0x84: {  	_ =	shalt  }
0x85: {  	_ =	shalt  }
0x86: {  	_ =	shalt  }
0x87: {  	_ =	shalt  }
.Lfunc_end0:
.L_simem_size_0:
called_computation_lowered:
.L_overlay_start_0:
0x88: {  	s2 =	sld [smem:$0x3FD9]  }
0x89: {  	s3 =	sld [smem:$0x3FFE];
	_ =	sdelay $0x1  }
0x8a: {  	s1 =	srdreg.scid  }
0x8b: {  	s0 =	sand.u32 $0x1, s1  }
0x8c: {  	s14 =	sshll.u32 s0, $0xA;
	s2 =	sadd.s32 s3, s2  }
0x8d: {  	s2 =	sadd.s32 s2, s14  }
0x8e: {  	[smem:$0x3FC6] =	sst s2  }
0x8f: {  	_ = 	snop  }
0x90: {  	s2 =	sld [smem:$0x3FD0];
	_ =	sdelay $0x1  }
0x91: {  	s15 =	sld [smem:$0x3FC9]  }
0x92: {  	s5 =	simm.s32 $0xA;
	s6 =	simm.s32 $0x10;
	s4 =	sld [smem:$0x3FC8]  }
0x93: {  	[smem:s6], [sflag:s5] =	dma.local [hbm:s2], $0x1  }
0x94: {  	_ =	swait.eq [sflag:s5], $0x1  }
0x95: {  	[sflag:s5] =	ssyncset.done $0x0  }
0x96: {  	[sflag:s5] =	ssyncadd.s32 $0xFFFFFFFF  }
0x97: {  	s16 =	sld [smem:$0x10];
	(tm) =	ssettm $0x1  }
0x98: {  	s17 =	sld [smem:$0x3FFB];
	_ =	sdelay $0x3  }
0x99: {  	_ =	strace s17  }
0x9a: {  	s5 =	sld [smem:$0x3FFC];
	_ =	sdelay $0x3  }
0x9b: {  	_ =	strace s5  }
0x9c: {  	s5 =	sld [smem:$0x3FFD];
	_ =	sdelay $0x3  }
0x9d: {  	_ =	strace s5  }
0x9e: {  	_ =	strace $0x8FFFFFFF  }
0x9f: {  	s18 =	sld [smem:$0x3FDB];
	_ =	sdelay $0x1  }
0xa0: {  	s19 =	simm.s32 $_scs_section_size  }
0xa1: {  	s7 =	simm.s32 $_size__tile_overlayer_lowered;
	s8 =	simm.s32 $_tile_overlayer_lowered  }
0xa2: {  	s22 =	simm.s32 $0x1BFF;
	s21 =	sshll.u32 s8, $0x1;
	s5 =	sadd.s32 s19, s18  }
0xa3: {  	s9 =	simm.s32 $0x0;
	s20 =	sshll.u32 s7, $0x1;
	s7 =	sadd.s32 s21, s5  }
0xa4: {  	[timem:s9], [sflag:s22] =	dma.local [hbm:s7], s20  }
0xa5: {  	_ =	swait.ge [sflag:s22], s20  }
0xa6: {  	s6 =	ssub.s32 $0x0, s20;
	[sflag:s22] =	ssyncset.done $0x0  }
0xa7: {  	[sflag:s22] =	ssyncadd.s32 s6;
	_ =	sdelay $0x1  }
0xa8: {  	s23 =	simm.s32 $0x1B8B  }
0xa9: {  	_ =	swait.ge [sflag:s23], $0x1  }
0xaa: {  	[sflag:s23] =	ssyncset.done $0x0  }
0xab: {  	s25 =	simm.s32 $0x1B8E;
	s24 =	sld [smem:$0x3FFE];
	[sflag:s23] =	ssyncadd.s32 $0xFFFFFFFF  }
0xac: {  	s26 =	simm.s32 $execute0_lowered;
	[smem:$0x3FD2] =	sst s25  }
0xad: {  	s7 =	sshll.u32 s26, $0x1;
	_ =	strace $0x80000046;
	[dreg:$0x1] =	wrdreg $0xFFFFFFFF  }
0xae: {  	s28 =	simm.s32 $_size_execute0_lowered;
	s5 =	sadd.s32 s5, s7;
	[dreg:$0x0] =	wrdreg $0x0  }
0xaf: {  	s7 =	sshll.u32 s28, $0x1;
	[dreg:$0x2] =	wrdreg s5  }
0xb0: {  	[dreg:$0x3] =	wrdreg s7  }
0xb1: {  	[dreg:$0x4] =	wrdreg $0xC0  }
0xb2: {  	_ =	task [dreg:s9], $0x5FFFF  }
0xb3: {  	[dreg:$0x1] =	wrdreg $0xFFFFFFFF  }
0xb4: {  	[dreg:$0x0] =	wrdreg $0x60  }
0xb5: {  	[dreg:$0x2] =	wrdreg s15  }
0xb6: {  	[dreg:$0x3] =	wrdreg s4  }
0xb7: {  	[dreg:$0x4] =	wrdreg s16  }
0xb8: {  	[dreg:$0x5] =	wrdreg s24  }
0xb9: {  	[dreg:$0x6] =	wrdreg $0x9  }
0xba: {  	_ =	task.clear_ibuf [dreg:s9], $0x7FFFF;
	_ =	strace $0x90000046  }
0xbb: {  	s29 =	simm.s32 $0x9;
	_ =	strace $0x80000048  }
0xbc: {  	_ =	swait.ge [sflag:s29], $0x1  }
0xbd: {  	[sflag:s29] =	ssyncadd.s32 $0xFFFFFFFF  }
0xbe: {  	_ =	strace $0x90000048  }
0xbf: {  	_ =	sfence  }
0xc0: {  	s30 =	sld [smem:$0x0];
	_ =	sdelay $0x2  }
0xc1: {  	s31 =	sshll.u32 s1, $0xD;
	s1 =	sshrl.u32 s1, $0x2  }
0xc2: {  	s3 =	sand.u32 $0x4000, s31;
	s1 =	sadd.s32 s1, s30  }
0xc3: {  	s0 =	sor.u32 s3, s0;
	s1 =	sshll.u32 s1, $0x11  }
0xc4: {  	s0 =	sor.u32 s1, s0  }
0xc5: {  	s0 =	sadd.s32 $0x8F2B, s0  }
0xc6: {  	[sflag:s0] =	ssyncadd.remote.s32 $0x1  }
0xc7: {  	_ =	sfence.sel $0xFFFF  }
0xc8: {  	[dreg:$0x0] =	wrdreg $0xFFFFFFFF;
	(pc) =	sbr.abs _section_cstart, $3  }
0xc9: {  	[dreg:$0x1] =	wrdreg $0xFFFFFFFF  }
0xca: {  	_ =	task.clear_ibuf [dreg:s9], $0x2FFFF;
	_ =	strace $0x9FFFFFFF  }
0xcb: {  	(tm) =	ssettm $0x7FFFFFFF  }
tec
execute0_lowered:
.L_overlay_start_1:
0x0: {  	(tag) =	ssettag $0x1  }
0x1: {  	s0 =	rddreg [dreg:$0x0]  }
0x2: {  	s2 =	rddreg [dreg:$0x1]  }
0x3: {  	s1 =	srdreg.scid;
	s4 =	rddreg [dreg:$0x2]  }
0x4: {  	s12 =	stileid.u32;
	s6 =	rddreg [dreg:$0x3]  }
0x5: {  	s31 =	simm.s32 $0x1D400;
	s3 =	sand.u32 $0x1, s1;
	s15 =	sshll.u32 s12, $0x1  }
0x6: {  	s1 =	simm.s32 $0x0;
	s5 =	sor.u32 s3, s15;
	s15 =	smul.u32 $0x186A, s12  }
0x7: {  	[smem:$0x7FF] =	sst s1;
	s16 =	ssub.s32 $0x2, s3;
	s7 =	smul.u32 $0xC35, s5  }
0x8: {  	s3 =	smul.u32 $0xC35, s3;
	s12 =	simm.s32 $0x1EE00;
	s8 =	sshll.u32 s5, $0x3  }
0x9: {  	s10 =	sshrl.u32 s16, $0x1;
	s11 =	smul.u32 $0x61A80, s5;
	s9 =	sand.u32 $0x1FFF8, s7  }
0xa: {  	s5 =	smul.u32 $0xC350, s5;
	s6 =	sadd.s32 s8, s6;
	s9 =	smin.u32 s9, $0x17A60  }
0xb: {  	s8 =	ssub.s32 s16, s10;
	s3 =	sadd.s32 s3, s15;
	s17 =	sshrl.u32 s9, $0x3  }
0xc: {  	s15 =	simm.s32 $0x0;
	s18 =	sadd.s32 s0, s5;
	s2 =	sadd.s32 s2, s17  }
0xd: {  	s5 =	sadd.s32 s4, s5;
	[dreg:$0x5] =	wrdreg s2;
	s2 =	sshrl.u32 s11, $0x3  }
0xe: {  	s28 =	sadd.s32 $0xA00, s6;
	[dreg:$0x6] =	wrdreg s18;
	s19 =	sadd.s32 $0x1380, s2  }
0xf: {  	[dreg:$0x9] =	wrdreg s5;
	s20 =	sadd.s32 $0x2700, s2;
	s21 =	sadd.s32 s0, s19  }
0x10: {  	s23 =	sadd.s32 $0x3A80, s2;
	s22 =	sadd.s32 s0, s20;
	[dreg:$0x7] =	wrdreg s21  }
0x11: {  	s7 =	ssub.s32 s7, s9;
	s24 =	sadd.s32 s0, s23;
	[dreg:$0x8] =	wrdreg s22  }
0x12: {  	s25 =	sadd.s32 $0x4E00, s2;
	s9 =	sadd.s32 s4, s19;
	[dreg:$0xa] =	wrdreg s24  }
0x13: {  	s29 =	sadd.s32 $0xC00, s6;
	s26 =	sadd.s32 s0, s25;
	[dreg:$0xb] =	wrdreg s9  }
0x14: {  	s13 =	sadd.s32 $0x6180, s2;
	s10 =	sadd.s32 s4, s20;
	[dreg:$0xc] =	wrdreg s26  }
0x15: {  	s30 =	smax.u32 s8, $0x1;
	s14 =	sadd.s32 s0, s13;
	[dreg:$0xd] =	wrdreg s10  }
0x16: {  	s16 =	sadd.s32 $0x7500, s2;
	s11 =	sadd.s32 s4, s23;
	[dreg:$0xe] =	wrdreg s14  }
0x17: {  	s6 =	simm.s32 $0x2;
	s17 =	sadd.s32 s0, s16;
	[dreg:$0xf] =	wrdreg s11  }
0x18: {  	s18 =	sadd.s32 $0x8880, s2;
	s5 =	sadd.s32 s4, s25;
	[dreg:$0x10] =	wrdreg s17  }
0x19: {  	s8 =	simm.s32 $0x3;
	s19 =	sadd.s32 s0, s18;
	[dreg:$0x11] =	wrdreg s5  }
0x1a: {  	v0 =	vlaneseq.u32;
	s7 =	sadd.s32 $0xC35, s7;
	s20 =	sadd.s32 s4, s16;
	[dreg:$0x12] =	wrdreg s19  }
0x1b: {  	v1 =	vadd.s32 s7, v0;
	s7 =	simm.s32 $0x5;
	s9 =	sadd.s32 s4, s13;
	[dreg:$0x14] =	wrdreg s20  }
0x1c: {  	s5 =	sadd.s32 s4, s18;
	s21 =	sadd.s32 $0x9C00, s2;
	s22 =	sadd.s32 $0xAF80, s2  }
0x1d: {  	s2 =	sadd.s32 $0xC300, s2;
	s26 =	sand.u32 $0x3FFF8, s3;
	s10 =	simm.s32 $0x1ED00  }
0x1e: {  	s11 =	simm.s32 $0x1ED80;
	s13 =	simm.s32 $0x1EE80;
	[dreg:$0x13] =	wrdreg s9  }
0x1f: {  	s14 =	simm.s32 $0x8;
	[dreg:$0x15] =	wrdreg s5;
	s24 =	sadd.s32 s0, s21  }
0x20: {  	s25 =	sadd.s32 s0, s22;
	s0 =	sadd.s32 s0, s2;
	[dreg:$0x16] =	wrdreg s24  }
0x21: {  	vm0 =	vcmask $0x3F3C;
	s23 =	sadd.s32 s4, s21;
	s5 =	simm.s32 $0x4;
	[dreg:$0x17] =	wrdreg s25  }
0x22: {  	s9 =	simm.s32 $0x6;
	[dreg:$0x18] =	wrdreg s0;
	s24 =	sadd.s32 s4, s22  }
0x23: {  	v2 =	vimm.s32 $0x7F;
	v3 =	vimm.f32 $0.0e+00;
	s0 =	smin.u32 s26, $0x17A60;
	s25 =	sadd.s32 s4, s2;
	s22 =	simm.s32 $0x9C00  }
0x24: {  	v4 =	vimm.s32 $0xC30;
	v5 =	vimm.s32 $0xC31;
	v6 =	vimm.s32 $0xC32;
	s2 =	simm.s32 $0x7;
	s4 =	simm.s32 $0x1E080;
	s26 =	ssub.s32 s3, s0  }
0x25: {  	v7 =	vimm.s32 $0xC33;
	v8 =	vimm.s32 $0xC34;
	v9 =	vimm.s32 $0x0;
	_ =	strace $0x80000047;
	s0 =	simm.s32 $0x13800;
	s3 =	simm.s32 $0x1  }
.LBB2_1:
0x26: {  	s16 =	rddreg [dreg:$0x5]  }
0x27: {  	[tilespmem:s31], [sflag:$0x7] =	stream.linear.gather [hbm4b:s16+s1], $0xC40, $0x38;
	[tilespmem:$0x1F000] =	vst v63  }
0x28: {  	s17 =	rddreg [dreg:$0x6]  }
0x29: {  	[tilespmem:s1], [sflag:$0x1] =	stream.linear.gather [hbm4b:s17+s1], $0x9C00, $0x38;
	[tilespmem:$0x1F000] =	vst v63  }
0x2a: {  	s18 =	rddreg [dreg:$0x7]  }
0x2b: {  	[tilespmem:s22], [sflag:$0x2] =	stream.linear.gather [hbm4b:s18+s1], $0x9C00, $0x38;
	[tilespmem:$0x1F000] =	vst v63  }
0x2c: {  	s19 =	rddreg [dreg:$0x8]  }
0x2d: {  	[tilespmem:s0], [sflag:$0x3] =	stream.linear.gather [hbm4b:s19+s1], $0x9C00, $0x38;
	[tilespmem:$0x1F000] =	vst v63  }
0x2e: {  	_ =	swait.ge [sflag:s2], $0xC40  }
0x2f: {  	[sflag:s2] =	ssyncset.done $0x0  }
0x30: {  	[sflag:s2] =	ssyncadd.s32 $0xFFFFF3C0  }
0x31: {  	[tilespmem:v1+s31+$0x0] =	vst.idx.msk $0xffff, v2  }
0x32: {  	[tilespmem:$0x1ECB0] =	vst v3  }
0x33: {  	_ =	swait.ge [sflag:s3], $0x9C00  }
0x34: {  	[sflag:s3] =	ssyncset.done $0x0  }
0x35: {  	s21 =	simm.s32 $0x100;
	s20 =	rddreg [dreg:$0x9];
	[sflag:s3] =	ssyncadd.s32 $0xFFFF6400  }
0x36: {  	[hbm4b:s20+s1] =	stream.linear.scatter [tilespmem:s1], [sflag:$0x4], $0x9C00, $0x38;
	[tilespmem:$0x1F000] =	vst v63  }
0x37: {  	v10 =	vld [tilespmem:s21+$0x80]  }
0x38: {  	v11 =	vld [tilespmem:s21+$0x90];
	_ =	sdelay $0x1  }
0x39: {  	v13 =	vld [tilespmem:s21+$0xA0]  }
0x3a: {  	v12 =	vld [tilespmem:s21+$0xFFFFFF10]  }
0x3b: {  	v15 =	vld [tilespmem:s21+$0xB0]  }
0x3c: {  	v14 =	vld [tilespmem:s21+$0xFFFFFF80];
	v10 =	vmul.f32 v10, v10;
	v11 =	vmul.f32 v11, v11  }
0x3d: {  	v17 =	vld [tilespmem:s21+$0xC0]  }
0x3e: {  	v16 =	vld [tilespmem:s21+$0xFFFFFF90];
	v10 =	vadd.f32 v11, v10;
	v11 =	vmul.f32 v13, v13  }
0x3f: {  	v13 =	vld [tilespmem:s21+$0xD0]  }
0x40: {  	v18 =	vld [tilespmem:s21+$0x0];
	v10 =	vadd.f32 v11, v10;
	v11 =	vmul.f32 v15, v15  }
0x41: {  	v15 =	vld [tilespmem:s21+$0xE0]  }
0x42: {  	v20 =	vld [tilespmem:s21+$0xFFFFFF00];
	v10 =	vadd.f32 v11, v10;
	v11 =	vmul.f32 v17, v17  }
0x43: {  	v17 =	vld [tilespmem:s21+$0xF0]  }
0x44: {  	v19 =	vld [tilespmem:s21+$0x10];
	v10 =	vadd.f32 v11, v10;
	v11 =	vmul.f32 v13, v13  }
0x45: {  	v21 =	vld [tilespmem:s21+$0xFFFFFF20]  }
0x46: {  	v22 =	vld [tilespmem:s21+$0x20];
	v10 =	vadd.f32 v11, v10;
	v11 =	vmul.f32 v15, v15  }
0x47: {  	v12 =	vmul.f32 v12, v12;
	v13 =	vld [tilespmem:s21+$0xFFFFFFA0]  }
0x48: {  	v20 =	vmul.f32 v20, v20;
	v15 =	vld [tilespmem:s21+$0xFFFFFF30];
	v10 =	vadd.f32 v11, v10;
	v11 =	vmul.f32 v17, v17  }
0x49: {  	v23 =	vld [tilespmem:s21+$0xFFFFFFB0];
	v14 =	vmul.f32 v14, v14;
	v16 =	vmul.f32 v16, v16  }
0x4a: {  	v12 =	vadd.f32 v12, v20;
	v20 =	vmul.f32 v21, v21;
	v17 =	vld [tilespmem:s21+$0x30];
	v10 =	vadd.f32 v11, v10  }
0x4b: {  	v11 =	vmul.f32 v18, v18;
	v18 =	vmul.f32 v19, v19;
	v19 =	vld [tilespmem:s21+$0xFFFFFFC0]  }
0x4c: {  	v14 =	vadd.f32 v16, v14;
	v12 =	vadd.f32 v20, v12;
	v13 =	vmul.f32 v13, v13;
	(xrf2) =	vadd.scan.msk.f32 $0xffff, v10;
	v10 =	vld [tilespmem:s21+$0x40]  }
0x4d: {  	v24 =	vld [tilespmem:s21+$0xFFFFFF40];
	v15 =	vmul.f32 v15, v15;
	v11 =	vadd.f32 v18, v11;
	v18 =	vmul.f32 v22, v22  }
0x4e: {  	v20 =	vld [tilespmem:s21+$0xFFFFFFD0];
	v13 =	vadd.f32 v13, v14;
	v14 =	vmul.f32 v23, v23  }
0x4f: {  	v16 =	vld [tilespmem:s21+$0xFFFFFF50];
	v12 =	vadd.f32 v15, v12;
	v15 =	vmul.f32 v17, v17;
	v11 =	vadd.f32 v18, v11  }
0x50: {  	v60 =	vld [tilespmem:s21+$0x50];
	v13 =	vadd.f32 v14, v13  }
0x51: {  	s17 =	simm.s32 $0x3;
	v17 =	vld [tilespmem:s21+$0xFFFFFF60];
	v14 =	vmul.f32 v19, v19;
	v11 =	vadd.f32 v15, v11;
	v10 =	vmul.f32 v10, v10  }
0x52: {  	v62 =	vmov s17;
	v18 =	vmul.f32 v24, v24;
	v19 =	vld [tilespmem:s21+$0xFFFFFFE0]  }
0x53: {  	v61 =	vld [tilespmem:s21+$0x60];
	v13 =	vadd.f32 v14, v13;
	v14 =	vmul.f32 v20, v20;
	v20 =	vadd.f32 v10, v11  }
0x54: {  	v16 =	vmul.f32 v16, v16;
	v15 =	vadd.f32 v18, v12;
	v12 =	vld [tilespmem:s21+$0xFFFFFF70]  }
0x55: {  	v21 =	vmul.f32 v60, v60;
	v10 =	vld [tilespmem:s21+$0xFFFFFFF0]  }
0x56: {  	s18 =	simm.s32 $0x300;
	v63 =	vadd.f32 v16, v15;
	v17 =	vmul.f32 v17, v17;
	v11 =	vld [tilespmem:s21+$0x70]  }
0x57: {  	v16 =	vld [tilespmem:s18+$0x90];
	v14 =	vadd.f32 v14, v13;
	v18 =	vmul.f32 v19, v19;
	v15 =	vadd.f32 v21, v20;
	v20, _, _ =	vpop (xrf2)  }
0x58: {  	s16 =	simm.s32 $0x4;
	s17 =	simm.s32 $0x0;
	s19 =	simm.s32 $0x8;
	v13 =	vld [tilespmem:s18+$0x80];
	v17 =	vadd.f32 v17, v63;
	v19 =	vmul.f32 v61, v61;
	[tilespmem:v62+s4+$0x0] =	vst.idx.msk vm0, v20  }
.LBB2_2:
0x59: {  	p0 =	slt.u32 s19, $0x134;
	v20 =	vld [tilespmem:s18+$0xFFFFFF10];
	v12 =	vmul.f32 v12, v12;
	v14 =	vadd.f32 v18, v14  }
0x5a: {  	v18 =	vld [tilespmem:s18+$0xA0];
	v10 =	vmul.f32 v10, v10;
	v15 =	vadd.f32 v19, v15  }
0x5b: {  	v19 =	vld [tilespmem:s18+$0xFFFFFF80];
	v12 =	vadd.f32 v12, v17;
	v11 =	vmul.f32 v11, v11  }
0x5c: {  	v17 =	vld [tilespmem:s18+$0xB0];
	v10 =	vadd.f32 v10, v14  }
0x5d: {  	v13 =	vmul.f32 v13, v13;
	v14 =	vld [tilespmem:s18+$0xFFFFFF90];
	v16 =	vmul.f32 v16, v16;
	v11 =	vadd.f32 v11, v15;
	(xrf2) =	vadd.scan.msk.f32 $0xffff, v12  }
0x5e: {  	v12 =	vmul.f32 v20, v20;
	v15 =	vld [tilespmem:s18+$0xC0]  }
0x5f: {  	v20 =	vld [tilespmem:s18+$0x0];
	v13 =	vadd.f32 v16, v13;
	v16 =	vmul.f32 v18, v18  }
0x60: {  	v21 =	vmov s17;
	v18 =	vmul.f32 v19, v19;
	v19 =	vld [tilespmem:s18+$0xD0];
	(xrf2) =	vadd.scan.msk.f32 $0xffff, v10  }
0x61: {  	v10 =	vld [tilespmem:s18+$0x10];
	v13 =	vadd.f32 v16, v13;
	v16 =	vmul.f32 v17, v17;
	v17 =	vand.u32 $0xFFFFFFFC, v21  }
0x62: {  	s20 =	sadd.s32 $0x1, s17;
	v14 =	vmul.f32 v14, v14;
	v21 =	vld [tilespmem:s18+$0xE0];
	v17 =	vbroadcast v17, $0x0  }
0x63: {  	v22 =	vld [tilespmem:s18+$0xFFFFFF00];
	v13 =	vadd.f32 v16, v13;
	v15 =	vmul.f32 v15, v15;
	v16 =	vmov s20;
	(xrf2) =	vadd.scan.msk.f32 $0xffff, v11  }
0x64: {  	v11 =	vadd.f32 v14, v18;
	v14 =	vmul.f32 v20, v20;
	v18 =	vld [tilespmem:s18+$0xF0];
	v16 =	vand.u32 $0xFFFFFFFD, v16  }
0x65: {  	s20 =	sadd.s32 $0x2, s17;
	s17 =	smov.u32 s16;
	s16 =	smov.u32 s19;
	v20 =	vld [tilespmem:s18+$0xFFFFFF20];
	v13 =	vadd.f32 v15, v13;
	v15 =	vmul.f32 v19, v19;
	v16 =	vbroadcast v16, $0x0  }
0x66: {  	v25 =	vmov s20;
	v19 =	vld [tilespmem:s18+$0xFFFFFFA0];
	v10 =	vmul.f32 v10, v10  }
0x67: {  	v24 =	vld [tilespmem:s18+$0x20];
	v13 =	vadd.f32 v15, v13;
	v15 =	vmul.f32 v21, v21;
	v21 =	vand.u32 $0xFFFFFFFE, v25;
	v23, _, _ =	vpop (xrf2)  }
0x68: {  	v22 =	vmul.f32 v22, v22;
	v25 =	vld [tilespmem:s18+$0xFFFFFF30];
	v10 =	vadd.f32 v10, v14;
	[tilespmem:v17+s4+$0x0] =	vst.idx.msk vm0, v23;
	v14 =	vbroadcast v21, $0x0  }
0x69: {  	v17 =	vld [tilespmem:s18+$0xFFFFFFB0];
	v13 =	vadd.f32 v15, v13;
	v15 =	vmul.f32 v18, v18  }
0x6a: {  	v12 =	vadd.f32 v12, v22;
	v18 =	vmul.f32 v20, v20;
	v20 =	vld [tilespmem:s18+$0x30];
	v21, _, _ =	vpop (xrf2)  }
0x6b: {  	v22 =	vld [tilespmem:s18+$0xFFFFFF40];
	v19 =	vmul.f32 v19, v19;
	v23 =	vadd.f32 v15, v13;
	[tilespmem:v16+s4+$0x0] =	vst.idx.msk vm0, v21  }
0x6c: {  	v12 =	vadd.f32 v18, v12;
	v15 =	vld [tilespmem:s18+$0xFFFFFFC0];
	v16 =	vmul.f32 v24, v24  }
0x6d: {  	v18 =	vmul.f32 v25, v25;
	v11 =	vadd.f32 v19, v11;
	v19 =	vld [tilespmem:s18+$0x40];
	(xrf2) =	vadd.scan.msk.f32 $0xffff, v23;
	v13, _, _ =	vpop (xrf2)  }
0x6e: {  	v21 =	vld [tilespmem:s18+$0xFFFFFF50];
	v17 =	vmul.f32 v17, v17;
	v10 =	vadd.f32 v16, v10;
	[tilespmem:v14+s4+$0x0] =	vst.idx.msk vm0, v13  }
0x6f: {  	v12 =	vadd.f32 v18, v12;
	v13 =	vld [tilespmem:s18+$0xFFFFFFD0];
	v14 =	vmul.f32 v20, v20  }
0x70: {  	v16 =	vmul.f32 v22, v22;
	v11 =	vadd.f32 v17, v11;
	v17 =	vld [tilespmem:s18+$0x50]  }
0x71: {  	v18 =	vld [tilespmem:s18+$0xFFFFFF60];
	v15 =	vmul.f32 v15, v15;
	v10 =	vadd.f32 v14, v10  }
0x72: {  	s20 =	sadd.s32 $0x3, s17;
	v14 =	vadd.f32 v16, v12;
	v16 =	vld [tilespmem:s18+$0xFFFFFFE0];
	v19 =	vmul.f32 v19, v19  }
0x73: {  	v22 =	vmov s20;
	v20 =	vmul.f32 v21, v21;
	v11 =	vadd.f32 v15, v11;
	v21 =	vld [tilespmem:s18+$0x60]  }
.Ltmp0:
0x74: {  	v12 =	vld [tilespmem:s18+$0xFFFFFF70];
	v13 =	vmul.f32 v13, v13;
	v15 =	vadd.f32 v19, v10;
	(pc) =	sbr.rel @p0 .LBB2_2-.Ltmp0, $4  }
0x75: {  	v19 =	vadd.f32 v20, v14;
	v10 =	vld [tilespmem:s18+$0xFFFFFFF0];
	v17 =	vmul.f32 v17, v17  }
0x76: {  	v20 =	vmul.f32 v18, v18;
	v14 =	vadd.f32 v13, v11;
	v11 =	vld [tilespmem:s18+$0x70];
	s18 =	sadd.s32 $0x200, s18  }
0x77: {  	v13 =	vld [tilespmem:s18+$0x80];
	v18 =	vmul.f32 v16, v16;
	v15 =	vadd.f32 v17, v15;
	v23, _, _ =	vpop (xrf2)  }
0x78: {  	s19 =	sadd.s32 $0x4, s19;
	v16 =	vld [tilespmem:s18+$0x90];
	v17 =	vadd.f32 v20, v19;
	v19 =	vmul.f32 v21, v21;
	[tilespmem:v22+s4+$0x0] =	vst.idx.msk vm0, v23  }
0x79: {  	v20 =	vld [tilespmem:s18+$0xFFFFFF10]  }
0x7a: {  	v21 =	vld [tilespmem:s18+$0xA0]  }
0x7b: {  	v22 =	vld [tilespmem:s18+$0xFFFFFF80]  }
0x7c: {  	v23 =	vld [tilespmem:s18+$0xB0]  }
0x7d: {  	v24 =	vld [tilespmem:s18+$0xFFFFFF90]  }
0x7e: {  	v25 =	vld [tilespmem:s18+$0xC0]  }
0x7f: {  	v26 =	vld [tilespmem:s18+$0x0]  }
0x80: {  	v27 =	vld [tilespmem:s18+$0xD0]  }
0x81: {  	v28 =	vld [tilespmem:s18+$0x10]  }
0x82: {  	v29 =	vld [tilespmem:s18+$0xE0]  }
0x83: {  	v30 =	vld [tilespmem:s18+$0xFFFFFF00]  }
0x84: {  	v31 =	vld [tilespmem:s18+$0xF0]  }
0x85: {  	v32 =	vld [tilespmem:s18+$0xFFFFFF20];
	v12 =	vmul.f32 v12, v12  }
0x86: {  	v33 =	vld [tilespmem:s18+$0xFFFFFFA0];
	v14 =	vadd.f32 v18, v14;
	v13 =	vmul.f32 v13, v13;
	v16 =	vmul.f32 v16, v16  }
0x87: {  	v18 =	vld [tilespmem:s18+$0x20];
	v15 =	vadd.f32 v19, v15;
	v10 =	vmul.f32 v10, v10;
	v12 =	vadd.f32 v12, v17  }
0x88: {  	v53 =	vld [tilespmem:s18+$0x40];
	v11 =	vmul.f32 v11, v11;
	v13 =	vadd.f32 v16, v13;
	v16 =	vmul.f32 v21, v21  }
0x89: {  	v57 =	vld [tilespmem:s18+$0xFFFFFFD0];
	v10 =	vadd.f32 v10, v14;
	v14 =	vmul.f32 v22, v22;
	v21 =	vmul.f32 v24, v24  }
0x8a: {  	v19 =	vld [tilespmem:s18+$0xFFFFFFB0];
	v11 =	vadd.f32 v11, v15;
	v13 =	vadd.f32 v16, v13;
	v16 =	vmul.f32 v23, v23  }
0x8b: {  	v17 =	vld [tilespmem:s18+$0xFFFFFF30];
	v20 =	vmul.f32 v20, v20;
	v14 =	vadd.f32 v21, v14;
	v21 =	vmul.f32 v30, v30  }
0x8c: {  	v22 =	vld [tilespmem:s18+$0x30];
	v15 =	vmul.f32 v25, v25;
	v52 =	vmul.f32 v26, v26;
	v13 =	vadd.f32 v16, v13  }
0x8d: {  	v54 =	vmul.f32 v27, v27;
	v56 =	vmul.f32 v33, v33;
	v23 =	vld [tilespmem:s18+$0xFFFFFFC0];
	v20 =	vadd.f32 v20, v21  }
0x8e: {  	v16 =	vld [tilespmem:s18+$0xFFFFFF40];
	v21 =	vmul.f32 v32, v32;
	v13 =	vadd.f32 v15, v13;
	v15 =	vmul.f32 v28, v28  }
0x8f: {  	v55 =	vld [tilespmem:s18+$0xFFFFFF50];
	v18 =	vmul.f32 v18, v18;
	v58 =	vmul.f32 v29, v29  }
0x90: {  	v59 =	vld [tilespmem:s18+$0xFFFFFF70];
	v17 =	vmul.f32 v17, v17;
	v20 =	vadd.f32 v21, v20;
	v15 =	vadd.f32 v15, v52  }
0x91: {  	v60 =	vmul.f32 v57, v57;
	v19 =	vmul.f32 v19, v19;
	v14 =	vadd.f32 v56, v14;
	v21 =	vld [tilespmem:s18+$0x50]  }
0x92: {  	v17 =	vadd.f32 v17, v20;
	v20 =	vmul.f32 v22, v22;
	v15 =	vadd.f32 v18, v15;
	v18 =	vld [tilespmem:s18+$0xFFFFFF60]  }
0x93: {  	v14 =	vadd.f32 v19, v14;
	v19 =	vmul.f32 v23, v23;
	v22 =	vld [tilespmem:s18+$0xFFFFFFE0];
	v16 =	vmul.f32 v16, v16  }
0x94: {  	v23 =	vld [tilespmem:s18+$0x60];
	v13 =	vadd.f32 v54, v13;
	v15 =	vadd.f32 v20, v15;
	v20 =	vmul.f32 v53, v53  }
0x95: {  	v14 =	vadd.f32 v19, v14;
	v19 =	vld [tilespmem:s18+$0xFFFFFFF0];
	v16 =	vadd.f32 v16, v17;
	v17 =	vmul.f32 v55, v55  }
0x96: {  	v13 =	vadd.f32 v58, v13;
	v15 =	vadd.f32 v20, v15;
	v20 =	vmul.f32 v21, v21;
	v21 =	vld [tilespmem:s18+$0x70]  }
0x97: {  	v14 =	vadd.f32 v60, v14;
	v16 =	vadd.f32 v17, v16;
	v18 =	vmul.f32 v18, v18  }
0x98: {  	v17 =	vmul.f32 v31, v31;
	v22 =	vmul.f32 v22, v22;
	v15 =	vadd.f32 v20, v15  }
0x99: {  	(xrf2) =	vadd.scan.msk.f32 $0xffff, v12;
	v12 =	vadd.f32 v18, v16;
	v16 =	vmul.f32 v23, v23;
	v18 =	vmul.f32 v59, v59  }
0x9a: {  	(xrf2) =	vadd.scan.msk.f32 $0xffff, v10;
	v10 =	vadd.f32 v17, v13;
	v13 =	vadd.f32 v22, v14;
	v14 =	vmul.f32 v19, v19  }
0x9b: {  	(xrf2) =	vadd.scan.msk.f32 $0xffff, v11;
	v11 =	vadd.f32 v16, v15;
	v12 =	vadd.f32 v18, v12;
	v15 =	vmul.f32 v21, v21  }
0x9c: {  	s21 =	sadd.s32 $0x1, s17;
	(xrf2) =	vadd.scan.msk.f32 $0xffff, v10;
	v10 =	vadd.f32 v14, v13;
	v16 =	vmov s17  }
0x9d: {  	s19 =	sadd.s32 $0x2, s17;
	v14 =	vmov s21;
	v13 =	vand.u32 $0xFFFFFFFC, v16;
	v11 =	vadd.f32 v15, v11;
	(xrf2) =	vadd.scan.msk.f32 $0xffff, v12  }
0x9e: {  	v12 =	vbroadcast v13, $0x0;
	v13 =	vand.u32 $0xFFFFFFFD, v14;
	v14 =	vmov s19;
	(xrf2) =	vadd.scan.msk.f32 $0xffff, v10  }
0x9f: {  	s17 =	sadd.s32 $0x2, s16;
	v10 =	vbroadcast v13, $0x0;
	v13 =	vand.u32 $0xFFFFFFFE, v14;
	(xrf2) =	vadd.scan.msk.f32 $0xffff, v11  }
0xa0: {  	s21 =	sadd.s32 $0x1, s16;
	v16 =	vmov s17;
	v11 =	vbroadcast v13, $0x0;
	v13 =	vmov s16  }
0xa1: {  	s20 =	sadd.s32 $0x3, s16;
	v15 =	vmov s21;
	v16 =	vand.u32 $0xFFFFFFFE, v16;
	v13 =	vand.u32 $0xFFFFFFFC, v13  }
0xa2: {  	v14 =	vmov s20;
	v15 =	vand.u32 $0xFFFFFFFD, v15;
	v13 =	vbroadcast v13, $0x0  }
0xa3: {  	v17, _, _ =	vpop (xrf2);
	v15 =	vbroadcast v15, $0x0  }
0xa4: {  	v18, _, _ =	vpop (xrf2);
	[tilespmem:v12+s4+$0x0] =	vst.idx.msk vm0, v17;
	v12 =	vbroadcast v16, $0x0  }
0xa5: {  	v16, _, _ =	vpop (xrf2);
	[tilespmem:v10+s4+$0x0] =	vst.idx.msk vm0, v18  }
0xa6: {  	v10, _, _ =	vpop (xrf2);
	[tilespmem:v11+s4+$0x0] =	vst.idx.msk vm0, v16  }
0xa7: {  	[tilespmem:v14+s4+$0x0] =	vst.idx.msk vm0, v10;
	v10, _, _ =	vpop (xrf2)  }
0xa8: {  	[tilespmem:v13+s4+$0x0] =	vst.idx.msk vm0, v10;
	v10, _, _ =	vpop (xrf2)  }
0xa9: {  	[tilespmem:v15+s4+$0x0] =	vst.idx.msk vm0, v10;
	v10, _, _ =	vpop (xrf2)  }
0xaa: {  	[tilespmem:v12+s4+$0x0] =	vst.idx.msk vm0, v10  }
0xab: {  	_ =	swait.ge [sflag:s5], $0x9C00  }
0xac: {  	[sflag:s5] =	ssyncset.done $0x0  }
0xad: {  	s18 =	rddreg [dreg:$0xa];
	[sflag:s5] =	ssyncadd.s32 $0xFFFF6400  }
0xae: {  	[tilespmem:s1], [sflag:$0x1] =	stream.linear.gather [hbm4b:s18+s1], $0x9C00, $0x38;
	[tilespmem:$0x1F000] =	vst v63  }
0xaf: {  	_ =	swait.ge [sflag:s6], $0x9C00  }
0xb0: {  	[sflag:s6] =	ssyncset.done $0x0  }
0xb1: {  	s20 =	simm.s32 $0x9D00;
	s19 =	rddreg [dreg:$0xb];
	[sflag:s6] =	ssyncadd.s32 $0xFFFF6400  }
0xb2: {  	[hbm4b:s19+s1] =	stream.linear.scatter [tilespmem:s22], [sflag:$0x5], $0x9C00, $0x38;
	[tilespmem:$0x1F000] =	vst v63  }
0xb3: {  	v10 =	vld [tilespmem:s20+$0x80]  }
0xb4: {  	v11 =	vld [tilespmem:s20+$0x90]  }
0xb5: {  	v12 =	vld [tilespmem:s20+$0xFFFFFF10]  }
0xb6: {  	v13 =	vld [tilespmem:s20+$0xA0]  }
0xb7: {  	v14 =	vld [tilespmem:s20+$0xFFFFFF80]  }
0xb8: {  	v15 =	vld [tilespmem:s20+$0xB0]  }
0xb9: {  	v16 =	vld [tilespmem:s20+$0xFFFFFF90]  }
0xba: {  	v17 =	vld [tilespmem:s20+$0xC0]  }
0xbb: {  	v18 =	vld [tilespmem:s20+$0x0];
	v10 =	vmul.f32 v10, v10;
	v11 =	vmul.f32 v11, v11  }
0xbc: {  	v22 =	vld [tilespmem:s20+$0xFFFFFF00]  }
0xbd: {  	v10 =	vadd.f32 v11, v10;
	v11 =	vmul.f32 v13, v13  }
0xbe: {  	v23 =	vld [tilespmem:s20+$0xFFFFFF20];
	v14 =	vmul.f32 v14, v14;
	v16 =	vmul.f32 v16, v16  }
0xbf: {  	v19 =	vld [tilespmem:s20+$0xD0];
	v10 =	vadd.f32 v11, v10;
	v11 =	vmul.f32 v15, v15  }
0xc0: {  	v21 =	vld [tilespmem:s20+$0xE0];
	v12 =	vmul.f32 v12, v12;
	v14 =	vadd.f32 v16, v14;
	v16 =	vmul.f32 v18, v18  }
0xc1: {  	v18 =	vmul.f32 v22, v22;
	v10 =	vadd.f32 v11, v10;
	v11 =	vmul.f32 v17, v17;
	v17 =	vld [tilespmem:s20+$0xFFFFFF30]  }
0xc2: {  	v13 =	vld [tilespmem:s20+$0xF0]  }
0xc3: {  	v22 =	vld [tilespmem:s20+$0xFFFFFF40];
	v12 =	vadd.f32 v12, v18;
	v18 =	vmul.f32 v23, v23  }
0xc4: {  	v20 =	vld [tilespmem:s20+$0x10];
	v10 =	vadd.f32 v11, v10;
	v11 =	vmul.f32 v19, v19  }
0xc5: {  	v12 =	vadd.f32 v18, v12  }
0xc6: {  	v10 =	vadd.f32 v11, v10;
	v11 =	vmul.f32 v21, v21;
	v17 =	vmul.f32 v17, v17  }
0xc7: {  	v15 =	vld [tilespmem:s20+$0xFFFFFFA0];
	v13 =	vmul.f32 v13, v13  }
0xc8: {  	v61 =	vld [tilespmem:s20+$0x20];
	v22 =	vmul.f32 v22, v22;
	v10 =	vadd.f32 v11, v10;
	v17 =	vadd.f32 v17, v12  }
0xc9: {  	v62 =	vld [tilespmem:s20+$0xFFFFFFB0];
	v20 =	vmul.f32 v20, v20  }
0xca: {  	v19 =	vld [tilespmem:s20+$0x30];
	v17 =	vadd.f32 v22, v17;
	v22 =	vadd.f32 v13, v10  }
0xcb: {  	v16 =	vadd.f32 v20, v16;
	v20 =	vld [tilespmem:s20+$0xFFFFFF50]  }
0xcc: {  	v15 =	vmul.f32 v15, v15;
	v21 =	vld [tilespmem:s20+$0xFFFFFFC0];
	(xrf2) =	vadd.scan.msk.f32 $0xffff, v22  }
0xcd: {  	v23 =	vld [tilespmem:s20+$0x40];
	v11 =	vmul.f32 v61, v61  }
0xce: {  	v14 =	vadd.f32 v15, v14;
	v15 =	vld [tilespmem:s20+$0xFFFFFFD0]  }
0xcf: {  	v18 =	vmul.f32 v62, v62;
	v11 =	vadd.f32 v11, v16;
	v16 =	vmul.f32 v19, v19;
	v19 =	vld [tilespmem:s20+$0x50]  }
0xd0: {  	v63 =	vld [tilespmem:s20+$0xFFFFFF60]  }
0xd1: {  	s21 =	simm.s32 $0x13B;
	v20 =	vmul.f32 v20, v20;
	v14 =	vadd.f32 v18, v14;
	v12 =	vld [tilespmem:s20+$0xFFFFFFE0];
	v18 =	vmul.f32 v21, v21  }
0xd2: {  	v21 =	vmul.f32 v23, v23;
	v10 =	vmov s21;
	v16 =	vadd.f32 v16, v11;
	v11 =	vld [tilespmem:s20+$0x60]  }
0xd3: {  	v13 =	vld [tilespmem:s20+$0xFFFFFF70];
	v15 =	vmul.f32 v15, v15;
	v23 =	vadd.f32 v18, v14  }
0xd4: {  	v14 =	vld [tilespmem:s20+$0xFFFFFFF0];
	v18 =	vadd.f32 v21, v16;
	v16 =	vadd.f32 v20, v17;
	v20 =	vmul.f32 v19, v19  }
0xd5: {  	s17 =	simm.s32 $0x0;
	s16 =	simm.s32 $0xFFFFFFFC;
	s18 =	simm.s32 $0x9F00;
	v19 =	vmul.f32 v63, v63;
	v17 =	vadd.f32 v15, v23;
	v15 =	vld [tilespmem:s20+$0x70]  }
.LBB2_4:
0xd6: {  	v21 =	vld [tilespmem:s18+$0x80];
	v12 =	vmul.f32 v12, v12;
	v18 =	vadd.f32 v20, v18;
	v20, _, _ =	vpop (xrf2);
	s19 =	smov.u32 s17  }
0xd7: {  	s17 =	sadd.s32 $0x4, s17;
	v22 =	vld [tilespmem:s18+$0x90];
	v16 =	vadd.f32 v19, v16;
	v11 =	vmul.f32 v11, v11;
	[tilespmem:v10+s4+$0x0] =	vst.idx.msk vm0, v20  }
0xd8: {  	p0 =	slt.u32 s17, $0x134;
	v10 =	vld [tilespmem:s18+$0xFFFFFF10];
	v13 =	vmul.f32 v13, v13;
	v12 =	vadd.f32 v12, v17  }
0xd9: {  	v17 =	vld [tilespmem:s18+$0xA0];
	v14 =	vmul.f32 v14, v14;
	v11 =	vadd.f32 v11, v18  }
0xda: {  	v18 =	vld [tilespmem:s18+$0xFFFFFF80];
	v13 =	vadd.f32 v13, v16;
	v15 =	vmul.f32 v15, v15  }
0xdb: {  	v16 =	vld [tilespmem:s18+$0xB0];
	v12 =	vadd.f32 v14, v12  }
0xdc: {  	v19 =	vmul.f32 v21, v21;
	v14 =	vld [tilespmem:s18+$0xFFFFFF90];
	v20 =	vmul.f32 v22, v22;
	v11 =	vadd.f32 v15, v11;
	(xrf2) =	vadd.scan.msk.f32 $0xffff, v13  }
0xdd: {  	v10 =	vmul.f32 v10, v10;
	v13 =	vld [tilespmem:s18+$0xC0]  }
0xde: {  	s20 =	sadd.s32 $0x13C, s16;
	v15 =	vld [tilespmem:s18+$0x0];
	v19 =	vadd.f32 v20, v19;
	v17 =	vmul.f32 v17, v17  }
0xdf: {  	v21 =	vmov s20;
	v18 =	vmul.f32 v18, v18;
	v20 =	vld [tilespmem:s18+$0xD0];
	(xrf2) =	vadd.scan.msk.f32 $0xffff, v12  }
0xe0: {  	v12 =	vld [tilespmem:s18+$0x10];
	v17 =	vadd.f32 v17, v19;
	v16 =	vmul.f32 v16, v16;
	v19 =	vand.u32 $0xFFFFFFFC, v21  }
0xe1: {  	s20 =	sadd.s32 $0x13D, s16;
	v14 =	vmul.f32 v14, v14;
	v21 =	vld [tilespmem:s18+$0xE0];
	v19 =	vbroadcast v19, $0x0  }
0xe2: {  	v22 =	vld [tilespmem:s18+$0xFFFFFF00];
	v16 =	vadd.f32 v16, v17;
	v13 =	vmul.f32 v13, v13;
	v17 =	vmov s20;
	(xrf2) =	vadd.scan.msk.f32 $0xffff, v11  }
0xe3: {  	v11 =	vadd.f32 v14, v18;
	v14 =	vmul.f32 v15, v15;
	v15 =	vld [tilespmem:s18+$0xF0];
	v17 =	vand.u32 $0xFFFFFFFD, v17  }
0xe4: {  	s20 =	sadd.s32 $0x13E, s16;
	s16 =	smov.u32 s19;
	v18 =	vld [tilespmem:s18+$0xFFFFFF20];
	v13 =	vadd.f32 v13, v16;
	v16 =	vmul.f32 v20, v20;
	v17 =	vbroadcast v17, $0x0  }
0xe5: {  	v25 =	vmov s20;
	v20 =	vld [tilespmem:s18+$0xFFFFFFA0];
	v12 =	vmul.f32 v12, v12  }
0xe6: {  	v24 =	vld [tilespmem:s18+$0x20];
	v13 =	vadd.f32 v16, v13;
	v16 =	vmul.f32 v21, v21;
	v21 =	vand.u32 $0xFFFFFFFE, v25;
	v23, _, _ =	vpop (xrf2)  }
0xe7: {  	v22 =	vmul.f32 v22, v22;
	v25 =	vld [tilespmem:s18+$0xFFFFFF30];
	v12 =	vadd.f32 v12, v14;
	[tilespmem:v19+s4+$0x0] =	vst.idx.msk vm0, v23;
	v14 =	vbroadcast v21, $0x0  }
0xe8: {  	v19 =	vld [tilespmem:s18+$0xFFFFFFB0];
	v13 =	vadd.f32 v16, v13;
	v15 =	vmul.f32 v15, v15  }
0xe9: {  	v10 =	vadd.f32 v10, v22;
	v16 =	vmul.f32 v18, v18;
	v18 =	vld [tilespmem:s18+$0x30];
	v21, _, _ =	vpop (xrf2)  }
0xea: {  	v22 =	vld [tilespmem:s18+$0xFFFFFF40];
	v20 =	vmul.f32 v20, v20;
	v23 =	vadd.f32 v15, v13;
	[tilespmem:v17+s4+$0x0] =	vst.idx.msk vm0, v21  }
0xeb: {  	v10 =	vadd.f32 v16, v10;
	v15 =	vld [tilespmem:s18+$0xFFFFFFC0];
	v16 =	vmul.f32 v24, v24  }
0xec: {  	v17 =	vmul.f32 v25, v25;
	v11 =	vadd.f32 v20, v11;
	v20 =	vld [tilespmem:s18+$0x40];
	(xrf2) =	vadd.scan.msk.f32 $0xffff, v23;
	v13, _, _ =	vpop (xrf2)  }
0xed: {  	v21 =	vld [tilespmem:s18+$0xFFFFFF50];
	v19 =	vmul.f32 v19, v19;
	v12 =	vadd.f32 v16, v12;
	[tilespmem:v14+s4+$0x0] =	vst.idx.msk vm0, v13  }
0xee: {  	v10 =	vadd.f32 v17, v10;
	v14 =	vld [tilespmem:s18+$0xFFFFFFD0];
	v13 =	vmul.f32 v18, v18  }
0xef: {  	v16 =	vmul.f32 v22, v22;
	v11 =	vadd.f32 v19, v11;
	v17 =	vld [tilespmem:s18+$0x50]  }
0xf0: {  	v19 =	vld [tilespmem:s18+$0xFFFFFF60];
	v15 =	vmul.f32 v15, v15;
	v18 =	vadd.f32 v13, v12  }
.Ltmp1:
0xf1: {  	s19 =	sadd.s32 $0x13F, s16;
	v16 =	vadd.f32 v16, v10;
	v12 =	vld [tilespmem:s18+$0xFFFFFFE0];
	v20 =	vmul.f32 v20, v20;
	(pc) =	sbr.rel @p0 .LBB2_4-.Ltmp1, $4  }
0xf2: {  	v10 =	vmov s19;
	v21 =	vmul.f32 v21, v21;
	v15 =	vadd.f32 v15, v11;
	v11 =	vld [tilespmem:s18+$0x60]  }
0xf3: {  	v13 =	vld [tilespmem:s18+$0xFFFFFF70];
	v22 =	vmul.f32 v14, v14;
	v18 =	vadd.f32 v20, v18  }
0xf4: {  	v16 =	vadd.f32 v21, v16;
	v14 =	vld [tilespmem:s18+$0xFFFFFFF0];
	v20 =	vmul.f32 v17, v17  }
0xf5: {  	v19 =	vmul.f32 v19, v19;
	v17 =	vadd.f32 v22, v15;
	v15 =	vld [tilespmem:s18+$0x70];
	s18 =	sadd.s32 $0x200, s18  }
0xf6: {  	_ = 	snop  }
0xf7: {  	v12 =	vmul.f32 v12, v12;
	v18 =	vadd.f32 v20, v18  }
0xf8: {  	v16 =	vadd.f32 v19, v16;
	v11 =	vmul.f32 v11, v11;
	v13 =	vmul.f32 v13, v13  }
0xf9: {  	v12 =	vadd.f32 v12, v17;
	v14 =	vmul.f32 v14, v14  }
0xfa: {  	v11 =	vadd.f32 v11, v18;
	v13 =	vadd.f32 v13, v16;
	v15 =	vmul.f32 v15, v15  }
0xfb: {  	v12 =	vadd.f32 v14, v12  }
0xfc: {  	v11 =	vadd.f32 v15, v11;
	(xrf2) =	vadd.scan.msk.f32 $0xffff, v13  }
0xfd: {  	(xrf2) =	vadd.scan.msk.f32 $0xffff, v12  }
0xfe: {  	s17 =	sadd.s32 $0x13C, s16;
	(xrf2) =	vadd.scan.msk.f32 $0xffff, v11  }
0xff: {  	s21 =	sadd.s32 $0x13D, s16;
	v11 =	vmov s17  }
0x100: {  	s18 =	sadd.s32 $0x13E, s16;
	v12 =	vmov s21;
	v11 =	vand.u32 $0xFFFFFFFC, v11  }
0x101: {  	v13 =	vmov s18;
	v12 =	vand.u32 $0xFFFFFFFD, v12;
	v11 =	vbroadcast v11, $0x0  }
0x102: {  	v13 =	vand.u32 $0xFFFFFFFE, v13;
	v12 =	vbroadcast v12, $0x0  }
0x103: {  	v13 =	vbroadcast v13, $0x0;
	_ =	sdelay $0x1  }
0x104: {  	v14, _, _ =	vpop (xrf2)  }
0x105: {  	[tilespmem:v10+s4+$0x0] =	vst.idx.msk vm0, v14;
	v10, _, _ =	vpop (xrf2)  }
0x106: {  	[tilespmem:v11+s4+$0x0] =	vst.idx.msk vm0, v10;
	v10, _, _ =	vpop (xrf2)  }
0x107: {  	[tilespmem:v12+s4+$0x0] =	vst.idx.msk vm0, v10;
	v10, _, _ =	vpop (xrf2)  }
0x108: {  	[tilespmem:v13+s4+$0x0] =	vst.idx.msk vm0, v10  }
0x109: {  	_ =	swait.ge [sflag:s7], $0x9C00  }
0x10a: {  	[sflag:s7] =	ssyncset.done $0x0  }
0x10b: {  	s19 =	rddreg [dreg:$0xc];
	[sflag:s7] =	ssyncadd.s32 $0xFFFF6400  }
0x10c: {  	[tilespmem:s22], [sflag:$0x2] =	stream.linear.gather [hbm4b:s19+s1], $0x9C00, $0x38;
	[tilespmem:$0x1F000] =	vst v63  }
0x10d: {  	_ =	swait.ge [sflag:s8], $0x9C00  }
0x10e: {  	[sflag:s8] =	ssyncset.done $0x0  }
0x10f: {  	s18 =	simm.s32 $0x13900;
	s20 =	rddreg [dreg:$0xd];
	[sflag:s8] =	ssyncadd.s32 $0xFFFF6400  }
0x110: {  	[hbm4b:s20+s1] =	stream.linear.scatter [tilespmem:s0], [sflag:$0x6], $0x9C00, $0x38;
	[tilespmem:$0x1F000] =	vst v63  }
0x111: {  	v10 =	vld [tilespmem:s18+$0x80]  }
0x112: {  	v11 =	vld [tilespmem:s18+$0x90]  }
0x113: {  	v12 =	vld [tilespmem:s18+$0xFFFFFF10]  }
0x114: {  	v13 =	vld [tilespmem:s18+$0xA0]  }
0x115: {  	v14 =	vld [tilespmem:s18+$0xFFFFFF80]  }
0x116: {  	v15 =	vld [tilespmem:s18+$0xB0]  }
0x117: {  	v17 =	vld [tilespmem:s18+$0xC0];
	v10 =	vmul.f32 v10, v10;
	v11 =	vmul.f32 v11, v11  }
0x118: {  	v19 =	vld [tilespmem:s18+$0xD0]  }
0x119: {  	v22 =	vld [tilespmem:s18+$0xFFFFFF00];
	v10 =	vadd.f32 v11, v10;
	v11 =	vmul.f32 v13, v13  }
0x11a: {  	v20 =	vld [tilespmem:s18+$0x10]  }
0x11b: {  	v13 =	vld [tilespmem:s18+$0xFFFFFF20];
	v10 =	vadd.f32 v11, v10;
	v11 =	vmul.f32 v15, v15  }
0x11c: {  	v21 =	vld [tilespmem:s18+$0xE0]  }
0x11d: {  	v25 =	vld [tilespmem:s18+$0xFFFFFF30];
	v10 =	vadd.f32 v11, v10;
	v11 =	vmul.f32 v17, v17  }
0x11e: {  	v23 =	vld [tilespmem:s18+$0xF0];
	v12 =	vmul.f32 v12, v12;
	v22 =	vmul.f32 v22, v22  }
0x11f: {  	v10 =	vadd.f32 v11, v10;
	v11 =	vmul.f32 v19, v19;
	v19 =	vmul.f32 v20, v20;
	v20 =	vld [tilespmem:s18+$0xFFFFFF40]  }
0x120: {  	v16 =	vld [tilespmem:s18+$0xFFFFFF90];
	v12 =	vadd.f32 v12, v22;
	v13 =	vmul.f32 v13, v13  }
0x121: {  	v18 =	vld [tilespmem:s18+$0x0];
	v21 =	vmul.f32 v21, v21  }
0x122: {  	v24 =	vld [tilespmem:s18+$0xFFFFFFA0];
	v22 =	vmul.f32 v25, v25;
	v12 =	vadd.f32 v13, v12;
	v10 =	vadd.f32 v11, v10  }
0x123: {  	v23 =	vmul.f32 v23, v23;
	v15 =	vld [tilespmem:s18+$0x20]  }
0x124: {  	v22 =	vadd.f32 v22, v12;
	v10 =	vadd.f32 v21, v10;
	v20 =	vmul.f32 v20, v20  }
0x125: {  	v14 =	vmul.f32 v14, v14;
	v16 =	vmul.f32 v16, v16;
	v17 =	vld [tilespmem:s18+$0xFFFFFFB0]  }
0x126: {  	v26 =	vld [tilespmem:s18+$0x30];
	v18 =	vmul.f32 v18, v18;
	v20 =	vadd.f32 v20, v22;
	v22 =	vadd.f32 v23, v10  }
0x127: {  	v14 =	vadd.f32 v16, v14;
	v16 =	vld [tilespmem:s18+$0xFFFFFFC0]  }
0x128: {  	v13 =	vmul.f32 v15, v15;
	v15 =	vld [tilespmem:s18+$0xFFFFFF50];
	v11 =	vadd.f32 v19, v18;
	v18 =	vmul.f32 v24, v24;
	(xrf2) =	vadd.scan.msk.f32 $0xffff, v22  }
0x129: {  	v19 =	vld [tilespmem:s18+$0x40]  }
0x12a: {  	v17 =	vmul.f32 v17, v17;
	v14 =	vadd.f32 v18, v14;
	v18 =	vld [tilespmem:s18+$0xFFFFFFD0]  }
0x12b: {  	v11 =	vadd.f32 v13, v11;
	v13 =	vmul.f32 v26, v26;
	v21 =	vld [tilespmem:s18+$0x50]  }
0x12c: {  	v14 =	vadd.f32 v17, v14;
	v17 =	vld [tilespmem:s18+$0xFFFFFF60]  }
0x12d: {  	s21 =	simm.s32 $0x273;
	v16 =	vmul.f32 v16, v16;
	v12 =	vld [tilespmem:s18+$0xFFFFFFE0];
	v62 =	vadd.f32 v13, v11  }
0x12e: {  	v15 =	vmul.f32 v15, v15;
	v11 =	vld [tilespmem:s18+$0x60];
	v19 =	vmul.f32 v19, v19;
	v10 =	vmov s21  }
0x12f: {  	v13 =	vld [tilespmem:s18+$0xFFFFFF70];
	v23 =	vadd.f32 v16, v14;
	v63 =	vmul.f32 v18, v18  }
0x130: {  	v14 =	vld [tilespmem:s18+$0xFFFFFFF0];
	v18 =	vadd.f32 v19, v62;
	v16 =	vadd.f32 v15, v20;
	v20 =	vmul.f32 v21, v21  }
0x131: {  	s16 =	simm.s32 $0xFFFFFFFC;
	s17 =	simm.s32 $0x0;
	v15 =	vld [tilespmem:s18+$0x70];
	s18 =	simm.s32 $0x13B00;
	v19 =	vmul.f32 v17, v17;
	v17 =	vadd.f32 v63, v23  }
.LBB2_6:
0x132: {  	v21 =	vld [tilespmem:s18+$0x80];
	v12 =	vmul.f32 v12, v12;
	v18 =	vadd.f32 v20, v18;
	v20, _, _ =	vpop (xrf2);
	s19 =	smov.u32 s17  }
0x133: {  	s17 =	sadd.s32 $0x4, s17;
	v22 =	vld [tilespmem:s18+$0x90];
	v16 =	vadd.f32 v19, v16;
	v11 =	vmul.f32 v11, v11;
	[tilespmem:v10+s4+$0x0] =	vst.idx.msk vm0, v20  }
0x134: {  	p0 =	slt.u32 s17, $0x134;
	v10 =	vld [tilespmem:s18+$0xFFFFFF10];
	v13 =	vmul.f32 v13, v13;
	v12 =	vadd.f32 v12, v17  }
0x135: {  	v17 =	vld [tilespmem:s18+$0xA0];
	v14 =	vmul.f32 v14, v14;
	v11 =	vadd.f32 v11, v18  }
0x136: {  	v18 =	vld [tilespmem:s18+$0xFFFFFF80];
	v13 =	vadd.f32 v13, v16;
	v15 =	vmul.f32 v15, v15  }
0x137: {  	v16 =	vld [tilespmem:s18+$0xB0];
	v12 =	vadd.f32 v14, v12  }
0x138: {  	v19 =	vmul.f32 v21, v21;
	v14 =	vld [tilespmem:s18+$0xFFFFFF90];
	v20 =	vmul.f32 v22, v22;
	v11 =	vadd.f32 v15, v11;
	(xrf2) =	vadd.scan.msk.f32 $0xffff, v13  }
0x139: {  	v10 =	vmul.f32 v10, v10;
	v13 =	vld [tilespmem:s18+$0xC0]  }
0x13a: {  	s20 =	sadd.s32 $0x274, s16;
	v15 =	vld [tilespmem:s18+$0x0];
	v19 =	vadd.f32 v20, v19;
	v17 =	vmul.f32 v17, v17  }
0x13b: {  	v21 =	vmov s20;
	v18 =	vmul.f32 v18, v18;
	v20 =	vld [tilespmem:s18+$0xD0];
	(xrf2) =	vadd.scan.msk.f32 $0xffff, v12  }
0x13c: {  	v12 =	vld [tilespmem:s18+$0x10];
	v17 =	vadd.f32 v17, v19;
	v16 =	vmul.f32 v16, v16;
	v19 =	vand.u32 $0xFFFFFFFC, v21  }
0x13d: {  	s20 =	sadd.s32 $0x275, s16;
	v14 =	vmul.f32 v14, v14;
	v21 =	vld [tilespmem:s18+$0xE0];
	v19 =	vbroadcast v19, $0x0  }
0x13e: {  	v22 =	vld [tilespmem:s18+$0xFFFFFF00];
	v16 =	vadd.f32 v16, v17;
	v13 =	vmul.f32 v13, v13;
	v17 =	vmov s20;
	(xrf2) =	vadd.scan.msk.f32 $0xffff, v11  }
0x13f: {  	v11 =	vadd.f32 v14, v18;
	v14 =	vmul.f32 v15, v15;
	v15 =	vld [tilespmem:s18+$0xF0];
	v17 =	vand.u32 $0xFFFFFFFD, v17  }
0x140: {  	s20 =	sadd.s32 $0x276, s16;
	s16 =	smov.u32 s19;
	v18 =	vld [tilespmem:s18+$0xFFFFFF20];
	v13 =	vadd.f32 v13, v16;
	v16 =	vmul.f32 v20, v20;
	v17 =	vbroadcast v17, $0x0  }
0x141: {  	v25 =	vmov s20;
	v20 =	vld [tilespmem:s18+$0xFFFFFFA0];
	v12 =	vmul.f32 v12, v12  }
0x142: {  	v24 =	vld [tilespmem:s18+$0x20];
	v13 =	vadd.f32 v16, v13;
	v16 =	vmul.f32 v21, v21;
	v21 =	vand.u32 $0xFFFFFFFE, v25;
	v23, _, _ =	vpop (xrf2)  }
0x143: {  	v22 =	vmul.f32 v22, v22;
	v25 =	vld [tilespmem:s18+$0xFFFFFF30];
	v12 =	vadd.f32 v12, v14;
	[tilespmem:v19+s4+$0x0] =	vst.idx.msk vm0, v23;
	v14 =	vbroadcast v21, $0x0  }
0x144: {  	v19 =	vld [tilespmem:s18+$0xFFFFFFB0];
	v13 =	vadd.f32 v16, v13;
	v15 =	vmul.f32 v15, v15  }
0x145: {  	v10 =	vadd.f32 v10, v22;
	v16 =	vmul.f32 v18, v18;
	v18 =	vld [tilespmem:s18+$0x30];
	v21, _, _ =	vpop (xrf2)  }
0x146: {  	v22 =	vld [tilespmem:s18+$0xFFFFFF40];
	v20 =	vmul.f32 v20, v20;
	v23 =	vadd.f32 v15, v13;
	[tilespmem:v17+s4+$0x0] =	vst.idx.msk vm0, v21  }
0x147: {  	v10 =	vadd.f32 v16, v10;
	v15 =	vld [tilespmem:s18+$0xFFFFFFC0];
	v16 =	vmul.f32 v24, v24  }
0x148: {  	v17 =	vmul.f32 v25, v25;
	v11 =	vadd.f32 v20, v11;
	v20 =	vld [tilespmem:s18+$0x40];
	(xrf2) =	vadd.scan.msk.f32 $0xffff, v23;
	v13, _, _ =	vpop (xrf2)  }
0x149: {  	v21 =	vld [tilespmem:s18+$0xFFFFFF50];
	v19 =	vmul.f32 v19, v19;
	v12 =	vadd.f32 v16, v12;
	[tilespmem:v14+s4+$0x0] =	vst.idx.msk vm0, v13  }
0x14a: {  	v10 =	vadd.f32 v17, v10;
	v14 =	vld [tilespmem:s18+$0xFFFFFFD0];
	v13 =	vmul.f32 v18, v18  }
0x14b: {  	v16 =	vmul.f32 v22, v22;
	v11 =	vadd.f32 v19, v11;
	v17 =	vld [tilespmem:s18+$0x50]  }
0x14c: {  	v19 =	vld [tilespmem:s18+$0xFFFFFF60];
	v15 =	vmul.f32 v15, v15;
	v18 =	vadd.f32 v13, v12  }
.Ltmp2:
0x14d: {  	s19 =	sadd.s32 $0x277, s16;
	v16 =	vadd.f32 v16, v10;
	v12 =	vld [tilespmem:s18+$0xFFFFFFE0];
	v20 =	vmul.f32 v20, v20;
	(pc) =	sbr.rel @p0 .LBB2_6-.Ltmp2, $4  }
0x14e: {  	v10 =	vmov s19;
	v21 =	vmul.f32 v21, v21;
	v15 =	vadd.f32 v15, v11;
	v11 =	vld [tilespmem:s18+$0x60]  }
0x14f: {  	v13 =	vld [tilespmem:s18+$0xFFFFFF70];
	v22 =	vmul.f32 v14, v14;
	v18 =	vadd.f32 v20, v18  }
0x150: {  	v16 =	vadd.f32 v21, v16;
	v14 =	vld [tilespmem:s18+$0xFFFFFFF0];
	v20 =	vmul.f32 v17, v17  }
0x151: {  	v19 =	vmul.f32 v19, v19;
	v17 =	vadd.f32 v22, v15;
	v15 =	vld [tilespmem:s18+$0x70];
	s18 =	sadd.s32 $0x200, s18  }
0x152: {  	_ = 	snop  }
0x153: {  	v12 =	vmul.f32 v12, v12;
	v18 =	vadd.f32 v20, v18  }
0x154: {  	v16 =	vadd.f32 v19, v16;
	v11 =	vmul.f32 v11, v11;
	v13 =	vmul.f32 v13, v13  }
0x155: {  	v12 =	vadd.f32 v12, v17;
	v14 =	vmul.f32 v14, v14  }
0x156: {  	v11 =	vadd.f32 v11, v18;
	v13 =	vadd.f32 v13, v16;
	v15 =	vmul.f32 v15, v15  }
0x157: {  	v12 =	vadd.f32 v14, v12  }
0x158: {  	v11 =	vadd.f32 v15, v11;
	(xrf2) =	vadd.scan.msk.f32 $0xffff, v13  }
0x159: {  	(xrf2) =	vadd.scan.msk.f32 $0xffff, v12  }
0x15a: {  	s17 =	sadd.s32 $0x274, s16;
	(xrf2) =	vadd.scan.msk.f32 $0xffff, v11  }
0x15b: {  	s21 =	sadd.s32 $0x275, s16;
	v11 =	vmov s17  }
0x15c: {  	s18 =	sadd.s32 $0x276, s16;
	v12 =	vmov s21;
	v11 =	vand.u32 $0xFFFFFFFC, v11  }
0x15d: {  	v13 =	vmov s18;
	v12 =	vand.u32 $0xFFFFFFFD, v12;
	v11 =	vbroadcast v11, $0x0  }
0x15e: {  	v13 =	vand.u32 $0xFFFFFFFE, v13;
	v12 =	vbroadcast v12, $0x0  }
0x15f: {  	v13 =	vbroadcast v13, $0x0;
	_ =	sdelay $0x1  }
0x160: {  	v14, _, _ =	vpop (xrf2)  }
0x161: {  	[tilespmem:v10+s4+$0x0] =	vst.idx.msk vm0, v14;
	v10, _, _ =	vpop (xrf2)  }
0x162: {  	[tilespmem:v11+s4+$0x0] =	vst.idx.msk vm0, v10;
	v10, _, _ =	vpop (xrf2)  }
0x163: {  	[tilespmem:v12+s4+$0x0] =	vst.idx.msk vm0, v10;
	v10, _, _ =	vpop (xrf2)  }
0x164: {  	[tilespmem:v13+s4+$0x0] =	vst.idx.msk vm0, v10  }
0x165: {  	_ =	swait.ge [sflag:s9], $0x9C00  }
0x166: {  	[sflag:s9] =	ssyncset.done $0x0  }
0x167: {  	s19 =	rddreg [dreg:$0xe];
	[sflag:s9] =	ssyncadd.s32 $0xFFFF6400  }
0x168: {  	[tilespmem:s0], [sflag:$0x3] =	stream.linear.gather [hbm4b:s19+s1], $0x9C00, $0x38;
	[tilespmem:$0x1F000] =	vst v63  }
0x169: {  	_ =	swait.ge [sflag:s3], $0x9C00  }
0x16a: {  	[sflag:s3] =	ssyncset.done $0x0  }
0x16b: {  	s18 =	simm.s32 $0x100;
	s20 =	rddreg [dreg:$0xf];
	[sflag:s3] =	ssyncadd.s32 $0xFFFF6400  }
0x16c: {  	[hbm4b:s20+s1] =	stream.linear.scatter [tilespmem:s1], [sflag:$0x4], $0x9C00, $0x38;
	[tilespmem:$0x1F000] =	vst v63  }
0x16d: {  	v10 =	vld [tilespmem:s18+$0x80]  }
0x16e: {  	v11 =	vld [tilespmem:s18+$0x90]  }
0x16f: {  	v12 =	vld [tilespmem:s18+$0xFFFFFF10]  }
0x170: {  	v13 =	vld [tilespmem:s18+$0xA0]  }
0x171: {  	v14 =	vld [tilespmem:s18+$0xFFFFFF80]  }
0x172: {  	v15 =	vld [tilespmem:s18+$0xB0]  }
0x173: {  	v17 =	vld [tilespmem:s18+$0xC0];
	v10 =	vmul.f32 v10, v10;
	v11 =	vmul.f32 v11, v11  }
0x174: {  	v19 =	vld [tilespmem:s18+$0xD0]  }
0x175: {  	v22 =	vld [tilespmem:s18+$0xFFFFFF00];
	v10 =	vadd.f32 v11, v10;
	v11 =	vmul.f32 v13, v13  }
0x176: {  	v20 =	vld [tilespmem:s18+$0x10]  }
0x177: {  	v13 =	vld [tilespmem:s18+$0xFFFFFF20];
	v10 =	vadd.f32 v11, v10;
	v11 =	vmul.f32 v15, v15  }
0x178: {  	v21 =	vld [tilespmem:s18+$0xE0]  }
0x179: {  	v25 =	vld [tilespmem:s18+$0xFFFFFF30];
	v10 =	vadd.f32 v11, v10;
	v11 =	vmul.f32 v17, v17  }
0x17a: {  	v23 =	vld [tilespmem:s18+$0xF0];
	v12 =	vmul.f32 v12, v12;
	v22 =	vmul.f32 v22, v22  }
0x17b: {  	v10 =	vadd.f32 v11, v10;
	v11 =	vmul.f32 v19, v19;
	v19 =	vmul.f32 v20, v20;
	v20 =	vld [tilespmem:s18+$0xFFFFFF40]  }
0x17c: {  	v16 =	vld [tilespmem:s18+$0xFFFFFF90];
	v12 =	vadd.f32 v12, v22;
	v13 =	vmul.f32 v13, v13  }
0x17d: {  	v18 =	vld [tilespmem:s18+$0x0];
	v21 =	vmul.f32 v21, v21  }
0x17e: {  	v24 =	vld [tilespmem:s18+$0xFFFFFFA0];
	v22 =	vmul.f32 v25, v25;
	v12 =	vadd.f32 v13, v12;
	v10 =	vadd.f32 v11, v10  }
0x17f: {  	v23 =	vmul.f32 v23, v23;
	v15 =	vld [tilespmem:s18+$0x20]  }
0x180: {  	v22 =	vadd.f32 v22, v12;
	v10 =	vadd.f32 v21, v10;
	v20 =	vmul.f32 v20, v20  }
0x181: {  	v14 =	vmul.f32 v14, v14;
	v16 =	vmul.f32 v16, v16;
	v17 =	vld [tilespmem:s18+$0xFFFFFFB0]  }
0x182: {  	v26 =	vld [tilespmem:s18+$0x30];
	v18 =	vmul.f32 v18, v18;
	v20 =	vadd.f32 v20, v22;
	v22 =	vadd.f32 v23, v10  }
0x183: {  	v14 =	vadd.f32 v16, v14;
	v16 =	vld [tilespmem:s18+$0xFFFFFFC0]  }
0x184: {  	v13 =	vmul.f32 v15, v15;
	v15 =	vld [tilespmem:s18+$0xFFFFFF50];
	v11 =	vadd.f32 v19, v18;
	v18 =	vmul.f32 v24, v24;
	(xrf2) =	vadd.scan.msk.f32 $0xffff, v22  }
0x185: {  	v19 =	vld [tilespmem:s18+$0x40]  }
0x186: {  	v17 =	vmul.f32 v17, v17;
	v14 =	vadd.f32 v18, v14;
	v18 =	vld [tilespmem:s18+$0xFFFFFFD0]  }
0x187: {  	v11 =	vadd.f32 v13, v11;
	v13 =	vmul.f32 v26, v26;
	v21 =	vld [tilespmem:s18+$0x50]  }
0x188: {  	v14 =	vadd.f32 v17, v14;
	v17 =	vld [tilespmem:s18+$0xFFFFFF60]  }
0x189: {  	s21 =	simm.s32 $0x3AB;
	v16 =	vmul.f32 v16, v16;
	v12 =	vld [tilespmem:s18+$0xFFFFFFE0];
	v62 =	vadd.f32 v13, v11  }
0x18a: {  	v15 =	vmul.f32 v15, v15;
	v11 =	vld [tilespmem:s18+$0x60];
	v19 =	vmul.f32 v19, v19;
	v10 =	vmov s21  }
0x18b: {  	v13 =	vld [tilespmem:s18+$0xFFFFFF70];
	v23 =	vadd.f32 v16, v14;
	v63 =	vmul.f32 v18, v18  }
0x18c: {  	v14 =	vld [tilespmem:s18+$0xFFFFFFF0];
	v18 =	vadd.f32 v19, v62;
	v16 =	vadd.f32 v15, v20;
	v20 =	vmul.f32 v21, v21  }
0x18d: {  	s16 =	simm.s32 $0xFFFFFFFC;
	s17 =	simm.s32 $0x0;
	v15 =	vld [tilespmem:s18+$0x70];
	s18 =	simm.s32 $0x300;
	v19 =	vmul.f32 v17, v17;
	v17 =	vadd.f32 v63, v23  }
.LBB2_8:
0x18e: {  	v21 =	vld [tilespmem:s18+$0x80];
	v12 =	vmul.f32 v12, v12;
	v18 =	vadd.f32 v20, v18;
	v20, _, _ =	vpop (xrf2);
	s19 =	smov.u32 s17  }
0x18f: {  	s17 =	sadd.s32 $0x4, s17;
	v22 =	vld [tilespmem:s18+$0x90];
	v16 =	vadd.f32 v19, v16;
	v11 =	vmul.f32 v11, v11;
	[tilespmem:v10+s4+$0x0] =	vst.idx.msk vm0, v20  }
0x190: {  	p0 =	slt.u32 s17, $0x134;
	v10 =	vld [tilespmem:s18+$0xFFFFFF10];
	v13 =	vmul.f32 v13, v13;
	v12 =	vadd.f32 v12, v17  }
0x191: {  	v17 =	vld [tilespmem:s18+$0xA0];
	v14 =	vmul.f32 v14, v14;
	v11 =	vadd.f32 v11, v18  }
0x192: {  	v18 =	vld [tilespmem:s18+$0xFFFFFF80];
	v13 =	vadd.f32 v13, v16;
	v15 =	vmul.f32 v15, v15  }
0x193: {  	v16 =	vld [tilespmem:s18+$0xB0];
	v12 =	vadd.f32 v14, v12  }
0x194: {  	v19 =	vmul.f32 v21, v21;
	v14 =	vld [tilespmem:s18+$0xFFFFFF90];
	v20 =	vmul.f32 v22, v22;
	v11 =	vadd.f32 v15, v11;
	(xrf2) =	vadd.scan.msk.f32 $0xffff, v13  }
0x195: {  	v10 =	vmul.f32 v10, v10;
	v13 =	vld [tilespmem:s18+$0xC0]  }
0x196: {  	s20 =	sadd.s32 $0x3AC, s16;
	v15 =	vld [tilespmem:s18+$0x0];
	v19 =	vadd.f32 v20, v19;
	v17 =	vmul.f32 v17, v17  }
0x197: {  	v21 =	vmov s20;
	v18 =	vmul.f32 v18, v18;
	v20 =	vld [tilespmem:s18+$0xD0];
	(xrf2) =	vadd.scan.msk.f32 $0xffff, v12  }
0x198: {  	v12 =	vld [tilespmem:s18+$0x10];
	v17 =	vadd.f32 v17, v19;
	v16 =	vmul.f32 v16, v16;
	v19 =	vand.u32 $0xFFFFFFFC, v21  }
0x199: {  	s20 =	sadd.s32 $0x3AD, s16;
	v14 =	vmul.f32 v14, v14;
	v21 =	vld [tilespmem:s18+$0xE0];
	v19 =	vbroadcast v19, $0x0  }
0x19a: {  	v22 =	vld [tilespmem:s18+$0xFFFFFF00];
	v16 =	vadd.f32 v16, v17;
	v13 =	vmul.f32 v13, v13;
	v17 =	vmov s20;
	(xrf2) =	vadd.scan.msk.f32 $0xffff, v11  }
0x19b: {  	v11 =	vadd.f32 v14, v18;
	v14 =	vmul.f32 v15, v15;
	v15 =	vld [tilespmem:s18+$0xF0];
	v17 =	vand.u32 $0xFFFFFFFD, v17  }
0x19c: {  	s20 =	sadd.s32 $0x3AE, s16;
	s16 =	smov.u32 s19;
	v18 =	vld [tilespmem:s18+$0xFFFFFF20];
	v13 =	vadd.f32 v13, v16;
	v16 =	vmul.f32 v20, v20;
	v17 =	vbroadcast v17, $0x0  }
0x19d: {  	v25 =	vmov s20;
	v20 =	vld [tilespmem:s18+$0xFFFFFFA0];
	v12 =	vmul.f32 v12, v12  }
0x19e: {  	v24 =	vld [tilespmem:s18+$0x20];
	v13 =	vadd.f32 v16, v13;
	v16 =	vmul.f32 v21, v21;
	v21 =	vand.u32 $0xFFFFFFFE, v25;
	v23, _, _ =	vpop (xrf2)  }
0x19f: {  	v22 =	vmul.f32 v22, v22;
	v25 =	vld [tilespmem:s18+$0xFFFFFF30];
	v12 =	vadd.f32 v12, v14;
	[tilespmem:v19+s4+$0x0] =	vst.idx.msk vm0, v23;
	v14 =	vbroadcast v21, $0x0  }
0x1a0: {  	v19 =	vld [tilespmem:s18+$0xFFFFFFB0];
	v13 =	vadd.f32 v16, v13;
	v15 =	vmul.f32 v15, v15  }
0x1a1: {  	v10 =	vadd.f32 v10, v22;
	v16 =	vmul.f32 v18, v18;
	v18 =	vld [tilespmem:s18+$0x30];
	v21, _, _ =	vpop (xrf2)  }
0x1a2: {  	v22 =	vld [tilespmem:s18+$0xFFFFFF40];
	v20 =	vmul.f32 v20, v20;
	v23 =	vadd.f32 v15, v13;
	[tilespmem:v17+s4+$0x0] =	vst.idx.msk vm0, v21  }
0x1a3: {  	v10 =	vadd.f32 v16, v10;
	v15 =	vld [tilespmem:s18+$0xFFFFFFC0];
	v16 =	vmul.f32 v24, v24  }
0x1a4: {  	v17 =	vmul.f32 v25, v25;
	v11 =	vadd.f32 v20, v11;
	v20 =	vld [tilespmem:s18+$0x40];
	(xrf2) =	vadd.scan.msk.f32 $0xffff, v23;
	v13, _, _ =	vpop (xrf2)  }
0x1a5: {  	v21 =	vld [tilespmem:s18+$0xFFFFFF50];
	v19 =	vmul.f32 v19, v19;
	v12 =	vadd.f32 v16, v12;
	[tilespmem:v14+s4+$0x0] =	vst.idx.msk vm0, v13  }
0x1a6: {  	v10 =	vadd.f32 v17, v10;
	v14 =	vld [tilespmem:s18+$0xFFFFFFD0];
	v13 =	vmul.f32 v18, v18  }
0x1a7: {  	v16 =	vmul.f32 v22, v22;
	v11 =	vadd.f32 v19, v11;
	v17 =	vld [tilespmem:s18+$0x50]  }
0x1a8: {  	v19 =	vld [tilespmem:s18+$0xFFFFFF60];
	v15 =	vmul.f32 v15, v15;
	v18 =	vadd.f32 v13, v12  }
.Ltmp3:
0x1a9: {  	s19 =	sadd.s32 $0x3AF, s16;
	v16 =	vadd.f32 v16, v10;
	v12 =	vld [tilespmem:s18+$0xFFFFFFE0];
	v20 =	vmul.f32 v20, v20;
	(pc) =	sbr.rel @p0 .LBB2_8-.Ltmp3, $4  }
0x1aa: {  	v10 =	vmov s19;
	v21 =	vmul.f32 v21, v21;
	v15 =	vadd.f32 v15, v11;
	v11 =	vld [tilespmem:s18+$0x60]  }
0x1ab: {  	v13 =	vld [tilespmem:s18+$0xFFFFFF70];
	v22 =	vmul.f32 v14, v14;
	v18 =	vadd.f32 v20, v18  }
0x1ac: {  	v16 =	vadd.f32 v21, v16;
	v14 =	vld [tilespmem:s18+$0xFFFFFFF0];
	v20 =	vmul.f32 v17, v17  }
0x1ad: {  	v19 =	vmul.f32 v19, v19;
	v17 =	vadd.f32 v22, v15;
	v15 =	vld [tilespmem:s18+$0x70];
	s18 =	sadd.s32 $0x200, s18  }
0x1ae: {  	_ = 	snop  }
0x1af: {  	v12 =	vmul.f32 v12, v12;
	v18 =	vadd.f32 v20, v18  }
0x1b0: {  	v16 =	vadd.f32 v19, v16;
	v11 =	vmul.f32 v11, v11;
	v13 =	vmul.f32 v13, v13  }
0x1b1: {  	v12 =	vadd.f32 v12, v17;
	v14 =	vmul.f32 v14, v14  }
0x1b2: {  	v11 =	vadd.f32 v11, v18;
	v13 =	vadd.f32 v13, v16;
	v15 =	vmul.f32 v15, v15  }
0x1b3: {  	v12 =	vadd.f32 v14, v12  }
0x1b4: {  	v11 =	vadd.f32 v15, v11;
	(xrf2) =	vadd.scan.msk.f32 $0xffff, v13  }
0x1b5: {  	(xrf2) =	vadd.scan.msk.f32 $0xffff, v12  }
0x1b6: {  	s17 =	sadd.s32 $0x3AC, s16;
	(xrf2) =	vadd.scan.msk.f32 $0xffff, v11  }
0x1b7: {  	s21 =	sadd.s32 $0x3AD, s16;
	v11 =	vmov s17  }
0x1b8: {  	s18 =	sadd.s32 $0x3AE, s16;
	v12 =	vmov s21;
	v11 =	vand.u32 $0xFFFFFFFC, v11  }
0x1b9: {  	v13 =	vmov s18;
	v12 =	vand.u32 $0xFFFFFFFD, v12;
	v11 =	vbroadcast v11, $0x0  }
0x1ba: {  	v13 =	vand.u32 $0xFFFFFFFE, v13;
	v12 =	vbroadcast v12, $0x0  }
0x1bb: {  	v13 =	vbroadcast v13, $0x0;
	_ =	sdelay $0x1  }
0x1bc: {  	v14, _, _ =	vpop (xrf2)  }
0x1bd: {  	[tilespmem:v10+s4+$0x0] =	vst.idx.msk vm0, v14;
	v10, _, _ =	vpop (xrf2)  }
0x1be: {  	[tilespmem:v11+s4+$0x0] =	vst.idx.msk vm0, v10;
	v10, _, _ =	vpop (xrf2)  }
0x1bf: {  	[tilespmem:v12+s4+$0x0] =	vst.idx.msk vm0, v10;
	v10, _, _ =	vpop (xrf2)  }
0x1c0: {  	[tilespmem:v13+s4+$0x0] =	vst.idx.msk vm0, v10  }
0x1c1: {  	_ =	swait.ge [sflag:s5], $0x9C00  }
0x1c2: {  	[sflag:s5] =	ssyncset.done $0x0  }
0x1c3: {  	s19 =	rddreg [dreg:$0x10];
	[sflag:s5] =	ssyncadd.s32 $0xFFFF6400  }
0x1c4: {  	[tilespmem:s1], [sflag:$0x1] =	stream.linear.gather [hbm4b:s19+s1], $0x9C00, $0x38;
	[tilespmem:$0x1F000] =	vst v63  }
0x1c5: {  	_ =	swait.ge [sflag:s6], $0x9C00  }
0x1c6: {  	[sflag:s6] =	ssyncset.done $0x0  }
0x1c7: {  	s18 =	simm.s32 $0x9D00;
	s20 =	rddreg [dreg:$0x11];
	[sflag:s6] =	ssyncadd.s32 $0xFFFF6400  }
0x1c8: {  	[hbm4b:s20+s1] =	stream.linear.scatter [tilespmem:s22], [sflag:$0x5], $0x9C00, $0x38;
	[tilespmem:$0x1F000] =	vst v63  }
0x1c9: {  	v10 =	vld [tilespmem:s18+$0x80]  }
0x1ca: {  	v11 =	vld [tilespmem:s18+$0x90]  }
0x1cb: {  	v12 =	vld [tilespmem:s18+$0xFFFFFF10]  }
0x1cc: {  	v13 =	vld [tilespmem:s18+$0xA0]  }
0x1cd: {  	v14 =	vld [tilespmem:s18+$0xFFFFFF80]  }
0x1ce: {  	v15 =	vld [tilespmem:s18+$0xB0]  }
0x1cf: {  	v17 =	vld [tilespmem:s18+$0xC0];
	v10 =	vmul.f32 v10, v10;
	v11 =	vmul.f32 v11, v11  }
0x1d0: {  	v19 =	vld [tilespmem:s18+$0xD0]  }
0x1d1: {  	v22 =	vld [tilespmem:s18+$0xFFFFFF00];
	v10 =	vadd.f32 v11, v10;
	v11 =	vmul.f32 v13, v13  }
0x1d2: {  	v20 =	vld [tilespmem:s18+$0x10]  }
0x1d3: {  	v13 =	vld [tilespmem:s18+$0xFFFFFF20];
	v10 =	vadd.f32 v11, v10;
	v11 =	vmul.f32 v15, v15  }
0x1d4: {  	v21 =	vld [tilespmem:s18+$0xE0]  }
0x1d5: {  	v25 =	vld [tilespmem:s18+$0xFFFFFF30];
	v10 =	vadd.f32 v11, v10;
	v11 =	vmul.f32 v17, v17  }
0x1d6: {  	v23 =	vld [tilespmem:s18+$0xF0];
	v12 =	vmul.f32 v12, v12;
	v22 =	vmul.f32 v22, v22  }
0x1d7: {  	v10 =	vadd.f32 v11, v10;
	v11 =	vmul.f32 v19, v19;
	v19 =	vmul.f32 v20, v20;
	v20 =	vld [tilespmem:s18+$0xFFFFFF40]  }
0x1d8: {  	v16 =	vld [tilespmem:s18+$0xFFFFFF90];
	v12 =	vadd.f32 v12, v22;
	v13 =	vmul.f32 v13, v13  }
0x1d9: {  	v18 =	vld [tilespmem:s18+$0x0];
	v21 =	vmul.f32 v21, v21  }
0x1da: {  	v24 =	vld [tilespmem:s18+$0xFFFFFFA0];
	v22 =	vmul.f32 v25, v25;
	v12 =	vadd.f32 v13, v12;
	v10 =	vadd.f32 v11, v10  }
0x1db: {  	v23 =	vmul.f32 v23, v23;
	v15 =	vld [tilespmem:s18+$0x20]  }
0x1dc: {  	v22 =	vadd.f32 v22, v12;
	v10 =	vadd.f32 v21, v10;
	v20 =	vmul.f32 v20, v20  }
0x1dd: {  	v14 =	vmul.f32 v14, v14;
	v16 =	vmul.f32 v16, v16;
	v17 =	vld [tilespmem:s18+$0xFFFFFFB0]  }
0x1de: {  	v26 =	vld [tilespmem:s18+$0x30];
	v18 =	vmul.f32 v18, v18;
	v20 =	vadd.f32 v20, v22;
	v22 =	vadd.f32 v23, v10  }
0x1df: {  	v14 =	vadd.f32 v16, v14;
	v16 =	vld [tilespmem:s18+$0xFFFFFFC0]  }
0x1e0: {  	v13 =	vmul.f32 v15, v15;
	v15 =	vld [tilespmem:s18+$0xFFFFFF50];
	v11 =	vadd.f32 v19, v18;
	v18 =	vmul.f32 v24, v24;
	(xrf2) =	vadd.scan.msk.f32 $0xffff, v22  }
0x1e1: {  	v19 =	vld [tilespmem:s18+$0x40]  }
0x1e2: {  	v17 =	vmul.f32 v17, v17;
	v14 =	vadd.f32 v18, v14;
	v18 =	vld [tilespmem:s18+$0xFFFFFFD0]  }
0x1e3: {  	v11 =	vadd.f32 v13, v11;
	v13 =	vmul.f32 v26, v26;
	v21 =	vld [tilespmem:s18+$0x50]  }
0x1e4: {  	v14 =	vadd.f32 v17, v14;
	v17 =	vld [tilespmem:s18+$0xFFFFFF60]  }
0x1e5: {  	s21 =	simm.s32 $0x4E3;
	v16 =	vmul.f32 v16, v16;
	v12 =	vld [tilespmem:s18+$0xFFFFFFE0];
	v62 =	vadd.f32 v13, v11  }
0x1e6: {  	v15 =	vmul.f32 v15, v15;
	v11 =	vld [tilespmem:s18+$0x60];
	v19 =	vmul.f32 v19, v19;
	v10 =	vmov s21  }
0x1e7: {  	v13 =	vld [tilespmem:s18+$0xFFFFFF70];
	v23 =	vadd.f32 v16, v14;
	v63 =	vmul.f32 v18, v18  }
0x1e8: {  	v14 =	vld [tilespmem:s18+$0xFFFFFFF0];
	v18 =	vadd.f32 v19, v62;
	v16 =	vadd.f32 v15, v20;
	v20 =	vmul.f32 v21, v21  }
0x1e9: {  	s16 =	simm.s32 $0xFFFFFFFC;
	s17 =	simm.s32 $0x0;
	v15 =	vld [tilespmem:s18+$0x70];
	s18 =	simm.s32 $0x9F00;
	v19 =	vmul.f32 v17, v17;
	v17 =	vadd.f32 v63, v23  }
.LBB2_10:
0x1ea: {  	v21 =	vld [tilespmem:s18+$0x80];
	v12 =	vmul.f32 v12, v12;
	v18 =	vadd.f32 v20, v18;
	v20, _, _ =	vpop (xrf2);
	s19 =	smov.u32 s17  }
0x1eb: {  	s17 =	sadd.s32 $0x4, s17;
	v22 =	vld [tilespmem:s18+$0x90];
	v16 =	vadd.f32 v19, v16;
	v11 =	vmul.f32 v11, v11;
	[tilespmem:v10+s4+$0x0] =	vst.idx.msk vm0, v20  }
0x1ec: {  	p0 =	slt.u32 s17, $0x134;
	v10 =	vld [tilespmem:s18+$0xFFFFFF10];
	v13 =	vmul.f32 v13, v13;
	v12 =	vadd.f32 v12, v17  }
0x1ed: {  	v17 =	vld [tilespmem:s18+$0xA0];
	v14 =	vmul.f32 v14, v14;
	v11 =	vadd.f32 v11, v18  }
0x1ee: {  	v18 =	vld [tilespmem:s18+$0xFFFFFF80];
	v13 =	vadd.f32 v13, v16;
	v15 =	vmul.f32 v15, v15  }
0x1ef: {  	v16 =	vld [tilespmem:s18+$0xB0];
	v12 =	vadd.f32 v14, v12  }
0x1f0: {  	v19 =	vmul.f32 v21, v21;
	v14 =	vld [tilespmem:s18+$0xFFFFFF90];
	v20 =	vmul.f32 v22, v22;
	v11 =	vadd.f32 v15, v11;
	(xrf2) =	vadd.scan.msk.f32 $0xffff, v13  }
0x1f1: {  	v10 =	vmul.f32 v10, v10;
	v13 =	vld [tilespmem:s18+$0xC0]  }
0x1f2: {  	s20 =	sadd.s32 $0x4E4, s16;
	v15 =	vld [tilespmem:s18+$0x0];
	v19 =	vadd.f32 v20, v19;
	v17 =	vmul.f32 v17, v17  }
0x1f3: {  	v21 =	vmov s20;
	v18 =	vmul.f32 v18, v18;
	v20 =	vld [tilespmem:s18+$0xD0];
	(xrf2) =	vadd.scan.msk.f32 $0xffff, v12  }
0x1f4: {  	v12 =	vld [tilespmem:s18+$0x10];
	v17 =	vadd.f32 v17, v19;
	v16 =	vmul.f32 v16, v16;
	v19 =	vand.u32 $0xFFFFFFFC, v21  }
0x1f5: {  	s20 =	sadd.s32 $0x4E5, s16;
	v14 =	vmul.f32 v14, v14;
	v21 =	vld [tilespmem:s18+$0xE0];
	v19 =	vbroadcast v19, $0x0  }
0x1f6: {  	v22 =	vld [tilespmem:s18+$0xFFFFFF00];
	v16 =	vadd.f32 v16, v17;
	v13 =	vmul.f32 v13, v13;
	v17 =	vmov s20;
	(xrf2) =	vadd.scan.msk.f32 $0xffff, v11  }
0x1f7: {  	v11 =	vadd.f32 v14, v18;
	v14 =	vmul.f32 v15, v15;
	v15 =	vld [tilespmem:s18+$0xF0];
	v17 =	vand.u32 $0xFFFFFFFD, v17  }
0x1f8: {  	s20 =	sadd.s32 $0x4E6, s16;
	s16 =	smov.u32 s19;
	v18 =	vld [tilespmem:s18+$0xFFFFFF20];
	v13 =	vadd.f32 v13, v16;
	v16 =	vmul.f32 v20, v20;
	v17 =	vbroadcast v17, $0x0  }
0x1f9: {  	v25 =	vmov s20;
	v20 =	vld [tilespmem:s18+$0xFFFFFFA0];
	v12 =	vmul.f32 v12, v12  }
0x1fa: {  	v24 =	vld [tilespmem:s18+$0x20];
	v13 =	vadd.f32 v16, v13;
	v16 =	vmul.f32 v21, v21;
	v21 =	vand.u32 $0xFFFFFFFE, v25;
	v23, _, _ =	vpop (xrf2)  }
0x1fb: {  	v22 =	vmul.f32 v22, v22;
	v25 =	vld [tilespmem:s18+$0xFFFFFF30];
	v12 =	vadd.f32 v12, v14;
	[tilespmem:v19+s4+$0x0] =	vst.idx.msk vm0, v23;
	v14 =	vbroadcast v21, $0x0  }
0x1fc: {  	v19 =	vld [tilespmem:s18+$0xFFFFFFB0];
	v13 =	vadd.f32 v16, v13;
	v15 =	vmul.f32 v15, v15  }
0x1fd: {  	v10 =	vadd.f32 v10, v22;
	v16 =	vmul.f32 v18, v18;
	v18 =	vld [tilespmem:s18+$0x30];
	v21, _, _ =	vpop (xrf2)  }
0x1fe: {  	v22 =	vld [tilespmem:s18+$0xFFFFFF40];
	v20 =	vmul.f32 v20, v20;
	v23 =	vadd.f32 v15, v13;
	[tilespmem:v17+s4+$0x0] =	vst.idx.msk vm0, v21  }
0x1ff: {  	v10 =	vadd.f32 v16, v10;
	v15 =	vld [tilespmem:s18+$0xFFFFFFC0];
	v16 =	vmul.f32 v24, v24  }
0x200: {  	v17 =	vmul.f32 v25, v25;
	v11 =	vadd.f32 v20, v11;
	v20 =	vld [tilespmem:s18+$0x40];
	(xrf2) =	vadd.scan.msk.f32 $0xffff, v23;
	v13, _, _ =	vpop (xrf2)  }
0x201: {  	v21 =	vld [tilespmem:s18+$0xFFFFFF50];
	v19 =	vmul.f32 v19, v19;
	v12 =	vadd.f32 v16, v12;
	[tilespmem:v14+s4+$0x0] =	vst.idx.msk vm0, v13  }
0x202: {  	v10 =	vadd.f32 v17, v10;
	v14 =	vld [tilespmem:s18+$0xFFFFFFD0];
	v13 =	vmul.f32 v18, v18  }
0x203: {  	v16 =	vmul.f32 v22, v22;
	v11 =	vadd.f32 v19, v11;
	v17 =	vld [tilespmem:s18+$0x50]  }
0x204: {  	v19 =	vld [tilespmem:s18+$0xFFFFFF60];
	v15 =	vmul.f32 v15, v15;
	v18 =	vadd.f32 v13, v12  }
.Ltmp4:
0x205: {  	s19 =	sadd.s32 $0x4E7, s16;
	v16 =	vadd.f32 v16, v10;
	v12 =	vld [tilespmem:s18+$0xFFFFFFE0];
	v20 =	vmul.f32 v20, v20;
	(pc) =	sbr.rel @p0 .LBB2_10-.Ltmp4, $4  }
0x206: {  	v10 =	vmov s19;
	v21 =	vmul.f32 v21, v21;
	v15 =	vadd.f32 v15, v11;
	v11 =	vld [tilespmem:s18+$0x60]  }
0x207: {  	v13 =	vld [tilespmem:s18+$0xFFFFFF70];
	v22 =	vmul.f32 v14, v14;
	v18 =	vadd.f32 v20, v18  }
0x208: {  	v16 =	vadd.f32 v21, v16;
	v14 =	vld [tilespmem:s18+$0xFFFFFFF0];
	v20 =	vmul.f32 v17, v17  }
0x209: {  	v19 =	vmul.f32 v19, v19;
	v17 =	vadd.f32 v22, v15;
	v15 =	vld [tilespmem:s18+$0x70];
	s18 =	sadd.s32 $0x200, s18  }
0x20a: {  	_ = 	snop  }
0x20b: {  	v12 =	vmul.f32 v12, v12;
	v18 =	vadd.f32 v20, v18  }
0x20c: {  	v16 =	vadd.f32 v19, v16;
	v11 =	vmul.f32 v11, v11;
	v13 =	vmul.f32 v13, v13  }
0x20d: {  	v12 =	vadd.f32 v12, v17;
	v14 =	vmul.f32 v14, v14  }
0x20e: {  	v11 =	vadd.f32 v11, v18;
	v13 =	vadd.f32 v13, v16;
	v15 =	vmul.f32 v15, v15  }
0x20f: {  	v12 =	vadd.f32 v14, v12  }
0x210: {  	v11 =	vadd.f32 v15, v11;
	(xrf2) =	vadd.scan.msk.f32 $0xffff, v13  }
0x211: {  	(xrf2) =	vadd.scan.msk.f32 $0xffff, v12  }
0x212: {  	s17 =	sadd.s32 $0x4E4, s16;
	(xrf2) =	vadd.scan.msk.f32 $0xffff, v11  }
0x213: {  	s21 =	sadd.s32 $0x4E5, s16;
	v11 =	vmov s17  }
0x214: {  	s18 =	sadd.s32 $0x4E6, s16;
	v12 =	vmov s21;
	v11 =	vand.u32 $0xFFFFFFFC, v11  }
0x215: {  	v13 =	vmov s18;
	v12 =	vand.u32 $0xFFFFFFFD, v12;
	v11 =	vbroadcast v11, $0x0  }
0x216: {  	v13 =	vand.u32 $0xFFFFFFFE, v13;
	v12 =	vbroadcast v12, $0x0  }
0x217: {  	v13 =	vbroadcast v13, $0x0;
	_ =	sdelay $0x1  }
0x218: {  	v14, _, _ =	vpop (xrf2)  }
0x219: {  	[tilespmem:v10+s4+$0x0] =	vst.idx.msk vm0, v14;
	v10, _, _ =	vpop (xrf2)  }
0x21a: {  	[tilespmem:v11+s4+$0x0] =	vst.idx.msk vm0, v10;
	v10, _, _ =	vpop (xrf2)  }
0x21b: {  	[tilespmem:v12+s4+$0x0] =	vst.idx.msk vm0, v10;
	v10, _, _ =	vpop (xrf2)  }
0x21c: {  	[tilespmem:v13+s4+$0x0] =	vst.idx.msk vm0, v10  }
0x21d: {  	_ =	swait.ge [sflag:s7], $0x9C00  }
0x21e: {  	[sflag:s7] =	ssyncset.done $0x0  }
0x21f: {  	s19 =	rddreg [dreg:$0x12];
	[sflag:s7] =	ssyncadd.s32 $0xFFFF6400  }
0x220: {  	[tilespmem:s22], [sflag:$0x2] =	stream.linear.gather [hbm4b:s19+s1], $0x9C00, $0x38;
	[tilespmem:$0x1F000] =	vst v63  }
0x221: {  	_ =	swait.ge [sflag:s8], $0x9C00  }
0x222: {  	[sflag:s8] =	ssyncset.done $0x0  }
0x223: {  	s18 =	simm.s32 $0x13900;
	s20 =	rddreg [dreg:$0x13];
	[sflag:s8] =	ssyncadd.s32 $0xFFFF6400  }
0x224: {  	[hbm4b:s20+s1] =	stream.linear.scatter [tilespmem:s0], [sflag:$0x6], $0x9C00, $0x38;
	[tilespmem:$0x1F000] =	vst v63  }
0x225: {  	v10 =	vld [tilespmem:s18+$0x80]  }
0x226: {  	v11 =	vld [tilespmem:s18+$0x90]  }
0x227: {  	v12 =	vld [tilespmem:s18+$0xFFFFFF10]  }
0x228: {  	v13 =	vld [tilespmem:s18+$0xA0]  }
0x229: {  	v14 =	vld [tilespmem:s18+$0xFFFFFF80]  }
0x22a: {  	v15 =	vld [tilespmem:s18+$0xB0]  }
0x22b: {  	v17 =	vld [tilespmem:s18+$0xC0];
	v10 =	vmul.f32 v10, v10;
	v11 =	vmul.f32 v11, v11  }
0x22c: {  	v19 =	vld [tilespmem:s18+$0xD0]  }
0x22d: {  	v22 =	vld [tilespmem:s18+$0xFFFFFF00];
	v10 =	vadd.f32 v11, v10;
	v11 =	vmul.f32 v13, v13  }
0x22e: {  	v20 =	vld [tilespmem:s18+$0x10]  }
0x22f: {  	v13 =	vld [tilespmem:s18+$0xFFFFFF20];
	v10 =	vadd.f32 v11, v10;
	v11 =	vmul.f32 v15, v15  }
0x230: {  	v21 =	vld [tilespmem:s18+$0xE0]  }
0x231: {  	v25 =	vld [tilespmem:s18+$0xFFFFFF30];
	v10 =	vadd.f32 v11, v10;
	v11 =	vmul.f32 v17, v17  }
0x232: {  	v23 =	vld [tilespmem:s18+$0xF0];
	v12 =	vmul.f32 v12, v12;
	v22 =	vmul.f32 v22, v22  }
0x233: {  	v10 =	vadd.f32 v11, v10;
	v11 =	vmul.f32 v19, v19;
	v19 =	vmul.f32 v20, v20;
	v20 =	vld [tilespmem:s18+$0xFFFFFF40]  }
0x234: {  	v16 =	vld [tilespmem:s18+$0xFFFFFF90];
	v12 =	vadd.f32 v12, v22;
	v13 =	vmul.f32 v13, v13  }
0x235: {  	v18 =	vld [tilespmem:s18+$0x0];
	v21 =	vmul.f32 v21, v21  }
0x236: {  	v24 =	vld [tilespmem:s18+$0xFFFFFFA0];
	v22 =	vmul.f32 v25, v25;
	v12 =	vadd.f32 v13, v12;
	v10 =	vadd.f32 v11, v10  }
0x237: {  	v23 =	vmul.f32 v23, v23;
	v15 =	vld [tilespmem:s18+$0x20]  }
0x238: {  	v22 =	vadd.f32 v22, v12;
	v10 =	vadd.f32 v21, v10;
	v20 =	vmul.f32 v20, v20  }
0x239: {  	v14 =	vmul.f32 v14, v14;
	v16 =	vmul.f32 v16, v16;
	v17 =	vld [tilespmem:s18+$0xFFFFFFB0]  }
0x23a: {  	v26 =	vld [tilespmem:s18+$0x30];
	v18 =	vmul.f32 v18, v18;
	v20 =	vadd.f32 v20, v22;
	v22 =	vadd.f32 v23, v10  }
0x23b: {  	v14 =	vadd.f32 v16, v14;
	v16 =	vld [tilespmem:s18+$0xFFFFFFC0]  }
0x23c: {  	v13 =	vmul.f32 v15, v15;
	v15 =	vld [tilespmem:s18+$0xFFFFFF50];
	v11 =	vadd.f32 v19, v18;
	v18 =	vmul.f32 v24, v24;
	(xrf2) =	vadd.scan.msk.f32 $0xffff, v22  }
0x23d: {  	v19 =	vld [tilespmem:s18+$0x40]  }
0x23e: {  	v17 =	vmul.f32 v17, v17;
	v14 =	vadd.f32 v18, v14;
	v18 =	vld [tilespmem:s18+$0xFFFFFFD0]  }
0x23f: {  	v11 =	vadd.f32 v13, v11;
	v13 =	vmul.f32 v26, v26;
	v21 =	vld [tilespmem:s18+$0x50]  }
0x240: {  	v14 =	vadd.f32 v17, v14;
	v17 =	vld [tilespmem:s18+$0xFFFFFF60]  }
0x241: {  	s21 =	simm.s32 $0x61B;
	v16 =	vmul.f32 v16, v16;
	v12 =	vld [tilespmem:s18+$0xFFFFFFE0];
	v62 =	vadd.f32 v13, v11  }
0x242: {  	v15 =	vmul.f32 v15, v15;
	v11 =	vld [tilespmem:s18+$0x60];
	v19 =	vmul.f32 v19, v19;
	v10 =	vmov s21  }
0x243: {  	v13 =	vld [tilespmem:s18+$0xFFFFFF70];
	v23 =	vadd.f32 v16, v14;
	v63 =	vmul.f32 v18, v18  }
0x244: {  	v14 =	vld [tilespmem:s18+$0xFFFFFFF0];
	v18 =	vadd.f32 v19, v62;
	v16 =	vadd.f32 v15, v20;
	v20 =	vmul.f32 v21, v21  }
0x245: {  	s16 =	simm.s32 $0xFFFFFFFC;
	s17 =	simm.s32 $0x0;
	v15 =	vld [tilespmem:s18+$0x70];
	s18 =	simm.s32 $0x13B00;
	v19 =	vmul.f32 v17, v17;
	v17 =	vadd.f32 v63, v23  }
.LBB2_12:
0x246: {  	v21 =	vld [tilespmem:s18+$0x80];
	v12 =	vmul.f32 v12, v12;
	v18 =	vadd.f32 v20, v18;
	v20, _, _ =	vpop (xrf2);
	s19 =	smov.u32 s17  }
0x247: {  	s17 =	sadd.s32 $0x4, s17;
	v22 =	vld [tilespmem:s18+$0x90];
	v16 =	vadd.f32 v19, v16;
	v11 =	vmul.f32 v11, v11;
	[tilespmem:v10+s4+$0x0] =	vst.idx.msk vm0, v20  }
0x248: {  	p0 =	slt.u32 s17, $0x134;
	v10 =	vld [tilespmem:s18+$0xFFFFFF10];
	v13 =	vmul.f32 v13, v13;
	v12 =	vadd.f32 v12, v17  }
0x249: {  	v17 =	vld [tilespmem:s18+$0xA0];
	v14 =	vmul.f32 v14, v14;
	v11 =	vadd.f32 v11, v18  }
0x24a: {  	v18 =	vld [tilespmem:s18+$0xFFFFFF80];
	v13 =	vadd.f32 v13, v16;
	v15 =	vmul.f32 v15, v15  }
0x24b: {  	v16 =	vld [tilespmem:s18+$0xB0];
	v12 =	vadd.f32 v14, v12  }
0x24c: {  	v19 =	vmul.f32 v21, v21;
	v14 =	vld [tilespmem:s18+$0xFFFFFF90];
	v20 =	vmul.f32 v22, v22;
	v11 =	vadd.f32 v15, v11;
	(xrf2) =	vadd.scan.msk.f32 $0xffff, v13  }
0x24d: {  	v10 =	vmul.f32 v10, v10;
	v13 =	vld [tilespmem:s18+$0xC0]  }
0x24e: {  	s20 =	sadd.s32 $0x61C, s16;
	v15 =	vld [tilespmem:s18+$0x0];
	v19 =	vadd.f32 v20, v19;
	v17 =	vmul.f32 v17, v17  }
0x24f: {  	v21 =	vmov s20;
	v18 =	vmul.f32 v18, v18;
	v20 =	vld [tilespmem:s18+$0xD0];
	(xrf2) =	vadd.scan.msk.f32 $0xffff, v12  }
0x250: {  	v12 =	vld [tilespmem:s18+$0x10];
	v17 =	vadd.f32 v17, v19;
	v16 =	vmul.f32 v16, v16;
	v19 =	vand.u32 $0xFFFFFFFC, v21  }
0x251: {  	s20 =	sadd.s32 $0x61D, s16;
	v14 =	vmul.f32 v14, v14;
	v21 =	vld [tilespmem:s18+$0xE0];
	v19 =	vbroadcast v19, $0x0  }
0x252: {  	v22 =	vld [tilespmem:s18+$0xFFFFFF00];
	v16 =	vadd.f32 v16, v17;
	v13 =	vmul.f32 v13, v13;
	v17 =	vmov s20;
	(xrf2) =	vadd.scan.msk.f32 $0xffff, v11  }
0x253: {  	v11 =	vadd.f32 v14, v18;
	v14 =	vmul.f32 v15, v15;
	v15 =	vld [tilespmem:s18+$0xF0];
	v17 =	vand.u32 $0xFFFFFFFD, v17  }
0x254: {  	s20 =	sadd.s32 $0x61E, s16;
	s16 =	smov.u32 s19;
	v18 =	vld [tilespmem:s18+$0xFFFFFF20];
	v13 =	vadd.f32 v13, v16;
	v16 =	vmul.f32 v20, v20;
	v17 =	vbroadcast v17, $0x0  }
0x255: {  	v25 =	vmov s20;
	v20 =	vld [tilespmem:s18+$0xFFFFFFA0];
	v12 =	vmul.f32 v12, v12  }
0x256: {  	v24 =	vld [tilespmem:s18+$0x20];
	v13 =	vadd.f32 v16, v13;
	v16 =	vmul.f32 v21, v21;
	v21 =	vand.u32 $0xFFFFFFFE, v25;
	v23, _, _ =	vpop (xrf2)  }
0x257: {  	v22 =	vmul.f32 v22, v22;
	v25 =	vld [tilespmem:s18+$0xFFFFFF30];
	v12 =	vadd.f32 v12, v14;
	[tilespmem:v19+s4+$0x0] =	vst.idx.msk vm0, v23;
	v14 =	vbroadcast v21, $0x0  }
0x258: {  	v19 =	vld [tilespmem:s18+$0xFFFFFFB0];
	v13 =	vadd.f32 v16, v13;
	v15 =	vmul.f32 v15, v15  }
0x259: {  	v10 =	vadd.f32 v10, v22;
	v16 =	vmul.f32 v18, v18;
	v18 =	vld [tilespmem:s18+$0x30];
	v21, _, _ =	vpop (xrf2)  }
0x25a: {  	v22 =	vld [tilespmem:s18+$0xFFFFFF40];
	v20 =	vmul.f32 v20, v20;
	v23 =	vadd.f32 v15, v13;
	[tilespmem:v17+s4+$0x0] =	vst.idx.msk vm0, v21  }
0x25b: {  	v10 =	vadd.f32 v16, v10;
	v15 =	vld [tilespmem:s18+$0xFFFFFFC0];
	v16 =	vmul.f32 v24, v24  }
0x25c: {  	v17 =	vmul.f32 v25, v25;
	v11 =	vadd.f32 v20, v11;
	v20 =	vld [tilespmem:s18+$0x40];
	(xrf2) =	vadd.scan.msk.f32 $0xffff, v23;
	v13, _, _ =	vpop (xrf2)  }
0x25d: {  	v21 =	vld [tilespmem:s18+$0xFFFFFF50];
	v19 =	vmul.f32 v19, v19;
	v12 =	vadd.f32 v16, v12;
	[tilespmem:v14+s4+$0x0] =	vst.idx.msk vm0, v13  }
0x25e: {  	v10 =	vadd.f32 v17, v10;
	v14 =	vld [tilespmem:s18+$0xFFFFFFD0];
	v13 =	vmul.f32 v18, v18  }
0x25f: {  	v16 =	vmul.f32 v22, v22;
	v11 =	vadd.f32 v19, v11;
	v17 =	vld [tilespmem:s18+$0x50]  }
0x260: {  	v19 =	vld [tilespmem:s18+$0xFFFFFF60];
	v15 =	vmul.f32 v15, v15;
	v18 =	vadd.f32 v13, v12  }
.Ltmp5:
0x261: {  	s19 =	sadd.s32 $0x61F, s16;
	v16 =	vadd.f32 v16, v10;
	v12 =	vld [tilespmem:s18+$0xFFFFFFE0];
	v20 =	vmul.f32 v20, v20;
	(pc) =	sbr.rel @p0 .LBB2_12-.Ltmp5, $4  }
0x262: {  	v10 =	vmov s19;
	v21 =	vmul.f32 v21, v21;
	v15 =	vadd.f32 v15, v11;
	v11 =	vld [tilespmem:s18+$0x60]  }
0x263: {  	v13 =	vld [tilespmem:s18+$0xFFFFFF70];
	v22 =	vmul.f32 v14, v14;
	v18 =	vadd.f32 v20, v18  }
0x264: {  	v16 =	vadd.f32 v21, v16;
	v14 =	vld [tilespmem:s18+$0xFFFFFFF0];
	v20 =	vmul.f32 v17, v17  }
0x265: {  	v19 =	vmul.f32 v19, v19;
	v17 =	vadd.f32 v22, v15;
	v15 =	vld [tilespmem:s18+$0x70];
	s18 =	sadd.s32 $0x200, s18  }
0x266: {  	_ = 	snop  }
0x267: {  	v12 =	vmul.f32 v12, v12;
	v18 =	vadd.f32 v20, v18  }
0x268: {  	v16 =	vadd.f32 v19, v16;
	v11 =	vmul.f32 v11, v11;
	v13 =	vmul.f32 v13, v13  }
0x269: {  	v12 =	vadd.f32 v12, v17;
	v14 =	vmul.f32 v14, v14  }
0x26a: {  	v11 =	vadd.f32 v11, v18;
	v13 =	vadd.f32 v13, v16;
	v15 =	vmul.f32 v15, v15  }
0x26b: {  	v12 =	vadd.f32 v14, v12  }
0x26c: {  	v11 =	vadd.f32 v15, v11;
	(xrf2) =	vadd.scan.msk.f32 $0xffff, v13  }
0x26d: {  	(xrf2) =	vadd.scan.msk.f32 $0xffff, v12  }
0x26e: {  	s17 =	sadd.s32 $0x61C, s16;
	(xrf2) =	vadd.scan.msk.f32 $0xffff, v11  }
0x26f: {  	s21 =	sadd.s32 $0x61D, s16;
	v11 =	vmov s17  }
0x270: {  	s18 =	sadd.s32 $0x61E, s16;
	v12 =	vmov s21;
	v11 =	vand.u32 $0xFFFFFFFC, v11  }
0x271: {  	v13 =	vmov s18;
	v12 =	vand.u32 $0xFFFFFFFD, v12;
	v11 =	vbroadcast v11, $0x0  }
0x272: {  	v13 =	vand.u32 $0xFFFFFFFE, v13;
	v12 =	vbroadcast v12, $0x0  }
0x273: {  	v13 =	vbroadcast v13, $0x0;
	_ =	sdelay $0x1  }
0x274: {  	v14, _, _ =	vpop (xrf2)  }
0x275: {  	[tilespmem:v10+s4+$0x0] =	vst.idx.msk vm0, v14;
	v10, _, _ =	vpop (xrf2)  }
0x276: {  	[tilespmem:v11+s4+$0x0] =	vst.idx.msk vm0, v10;
	v10, _, _ =	vpop (xrf2)  }
0x277: {  	[tilespmem:v12+s4+$0x0] =	vst.idx.msk vm0, v10;
	v10, _, _ =	vpop (xrf2)  }
0x278: {  	[tilespmem:v13+s4+$0x0] =	vst.idx.msk vm0, v10  }
0x279: {  	_ =	swait.ge [sflag:s9], $0x9C00  }
0x27a: {  	[sflag:s9] =	ssyncset.done $0x0  }
0x27b: {  	s19 =	rddreg [dreg:$0x16];
	[sflag:s9] =	ssyncadd.s32 $0xFFFF6400  }
0x27c: {  	[tilespmem:s0], [sflag:$0x3] =	stream.linear.gather [hbm4b:s19+s1], $0x9C00, $0x38;
	[tilespmem:$0x1F000] =	vst v63  }
0x27d: {  	_ =	swait.ge [sflag:s3], $0x9C00  }
0x27e: {  	[sflag:s3] =	ssyncset.done $0x0  }
0x27f: {  	s18 =	simm.s32 $0x100;
	s20 =	rddreg [dreg:$0x14];
	[sflag:s3] =	ssyncadd.s32 $0xFFFF6400  }
0x280: {  	[hbm4b:s20+s1] =	stream.linear.scatter [tilespmem:s1], [sflag:$0x4], $0x9C00, $0x38;
	[tilespmem:$0x1F000] =	vst v63  }
0x281: {  	v10 =	vld [tilespmem:s18+$0x80]  }
0x282: {  	v11 =	vld [tilespmem:s18+$0x90]  }
0x283: {  	v12 =	vld [tilespmem:s18+$0xFFFFFF10]  }
0x284: {  	v13 =	vld [tilespmem:s18+$0xA0]  }
0x285: {  	v14 =	vld [tilespmem:s18+$0xFFFFFF80]  }
0x286: {  	v15 =	vld [tilespmem:s18+$0xB0]  }
0x287: {  	v17 =	vld [tilespmem:s18+$0xC0];
	v10 =	vmul.f32 v10, v10;
	v11 =	vmul.f32 v11, v11  }
0x288: {  	v19 =	vld [tilespmem:s18+$0xD0]  }
0x289: {  	v22 =	vld [tilespmem:s18+$0xFFFFFF00];
	v10 =	vadd.f32 v11, v10;
	v11 =	vmul.f32 v13, v13  }
0x28a: {  	v20 =	vld [tilespmem:s18+$0x10]  }
0x28b: {  	v13 =	vld [tilespmem:s18+$0xFFFFFF20];
	v10 =	vadd.f32 v11, v10;
	v11 =	vmul.f32 v15, v15  }
0x28c: {  	v21 =	vld [tilespmem:s18+$0xE0]  }
0x28d: {  	v25 =	vld [tilespmem:s18+$0xFFFFFF30];
	v10 =	vadd.f32 v11, v10;
	v11 =	vmul.f32 v17, v17  }
0x28e: {  	v23 =	vld [tilespmem:s18+$0xF0];
	v12 =	vmul.f32 v12, v12;
	v22 =	vmul.f32 v22, v22  }
0x28f: {  	v10 =	vadd.f32 v11, v10;
	v11 =	vmul.f32 v19, v19;
	v19 =	vmul.f32 v20, v20;
	v20 =	vld [tilespmem:s18+$0xFFFFFF40]  }
0x290: {  	v16 =	vld [tilespmem:s18+$0xFFFFFF90];
	v12 =	vadd.f32 v12, v22;
	v13 =	vmul.f32 v13, v13  }
0x291: {  	v18 =	vld [tilespmem:s18+$0x0];
	v21 =	vmul.f32 v21, v21  }
0x292: {  	v24 =	vld [tilespmem:s18+$0xFFFFFFA0];
	v22 =	vmul.f32 v25, v25;
	v12 =	vadd.f32 v13, v12;
	v10 =	vadd.f32 v11, v10  }
0x293: {  	v23 =	vmul.f32 v23, v23;
	v15 =	vld [tilespmem:s18+$0x20]  }
0x294: {  	v22 =	vadd.f32 v22, v12;
	v10 =	vadd.f32 v21, v10;
	v20 =	vmul.f32 v20, v20  }
0x295: {  	v14 =	vmul.f32 v14, v14;
	v16 =	vmul.f32 v16, v16;
	v17 =	vld [tilespmem:s18+$0xFFFFFFB0]  }
0x296: {  	v26 =	vld [tilespmem:s18+$0x30];
	v18 =	vmul.f32 v18, v18;
	v20 =	vadd.f32 v20, v22;
	v22 =	vadd.f32 v23, v10  }
0x297: {  	v14 =	vadd.f32 v16, v14;
	v16 =	vld [tilespmem:s18+$0xFFFFFFC0]  }
0x298: {  	v13 =	vmul.f32 v15, v15;
	v15 =	vld [tilespmem:s18+$0xFFFFFF50];
	v11 =	vadd.f32 v19, v18;
	v18 =	vmul.f32 v24, v24;
	(xrf2) =	vadd.scan.msk.f32 $0xffff, v22  }
0x299: {  	v19 =	vld [tilespmem:s18+$0x40]  }
0x29a: {  	v17 =	vmul.f32 v17, v17;
	v14 =	vadd.f32 v18, v14;
	v18 =	vld [tilespmem:s18+$0xFFFFFFD0]  }
0x29b: {  	v11 =	vadd.f32 v13, v11;
	v13 =	vmul.f32 v26, v26;
	v21 =	vld [tilespmem:s18+$0x50]  }
0x29c: {  	v14 =	vadd.f32 v17, v14;
	v17 =	vld [tilespmem:s18+$0xFFFFFF60]  }
0x29d: {  	s21 =	simm.s32 $0x753;
	v16 =	vmul.f32 v16, v16;
	v12 =	vld [tilespmem:s18+$0xFFFFFFE0];
	v62 =	vadd.f32 v13, v11  }
0x29e: {  	v15 =	vmul.f32 v15, v15;
	v11 =	vld [tilespmem:s18+$0x60];
	v19 =	vmul.f32 v19, v19;
	v10 =	vmov s21  }
0x29f: {  	v13 =	vld [tilespmem:s18+$0xFFFFFF70];
	v23 =	vadd.f32 v16, v14;
	v63 =	vmul.f32 v18, v18  }
0x2a0: {  	v14 =	vld [tilespmem:s18+$0xFFFFFFF0];
	v18 =	vadd.f32 v19, v62;
	v16 =	vadd.f32 v15, v20;
	v20 =	vmul.f32 v21, v21  }
0x2a1: {  	s16 =	simm.s32 $0xFFFFFFFC;
	s17 =	simm.s32 $0x0;
	v15 =	vld [tilespmem:s18+$0x70];
	s18 =	simm.s32 $0x300;
	v19 =	vmul.f32 v17, v17;
	v17 =	vadd.f32 v63, v23  }
.LBB2_14:
0x2a2: {  	v21 =	vld [tilespmem:s18+$0x80];
	v12 =	vmul.f32 v12, v12;
	v18 =	vadd.f32 v20, v18;
	v20, _, _ =	vpop (xrf2);
	s19 =	smov.u32 s17  }
0x2a3: {  	s17 =	sadd.s32 $0x4, s17;
	v22 =	vld [tilespmem:s18+$0x90];
	v16 =	vadd.f32 v19, v16;
	v11 =	vmul.f32 v11, v11;
	[tilespmem:v10+s4+$0x0] =	vst.idx.msk vm0, v20  }
0x2a4: {  	p0 =	slt.u32 s17, $0x134;
	v10 =	vld [tilespmem:s18+$0xFFFFFF10];
	v13 =	vmul.f32 v13, v13;
	v12 =	vadd.f32 v12, v17  }
0x2a5: {  	v17 =	vld [tilespmem:s18+$0xA0];
	v14 =	vmul.f32 v14, v14;
	v11 =	vadd.f32 v11, v18  }
0x2a6: {  	v18 =	vld [tilespmem:s18+$0xFFFFFF80];
	v13 =	vadd.f32 v13, v16;
	v15 =	vmul.f32 v15, v15  }
0x2a7: {  	v16 =	vld [tilespmem:s18+$0xB0];
	v12 =	vadd.f32 v14, v12  }
0x2a8: {  	v19 =	vmul.f32 v21, v21;
	v14 =	vld [tilespmem:s18+$0xFFFFFF90];
	v20 =	vmul.f32 v22, v22;
	v11 =	vadd.f32 v15, v11;
	(xrf2) =	vadd.scan.msk.f32 $0xffff, v13  }
0x2a9: {  	v10 =	vmul.f32 v10, v10;
	v13 =	vld [tilespmem:s18+$0xC0]  }
0x2aa: {  	s20 =	sadd.s32 $0x754, s16;
	v15 =	vld [tilespmem:s18+$0x0];
	v19 =	vadd.f32 v20, v19;
	v17 =	vmul.f32 v17, v17  }
0x2ab: {  	v21 =	vmov s20;
	v18 =	vmul.f32 v18, v18;
	v20 =	vld [tilespmem:s18+$0xD0];
	(xrf2) =	vadd.scan.msk.f32 $0xffff, v12  }
0x2ac: {  	v12 =	vld [tilespmem:s18+$0x10];
	v17 =	vadd.f32 v17, v19;
	v16 =	vmul.f32 v16, v16;
	v19 =	vand.u32 $0xFFFFFFFC, v21  }
0x2ad: {  	s20 =	sadd.s32 $0x755, s16;
	v14 =	vmul.f32 v14, v14;
	v21 =	vld [tilespmem:s18+$0xE0];
	v19 =	vbroadcast v19, $0x0  }
0x2ae: {  	v22 =	vld [tilespmem:s18+$0xFFFFFF00];
	v16 =	vadd.f32 v16, v17;
	v13 =	vmul.f32 v13, v13;
	v17 =	vmov s20;
	(xrf2) =	vadd.scan.msk.f32 $0xffff, v11  }
0x2af: {  	v11 =	vadd.f32 v14, v18;
	v14 =	vmul.f32 v15, v15;
	v15 =	vld [tilespmem:s18+$0xF0];
	v17 =	vand.u32 $0xFFFFFFFD, v17  }
0x2b0: {  	s20 =	sadd.s32 $0x756, s16;
	s16 =	smov.u32 s19;
	v18 =	vld [tilespmem:s18+$0xFFFFFF20];
	v13 =	vadd.f32 v13, v16;
	v16 =	vmul.f32 v20, v20;
	v17 =	vbroadcast v17, $0x0  }
0x2b1: {  	v25 =	vmov s20;
	v20 =	vld [tilespmem:s18+$0xFFFFFFA0];
	v12 =	vmul.f32 v12, v12  }
0x2b2: {  	v24 =	vld [tilespmem:s18+$0x20];
	v13 =	vadd.f32 v16, v13;
	v16 =	vmul.f32 v21, v21;
	v21 =	vand.u32 $0xFFFFFFFE, v25;
	v23, _, _ =	vpop (xrf2)  }
0x2b3: {  	v22 =	vmul.f32 v22, v22;
	v25 =	vld [tilespmem:s18+$0xFFFFFF30];
	v12 =	vadd.f32 v12, v14;
	[tilespmem:v19+s4+$0x0] =	vst.idx.msk vm0, v23;
	v14 =	vbroadcast v21, $0x0  }
0x2b4: {  	v19 =	vld [tilespmem:s18+$0xFFFFFFB0];
	v13 =	vadd.f32 v16, v13;
	v15 =	vmul.f32 v15, v15  }
0x2b5: {  	v10 =	vadd.f32 v10, v22;
	v16 =	vmul.f32 v18, v18;
	v18 =	vld [tilespmem:s18+$0x30];
	v21, _, _ =	vpop (xrf2)  }
0x2b6: {  	v22 =	vld [tilespmem:s18+$0xFFFFFF40];
	v20 =	vmul.f32 v20, v20;
	v23 =	vadd.f32 v15, v13;
	[tilespmem:v17+s4+$0x0] =	vst.idx.msk vm0, v21  }
0x2b7: {  	v10 =	vadd.f32 v16, v10;
	v15 =	vld [tilespmem:s18+$0xFFFFFFC0];
	v16 =	vmul.f32 v24, v24  }
0x2b8: {  	v17 =	vmul.f32 v25, v25;
	v11 =	vadd.f32 v20, v11;
	v20 =	vld [tilespmem:s18+$0x40];
	(xrf2) =	vadd.scan.msk.f32 $0xffff, v23;
	v13, _, _ =	vpop (xrf2)  }
0x2b9: {  	v21 =	vld [tilespmem:s18+$0xFFFFFF50];
	v19 =	vmul.f32 v19, v19;
	v12 =	vadd.f32 v16, v12;
	[tilespmem:v14+s4+$0x0] =	vst.idx.msk vm0, v13  }
0x2ba: {  	v10 =	vadd.f32 v17, v10;
	v14 =	vld [tilespmem:s18+$0xFFFFFFD0];
	v13 =	vmul.f32 v18, v18  }
0x2bb: {  	v16 =	vmul.f32 v22, v22;
	v11 =	vadd.f32 v19, v11;
	v17 =	vld [tilespmem:s18+$0x50]  }
0x2bc: {  	v19 =	vld [tilespmem:s18+$0xFFFFFF60];
	v15 =	vmul.f32 v15, v15;
	v18 =	vadd.f32 v13, v12  }
.Ltmp6:
0x2bd: {  	s19 =	sadd.s32 $0x757, s16;
	v16 =	vadd.f32 v16, v10;
	v12 =	vld [tilespmem:s18+$0xFFFFFFE0];
	v20 =	vmul.f32 v20, v20;
	(pc) =	sbr.rel @p0 .LBB2_14-.Ltmp6, $4  }
0x2be: {  	v10 =	vmov s19;
	v21 =	vmul.f32 v21, v21;
	v15 =	vadd.f32 v15, v11;
	v11 =	vld [tilespmem:s18+$0x60]  }
0x2bf: {  	v13 =	vld [tilespmem:s18+$0xFFFFFF70];
	v22 =	vmul.f32 v14, v14;
	v18 =	vadd.f32 v20, v18  }
0x2c0: {  	v16 =	vadd.f32 v21, v16;
	v14 =	vld [tilespmem:s18+$0xFFFFFFF0];
	v20 =	vmul.f32 v17, v17  }
0x2c1: {  	v19 =	vmul.f32 v19, v19;
	v17 =	vadd.f32 v22, v15;
	v15 =	vld [tilespmem:s18+$0x70];
	s18 =	sadd.s32 $0x200, s18  }
0x2c2: {  	_ = 	snop  }
0x2c3: {  	v12 =	vmul.f32 v12, v12;
	v18 =	vadd.f32 v20, v18  }
0x2c4: {  	v16 =	vadd.f32 v19, v16;
	v11 =	vmul.f32 v11, v11;
	v13 =	vmul.f32 v13, v13  }
0x2c5: {  	v12 =	vadd.f32 v12, v17;
	v14 =	vmul.f32 v14, v14  }
0x2c6: {  	v11 =	vadd.f32 v11, v18;
	v13 =	vadd.f32 v13, v16;
	v15 =	vmul.f32 v15, v15  }
0x2c7: {  	v12 =	vadd.f32 v14, v12  }
0x2c8: {  	v11 =	vadd.f32 v15, v11;
	(xrf2) =	vadd.scan.msk.f32 $0xffff, v13  }
0x2c9: {  	(xrf2) =	vadd.scan.msk.f32 $0xffff, v12  }
0x2ca: {  	s17 =	sadd.s32 $0x754, s16;
	(xrf2) =	vadd.scan.msk.f32 $0xffff, v11  }
0x2cb: {  	s21 =	sadd.s32 $0x755, s16;
	v11 =	vmov s17  }
0x2cc: {  	s18 =	sadd.s32 $0x756, s16;
	v12 =	vmov s21;
	v11 =	vand.u32 $0xFFFFFFFC, v11  }
0x2cd: {  	v13 =	vmov s18;
	v12 =	vand.u32 $0xFFFFFFFD, v12;
	v11 =	vbroadcast v11, $0x0  }
0x2ce: {  	v13 =	vand.u32 $0xFFFFFFFE, v13;
	v12 =	vbroadcast v12, $0x0  }
0x2cf: {  	v13 =	vbroadcast v13, $0x0;
	_ =	sdelay $0x1  }
0x2d0: {  	v14, _, _ =	vpop (xrf2)  }
0x2d1: {  	[tilespmem:v10+s4+$0x0] =	vst.idx.msk vm0, v14;
	v10, _, _ =	vpop (xrf2)  }
0x2d2: {  	[tilespmem:v11+s4+$0x0] =	vst.idx.msk vm0, v10;
	v10, _, _ =	vpop (xrf2)  }
0x2d3: {  	[tilespmem:v12+s4+$0x0] =	vst.idx.msk vm0, v10;
	v10, _, _ =	vpop (xrf2)  }
0x2d4: {  	[tilespmem:v13+s4+$0x0] =	vst.idx.msk vm0, v10  }
0x2d5: {  	_ =	swait.ge [sflag:s5], $0x9C00  }
0x2d6: {  	[sflag:s5] =	ssyncset.done $0x0  }
0x2d7: {  	s19 =	rddreg [dreg:$0x17];
	[sflag:s5] =	ssyncadd.s32 $0xFFFF6400  }
0x2d8: {  	[tilespmem:s1], [sflag:$0x1] =	stream.linear.gather [hbm4b:s19+s1], $0x9C00, $0x38;
	[tilespmem:$0x1F000] =	vst v63  }
0x2d9: {  	_ =	swait.ge [sflag:s6], $0x9C00  }
0x2da: {  	[sflag:s6] =	ssyncset.done $0x0  }
0x2db: {  	s18 =	simm.s32 $0x9D00;
	s20 =	rddreg [dreg:$0x15];
	[sflag:s6] =	ssyncadd.s32 $0xFFFF6400  }
0x2dc: {  	[hbm4b:s20+s1] =	stream.linear.scatter [tilespmem:s22], [sflag:$0x5], $0x9C00, $0x38;
	[tilespmem:$0x1F000] =	vst v63  }
0x2dd: {  	v10 =	vld [tilespmem:s18+$0x80]  }
0x2de: {  	v11 =	vld [tilespmem:s18+$0x90]  }
0x2df: {  	v12 =	vld [tilespmem:s18+$0xFFFFFF10]  }
0x2e0: {  	v13 =	vld [tilespmem:s18+$0xA0]  }
0x2e1: {  	v14 =	vld [tilespmem:s18+$0xFFFFFF80]  }
0x2e2: {  	v15 =	vld [tilespmem:s18+$0xB0]  }
0x2e3: {  	v17 =	vld [tilespmem:s18+$0xC0];
	v10 =	vmul.f32 v10, v10;
	v11 =	vmul.f32 v11, v11  }
0x2e4: {  	v19 =	vld [tilespmem:s18+$0xD0]  }
0x2e5: {  	v22 =	vld [tilespmem:s18+$0xFFFFFF00];
	v10 =	vadd.f32 v11, v10;
	v11 =	vmul.f32 v13, v13  }
0x2e6: {  	v20 =	vld [tilespmem:s18+$0x10]  }
0x2e7: {  	v13 =	vld [tilespmem:s18+$0xFFFFFF20];
	v10 =	vadd.f32 v11, v10;
	v11 =	vmul.f32 v15, v15  }
0x2e8: {  	v21 =	vld [tilespmem:s18+$0xE0]  }
0x2e9: {  	v25 =	vld [tilespmem:s18+$0xFFFFFF30];
	v10 =	vadd.f32 v11, v10;
	v11 =	vmul.f32 v17, v17  }
0x2ea: {  	v23 =	vld [tilespmem:s18+$0xF0];
	v12 =	vmul.f32 v12, v12;
	v22 =	vmul.f32 v22, v22  }
0x2eb: {  	v10 =	vadd.f32 v11, v10;
	v11 =	vmul.f32 v19, v19;
	v19 =	vmul.f32 v20, v20;
	v20 =	vld [tilespmem:s18+$0xFFFFFF40]  }
0x2ec: {  	v16 =	vld [tilespmem:s18+$0xFFFFFF90];
	v12 =	vadd.f32 v12, v22;
	v13 =	vmul.f32 v13, v13  }
0x2ed: {  	v18 =	vld [tilespmem:s18+$0x0];
	v21 =	vmul.f32 v21, v21  }
0x2ee: {  	v24 =	vld [tilespmem:s18+$0xFFFFFFA0];
	v22 =	vmul.f32 v25, v25;
	v12 =	vadd.f32 v13, v12;
	v10 =	vadd.f32 v11, v10  }
0x2ef: {  	v23 =	vmul.f32 v23, v23;
	v15 =	vld [tilespmem:s18+$0x20]  }
0x2f0: {  	v22 =	vadd.f32 v22, v12;
	v10 =	vadd.f32 v21, v10;
	v20 =	vmul.f32 v20, v20  }
0x2f1: {  	v14 =	vmul.f32 v14, v14;
	v16 =	vmul.f32 v16, v16;
	v17 =	vld [tilespmem:s18+$0xFFFFFFB0]  }
0x2f2: {  	v26 =	vld [tilespmem:s18+$0x30];
	v18 =	vmul.f32 v18, v18;
	v20 =	vadd.f32 v20, v22;
	v22 =	vadd.f32 v23, v10  }
0x2f3: {  	v14 =	vadd.f32 v16, v14;
	v16 =	vld [tilespmem:s18+$0xFFFFFFC0]  }
0x2f4: {  	v13 =	vmul.f32 v15, v15;
	v15 =	vld [tilespmem:s18+$0xFFFFFF50];
	v11 =	vadd.f32 v19, v18;
	v18 =	vmul.f32 v24, v24;
	(xrf2) =	vadd.scan.msk.f32 $0xffff, v22  }
0x2f5: {  	v19 =	vld [tilespmem:s18+$0x40]  }
0x2f6: {  	v17 =	vmul.f32 v17, v17;
	v14 =	vadd.f32 v18, v14;
	v18 =	vld [tilespmem:s18+$0xFFFFFFD0]  }
0x2f7: {  	v11 =	vadd.f32 v13, v11;
	v13 =	vmul.f32 v26, v26;
	v21 =	vld [tilespmem:s18+$0x50]  }
0x2f8: {  	v14 =	vadd.f32 v17, v14;
	v17 =	vld [tilespmem:s18+$0xFFFFFF60]  }
0x2f9: {  	s21 =	simm.s32 $0x88B;
	v16 =	vmul.f32 v16, v16;
	v12 =	vld [tilespmem:s18+$0xFFFFFFE0];
	v62 =	vadd.f32 v13, v11  }
0x2fa: {  	v15 =	vmul.f32 v15, v15;
	v11 =	vld [tilespmem:s18+$0x60];
	v19 =	vmul.f32 v19, v19;
	v10 =	vmov s21  }
0x2fb: {  	v13 =	vld [tilespmem:s18+$0xFFFFFF70];
	v23 =	vadd.f32 v16, v14;
	v63 =	vmul.f32 v18, v18  }
0x2fc: {  	v14 =	vld [tilespmem:s18+$0xFFFFFFF0];
	v18 =	vadd.f32 v19, v62;
	v16 =	vadd.f32 v15, v20;
	v20 =	vmul.f32 v21, v21  }
0x2fd: {  	s16 =	simm.s32 $0xFFFFFFFC;
	s17 =	simm.s32 $0x0;
	v15 =	vld [tilespmem:s18+$0x70];
	s18 =	simm.s32 $0x9F00;
	v19 =	vmul.f32 v17, v17;
	v17 =	vadd.f32 v63, v23  }
.LBB2_16:
0x2fe: {  	v21 =	vld [tilespmem:s18+$0x80];
	v12 =	vmul.f32 v12, v12;
	v18 =	vadd.f32 v20, v18;
	v20, _, _ =	vpop (xrf2);
	s19 =	smov.u32 s17  }
0x2ff: {  	s17 =	sadd.s32 $0x4, s17;
	v22 =	vld [tilespmem:s18+$0x90];
	v16 =	vadd.f32 v19, v16;
	v11 =	vmul.f32 v11, v11;
	[tilespmem:v10+s4+$0x0] =	vst.idx.msk vm0, v20  }
0x300: {  	p0 =	slt.u32 s17, $0x134;
	v10 =	vld [tilespmem:s18+$0xFFFFFF10];
	v13 =	vmul.f32 v13, v13;
	v12 =	vadd.f32 v12, v17  }
0x301: {  	v17 =	vld [tilespmem:s18+$0xA0];
	v14 =	vmul.f32 v14, v14;
	v11 =	vadd.f32 v11, v18  }
0x302: {  	v18 =	vld [tilespmem:s18+$0xFFFFFF80];
	v13 =	vadd.f32 v13, v16;
	v15 =	vmul.f32 v15, v15  }
0x303: {  	v16 =	vld [tilespmem:s18+$0xB0];
	v12 =	vadd.f32 v14, v12  }
0x304: {  	v19 =	vmul.f32 v21, v21;
	v14 =	vld [tilespmem:s18+$0xFFFFFF90];
	v20 =	vmul.f32 v22, v22;
	v11 =	vadd.f32 v15, v11;
	(xrf2) =	vadd.scan.msk.f32 $0xffff, v13  }
0x305: {  	v10 =	vmul.f32 v10, v10;
	v13 =	vld [tilespmem:s18+$0xC0]  }
0x306: {  	s20 =	sadd.s32 $0x88C, s16;
	v15 =	vld [tilespmem:s18+$0x0];
	v19 =	vadd.f32 v20, v19;
	v17 =	vmul.f32 v17, v17  }
0x307: {  	v21 =	vmov s20;
	v18 =	vmul.f32 v18, v18;
	v20 =	vld [tilespmem:s18+$0xD0];
	(xrf2) =	vadd.scan.msk.f32 $0xffff, v12  }
0x308: {  	v12 =	vld [tilespmem:s18+$0x10];
	v17 =	vadd.f32 v17, v19;
	v16 =	vmul.f32 v16, v16;
	v19 =	vand.u32 $0xFFFFFFFC, v21  }
0x309: {  	s20 =	sadd.s32 $0x88D, s16;
	v14 =	vmul.f32 v14, v14;
	v21 =	vld [tilespmem:s18+$0xE0];
	v19 =	vbroadcast v19, $0x0  }
0x30a: {  	v22 =	vld [tilespmem:s18+$0xFFFFFF00];
	v16 =	vadd.f32 v16, v17;
	v13 =	vmul.f32 v13, v13;
	v17 =	vmov s20;
	(xrf2) =	vadd.scan.msk.f32 $0xffff, v11  }
0x30b: {  	v11 =	vadd.f32 v14, v18;
	v14 =	vmul.f32 v15, v15;
	v15 =	vld [tilespmem:s18+$0xF0];
	v17 =	vand.u32 $0xFFFFFFFD, v17  }
0x30c: {  	s20 =	sadd.s32 $0x88E, s16;
	s16 =	smov.u32 s19;
	v18 =	vld [tilespmem:s18+$0xFFFFFF20];
	v13 =	vadd.f32 v13, v16;
	v16 =	vmul.f32 v20, v20;
	v17 =	vbroadcast v17, $0x0  }
0x30d: {  	v25 =	vmov s20;
	v20 =	vld [tilespmem:s18+$0xFFFFFFA0];
	v12 =	vmul.f32 v12, v12  }
0x30e: {  	v24 =	vld [tilespmem:s18+$0x20];
	v13 =	vadd.f32 v16, v13;
	v16 =	vmul.f32 v21, v21;
	v21 =	vand.u32 $0xFFFFFFFE, v25;
	v23, _, _ =	vpop (xrf2)  }
0x30f: {  	v22 =	vmul.f32 v22, v22;
	v25 =	vld [tilespmem:s18+$0xFFFFFF30];
	v12 =	vadd.f32 v12, v14;
	[tilespmem:v19+s4+$0x0] =	vst.idx.msk vm0, v23;
	v14 =	vbroadcast v21, $0x0  }
0x310: {  	v19 =	vld [tilespmem:s18+$0xFFFFFFB0];
	v13 =	vadd.f32 v16, v13;
	v15 =	vmul.f32 v15, v15  }
0x311: {  	v10 =	vadd.f32 v10, v22;
	v16 =	vmul.f32 v18, v18;
	v18 =	vld [tilespmem:s18+$0x30];
	v21, _, _ =	vpop (xrf2)  }
0x312: {  	v22 =	vld [tilespmem:s18+$0xFFFFFF40];
	v20 =	vmul.f32 v20, v20;
	v23 =	vadd.f32 v15, v13;
	[tilespmem:v17+s4+$0x0] =	vst.idx.msk vm0, v21  }
0x313: {  	v10 =	vadd.f32 v16, v10;
	v15 =	vld [tilespmem:s18+$0xFFFFFFC0];
	v16 =	vmul.f32 v24, v24  }
0x314: {  	v17 =	vmul.f32 v25, v25;
	v11 =	vadd.f32 v20, v11;
	v20 =	vld [tilespmem:s18+$0x40];
	(xrf2) =	vadd.scan.msk.f32 $0xffff, v23;
	v13, _, _ =	vpop (xrf2)  }
0x315: {  	v21 =	vld [tilespmem:s18+$0xFFFFFF50];
	v19 =	vmul.f32 v19, v19;
	v12 =	vadd.f32 v16, v12;
	[tilespmem:v14+s4+$0x0] =	vst.idx.msk vm0, v13  }
0x316: {  	v10 =	vadd.f32 v17, v10;
	v14 =	vld [tilespmem:s18+$0xFFFFFFD0];
	v13 =	vmul.f32 v18, v18  }
0x317: {  	v16 =	vmul.f32 v22, v22;
	v11 =	vadd.f32 v19, v11;
	v17 =	vld [tilespmem:s18+$0x50]  }
0x318: {  	v19 =	vld [tilespmem:s18+$0xFFFFFF60];
	v15 =	vmul.f32 v15, v15;
	v18 =	vadd.f32 v13, v12  }
.Ltmp7:
0x319: {  	s19 =	sadd.s32 $0x88F, s16;
	v16 =	vadd.f32 v16, v10;
	v12 =	vld [tilespmem:s18+$0xFFFFFFE0];
	v20 =	vmul.f32 v20, v20;
	(pc) =	sbr.rel @p0 .LBB2_16-.Ltmp7, $4  }
0x31a: {  	v10 =	vmov s19;
	v21 =	vmul.f32 v21, v21;
	v15 =	vadd.f32 v15, v11;
	v11 =	vld [tilespmem:s18+$0x60]  }
0x31b: {  	v13 =	vld [tilespmem:s18+$0xFFFFFF70];
	v22 =	vmul.f32 v14, v14;
	v18 =	vadd.f32 v20, v18  }
0x31c: {  	v16 =	vadd.f32 v21, v16;
	v14 =	vld [tilespmem:s18+$0xFFFFFFF0];
	v20 =	vmul.f32 v17, v17  }
0x31d: {  	v19 =	vmul.f32 v19, v19;
	v17 =	vadd.f32 v22, v15;
	v15 =	vld [tilespmem:s18+$0x70];
	s18 =	sadd.s32 $0x200, s18  }
0x31e: {  	_ = 	snop  }
0x31f: {  	v12 =	vmul.f32 v12, v12;
	v18 =	vadd.f32 v20, v18  }
0x320: {  	v16 =	vadd.f32 v19, v16;
	v11 =	vmul.f32 v11, v11;
	v13 =	vmul.f32 v13, v13  }
0x321: {  	v12 =	vadd.f32 v12, v17;
	v14 =	vmul.f32 v14, v14  }
0x322: {  	v11 =	vadd.f32 v11, v18;
	v13 =	vadd.f32 v13, v16;
	v15 =	vmul.f32 v15, v15  }
0x323: {  	v12 =	vadd.f32 v14, v12  }
0x324: {  	v11 =	vadd.f32 v15, v11;
	(xrf2) =	vadd.scan.msk.f32 $0xffff, v13  }
0x325: {  	(xrf2) =	vadd.scan.msk.f32 $0xffff, v12  }
0x326: {  	s17 =	sadd.s32 $0x88C, s16;
	(xrf2) =	vadd.scan.msk.f32 $0xffff, v11  }
0x327: {  	s18 =	sadd.s32 $0x88D, s16;
	v11 =	vmov s17  }
0x328: {  	s19 =	sadd.s32 $0x88E, s16;
	v12 =	vmov s18;
	v11 =	vand.u32 $0xFFFFFFFC, v11  }
0x329: {  	v13 =	vmov s19;
	v12 =	vand.u32 $0xFFFFFFFD, v12;
	v11 =	vbroadcast v11, $0x0  }
0x32a: {  	v13 =	vand.u32 $0xFFFFFFFE, v13;
	v12 =	vbroadcast v12, $0x0  }
0x32b: {  	v13 =	vbroadcast v13, $0x0;
	_ =	sdelay $0x1  }
0x32c: {  	v14, _, _ =	vpop (xrf2)  }
0x32d: {  	[tilespmem:v10+s4+$0x0] =	vst.idx.msk vm0, v14;
	v10, _, _ =	vpop (xrf2)  }
0x32e: {  	[tilespmem:v11+s4+$0x0] =	vst.idx.msk vm0, v10;
	v10, _, _ =	vpop (xrf2)  }
0x32f: {  	[tilespmem:v12+s4+$0x0] =	vst.idx.msk vm0, v10;
	v10, _, _ =	vpop (xrf2)  }
0x330: {  	[tilespmem:v13+s4+$0x0] =	vst.idx.msk vm0, v10  }
0x331: {  	_ =	swait.ge [sflag:s7], $0x9C00  }
0x332: {  	[sflag:s7] =	ssyncset.done $0x0  }
0x333: {  	s20 =	rddreg [dreg:$0x18];
	[sflag:s7] =	ssyncadd.s32 $0xFFFF6400  }
0x334: {  	[tilespmem:s22], [sflag:$0x2] =	stream.linear.gather [hbm4b:s20+s1], $0x280, $0x38;
	[tilespmem:$0x1F000] =	vst v63  }
0x335: {  	_ =	swait.ge [sflag:s8], $0x9C00  }
0x336: {  	[sflag:s8] =	ssyncset.done $0x0  }
0x337: {  	s18 =	simm.s32 $0x13900;
	[sflag:s8] =	ssyncadd.s32 $0xFFFF6400  }
0x338: {  	[hbm4b:s23+s1] =	stream.linear.scatter [tilespmem:s0], [sflag:$0x6], $0x9C00, $0x38;
	[tilespmem:$0x1F000] =	vst v63  }
0x339: {  	v10 =	vld [tilespmem:s18+$0x80]  }
0x33a: {  	v11 =	vld [tilespmem:s18+$0x90]  }
0x33b: {  	v12 =	vld [tilespmem:s18+$0xFFFFFF10]  }
0x33c: {  	v13 =	vld [tilespmem:s18+$0xA0]  }
0x33d: {  	v14 =	vld [tilespmem:s18+$0xFFFFFF80]  }
0x33e: {  	v15 =	vld [tilespmem:s18+$0xB0]  }
0x33f: {  	v17 =	vld [tilespmem:s18+$0xC0];
	v10 =	vmul.f32 v10, v10;
	v11 =	vmul.f32 v11, v11  }
0x340: {  	v19 =	vld [tilespmem:s18+$0xD0]  }
0x341: {  	v22 =	vld [tilespmem:s18+$0xFFFFFF00];
	v10 =	vadd.f32 v11, v10;
	v11 =	vmul.f32 v13, v13  }
0x342: {  	v20 =	vld [tilespmem:s18+$0x10]  }
0x343: {  	v13 =	vld [tilespmem:s18+$0xFFFFFF20];
	v10 =	vadd.f32 v11, v10;
	v11 =	vmul.f32 v15, v15  }
0x344: {  	v21 =	vld [tilespmem:s18+$0xE0]  }
0x345: {  	v25 =	vld [tilespmem:s18+$0xFFFFFF30];
	v10 =	vadd.f32 v11, v10;
	v11 =	vmul.f32 v17, v17  }
0x346: {  	v23 =	vld [tilespmem:s18+$0xF0];
	v12 =	vmul.f32 v12, v12;
	v22 =	vmul.f32 v22, v22  }
0x347: {  	v10 =	vadd.f32 v11, v10;
	v11 =	vmul.f32 v19, v19;
	v19 =	vmul.f32 v20, v20;
	v20 =	vld [tilespmem:s18+$0xFFFFFF40]  }
0x348: {  	v16 =	vld [tilespmem:s18+$0xFFFFFF90];
	v12 =	vadd.f32 v12, v22;
	v13 =	vmul.f32 v13, v13  }
0x349: {  	v18 =	vld [tilespmem:s18+$0x0];
	v21 =	vmul.f32 v21, v21  }
0x34a: {  	v24 =	vld [tilespmem:s18+$0xFFFFFFA0];
	v22 =	vmul.f32 v25, v25;
	v12 =	vadd.f32 v13, v12;
	v10 =	vadd.f32 v11, v10  }
0x34b: {  	v23 =	vmul.f32 v23, v23;
	v15 =	vld [tilespmem:s18+$0x20]  }
0x34c: {  	v22 =	vadd.f32 v22, v12;
	v10 =	vadd.f32 v21, v10;
	v20 =	vmul.f32 v20, v20  }
0x34d: {  	v14 =	vmul.f32 v14, v14;
	v16 =	vmul.f32 v16, v16;
	v17 =	vld [tilespmem:s18+$0xFFFFFFB0]  }
0x34e: {  	v26 =	vld [tilespmem:s18+$0x30];
	v18 =	vmul.f32 v18, v18;
	v20 =	vadd.f32 v20, v22;
	v22 =	vadd.f32 v23, v10  }
0x34f: {  	v14 =	vadd.f32 v16, v14;
	v16 =	vld [tilespmem:s18+$0xFFFFFFC0]  }
0x350: {  	v13 =	vmul.f32 v15, v15;
	v15 =	vld [tilespmem:s18+$0xFFFFFF50];
	v11 =	vadd.f32 v19, v18;
	v18 =	vmul.f32 v24, v24;
	(xrf2) =	vadd.scan.msk.f32 $0xffff, v22  }
0x351: {  	v19 =	vld [tilespmem:s18+$0x40]  }
0x352: {  	v17 =	vmul.f32 v17, v17;
	v14 =	vadd.f32 v18, v14;
	v18 =	vld [tilespmem:s18+$0xFFFFFFD0]  }
0x353: {  	v11 =	vadd.f32 v13, v11;
	v13 =	vmul.f32 v26, v26;
	v21 =	vld [tilespmem:s18+$0x50]  }
0x354: {  	v14 =	vadd.f32 v17, v14;
	v17 =	vld [tilespmem:s18+$0xFFFFFF60]  }
0x355: {  	s21 =	simm.s32 $0x9C3;
	v16 =	vmul.f32 v16, v16;
	v12 =	vld [tilespmem:s18+$0xFFFFFFE0];
	v62 =	vadd.f32 v13, v11  }
0x356: {  	v15 =	vmul.f32 v15, v15;
	v11 =	vld [tilespmem:s18+$0x60];
	v19 =	vmul.f32 v19, v19;
	v10 =	vmov s21  }
0x357: {  	v13 =	vld [tilespmem:s18+$0xFFFFFF70];
	v23 =	vadd.f32 v16, v14;
	v63 =	vmul.f32 v18, v18  }
0x358: {  	v14 =	vld [tilespmem:s18+$0xFFFFFFF0];
	v18 =	vadd.f32 v19, v62;
	v16 =	vadd.f32 v15, v20;
	v20 =	vmul.f32 v21, v21  }
0x359: {  	s16 =	simm.s32 $0xFFFFFFFC;
	s17 =	simm.s32 $0x0;
	v15 =	vld [tilespmem:s18+$0x70];
	s18 =	simm.s32 $0x13B00;
	v19 =	vmul.f32 v17, v17;
	v17 =	vadd.f32 v63, v23  }
.LBB2_18:
0x35a: {  	v21 =	vld [tilespmem:s18+$0x80];
	v12 =	vmul.f32 v12, v12;
	v18 =	vadd.f32 v20, v18;
	v20, _, _ =	vpop (xrf2);
	s19 =	smov.u32 s17  }
0x35b: {  	s17 =	sadd.s32 $0x4, s17;
	v22 =	vld [tilespmem:s18+$0x90];
	v16 =	vadd.f32 v19, v16;
	v11 =	vmul.f32 v11, v11;
	[tilespmem:v10+s4+$0x0] =	vst.idx.msk vm0, v20  }
0x35c: {  	p0 =	slt.u32 s17, $0x134;
	v10 =	vld [tilespmem:s18+$0xFFFFFF10];
	v13 =	vmul.f32 v13, v13;
	v12 =	vadd.f32 v12, v17  }
0x35d: {  	v17 =	vld [tilespmem:s18+$0xA0];
	v14 =	vmul.f32 v14, v14;
	v11 =	vadd.f32 v11, v18  }
0x35e: {  	v18 =	vld [tilespmem:s18+$0xFFFFFF80];
	v13 =	vadd.f32 v13, v16;
	v15 =	vmul.f32 v15, v15  }
0x35f: {  	v16 =	vld [tilespmem:s18+$0xB0];
	v12 =	vadd.f32 v14, v12  }
0x360: {  	v19 =	vmul.f32 v21, v21;
	v14 =	vld [tilespmem:s18+$0xFFFFFF90];
	v20 =	vmul.f32 v22, v22;
	v11 =	vadd.f32 v15, v11;
	(xrf2) =	vadd.scan.msk.f32 $0xffff, v13  }
0x361: {  	v10 =	vmul.f32 v10, v10;
	v13 =	vld [tilespmem:s18+$0xC0]  }
0x362: {  	s20 =	sadd.s32 $0x9C4, s16;
	v15 =	vld [tilespmem:s18+$0x0];
	v19 =	vadd.f32 v20, v19;
	v17 =	vmul.f32 v17, v17  }
0x363: {  	v21 =	vmov s20;
	v18 =	vmul.f32 v18, v18;
	v20 =	vld [tilespmem:s18+$0xD0];
	(xrf2) =	vadd.scan.msk.f32 $0xffff, v12  }
0x364: {  	v12 =	vld [tilespmem:s18+$0x10];
	v17 =	vadd.f32 v17, v19;
	v16 =	vmul.f32 v16, v16;
	v19 =	vand.u32 $0xFFFFFFFC, v21  }
0x365: {  	s20 =	sadd.s32 $0x9C5, s16;
	v14 =	vmul.f32 v14, v14;
	v21 =	vld [tilespmem:s18+$0xE0];
	v19 =	vbroadcast v19, $0x0  }
0x366: {  	v22 =	vld [tilespmem:s18+$0xFFFFFF00];
	v16 =	vadd.f32 v16, v17;
	v13 =	vmul.f32 v13, v13;
	v17 =	vmov s20;
	(xrf2) =	vadd.scan.msk.f32 $0xffff, v11  }
0x367: {  	v11 =	vadd.f32 v14, v18;
	v14 =	vmul.f32 v15, v15;
	v15 =	vld [tilespmem:s18+$0xF0];
	v17 =	vand.u32 $0xFFFFFFFD, v17  }
0x368: {  	s20 =	sadd.s32 $0x9C6, s16;
	s16 =	smov.u32 s19;
	v18 =	vld [tilespmem:s18+$0xFFFFFF20];
	v13 =	vadd.f32 v13, v16;
	v16 =	vmul.f32 v20, v20;
	v17 =	vbroadcast v17, $0x0  }
0x369: {  	v25 =	vmov s20;
	v20 =	vld [tilespmem:s18+$0xFFFFFFA0];
	v12 =	vmul.f32 v12, v12  }
0x36a: {  	v24 =	vld [tilespmem:s18+$0x20];
	v13 =	vadd.f32 v16, v13;
	v16 =	vmul.f32 v21, v21;
	v21 =	vand.u32 $0xFFFFFFFE, v25;
	v23, _, _ =	vpop (xrf2)  }
0x36b: {  	v22 =	vmul.f32 v22, v22;
	v25 =	vld [tilespmem:s18+$0xFFFFFF30];
	v12 =	vadd.f32 v12, v14;
	[tilespmem:v19+s4+$0x0] =	vst.idx.msk vm0, v23;
	v14 =	vbroadcast v21, $0x0  }
0x36c: {  	v19 =	vld [tilespmem:s18+$0xFFFFFFB0];
	v13 =	vadd.f32 v16, v13;
	v15 =	vmul.f32 v15, v15  }
0x36d: {  	v10 =	vadd.f32 v10, v22;
	v16 =	vmul.f32 v18, v18;
	v18 =	vld [tilespmem:s18+$0x30];
	v21, _, _ =	vpop (xrf2)  }
0x36e: {  	v22 =	vld [tilespmem:s18+$0xFFFFFF40];
	v20 =	vmul.f32 v20, v20;
	v23 =	vadd.f32 v15, v13;
	[tilespmem:v17+s4+$0x0] =	vst.idx.msk vm0, v21  }
0x36f: {  	v10 =	vadd.f32 v16, v10;
	v15 =	vld [tilespmem:s18+$0xFFFFFFC0];
	v16 =	vmul.f32 v24, v24  }
0x370: {  	v17 =	vmul.f32 v25, v25;
	v11 =	vadd.f32 v20, v11;
	v20 =	vld [tilespmem:s18+$0x40];
	(xrf2) =	vadd.scan.msk.f32 $0xffff, v23;
	v13, _, _ =	vpop (xrf2)  }
0x371: {  	v21 =	vld [tilespmem:s18+$0xFFFFFF50];
	v19 =	vmul.f32 v19, v19;
	v12 =	vadd.f32 v16, v12;
	[tilespmem:v14+s4+$0x0] =	vst.idx.msk vm0, v13  }
0x372: {  	v10 =	vadd.f32 v17, v10;
	v14 =	vld [tilespmem:s18+$0xFFFFFFD0];
	v13 =	vmul.f32 v18, v18  }
0x373: {  	v16 =	vmul.f32 v22, v22;
	v11 =	vadd.f32 v19, v11;
	v17 =	vld [tilespmem:s18+$0x50]  }
0x374: {  	v19 =	vld [tilespmem:s18+$0xFFFFFF60];
	v15 =	vmul.f32 v15, v15;
	v18 =	vadd.f32 v13, v12  }
.Ltmp8:
0x375: {  	s19 =	sadd.s32 $0x9C7, s16;
	v16 =	vadd.f32 v16, v10;
	v12 =	vld [tilespmem:s18+$0xFFFFFFE0];
	v20 =	vmul.f32 v20, v20;
	(pc) =	sbr.rel @p0 .LBB2_18-.Ltmp8, $4  }
0x376: {  	v10 =	vmov s19;
	v21 =	vmul.f32 v21, v21;
	v15 =	vadd.f32 v15, v11;
	v11 =	vld [tilespmem:s18+$0x60]  }
0x377: {  	v13 =	vld [tilespmem:s18+$0xFFFFFF70];
	v22 =	vmul.f32 v14, v14;
	v18 =	vadd.f32 v20, v18  }
0x378: {  	v16 =	vadd.f32 v21, v16;
	v14 =	vld [tilespmem:s18+$0xFFFFFFF0];
	v20 =	vmul.f32 v17, v17  }
0x379: {  	v19 =	vmul.f32 v19, v19;
	v17 =	vadd.f32 v22, v15;
	v15 =	vld [tilespmem:s18+$0x70];
	s18 =	sadd.s32 $0x200, s18  }
0x37a: {  	_ = 	snop  }
0x37b: {  	v12 =	vmul.f32 v12, v12;
	v18 =	vadd.f32 v20, v18  }
0x37c: {  	v16 =	vadd.f32 v19, v16;
	v11 =	vmul.f32 v11, v11;
	v13 =	vmul.f32 v13, v13  }
0x37d: {  	v12 =	vadd.f32 v12, v17;
	v14 =	vmul.f32 v14, v14  }
0x37e: {  	v11 =	vadd.f32 v11, v18;
	v13 =	vadd.f32 v13, v16;
	v15 =	vmul.f32 v15, v15  }
0x37f: {  	v12 =	vadd.f32 v14, v12  }
0x380: {  	v11 =	vadd.f32 v15, v11;
	(xrf2) =	vadd.scan.msk.f32 $0xffff, v13  }
0x381: {  	(xrf2) =	vadd.scan.msk.f32 $0xffff, v12  }
0x382: {  	s17 =	sadd.s32 $0x9C4, s16;
	(xrf2) =	vadd.scan.msk.f32 $0xffff, v11  }
0x383: {  	s19 =	sadd.s32 $0x9C5, s16;
	v11 =	vmov s17  }
0x384: {  	s20 =	sadd.s32 $0x9C6, s16;
	v12 =	vmov s19;
	v11 =	vand.u32 $0xFFFFFFFC, v11  }
0x385: {  	v13 =	vmov s20;
	v12 =	vand.u32 $0xFFFFFFFD, v12;
	v11 =	vbroadcast v11, $0x0  }
0x386: {  	v13 =	vand.u32 $0xFFFFFFFE, v13;
	v12 =	vbroadcast v12, $0x0  }
0x387: {  	v13 =	vbroadcast v13, $0x0;
	_ =	sdelay $0x1  }
0x388: {  	v14, _, _ =	vpop (xrf2)  }
0x389: {  	[tilespmem:v10+s4+$0x0] =	vst.idx.msk vm0, v14;
	v10, _, _ =	vpop (xrf2)  }
0x38a: {  	[tilespmem:v11+s4+$0x0] =	vst.idx.msk vm0, v10;
	v10, _, _ =	vpop (xrf2)  }
0x38b: {  	[tilespmem:v12+s4+$0x0] =	vst.idx.msk vm0, v10;
	v10, _, _ =	vpop (xrf2)  }
0x38c: {  	[tilespmem:v13+s4+$0x0] =	vst.idx.msk vm0, v10  }
0x38d: {  	_ =	swait.ge [sflag:s9], $0x9C00  }
0x38e: {  	[sflag:s9] =	ssyncset.done $0x0  }
0x38f: {  	[sflag:s9] =	ssyncadd.s32 $0xFFFF6400  }
0x390: {  	_ =	swait.ge [sflag:s3], $0x9C00  }
0x391: {  	[sflag:s3] =	ssyncset.done $0x0  }
0x392: {  	s18 =	simm.s32 $0x100;
	[sflag:s3] =	ssyncadd.s32 $0xFFFF6400  }
0x393: {  	[hbm4b:s24+s1] =	stream.linear.scatter [tilespmem:s1], [sflag:$0x4], $0x9C00, $0x38;
	[tilespmem:$0x1F000] =	vst v63  }
0x394: {  	v10 =	vld [tilespmem:s18+$0x80]  }
0x395: {  	v11 =	vld [tilespmem:s18+$0x90]  }
0x396: {  	v12 =	vld [tilespmem:s18+$0xFFFFFF10]  }
0x397: {  	v13 =	vld [tilespmem:s18+$0xA0]  }
0x398: {  	v14 =	vld [tilespmem:s18+$0xFFFFFF80]  }
0x399: {  	v15 =	vld [tilespmem:s18+$0xB0]  }
0x39a: {  	v17 =	vld [tilespmem:s18+$0xC0];
	v10 =	vmul.f32 v10, v10;
	v11 =	vmul.f32 v11, v11  }
0x39b: {  	v19 =	vld [tilespmem:s18+$0xD0]  }
0x39c: {  	v22 =	vld [tilespmem:s18+$0xFFFFFF00];
	v10 =	vadd.f32 v11, v10;
	v11 =	vmul.f32 v13, v13  }
0x39d: {  	v20 =	vld [tilespmem:s18+$0x10]  }
0x39e: {  	v13 =	vld [tilespmem:s18+$0xFFFFFF20];
	v10 =	vadd.f32 v11, v10;
	v11 =	vmul.f32 v15, v15  }
0x39f: {  	v21 =	vld [tilespmem:s18+$0xE0]  }
0x3a0: {  	v25 =	vld [tilespmem:s18+$0xFFFFFF30];
	v10 =	vadd.f32 v11, v10;
	v11 =	vmul.f32 v17, v17  }
0x3a1: {  	v23 =	vld [tilespmem:s18+$0xF0];
	v12 =	vmul.f32 v12, v12;
	v22 =	vmul.f32 v22, v22  }
0x3a2: {  	v10 =	vadd.f32 v11, v10;
	v11 =	vmul.f32 v19, v19;
	v19 =	vmul.f32 v20, v20;
	v20 =	vld [tilespmem:s18+$0xFFFFFF40]  }
0x3a3: {  	v16 =	vld [tilespmem:s18+$0xFFFFFF90];
	v12 =	vadd.f32 v12, v22;
	v13 =	vmul.f32 v13, v13  }
0x3a4: {  	v18 =	vld [tilespmem:s18+$0x0];
	v21 =	vmul.f32 v21, v21  }
0x3a5: {  	v24 =	vld [tilespmem:s18+$0xFFFFFFA0];
	v22 =	vmul.f32 v25, v25;
	v12 =	vadd.f32 v13, v12;
	v10 =	vadd.f32 v11, v10  }
0x3a6: {  	v23 =	vmul.f32 v23, v23;
	v15 =	vld [tilespmem:s18+$0x20]  }
0x3a7: {  	v22 =	vadd.f32 v22, v12;
	v10 =	vadd.f32 v21, v10;
	v20 =	vmul.f32 v20, v20  }
0x3a8: {  	v14 =	vmul.f32 v14, v14;
	v16 =	vmul.f32 v16, v16;
	v17 =	vld [tilespmem:s18+$0xFFFFFFB0]  }
0x3a9: {  	v26 =	vld [tilespmem:s18+$0x30];
	v18 =	vmul.f32 v18, v18;
	v20 =	vadd.f32 v20, v22;
	v22 =	vadd.f32 v23, v10  }
0x3aa: {  	v14 =	vadd.f32 v16, v14;
	v16 =	vld [tilespmem:s18+$0xFFFFFFC0]  }
0x3ab: {  	v13 =	vmul.f32 v15, v15;
	v15 =	vld [tilespmem:s18+$0xFFFFFF50];
	v11 =	vadd.f32 v19, v18;
	v18 =	vmul.f32 v24, v24;
	(xrf2) =	vadd.scan.msk.f32 $0xffff, v22  }
0x3ac: {  	v19 =	vld [tilespmem:s18+$0x40]  }
0x3ad: {  	v17 =	vmul.f32 v17, v17;
	v14 =	vadd.f32 v18, v14;
	v18 =	vld [tilespmem:s18+$0xFFFFFFD0]  }
0x3ae: {  	v11 =	vadd.f32 v13, v11;
	v13 =	vmul.f32 v26, v26;
	v21 =	vld [tilespmem:s18+$0x50]  }
0x3af: {  	v14 =	vadd.f32 v17, v14;
	v17 =	vld [tilespmem:s18+$0xFFFFFF60]  }
0x3b0: {  	s21 =	simm.s32 $0xAFB;
	v16 =	vmul.f32 v16, v16;
	v12 =	vld [tilespmem:s18+$0xFFFFFFE0];
	v62 =	vadd.f32 v13, v11  }
0x3b1: {  	v15 =	vmul.f32 v15, v15;
	v11 =	vld [tilespmem:s18+$0x60];
	v19 =	vmul.f32 v19, v19;
	v10 =	vmov s21  }
0x3b2: {  	v13 =	vld [tilespmem:s18+$0xFFFFFF70];
	v23 =	vadd.f32 v16, v14;
	v63 =	vmul.f32 v18, v18  }
0x3b3: {  	v14 =	vld [tilespmem:s18+$0xFFFFFFF0];
	v18 =	vadd.f32 v19, v62;
	v16 =	vadd.f32 v15, v20;
	v20 =	vmul.f32 v21, v21  }
0x3b4: {  	s16 =	simm.s32 $0xFFFFFFFC;
	s17 =	simm.s32 $0x0;
	v15 =	vld [tilespmem:s18+$0x70];
	s18 =	simm.s32 $0x300;
	v19 =	vmul.f32 v17, v17;
	v17 =	vadd.f32 v63, v23  }
.LBB2_20:
0x3b5: {  	v21 =	vld [tilespmem:s18+$0x80];
	v12 =	vmul.f32 v12, v12;
	v18 =	vadd.f32 v20, v18;
	v20, _, _ =	vpop (xrf2);
	s19 =	smov.u32 s17  }
0x3b6: {  	s17 =	sadd.s32 $0x4, s17;
	v22 =	vld [tilespmem:s18+$0x90];
	v16 =	vadd.f32 v19, v16;
	v11 =	vmul.f32 v11, v11;
	[tilespmem:v10+s4+$0x0] =	vst.idx.msk vm0, v20  }
0x3b7: {  	p0 =	slt.u32 s17, $0x134;
	v10 =	vld [tilespmem:s18+$0xFFFFFF10];
	v13 =	vmul.f32 v13, v13;
	v12 =	vadd.f32 v12, v17  }
0x3b8: {  	v17 =	vld [tilespmem:s18+$0xA0];
	v14 =	vmul.f32 v14, v14;
	v11 =	vadd.f32 v11, v18  }
0x3b9: {  	v18 =	vld [tilespmem:s18+$0xFFFFFF80];
	v13 =	vadd.f32 v13, v16;
	v15 =	vmul.f32 v15, v15  }
0x3ba: {  	v16 =	vld [tilespmem:s18+$0xB0];
	v12 =	vadd.f32 v14, v12  }
0x3bb: {  	v19 =	vmul.f32 v21, v21;
	v14 =	vld [tilespmem:s18+$0xFFFFFF90];
	v20 =	vmul.f32 v22, v22;
	v11 =	vadd.f32 v15, v11;
	(xrf2) =	vadd.scan.msk.f32 $0xffff, v13  }
0x3bc: {  	v10 =	vmul.f32 v10, v10;
	v13 =	vld [tilespmem:s18+$0xC0]  }
0x3bd: {  	s20 =	sadd.s32 $0xAFC, s16;
	v15 =	vld [tilespmem:s18+$0x0];
	v19 =	vadd.f32 v20, v19;
	v17 =	vmul.f32 v17, v17  }
0x3be: {  	v21 =	vmov s20;
	v18 =	vmul.f32 v18, v18;
	v20 =	vld [tilespmem:s18+$0xD0];
	(xrf2) =	vadd.scan.msk.f32 $0xffff, v12  }
0x3bf: {  	v12 =	vld [tilespmem:s18+$0x10];
	v17 =	vadd.f32 v17, v19;
	v16 =	vmul.f32 v16, v16;
	v19 =	vand.u32 $0xFFFFFFFC, v21  }
0x3c0: {  	s20 =	sadd.s32 $0xAFD, s16;
	v14 =	vmul.f32 v14, v14;
	v21 =	vld [tilespmem:s18+$0xE0];
	v19 =	vbroadcast v19, $0x0  }
0x3c1: {  	v22 =	vld [tilespmem:s18+$0xFFFFFF00];
	v16 =	vadd.f32 v16, v17;
	v13 =	vmul.f32 v13, v13;
	v17 =	vmov s20;
	(xrf2) =	vadd.scan.msk.f32 $0xffff, v11  }
0x3c2: {  	v11 =	vadd.f32 v14, v18;
	v14 =	vmul.f32 v15, v15;
	v15 =	vld [tilespmem:s18+$0xF0];
	v17 =	vand.u32 $0xFFFFFFFD, v17  }
0x3c3: {  	s20 =	sadd.s32 $0xAFE, s16;
	s16 =	smov.u32 s19;
	v18 =	vld [tilespmem:s18+$0xFFFFFF20];
	v13 =	vadd.f32 v13, v16;
	v16 =	vmul.f32 v20, v20;
	v17 =	vbroadcast v17, $0x0  }
0x3c4: {  	v25 =	vmov s20;
	v20 =	vld [tilespmem:s18+$0xFFFFFFA0];
	v12 =	vmul.f32 v12, v12  }
0x3c5: {  	v24 =	vld [tilespmem:s18+$0x20];
	v13 =	vadd.f32 v16, v13;
	v16 =	vmul.f32 v21, v21;
	v21 =	vand.u32 $0xFFFFFFFE, v25;
	v23, _, _ =	vpop (xrf2)  }
0x3c6: {  	v22 =	vmul.f32 v22, v22;
	v25 =	vld [tilespmem:s18+$0xFFFFFF30];
	v12 =	vadd.f32 v12, v14;
	[tilespmem:v19+s4+$0x0] =	vst.idx.msk vm0, v23;
	v14 =	vbroadcast v21, $0x0  }
0x3c7: {  	v19 =	vld [tilespmem:s18+$0xFFFFFFB0];
	v13 =	vadd.f32 v16, v13;
	v15 =	vmul.f32 v15, v15  }
0x3c8: {  	v10 =	vadd.f32 v10, v22;
	v16 =	vmul.f32 v18, v18;
	v18 =	vld [tilespmem:s18+$0x30];
	v21, _, _ =	vpop (xrf2)  }
0x3c9: {  	v22 =	vld [tilespmem:s18+$0xFFFFFF40];
	v20 =	vmul.f32 v20, v20;
	v23 =	vadd.f32 v15, v13;
	[tilespmem:v17+s4+$0x0] =	vst.idx.msk vm0, v21  }
0x3ca: {  	v10 =	vadd.f32 v16, v10;
	v15 =	vld [tilespmem:s18+$0xFFFFFFC0];
	v16 =	vmul.f32 v24, v24  }
0x3cb: {  	v17 =	vmul.f32 v25, v25;
	v11 =	vadd.f32 v20, v11;
	v20 =	vld [tilespmem:s18+$0x40];
	(xrf2) =	vadd.scan.msk.f32 $0xffff, v23;
	v13, _, _ =	vpop (xrf2)  }
0x3cc: {  	v21 =	vld [tilespmem:s18+$0xFFFFFF50];
	v19 =	vmul.f32 v19, v19;
	v12 =	vadd.f32 v16, v12;
	[tilespmem:v14+s4+$0x0] =	vst.idx.msk vm0, v13  }
0x3cd: {  	v10 =	vadd.f32 v17, v10;
	v14 =	vld [tilespmem:s18+$0xFFFFFFD0];
	v13 =	vmul.f32 v18, v18  }
0x3ce: {  	v16 =	vmul.f32 v22, v22;
	v11 =	vadd.f32 v19, v11;
	v17 =	vld [tilespmem:s18+$0x50]  }
0x3cf: {  	v19 =	vld [tilespmem:s18+$0xFFFFFF60];
	v15 =	vmul.f32 v15, v15;
	v18 =	vadd.f32 v13, v12  }
.Ltmp9:
0x3d0: {  	s19 =	sadd.s32 $0xAFF, s16;
	v16 =	vadd.f32 v16, v10;
	v12 =	vld [tilespmem:s18+$0xFFFFFFE0];
	v20 =	vmul.f32 v20, v20;
	(pc) =	sbr.rel @p0 .LBB2_20-.Ltmp9, $4  }
0x3d1: {  	v10 =	vmov s19;
	v21 =	vmul.f32 v21, v21;
	v15 =	vadd.f32 v15, v11;
	v11 =	vld [tilespmem:s18+$0x60]  }
0x3d2: {  	v13 =	vld [tilespmem:s18+$0xFFFFFF70];
	v22 =	vmul.f32 v14, v14;
	v18 =	vadd.f32 v20, v18  }
0x3d3: {  	v16 =	vadd.f32 v21, v16;
	v14 =	vld [tilespmem:s18+$0xFFFFFFF0];
	v20 =	vmul.f32 v17, v17  }
0x3d4: {  	v19 =	vmul.f32 v19, v19;
	v17 =	vadd.f32 v22, v15;
	v15 =	vld [tilespmem:s18+$0x70];
	s18 =	sadd.s32 $0x200, s18  }
0x3d5: {  	_ = 	snop  }
0x3d6: {  	v12 =	vmul.f32 v12, v12;
	v18 =	vadd.f32 v20, v18  }
0x3d7: {  	v16 =	vadd.f32 v19, v16;
	v11 =	vmul.f32 v11, v11;
	v13 =	vmul.f32 v13, v13  }
0x3d8: {  	v12 =	vadd.f32 v12, v17;
	v14 =	vmul.f32 v14, v14  }
0x3d9: {  	v11 =	vadd.f32 v11, v18;
	v13 =	vadd.f32 v13, v16;
	v15 =	vmul.f32 v15, v15  }
0x3da: {  	v12 =	vadd.f32 v14, v12  }
0x3db: {  	v11 =	vadd.f32 v15, v11;
	(xrf2) =	vadd.scan.msk.f32 $0xffff, v13  }
0x3dc: {  	(xrf2) =	vadd.scan.msk.f32 $0xffff, v12  }
0x3dd: {  	s17 =	sadd.s32 $0xAFC, s16;
	(xrf2) =	vadd.scan.msk.f32 $0xffff, v11  }
0x3de: {  	s20 =	sadd.s32 $0xAFD, s16;
	v11 =	vmov s17  }
0x3df: {  	s21 =	sadd.s32 $0xAFE, s16;
	v12 =	vmov s20;
	v11 =	vand.u32 $0xFFFFFFFC, v11  }
0x3e0: {  	v13 =	vmov s21;
	v12 =	vand.u32 $0xFFFFFFFD, v12;
	v11 =	vbroadcast v11, $0x0  }
0x3e1: {  	v13 =	vand.u32 $0xFFFFFFFE, v13;
	v12 =	vbroadcast v12, $0x0  }
0x3e2: {  	v13 =	vbroadcast v13, $0x0;
	_ =	sdelay $0x1  }
0x3e3: {  	v14, _, _ =	vpop (xrf2)  }
0x3e4: {  	[tilespmem:v10+s4+$0x0] =	vst.idx.msk vm0, v14;
	v10, _, _ =	vpop (xrf2)  }
0x3e5: {  	[tilespmem:v11+s4+$0x0] =	vst.idx.msk vm0, v10;
	v10, _, _ =	vpop (xrf2)  }
0x3e6: {  	[tilespmem:v12+s4+$0x0] =	vst.idx.msk vm0, v10;
	v10, _, _ =	vpop (xrf2)  }
0x3e7: {  	[tilespmem:v13+s4+$0x0] =	vst.idx.msk vm0, v10  }
0x3e8: {  	_ =	swait.ge [sflag:s5], $0x9C00  }
0x3e9: {  	[sflag:s5] =	ssyncset.done $0x0  }
0x3ea: {  	[sflag:s5] =	ssyncadd.s32 $0xFFFF6400  }
0x3eb: {  	_ =	swait.ge [sflag:s6], $0x280  }
0x3ec: {  	[sflag:s6] =	ssyncset.done $0x0  }
0x3ed: {  	[sflag:s6] =	ssyncadd.s32 $0xFFFFFD80  }
0x3ee: {  	[hbm4b:s25+s1] =	stream.linear.scatter [tilespmem:s22], [sflag:$0x5], $0x280, $0x38;
	[tilespmem:$0x1F000] =	vst v63  }
0x3ef: {  	v10 =	vld [tilespmem:$0x9C00]  }
0x3f0: {  	v11 =	vld [tilespmem:$0x9C10]  }
0x3f1: {  	v12 =	vld [tilespmem:$0x9C20]  }
0x3f2: {  	v13 =	vld [tilespmem:$0x9C30]  }
0x3f3: {  	v14 =	vld [tilespmem:$0x9C40]  }
0x3f4: {  	v15 =	vld [tilespmem:$0x9C50]  }
0x3f5: {  	v16 =	vld [tilespmem:$0x9C60]  }
0x3f6: {  	v17 =	vld [tilespmem:$0x9C70]  }
0x3f7: {  	v18 =	vld [tilespmem:$0x9C80]  }
0x3f8: {  	v19 =	vld [tilespmem:$0x9C90]  }
0x3f9: {  	v20 =	vld [tilespmem:$0x9CA0]  }
0x3fa: {  	v21 =	vld [tilespmem:$0x9CB0]  }
0x3fb: {  	v22 =	vld [tilespmem:$0x9CC0]  }
0x3fc: {  	v23 =	vld [tilespmem:$0x9CD0];
	v10 =	vmul.f32 v10, v10;
	v11 =	vmul.f32 v11, v11  }
0x3fd: {  	v24 =	vld [tilespmem:$0x9CE0]  }
0x3fe: {  	v25 =	vld [tilespmem:$0x9D00];
	v10 =	vadd.f32 v11, v10;
	v11 =	vmul.f32 v12, v12  }
0x3ff: {  	v26 =	vld [tilespmem:$0x9D80]  }
0x400: {  	v27 =	vld [tilespmem:$0x9D50];
	v10 =	vadd.f32 v11, v10;
	v11 =	vmul.f32 v13, v13  }
0x401: {  	v18 =	vmul.f32 v18, v18;
	v19 =	vmul.f32 v19, v19;
	v13 =	vld [tilespmem:$0x9D10]  }
0x402: {  	v10 =	vadd.f32 v11, v10;
	v11 =	vmul.f32 v14, v14;
	v14 =	vld [tilespmem:$0x9D90]  }
0x403: {  	v18 =	vadd.f32 v19, v18;
	v19 =	vmul.f32 v20, v20;
	v20 =	vld [tilespmem:$0x9D20]  }
0x404: {  	v10 =	vadd.f32 v11, v10;
	v11 =	vmul.f32 v15, v15;
	v15 =	vld [tilespmem:$0x9DA0]  }
0x405: {  	v18 =	vadd.f32 v19, v18;
	v19 =	vmul.f32 v21, v21;
	v21 =	vld [tilespmem:$0x9D30]  }
0x406: {  	v13 =	vmul.f32 v13, v13;
	v10 =	vadd.f32 v11, v10;
	v11 =	vmul.f32 v25, v25;
	v25 =	vld [tilespmem:$0x9DB0]  }
0x407: {  	v26 =	vmul.f32 v26, v26;
	v18 =	vadd.f32 v19, v18;
	v19 =	vld [tilespmem:$0x9D40];
	v14 =	vmul.f32 v14, v14  }
0x408: {  	v22 =	vmul.f32 v22, v22;
	v11 =	vadd.f32 v13, v11;
	v13 =	vmul.f32 v20, v20;
	v20 =	vld [tilespmem:$0x9DC0]  }
0x409: {  	v16 =	vmul.f32 v16, v16;
	v12 =	vld [tilespmem:$0x9CF0];
	v14 =	vadd.f32 v14, v26;
	v15 =	vmul.f32 v15, v15  }
0x40a: {  	v18 =	vadd.f32 v22, v18;
	v11 =	vadd.f32 v13, v11;
	v13 =	vmul.f32 v21, v21;
	v21 =	vld [tilespmem:$0x9DD0]  }
0x40b: {  	v22 =	vmul.f32 v23, v23;
	v23 =	vld [tilespmem:$0x9D60];
	v14 =	vadd.f32 v15, v14;
	v15 =	vmul.f32 v25, v25  }
0x40c: {  	v10 =	vadd.f32 v16, v10;
	v16 =	vld [tilespmem:$0x9DE0];
	v11 =	vadd.f32 v13, v11;
	v13 =	vmul.f32 v19, v19  }
0x40d: {  	v17 =	vmul.f32 v17, v17;
	v19 =	vld [tilespmem:$0x9D70];
	v14 =	vadd.f32 v15, v14;
	v15 =	vmul.f32 v20, v20  }
0x40e: {  	v18 =	vadd.f32 v22, v18;
	v22 =	vld [tilespmem:$0x9DF0];
	v11 =	vadd.f32 v13, v11;
	v13 =	vmul.f32 v27, v27  }
0x40f: {  	v20 =	vmul.f32 v24, v24;
	v14 =	vadd.f32 v15, v14;
	v15 =	vmul.f32 v21, v21  }
0x410: {  	v12 =	vmul.f32 v12, v12;
	v11 =	vadd.f32 v13, v11;
	v13 =	vmul.f32 v23, v23  }
0x411: {  	v18 =	vadd.f32 v20, v18;
	v14 =	vadd.f32 v15, v14;
	v15 =	vmul.f32 v16, v16  }
0x412: {  	v10 =	vadd.f32 v17, v10;
	v11 =	vadd.f32 v13, v11;
	v13 =	vmul.f32 v19, v19  }
0x413: {  	v12 =	vadd.f32 v12, v18;
	v14 =	vadd.f32 v15, v14;
	v15 =	vmul.f32 v22, v22  }
0x414: {  	(xrf2) =	vadd.scan.msk.f32 $0xffff, v10;
	v10 =	vadd.f32 v13, v11  }
0x415: {  	(xrf2) =	vadd.scan.msk.f32 $0xffff, v12;
	v11 =	vadd.f32 v15, v14  }
0x416: {  	(xrf2) =	vadd.scan.msk.f32 $0xffff, v10  }
0x417: {  	(xrf2) =	vadd.scan.msk.f32 $0xffff, v11;
	_ =	sdelay $0x6  }
0x418: {  	v10, _, _ =	vpop (xrf2)  }
0x419: {  	[tilespmem:v4+s4+$0x0] =	vst.idx.msk vm0, v10;
	v10, _, _ =	vpop (xrf2)  }
0x41a: {  	[tilespmem:v5+s4+$0x0] =	vst.idx.msk vm0, v10;
	v10, _, _ =	vpop (xrf2)  }
0x41b: {  	[tilespmem:v6+s4+$0x0] =	vst.idx.msk vm0, v10;
	v10, _, _ =	vpop (xrf2)  }
0x41c: {  	[tilespmem:v7+s4+$0x0] =	vst.idx.msk vm0, v10  }
0x41d: {  	v10 =	vld [tilespmem:$0x9E00]  }
0x41e: {  	v11 =	vld [tilespmem:$0x9E10];
	_ =	sdelay $0x1  }
0x41f: {  	v12 =	vld [tilespmem:$0x9E20];
	_ =	sdelay $0x1  }
0x420: {  	v13 =	vld [tilespmem:$0x9E30]  }
0x421: {  	v10 =	vmul.f32 v10, v10;
	v11 =	vmul.f32 v11, v11  }
0x422: {  	v14 =	vld [tilespmem:$0x9E40]  }
0x423: {  	v10 =	vadd.f32 v11, v10;
	v11 =	vmul.f32 v12, v12  }
0x424: {  	v12 =	vld [tilespmem:$0x9E50]  }
0x425: {  	v10 =	vadd.f32 v11, v10;
	v11 =	vmul.f32 v13, v13  }
0x426: {  	v13 =	vld [tilespmem:$0x9E60]  }
0x427: {  	v10 =	vadd.f32 v11, v10;
	v11 =	vmul.f32 v14, v14  }
0x428: {  	v14 =	vld [tilespmem:$0x9E70]  }
0x429: {  	v10 =	vadd.f32 v11, v10;
	v11 =	vmul.f32 v12, v12;
	_ =	sdelay $0x1  }
0x42a: {  	v10 =	vadd.f32 v11, v10;
	v11 =	vmul.f32 v13, v13;
	_ =	sdelay $0x1  }
0x42b: {  	v10 =	vadd.f32 v11, v10;
	v11 =	vmul.f32 v14, v14;
	_ =	sdelay $0x1  }
0x42c: {  	v10 =	vadd.f32 v11, v10;
	_ =	sdelay $0x1  }
0x42d: {  	(xrf2) =	vadd.scan.msk.f32 $0xffff, v10;
	_ =	sdelay $0x9  }
0x42e: {  	v10, _, _ =	vpop (xrf2)  }
0x42f: {  	[tilespmem:v8+s4+$0x0] =	vst.idx.msk vm0, v10  }
0x430: {  	_ =	swait.ge [sflag:s7], $0x280  }
0x431: {  	[sflag:s7] =	ssyncset.done $0x0  }
0x432: {  	s16 =	simm.s32 $0x1E0A0;
	[sflag:s7] =	ssyncadd.s32 $0xFFFFFD80  }
0x433: {  	v19 =	vld [tilespmem:s16+$0x10];
	_ =	sdelay $0x2  }
0x434: {  	v10 =	vld [tilespmem:s16+$0xFFFFFFE0];
	_ =	sdelay $0x1  }
0x435: {  	v11 =	vshrl.u32 v19, $0x1;
	v16 =	vmul.f32 $5.000000000e-01, v19  }
0x436: {  	v12 =	vsub.s32 $0x5F3759DF, v11  }
0x437: {  	v11 =	vmul.f32 v12, v16  }
0x438: {  	v13 =	vshrl.u32 v10, $0x1;
	v17 =	vmul.f32 $5.000000000e-01, v10  }
0x439: {  	v13 =	vsub.s32 $0x5F3759DF, v13;
	v14 =	vmul.f32 v12, v11  }
0x43a: {  	v15 =	vmul.f32 v13, v17;
	v11 =	vld [tilespmem:s16+$0x0]  }
0x43b: {  	v14 =	vsub.f32 $1.500000000e+00, v14  }
0x43c: {  	v15 =	vmul.f32 v13, v15  }
0x43d: {  	v18 =	vmul.f32 v12, v14  }
0x43e: {  	v14 =	vsub.f32 $1.500000000e+00, v15  }
0x43f: {  	v12 =	vld [tilespmem:s16+$0xFFFFFFF0];
	v21 =	vmul.f32 $5.000000000e-01, v11;
	v15 =	vshrl.u32 v11, $0x1;
	v20 =	vmul.f32 v18, v16  }
0x440: {  	v15 =	vsub.s32 $0x5F3759DF, v15;
	v22 =	vmul.f32 v13, v14  }
0x441: {  	v13 =	vmul.f32 v15, v21;
	v14 =	vmul.f32 v20, v18  }
0x442: {  	v20 =	vmul.f32 v22, v17  }
0x443: {  	s17 =	simm.s32 $0x1E0E0;
	v13 =	vmul.f32 v15, v13;
	v23 =	vsub.f32 $1.500000000e+00, v14  }
0x444: {  	v24 =	vshrl.u32 v12, $0x1;
	v29 =	vmul.f32 $5.000000000e-01, v12;
	v20 =	vmul.f32 v20, v22;
	v14 =	vld [tilespmem:s17+$0xFFFFFFE0]  }
0x445: {  	v24 =	vsub.s32 $0x5F3759DF, v24;
	v25 =	vsub.f32 $1.500000000e+00, v13;
	v23 =	vmul.f32 v23, v18  }
0x446: {  	v13 =	vld [tilespmem:s17+$0x10];
	v18 =	vmul.f32 v24, v29;
	v20 =	vsub.f32 $1.500000000e+00, v20  }
0x447: {  	v25 =	vmul.f32 v15, v25;
	v15 =	vld [tilespmem:s17+$0x0];
	v16 =	vmul.f32 v23, v16  }
0x448: {  	v26 =	vmul.f32 v24, v18;
	v22 =	vmul.f32 v20, v22  }
0x449: {  	v18 =	vmul.f32 $5.000000000e-01, v14;
	v16 =	vmul.f32 v16, v23  }
0x44a: {  	v27 =	vmul.f32 v25, v21;
	v26 =	vsub.f32 $1.500000000e+00, v26;
	v28 =	vmul.f32 v22, v17  }
0x44b: {  	v30 =	vshrl.u32 v13, $0x1;
	v20 =	vmul.f32 $5.000000000e-01, v13;
	v16 =	vsub.f32 $1.500000000e+00, v16  }
0x44c: {  	v27 =	vmul.f32 v27, v25;
	v30 =	vsub.s32 $0x5F3759DF, v30;
	v17 =	vmul.f32 $5.000000000e-01, v15  }
0x44d: {  	v31 =	vshrl.u32 v14, $0x1;
	v32 =	vmul.f32 v30, v20;
	v23 =	vmul.f32 v16, v23  }
0x44e: {  	v33 =	vshrl.u32 v15, $0x1;
	v24 =	vmul.f32 v24, v26;
	v26 =	vmul.f32 v28, v22  }
0x44f: {  	v28 =	vsub.s32 $0x5F3759DF, v31;
	v34 =	vmul.f32 v23, v19;
	v19 =	vmul.f32 v30, v32  }
0x450: {  	v31 =	vsub.s32 $0x5F3759DF, v33;
	v59 =	vmul.f32 v28, v18;
	v27 =	vsub.f32 $1.500000000e+00, v27  }
0x451: {  	v16 =	vld [tilespmem:s17+$0xFFFFFFF0];
	v33 =	vmul.f32 v31, v17;
	v23 =	vmul.f32 v24, v29;
	v19 =	vsub.f32 $1.500000000e+00, v19  }
0x452: {  	v25 =	vmul.f32 v27, v25;
	v32 =	vmul.f32 v28, v59  }
0x453: {  	v35 =	vmul.f32 v23, v24;
	v23 =	vsub.f32 $1.500000000e+00, v26;
	v26 =	vmul.f32 v30, v19  }
0x454: {  	v21 =	vmul.f32 v25, v21;
	v27 =	vsub.f32 $1.500000000e+00, v32;
	v30 =	vmul.f32 v31, v33  }
0x455: {  	v23 =	vmul.f32 v23, v22;
	v22 =	vsub.f32 $1.500000000e+00, v35;
	v60 =	vmul.f32 v26, v20  }
0x456: {  	v61 =	vshrl.u32 v16, $0x1;
	v63 =	vmul.f32 v21, v25;
	v27 =	vmul.f32 v28, v27  }
0x457: {  	v28 =	vsub.f32 $1.500000000e+00, v30;
	v24 =	vmul.f32 v22, v24;
	v30 =	vmul.f32 v60, v26  }
0x458: {  	v19 =	vmul.f32 $5.000000000e-01, v16;
	v22 =	vsub.s32 $0x5F3759DF, v61;
	v62 =	vmul.f32 v27, v18  }
0x459: {  	v21 =	vmul.f32 v31, v28;
	v29 =	vmul.f32 v24, v29;
	v28 =	vsub.f32 $1.500000000e+00, v30  }
0x45a: {  	s18 =	simm.s32 $0x4;
	s19 =	simm.s32 $0x1E120;
	[tilespmem:s16+$0x10] =	vst v34;
	v32 =	vmul.f32 v22, v19;
	v31 =	vmul.f32 v62, v27;
	v30 =	vsub.f32 $1.500000000e+00, v63  }
.LBB2_22:
0x45b: {  	v33 =	vld [tilespmem:s19+$0xFFFFFFE0];
	s18 =	sadd.s32 $0x4, s18;
	v26 =	vmul.f32 v28, v26;
	v28 =	vmul.f32 v29, v24  }
0x45c: {  	v29 =	vld [tilespmem:s19+$0x10];
	p0 =	slt.u32 s18, $0xC0;
	v31 =	vsub.f32 $1.500000000e+00, v31;
	v32 =	vmul.f32 v22, v32;
	v25 =	vmul.f32 v30, v25  }
0x45d: {  	v23 =	vmul.f32 v23, v10;
	v10 =	vmovc v14;
	v30 =	vld [tilespmem:s19+$0x0];
	v20 =	vmul.f32 v26, v20;
	v28 =	vsub.f32 $1.500000000e+00, v28  }
0x45e: {  	v34 =	vld [tilespmem:s19+$0xFFFFFFF0];
	v27 =	vmul.f32 v31, v27;
	v31 =	vmul.f32 v25, v11;
	v11 =	vmov v15  }
0x45f: {  	v25 =	vsub.f32 $1.500000000e+00, v32;
	v35 =	vmul.f32 v20, v26;
	[tilespmem:s16+$0xFFFFFFE0] =	vst v23;
	v20 =	vmul.f32 v28, v24  }
0x460: {  	v28 =	vmul.f32 v21, v17;
	v23 =	vshrl.u32 v33, $0x1;
	v24 =	vmul.f32 $5.000000000e-01, v33;
	[tilespmem:s16+$0x0] =	vst v31;
	v14 =	vmovc v33  }
0x461: {  	v31 =	vmul.f32 v27, v18;
	v32 =	vsub.f32 $1.500000000e+00, v35;
	v33 =	vmul.f32 v20, v12;
	v12 =	vmovc v16  }
0x462: {  	v35 =	vshrl.u32 v29, $0x1;
	v20 =	vmul.f32 $5.000000000e-01, v29;
	v28 =	vmul.f32 v28, v21;
	v15 =	vmovc v30;
	v18 =	vmovc v24  }
0x463: {  	v30 =	vsub.s32 $0x5F3759DF, v35;
	v24 =	vmul.f32 $5.000000000e-01, v15;
	v26 =	vmul.f32 v32, v26;
	[tilespmem:s16+$0xFFFFFFF0] =	vst v33;
	v16 =	vmovc v34;
	s16 =	smov.u32 s17;
	s17 =	smov.u32 s19  }
0x464: {  	v32 =	vshrl.u32 v15, $0x1;
	v33 =	vmul.f32 v30, v20;
	v34 =	vmul.f32 v22, v25  }
0x465: {  	v22 =	vmul.f32 v31, v27;
	v32 =	vsub.s32 $0x5F3759DF, v32;
	v25 =	vmul.f32 v26, v13;
	v13 =	vmovc v29  }
0x466: {  	v29 =	vsub.s32 $0x5F3759DF, v23;
	v23 =	vmul.f32 v30, v33;
	v26 =	vmul.f32 v34, v19  }
0x467: {  	v33 =	vmul.f32 v32, v24;
	v35 =	vsub.f32 $1.500000000e+00, v22;
	v31 =	vmul.f32 v29, v18;
	[tilespmem:s16+$0x10] =	vst v25  }
0x468: {  	v22 =	vshrl.u32 v16, $0x1;
	v23 =	vsub.f32 $1.500000000e+00, v23;
	v25 =	vsub.f32 $1.500000000e+00, v28  }
0x469: {  	v22 =	vsub.s32 $0x5F3759DF, v22;
	v28 =	vmul.f32 v29, v31;
	v31 =	vmul.f32 v26, v34  }
0x46a: {  	v26 =	vmul.f32 v30, v23;
	v25 =	vmul.f32 v25, v21  }
0x46b: {  	v30 =	vmul.f32 $5.000000000e-01, v16;
	v21 =	vsub.f32 $1.500000000e+00, v28;
	v28 =	vmul.f32 v32, v33  }
0x46c: {  	v23 =	vmul.f32 v35, v27;
	v31 =	vsub.f32 $1.500000000e+00, v31;
	v33 =	vmul.f32 v26, v20  }
.Ltmp10:
0x46d: {  	v27 =	vmul.f32 v29, v21;
	v21 =	vmul.f32 v25, v17;
	v17 =	vmov v24;
	(pc) =	sbr.rel @p0 .LBB2_22-.Ltmp10, $4  }
0x46e: {  	v28 =	vsub.f32 $1.500000000e+00, v28;
	v24 =	vmul.f32 v31, v34;
	v29 =	vmul.f32 v33, v26  }
0x46f: {  	v31 =	vmul.f32 v27, v18;
	v33 =	vmul.f32 v21, v25  }
0x470: {  	v21 =	vmul.f32 v32, v28;
	v28 =	vsub.f32 $1.500000000e+00, v29;
	v29 =	vmul.f32 v24, v19;
	v19 =	vmovc v30  }
0x471: {  	s19 =	sadd.s32 $0x40, s19;
	v31 =	vmul.f32 v31, v27;
	v32 =	vmul.f32 v22, v19;
	v30 =	vsub.f32 $1.500000000e+00, v33  }
0x472: {  	_ = 	snop  }
0x473: {  	v32 =	vmul.f32 v22, v32;
	_ =	sdelay $0x1  }
0x474: {  	v32 =	vsub.f32 $1.500000000e+00, v32;
	_ =	sdelay $0x1  }
0x475: {  	v48 =	vmul.f32 v22, v32  }
0x476: {  	v49 =	vmul.f32 v21, v17  }
0x477: {  	v33 =	vmul.f32 v48, v19  }
0x478: {  	v32 =	vmul.f32 v49, v21  }
0x479: {  	v31 =	vsub.f32 $1.500000000e+00, v31;
	v33 =	vmul.f32 v33, v48  }
0x47a: {  	v26 =	vmul.f32 v28, v26;
	v50 =	vmul.f32 v29, v24;
	v51 =	vsub.f32 $1.500000000e+00, v32  }
0x47b: {  	v10 =	vmul.f32 v23, v10;
	v27 =	vmul.f32 v31, v27;
	v52 =	vsub.f32 $1.500000000e+00, v33  }
0x47c: {  	v20 =	vmul.f32 v26, v20;
	v53 =	vmul.f32 v51, v21  }
0x47d: {  	v18 =	vmul.f32 v27, v18;
	v22 =	vmul.f32 v52, v48  }
0x47e: {  	v20 =	vmul.f32 v20, v26;
	v54 =	vmul.f32 v53, v17  }
0x47f: {  	v28 =	vsub.f32 $1.500000000e+00, v50;
	v18 =	vmul.f32 v18, v27;
	v55 =	vmul.f32 v22, v19  }
0x480: {  	v25 =	vmul.f32 v30, v25;
	v20 =	vsub.f32 $1.500000000e+00, v20;
	v17 =	vmul.f32 v54, v53  }
0x481: {  	v56 =	vmul.f32 v28, v24;
	v18 =	vsub.f32 $1.500000000e+00, v18;
	v19 =	vmul.f32 v55, v22  }
0x482: {  	v11 =	vmul.f32 v25, v11;
	v20 =	vmul.f32 v20, v26;
	v17 =	vsub.f32 $1.500000000e+00, v17  }
0x483: {  	[tilespmem:s16+$0xFFFFFFE0] =	vst v10;
	v10 =	vmul.f32 v56, v12;
	v57 =	vmul.f32 v18, v27;
	v58 =	vsub.f32 $1.500000000e+00, v19  }
0x484: {  	[tilespmem:s16+$0x0] =	vst v11;
	v11 =	vmul.f32 v20, v13;
	v59 =	vmul.f32 v17, v53  }
0x485: {  	[tilespmem:s16+$0xFFFFFFF0] =	vst v10;
	v10 =	vmul.f32 v57, v14;
	v60 =	vmul.f32 v58, v22  }
0x486: {  	[tilespmem:s17+$0x10] =	vst v11;
	v11 =	vmul.f32 v59, v15  }
0x487: {  	[tilespmem:s17+$0xFFFFFFE0] =	vst v10;
	v10 =	vmul.f32 v60, v16  }
0x488: {  	[tilespmem:s17+$0x0] =	vst v11  }
0x489: {  	[tilespmem:s17+$0xFFFFFFF0] =	vst v10  }
0x48a: {  	[tilespmem:$0x1ED00] =	vst v3  }
0x48b: {  	[tilespmem:$0x1ED80] =	vst v9  }
0x48c: {  	[tilespmem:$0x1ED10] =	vst v3  }
0x48d: {  	[tilespmem:$0x1ED90] =	vst v9  }
0x48e: {  	[tilespmem:$0x1ED20] =	vst v3  }
0x48f: {  	[tilespmem:$0x1EDA0] =	vst v9  }
0x490: {  	[tilespmem:$0x1ED30] =	vst v3  }
0x491: {  	[tilespmem:$0x1EDB0] =	vst v9  }
0x492: {  	[tilespmem:$0x1ED40] =	vst v3  }
0x493: {  	[tilespmem:$0x1EDC0] =	vst v9  }
0x494: {  	[tilespmem:$0x1ED50] =	vst v3  }
0x495: {  	[tilespmem:$0x1EDD0] =	vst v9  }
0x496: {  	[tilespmem:$0x1ED60] =	vst v3  }
0x497: {  	[tilespmem:$0x1EDE0] =	vst v9  }
0x498: {  	[tilespmem:$0x1ED70] =	vst v3  }
0x499: {  	s18 =	simm.s32 $0x1E080;
	[tilespmem:$0x1EDF0] =	vst v9  }
0x49a: {  	s19 =	sadd.s32 $0x1, s26;
	v10 =	vld [tilespmem:s18+$0x0]  }
0x49b: {  	s20 =	sadd.s32 $0xFFFFFFFF, s19;
	v11 =	vadd.s32 s19, v0  }
0x49c: {  	v61 =	vadd.s32 s20, v0;
	_ =	sdelay $0x2  }
0x49d: {  	(xrf2) =	vadd.scan.msk.f32 $0xffff, v10  }
0x49e: {  	v10 =	vld.idx.msk [tilespmem:v11+s31+$0x0], $0xffff  }
0x49f: {  	v11 =	vld.idx.msk [tilespmem:v61+s31+$0x0], $0xffff;
	_ =	sdelay $0x4  }
0x4a0: {  	vm1 =	vne.s32 v11, v10;
	_ =	sdelay $0x2  }
0x4a1: {  	s16 =	simm.f32 $0.0e+00;
	v10, _, _ =	vpop (xrf2)  }
0x4a2: {  	v62 =	vadd.f32 s16, v10;
	(v2sf) =	vpush v10, $0xF  }
0x4a3: {  	s21 =	simm.s32 $0x1  }
0x4a4: {  	v63 =	vadd.s32 s21, v0;
	[tilespmem:v11+s10+$0x0] =	vst.idx.msk vm1, v62  }
0x4a5: {  	s19 =	sadd.s32 $0x11, s26;
	s18 =	simm.s32 $0x1E090;
	[tilespmem:v11+s11+$0x0] =	vst.idx.msk vm1, v63  }
0x4a6: {  	s20 =	sadd.s32 $0xFFFFFFFF, s19;
	s17 =	simm.s32 $0x11;
	v10 =	vadd.s32 s19, v0;
	s19 =	simm.s32 $0x21;
	v11 =	vld [tilespmem:s18+$0x0]  }
.LBB2_24:
0x4a7: {  	p0 =	sne.s32 s19, $0xC31;
	v12 =	vadd.s32 s20, v0;
	_ =	sdelay $0x3  }
0x4a8: {  	v10 =	vld.idx.msk [tilespmem:v10+s31+$0x0], $0xffff;
	(xrf2) =	vadd.scan.msk.f32 $0xffff, v11  }
0x4a9: {  	v11 =	vld.idx.msk [tilespmem:v12+s31+$0x0], $0xffff;
	_ =	sdelay $0x4  }
0x4aa: {  	s20 =	spop (v2sf)  }
0x4ab: {  	vm1 =	vne.s32 v11, v10;
	s16 =	sadd.f32 s20, s16;
	_ =	sdelay $0x2  }
0x4ac: {  	v10, _, _ =	vpop (xrf2)  }
.Ltmp11:
0x4ad: {  	v12 =	vadd.f32 s16, v10;
	(v2sf) =	vpush v10, $0xF;
	(pc) =	sbr.rel @p0 .LBB2_24-.Ltmp11, $4  }
0x4ae: {  	_ = 	snop  }
0x4af: {  	v10 =	vadd.s32 s17, v0;
	s17 =	smov.u32 s19;
	[tilespmem:v11+s10+$0x0] =	vst.idx.msk vm1, v12  }
0x4b0: {  	s21 =	sadd.s32 s19, s26;
	s18 =	sadd.s32 $0x10, s18;
	[tilespmem:v11+s11+$0x0] =	vst.idx.msk vm1, v10  }
0x4b1: {  	s20 =	sadd.s32 $0xFFFFFFFF, s21;
	s19 =	sadd.s32 $0x10, s19;
	v10 =	vadd.s32 s21, v0;
	v11 =	vld [tilespmem:s18+$0x0]  }
0x4b2: {  	_ = 	snop  }
0x4b3: {  	v12 =	vadd.s32 s20, v0;
	_ =	sdelay $0x2  }
0x4b4: {  	(xrf2) =	vadd.scan.msk.f32 $0xffff, v11  }
0x4b5: {  	v10 =	vld.idx.msk [tilespmem:v10+s31+$0x0], $0xffff  }
0x4b6: {  	v11 =	vld.idx.msk [tilespmem:v12+s31+$0x0], $0xffff;
	_ =	sdelay $0x4  }
0x4b7: {  	vm1 =	vne.s32 v11, v10  }
0x4b8: {  	s18 =	spop (v2sf)  }
0x4b9: {  	s16 =	sadd.f32 s18, s16  }
0x4ba: {  	v10, _, _ =	vpop (xrf2)  }
0x4bb: {  	v46 =	vadd.f32 s16, v10;
	_ =	sdelay $0x1  }
0x4bc: {  	v47 =	vadd.s32 s17, v0;
	[tilespmem:v11+s10+$0x0] =	vst.idx.msk vm1, v46  }
0x4bd: {  	[tilespmem:v11+s11+$0x0] =	vst.idx.msk vm1, v47  }
0x4be: {  	v11 =	vld [tilespmem:$0x1ED00];
	_ =	sdelay $0x4  }
0x4bf: {  	(xrf0) =	vmax.scan.msk.f32 $0xffff, v11;
	_ =	sdelay $0x2  }
0x4c0: {  	v11 =	vadd.s32 $0x1, v0;
	_ =	sdelay $0x2  }
0x4c1: {  	[tilespmem:$0x1EE00] =	vst v3;
	v48, _, _ =	vpop (xrf0)  }
0x4c2: {  	[tilespmem:$0x1EE80] =	vst v9;
	v12 =	vmax.f32 v48, $0.0e+00  }
0x4c3: {  	[tilespmem:v11+s12+$0x0] =	vst.idx.msk $0xffff, v12  }
0x4c4: {  	v13 =	vld [tilespmem:$0x1ED80];
	_ =	sdelay $0x4  }
0x4c5: {  	(xrf0) =	vmax.scan.msk.f32 $0xffff, v12;
	v13 =	vxor.u32 $0x80000000, v13  }
0x4c6: {  	(xrf0) =	vmax.scan.msk.u32 $0xffff, v13;
	_ =	sdelay $0x1  }
0x4c7: {  	v49 =	vld [tilespmem:$0x1EE00];
	_ =	sdelay $0x2  }
0x4c8: {  	v14, _, _ =	vpop (xrf0)  }
0x4c9: {  	v15, _, _ =	vpop (xrf0)  }
0x4ca: {  	v12 =	vsub.f32 v12, v49;
	v50 =	vxor.u32 $0x80000000, v15  }
0x4cb: {  	vm1 =	vgt.s32 v50, $0x0  }
0x4cc: {  	[tilespmem:$0x1EF00] =	vst v12;
	v51 =	vnsel vm1, $0x0, v50  }
0x4cd: {  	[tilespmem:v11+s13+$0x0] =	vst.idx.msk $0xffff, v51  }
0x4ce: {  	v11 =	vld [tilespmem:$0x1ED10];
	_ =	sdelay $0x2  }
0x4cf: {  	v13 =	vor.u32 $0x80000000, v51  }
0x4d0: {  	(xrf0) =	vmax.scan.msk.u32 $0xffff, v13  }
0x4d1: {  	(xrf0) =	vmax.scan.msk.f32 $0xffff, v11  }
0x4d2: {  	v11 =	vld [tilespmem:$0x1EE80];
	_ =	sdelay $0x1  }
0x4d3: {  	v52 =	vadd.s32 $0x11, v0;
	_ =	sdelay $0x1  }
0x4d4: {  	(v2sf) =	vpush v10, $0xF;
	v14 =	vbroadcast v14, $0xF;
	v10, _, _ =	vpop (xrf0)  }
0x4d5: {  	(v2sf) =	vpush v10, $0xF;
	v11 =	vsub.s32 v51, v11;
	v10, _, _ =	vpop (xrf0)  }
0x4d6: {  	[tilespmem:$0x1EF80] =	vst v11;
	v10 =	vmax.f32 v10, v14  }
0x4d7: {  	[tilespmem:v52+s12+$0x0] =	vst.idx.msk $0xffff, v10  }
0x4d8: {  	v11 =	vld [tilespmem:$0x1ED90];
	_ =	sdelay $0x4  }
0x4d9: {  	(xrf0) =	vmax.scan.msk.f32 $0xffff, v10;
	v11 =	vxor.u32 $0x80000000, v11  }
0x4da: {  	(xrf0) =	vmax.scan.msk.u32 $0xffff, v11;
	_ =	sdelay $0x1  }
0x4db: {  	v11 =	vld [tilespmem:$0x1EE10];
	_ =	sdelay $0x2  }
0x4dc: {  	s17 =	spop (v2sf);
	v53, _, _ =	vpop (xrf0)  }
0x4dd: {  	s16 =	spop (v2sf);
	v54, _, _ =	vpop (xrf0)  }
0x4de: {  	s16 =	sxor.u32 $0x80000000, s16;
	v10 =	vsub.f32 v10, v11;
	v11 =	vxor.u32 $0x80000000, v54  }
0x4df: {  	vm1 =	vgt.s32 v11, s16  }
0x4e0: {  	[tilespmem:$0x1EF10] =	vst v10;
	v10 =	vnsel vm1, s16, v11  }
0x4e1: {  	[tilespmem:v52+s13+$0x0] =	vst.idx.msk $0xffff, v10  }
0x4e2: {  	v11 =	vld [tilespmem:$0x1ED20];
	_ =	sdelay $0x2  }
0x4e3: {  	v55 =	vxor.u32 $0x80000000, v10  }
0x4e4: {  	(xrf0) =	vmax.scan.msk.u32 $0xffff, v55  }
0x4e5: {  	(xrf0) =	vmax.scan.msk.f32 $0xffff, v11  }
0x4e6: {  	v11 =	vld [tilespmem:$0x1EE90];
	_ =	sdelay $0x1  }
0x4e7: {  	v56 =	vadd.s32 $0x21, v0;
	_ =	sdelay $0x1  }
0x4e8: {  	v12 =	vbroadcast v53, $0xF;
	v57, _, _ =	vpop (xrf0)  }
0x4e9: {  	(v2sf) =	vpush v57, $0xF;
	v10 =	vsub.s32 v10, v11;
	v11, _, _ =	vpop (xrf0)  }
0x4ea: {  	[tilespmem:$0x1EF90] =	vst v10;
	v10 =	vmax.f32 v11, v12  }
0x4eb: {  	[tilespmem:v56+s12+$0x0] =	vst.idx.msk $0xffff, v10  }
0x4ec: {  	v11 =	vld [tilespmem:$0x1EDA0];
	_ =	sdelay $0x4  }
0x4ed: {  	(xrf0) =	vmax.scan.msk.f32 $0xffff, v10;
	v11 =	vxor.u32 $0x80000000, v11  }
0x4ee: {  	(xrf0) =	vmax.scan.msk.u32 $0xffff, v11;
	_ =	sdelay $0x1  }
0x4ef: {  	v11 =	vld [tilespmem:$0x1EE20];
	_ =	sdelay $0x2  }
0x4f0: {  	v58, _, _ =	vpop (xrf0)  }
0x4f1: {  	s18 =	spop (v2sf);
	v59, _, _ =	vpop (xrf0)  }
0x4f2: {  	s16 =	sxor.u32 $0x80000000, s18;
	v10 =	vsub.f32 v10, v11;
	v11 =	vxor.u32 $0x80000000, v59  }
0x4f3: {  	vm1 =	vgt.s32 v11, s16  }
0x4f4: {  	[tilespmem:$0x1EF20] =	vst v10;
	v10 =	vnsel vm1, s16, v11  }
0x4f5: {  	[tilespmem:v56+s13+$0x0] =	vst.idx.msk $0xffff, v10  }
0x4f6: {  	v11 =	vld [tilespmem:$0x1ED30];
	_ =	sdelay $0x2  }
0x4f7: {  	v60 =	vxor.u32 $0x80000000, v10  }
0x4f8: {  	(xrf0) =	vmax.scan.msk.u32 $0xffff, v60  }
0x4f9: {  	(xrf0) =	vmax.scan.msk.f32 $0xffff, v11  }
0x4fa: {  	v11 =	vld [tilespmem:$0x1EEA0];
	_ =	sdelay $0x1  }
0x4fb: {  	v61 =	vadd.s32 $0x31, v0;
	_ =	sdelay $0x1  }
0x4fc: {  	v12 =	vbroadcast v58, $0xF;
	v62, _, _ =	vpop (xrf0)  }
0x4fd: {  	(v2sf) =	vpush v62, $0xF;
	v10 =	vsub.s32 v10, v11;
	v11, _, _ =	vpop (xrf0)  }
0x4fe: {  	[tilespmem:$0x1EFA0] =	vst v10;
	v10 =	vmax.f32 v11, v12  }
0x4ff: {  	[tilespmem:v61+s12+$0x0] =	vst.idx.msk $0xffff, v10  }
0x500: {  	v11 =	vld [tilespmem:$0x1EDB0];
	_ =	sdelay $0x4  }
0x501: {  	v11 =	vxor.u32 $0x80000000, v11  }
0x502: {  	(xrf0) =	vmax.scan.msk.u32 $0xffff, v11;
	_ =	sdelay $0x1  }
0x503: {  	v11 =	vld [tilespmem:$0x1EE30];
	_ =	sdelay $0x3  }
0x504: {  	s19 =	spop (v2sf);
	v63, _, _ =	vpop (xrf0)  }
0x505: {  	s16 =	sxor.u32 $0x80000000, s19;
	v10 =	vsub.f32 v10, v11;
	v11 =	vxor.u32 $0x80000000, v63  }
0x506: {  	vm1 =	vgt.s32 v11, s16  }
0x507: {  	[tilespmem:$0x1EF30] =	vst v10;
	v10 =	vnsel vm1, s16, v11  }
0x508: {  	[tilespmem:v61+s13+$0x0] =	vst.idx.msk $0xffff, v10  }
0x509: {  	v11 =	vld [tilespmem:$0x1EEB0];
	_ =	sdelay $0x4  }
0x50a: {  	v10 =	vsub.s32 v10, v11  }
0x50b: {  	s20 =	simm.s32 $0x1EF00;
	[tilespmem:$0x1EFB0] =	vst v10  }
0x50c: {  	[hbm4b:s28+s1] =	stream.linear.scatter [tilespmem:s20], [sflag:$0x8], $0x40, $0x38;
	[tilespmem:$0x1F000] =	vst v63  }
0x50d: {  	s15 =	sadd.s32 $0x1, s15;
	_ =	swait.ge [sflag:s14], $0x40  }
0x50e: {  	p0 =	sne.s32 s15, s30;
	[sflag:s14] =	ssyncset.done $0x0  }
.Ltmp12:
0x50f: {  	s21 =	simm.s32 $0x1EF80;
	[sflag:s14] =	ssyncadd.s32 $0xFFFFFFC0;
	(pc) =	sbr.rel @p0 .LBB2_1-.Ltmp12, $4  }
0x510: {  	[hbm4b:s29+s1] =	stream.linear.scatter [tilespmem:s21], [sflag:$0x8], $0x40, $0x38;
	[tilespmem:$0x1F000] =	vst v63  }
0x511: {  	_ =	swait.ge [sflag:s14], $0x40  }
0x512: {  	[sflag:s14] =	ssyncset.done $0x0  }
0x513: {  	[sflag:s14] =	ssyncadd.s32 $0xFFFFFFC0  }
0x514: {  	_ =	sfence.sel $0x180000  }
0x515: {  	[bflag:$0x0] =	sbarrier.arrive $0xFFFF  }
0x516: {  	_ =	strace $0x90000047  }
0x517: {  	s0 =	stileid.u32;
	[bflag:$0x2] =	sbarrier.arrive $0xFFFF  }
0x518: {  	p0 =	sne.s32 s0, $0x0;
	s0 =	rddreg [dreg:$0x4]  }
0x519: {  	s0 =	sadd.s32 @!p0 $0x100000, s0  }
0x51a: {  	[sflag:s0] =	ssyncadd.tile.s32 @!p0 $0x1;
	_ =	shalt  }
.Lfunc_end2:
_tile_overlayer_lowered:
.L_overlay_start_2:
0x51b: {  	(tag) =	ssettag $0x2  }
0x51c: {  	s0 =	rddreg [dreg:$0x0];
	s2 =	stileid.u32  }
0x51d: {  	s1 =	rddreg [dreg:$0x1];
	p0 =	sne.s32 s2, $0x0  }
0x51e: {  	s3 =	rddreg [dreg:$0x2];
	[bflag:$0x3] =	sbarrier.arrive $0xFFFF;
	s2 =	simm.s32 @!p0 $0x1C08  }
0x51f: {  	[timem:s3], [sflag:s2] =	dma.local @!p0 [hbm:s0], s1  }
0x520: {  	s0 =	simm.s32 @!p0 $0x8  }
0x521: {  	_ =	swait.ge @!p0 [sflag:s0], s1  }
0x522: {  	s1 =	ssub.s32 @!p0 $0x0, s1;
	[sflag:s0] =	ssyncset.done @!p0 $0x0  }
0x523: {  	[sflag:s0] =	ssyncadd.s32 @!p0 s1  }
0x524: {  	[bflag:$0x3] =	sbarrier.arrive $0xFFFF  }
0x525: {  	_ =	shalt  }

</sc_bundles>
